<compile_context>
chip_gen: v7x
topology: tpu7x:2x2x1
jax: 0.10.2.dev20260603
libtpu: 0.0.44.dev20260713+nightly
codegen_flags: <defaults>
</compile_context>

<pallas_src>
import functools
import math

import jax
import jax.numpy as jnp
from jax import lax
from jax.experimental import pallas as pl
from jax.experimental.pallas import tpu as pltpu
from jax.experimental.pallas import tpu_sc as plsc

N_NODES = 10000
E = 640000
K = 64
NC = 2
NS = 16
NW = NC * NS
EPW = E // NW

_mesh = plsc.VectorSubcoreMesh(core_axis_name="c", subcore_axis_name="s")

_TILES = 157


@functools.partial(
    pl.kernel,
    mesh=_mesh,
    compiler_params=pltpu.CompilerParams(needs_layout_passes=False),
    out_type=jax.ShapeDtypeStruct((E,), jnp.float32),
    scratch_types=[
        pltpu.VMEM((N_NODES,), jnp.float32),
        pltpu.VMEM((N_NODES,), jnp.float32),
        pltpu.VMEM((N_NODES,), jnp.float32),
        pltpu.VMEM((2 * 128 * _TILES,), jnp.int32),
        pltpu.VMEM((EPW,), jnp.float32),
        pltpu.SemaphoreType.DMA,
    ],
)
def _sqdist_sc(posT_hbm, eit_hbm, out_hbm, px_v, py_v, pz_v, ei_v, out_v, sem):
    wid = lax.axis_index("s") * NC + lax.axis_index("c")
    base = wid * EPW
    t0 = base // 128
    ls = base - 128 * t0
    cps = [
        pltpu.async_copy(posT_hbm.at[pl.ds(0, N_NODES)], px_v, sem),
        pltpu.async_copy(posT_hbm.at[pl.ds(N_NODES, N_NODES)], py_v, sem),
        pltpu.async_copy(posT_hbm.at[pl.ds(2 * N_NODES, N_NODES)], pz_v, sem),
        pltpu.async_copy(eit_hbm.at[pl.ds(256 * t0, 256 * _TILES)], ei_v, sem),
    ]
    for cp in cps:
        cp.wait()

    @plsc.parallel_loop(0, EPW, step=16, unroll=16)
    def _body(l):
        le = ls + l
        b = le >> 7
        off = (b << 8) + (le - (b << 7))
        si = ei_v[pl.ds(off, 16)]
        di = ei_v[pl.ds(off + 128, 16)]
        dx = plsc.load_gather(px_v, [si]) - plsc.load_gather(px_v, [di])
        dy = plsc.load_gather(py_v, [si]) - plsc.load_gather(py_v, [di])
        dz = plsc.load_gather(pz_v, [si]) - plsc.load_gather(pz_v, [di])
        out_v[pl.ds(l, 16)] = dx * dx + dy * dy + dz * dz
    pltpu.sync_copy(out_v, out_hbm.at[pl.ds(base, EPW)])


_R = 200
_BE = _R * 128


def _rbf_tc(s_ref, mu_ref, ls_ref, out_ref):
    ls = ls_ref[...]
    sig = jnp.logaddexp(ls, 0.0)
    a = (-0.5 * math.log2(math.e)) / sig
    c = -1.0 / jnp.sqrt(2.0 * math.pi * sig)
    mub = jnp.broadcast_to(mu_ref[...], (K, 128))
    ab = jnp.broadcast_to(a, (K, 128))
    cb = jnp.broadcast_to(c, (K, 128))
    for r in range(_R):
        srow = s_ref[r:r + 1, :]
        d = srow * lax.rsqrt(srow + 1e-37)
        db = jnp.broadcast_to(d, (K, 128))
        diff = db - mub
        out_ref[:, r * 128:(r + 1) * 128] = cb * jnp.exp2(ab * (diff * diff))


_rbf_call = pl.pallas_call(
    _rbf_tc,
    grid=(E // _BE,),
    in_specs=[
        pl.BlockSpec((_R, 128), lambda i: (i, 0)),
        pl.BlockSpec((K, 1), lambda i: (0, 0)),
        pl.BlockSpec((K, 1), lambda i: (0, 0)),
    ],
    out_specs=pl.BlockSpec((K, _BE), lambda i: (0, i)),
    out_shape=jax.ShapeDtypeStruct((K, E), jnp.float32),
)


def kernel(edge_index, pos_matrix, mu, log_sigma):
    ei = edge_index.astype(jnp.int32)
    eit = ei.reshape(2, E // 128, 128).swapaxes(0, 1).reshape(2 * E)
    posT = pos_matrix.T.reshape(3 * N_NODES)
    s = _sqdist_sc(posT, eit)
    s2d = s.reshape(E // 128, 128)
    outT = _rbf_call(s2d, mu.reshape(K, 1), log_sigma.reshape(K, 1))
    return outT.T

# --- scband reference (transcript-rebuilt; emitter-appended) ---
"""Pipeline reference for scband-gaussian-distance-embedding-59803124630024 (READ-ONLY COPY).

The authoritative reference and input builder live on the scoring server;
editing this copy changes nothing except your own understanding.
"""

import math
import jax, jax.numpy as jnp
import numpy as np

N_NODES = 10000
N_EDGES = 640000
K = 64
D_MIN = 0.0
D_MAX = 10.0


def setup_inputs(seed: int = 0) -> dict:
    key = jax.random.key(seed)
    k1, k2, k3 = jax.random.split(key, 3)
    # positions of nodes in 3D space
    pos_matrix = jax.random.normal(k1, (N_NODES, 3), dtype=jnp.float32)
    # random edges, avoiding self-loops (so distances are strictly positive)
    src = jax.random.randint(k2, (N_EDGES,), 0, N_NODES)
    offset = jax.random.randint(k3, (N_EDGES,), 1, N_NODES)
    dst = (src + offset) % N_NODES
    edge_index = jnp.stack([src, dst], axis=0).astype(jnp.int64)
    # learned parameters of GaussianDistanceEmbedding
    mu = jnp.linspace(D_MIN, D_MAX, K, dtype=jnp.float32)
    log_sigma = jnp.zeros((K,), dtype=jnp.float32)
    return {"edge_index": edge_index, "pos_matrix": pos_matrix, "mu": mu, "log_sigma": log_sigma}


def reference(edge_index, pos_matrix, mu, log_sigma):
    i = edge_index[0]
    j = edge_index[1]
    # gather node positions and compute pairwise distances d_ij = ||r_i - r_j||
    diff = pos_matrix[i] - pos_matrix[j]
    d_ij = jnp.linalg.norm(diff, axis=1)  # (E,)
    sigma = jax.nn.softplus(log_sigma)  # (K,)
    d = d_ij[:, None]  # (E, 1)
    diff2 = (d - mu) ** 2  # (E, K)
    prefactor = -1.0 / jnp.sqrt(2.0 * math.pi * sigma)  # (K,)
    exponent = jnp.exp(-0.5 * diff2 / sigma)  # (E, K)
    return prefactor * exponent

if __name__ == "__main__":
    import jax
    _d = setup_inputs()
    print(jax.jit(kernel)(*tuple(_d.values())))

</pallas_src>

<mosaic_0001>
#map = affine_map<(d0, d1) -> (0)>
module attributes {stable_mosaic.version = 14 : i64} {
  func.func @_sqdist_sc(%arg0: i32, %arg1: i32, %arg2: memref<30000xf32, #tpu.memory_space<hbm>>, %arg3: memref<1280000xi32, #tpu.memory_space<hbm>>, %arg4: memref<640000xf32, #tpu.memory_space<hbm>>, %arg5: memref<10000xf32, #tpu.memory_space<vmem>>, %arg6: memref<10000xf32, #tpu.memory_space<vmem>>, %arg7: memref<10000xf32, #tpu.memory_space<vmem>>, %arg8: memref<40192xi32, #tpu.memory_space<vmem>>, %arg9: memref<20000xf32, #tpu.memory_space<vmem>>, %arg10: memref<!tpu.dma_semaphore, #tpu.memory_space<semaphore_mem>>) attributes {dimension_semantics = [#tpu.dimension_semantics<core_parallel>, #tpu.dimension_semantics<subcore_parallel>], iteration_bounds = array<i64: 2, 16>, scalar_prefetch = 0 : i64, scratch_operands = 6 : i64, tpu.core_type = #tpu.core_type<sc_vector_subcore>, window_params = [{transform_indices = #map}, {transform_indices = #map}, {transform_indices = #map}]} {
    %mul3A = arith.constant 2 : i32
    %mul3A_0 = arith.muli %arg1, %mul3A : i32
    %add3A = arith.addi %mul3A_0, %arg0 : i32
    %mul3A_1 = arith.constant 20000 : i32
    %mul3A_2 = arith.muli %add3A, %mul3A_1 : i32
    %jit3A = arith.constant 128 : i32
    %div3A = arith.divsi %mul3A_2, %jit3A : i32
    %sign3A = arith.constant 0 : i32
    %sign3A_3 = arith.cmpi sgt, %mul3A_2, %sign3A : i32
    %sign3A_4 = arith.extui %sign3A_3 : i1 to i32
    %sign3A_5 = arith.constant 0 : i32
    %sign3A_6 = arith.cmpi slt, %mul3A_2, %sign3A_5 : i32
    %sign3A_7 = arith.extui %sign3A_6 : i1 to i32
    %sign3A_8 = arith.subi %sign3A_4, %sign3A_7 : i32
    %sign3A_9 = arith.constant 0 : i32
    %sign3A_10 = arith.cmpi sgt, %jit3A, %sign3A_9 : i32
    %sign3A_11 = arith.extui %sign3A_10 : i1 to i32
    %sign3A_12 = arith.constant 0 : i32
    %sign3A_13 = arith.cmpi slt, %jit3A, %sign3A_12 : i32
    %sign3A_14 = arith.extui %sign3A_13 : i1 to i32
    %sign3A_15 = arith.subi %sign3A_11, %sign3A_14 : i32
    %ne3A = arith.cmpi ne, %sign3A_8, %sign3A_15 : i32
    %rem3A = arith.remsi %mul3A_2, %jit3A : i32
    %ne3A_16 = arith.constant 0 : i32
    %ne3A_17 = arith.cmpi ne, %rem3A, %ne3A_16 : i32
    %and3A = arith.andi %ne3A, %ne3A_17 : i1
    %sub3A = arith.constant 1 : i32
    %sub3A_18 = arith.subi %div3A, %sub3A : i32
    %select_n3A = arith.select %and3A, %sub3A_18, %div3A : i32
    %mul3A_19 = arith.constant 128 : i32
    %mul3A_20 = arith.muli %mul3A_19, %select_n3A : i32
    %sub3A_21 = arith.subi %mul3A_2, %mul3A_20 : i32
    %dma_start3A = arith.constant 0 : i32
    %dma_start3A_22 = tpu.memref_slice %arg2[%dma_start3A] : memref<30000xf32, #tpu.memory_space<hbm>> -> memref<10000xf32, #tpu.memory_space<hbm>>
    %dma_start3A_23 = arith.constant 0 : i32
    %dma_start3A_24 = tpu.memref_slice %arg2[%dma_start3A_23] : memref<30000xf32, #tpu.memory_space<hbm>> -> memref<10000xf32, #tpu.memory_space<hbm>>
    tpu.enqueue_dma source(%dma_start3A_24 : memref<10000xf32, #tpu.memory_space<hbm>>) target(%arg5 : memref<10000xf32, #tpu.memory_space<vmem>>) target_semaphore(%arg10 : memref<!tpu.dma_semaphore, #tpu.memory_space<semaphore_mem>>)
    %dma_start3A_25 = arith.constant 10000 : i32
    %dma_start3A_26 = tpu.memref_slice %arg2[%dma_start3A_25] : memref<30000xf32, #tpu.memory_space<hbm>> -> memref<10000xf32, #tpu.memory_space<hbm>>
    %dma_start3A_27 = arith.constant 10000 : i32
    %dma_start3A_28 = tpu.memref_slice %arg2[%dma_start3A_27] : memref<30000xf32, #tpu.memory_space<hbm>> -> memref<10000xf32, #tpu.memory_space<hbm>>
    tpu.enqueue_dma source(%dma_start3A_28 : memref<10000xf32, #tpu.memory_space<hbm>>) target(%arg6 : memref<10000xf32, #tpu.memory_space<vmem>>) target_semaphore(%arg10 : memref<!tpu.dma_semaphore, #tpu.memory_space<semaphore_mem>>)
    %dma_start3A_29 = arith.constant 20000 : i32
    %dma_start3A_30 = tpu.memref_slice %arg2[%dma_start3A_29] : memref<30000xf32, #tpu.memory_space<hbm>> -> memref<10000xf32, #tpu.memory_space<hbm>>
    %dma_start3A_31 = arith.constant 20000 : i32
    %dma_start3A_32 = tpu.memref_slice %arg2[%dma_start3A_31] : memref<30000xf32, #tpu.memory_space<hbm>> -> memref<10000xf32, #tpu.memory_space<hbm>>
    tpu.enqueue_dma source(%dma_start3A_32 : memref<10000xf32, #tpu.memory_space<hbm>>) target(%arg7 : memref<10000xf32, #tpu.memory_space<vmem>>) target_semaphore(%arg10 : memref<!tpu.dma_semaphore, #tpu.memory_space<semaphore_mem>>)
    %mul3A_33 = arith.constant 256 : i32
    %mul3A_34 = arith.muli %mul3A_33, %select_n3A : i32
    %dma_start3A_35 = tpu.memref_slice %arg3[%mul3A_34] : memref<1280000xi32, #tpu.memory_space<hbm>> -> memref<40192xi32, #tpu.memory_space<hbm>>
    %dma_start3A_36 = tpu.memref_slice %arg3[%mul3A_34] : memref<1280000xi32, #tpu.memory_space<hbm>> -> memref<40192xi32, #tpu.memory_space<hbm>>
    tpu.enqueue_dma source(%dma_start3A_36 : memref<40192xi32, #tpu.memory_space<hbm>>) target(%arg8 : memref<40192xi32, #tpu.memory_space<vmem>>) target_semaphore(%arg10 : memref<!tpu.dma_semaphore, #tpu.memory_space<semaphore_mem>>)
    %dma_wait3A = arith.constant 0 : i32
    %dma_wait3A_37 = tpu.memref_slice %arg2[%dma_wait3A] : memref<30000xf32, #tpu.memory_space<hbm>> -> memref<10000xf32, #tpu.memory_space<hbm>>
    %dma_wait3A_38 = arith.constant 0 : i32
    %dma_wait3A_39 = tpu.memref_slice %arg2[%dma_wait3A_38] : memref<30000xf32, #tpu.memory_space<hbm>> -> memref<10000xf32, #tpu.memory_space<hbm>>
    tpu.wait_dma2 semaphore(%arg10 : memref<!tpu.dma_semaphore, #tpu.memory_space<semaphore_mem>>) src(%dma_wait3A_39 : memref<10000xf32, #tpu.memory_space<hbm>>) dst(%arg5 : memref<10000xf32, #tpu.memory_space<vmem>>)
    %dma_wait3A_40 = arith.constant 10000 : i32
    %dma_wait3A_41 = tpu.memref_slice %arg2[%dma_wait3A_40] : memref<30000xf32, #tpu.memory_space<hbm>> -> memref<10000xf32, #tpu.memory_space<hbm>>
    %dma_wait3A_42 = arith.constant 10000 : i32
    %dma_wait3A_43 = tpu.memref_slice %arg2[%dma_wait3A_42] : memref<30000xf32, #tpu.memory_space<hbm>> -> memref<10000xf32, #tpu.memory_space<hbm>>
    tpu.wait_dma2 semaphore(%arg10 : memref<!tpu.dma_semaphore, #tpu.memory_space<semaphore_mem>>) src(%dma_wait3A_43 : memref<10000xf32, #tpu.memory_space<hbm>>) dst(%arg6 : memref<10000xf32, #tpu.memory_space<vmem>>)
    %dma_wait3A_44 = arith.constant 20000 : i32
    %dma_wait3A_45 = tpu.memref_slice %arg2[%dma_wait3A_44] : memref<30000xf32, #tpu.memory_space<hbm>> -> memref<10000xf32, #tpu.memory_space<hbm>>
    %dma_wait3A_46 = arith.constant 20000 : i32
    %dma_wait3A_47 = tpu.memref_slice %arg2[%dma_wait3A_46] : memref<30000xf32, #tpu.memory_space<hbm>> -> memref<10000xf32, #tpu.memory_space<hbm>>
    tpu.wait_dma2 semaphore(%arg10 : memref<!tpu.dma_semaphore, #tpu.memory_space<semaphore_mem>>) src(%dma_wait3A_47 : memref<10000xf32, #tpu.memory_space<hbm>>) dst(%arg7 : memref<10000xf32, #tpu.memory_space<vmem>>)
    %dma_wait3A_48 = tpu.memref_slice %arg3[%mul3A_34] : memref<1280000xi32, #tpu.memory_space<hbm>> -> memref<40192xi32, #tpu.memory_space<hbm>>
    %dma_wait3A_49 = tpu.memref_slice %arg3[%mul3A_34] : memref<1280000xi32, #tpu.memory_space<hbm>> -> memref<40192xi32, #tpu.memory_space<hbm>>
    tpu.wait_dma2 semaphore(%arg10 : memref<!tpu.dma_semaphore, #tpu.memory_space<semaphore_mem>>) src(%dma_wait3A_49 : memref<40192xi32, #tpu.memory_space<hbm>>) dst(%arg8 : memref<40192xi32, #tpu.memory_space<vmem>>)
    %parallel_loop3A = arith.constant 0 : i32
    %parallel_loop3A_50 = arith.constant 20000 : i32
    %parallel_loop3A_51 = arith.constant 16 : i32
    scf.for %parallel_loop3A_52 = %parallel_loop3A to %parallel_loop3A_50 step %parallel_loop3A_51  : i32 {
      %parallel_loop3A_53 = arith.addi %sub3A_21, %parallel_loop3A_52 : i32
      %parallel_loop3A_54 = arith.constant 7 : i32
      %parallel_loop3A_55 = arith.shrsi %parallel_loop3A_53, %parallel_loop3A_54 : i32
      %parallel_loop3A_56 = arith.constant 8 : i32
      %parallel_loop3A_57 = arith.shli %parallel_loop3A_55, %parallel_loop3A_56 : i32
      %parallel_loop3A_58 = arith.constant 7 : i32
      %parallel_loop3A_59 = arith.shli %parallel_loop3A_55, %parallel_loop3A_58 : i32
      %parallel_loop3A_60 = arith.subi %parallel_loop3A_53, %parallel_loop3A_59 : i32
      %parallel_loop3A_61 = arith.addi %parallel_loop3A_57, %parallel_loop3A_60 : i32
      %parallel_loop3A_62 = arith.index_cast %parallel_loop3A_61 : i32 to index
      %parallel_loop3A_63 = tpu.vector_load %arg8[%parallel_loop3A_62] {strides = array<i32>} : memref<40192xi32, #tpu.memory_space<vmem>>, vector<16xi32>,
      %parallel_loop3A_64 = arith.constant 128 : i32
      %parallel_loop3A_65 = arith.addi %parallel_loop3A_61, %parallel_loop3A_64 : i32
      %parallel_loop3A_66 = arith.index_cast %parallel_loop3A_65 : i32 to index
      %parallel_loop3A_67 = tpu.vector_load %arg8[%parallel_loop3A_66] {strides = array<i32>} : memref<40192xi32, #tpu.memory_space<vmem>>, vector<16xi32>,
      %parallel_loop3A_68 = tpu.vector_load_idx %arg5[%parallel_loop3A_63] : memref<10000xf32, #tpu.memory_space<vmem>>[vector<16xi32>], vector<16xf32>,
      %parallel_loop3A_69 = tpu.vector_load_idx %arg5[%parallel_loop3A_67] : memref<10000xf32, #tpu.memory_space<vmem>>[vector<16xi32>], vector<16xf32>,
      %parallel_loop3A_70 = arith.subf %parallel_loop3A_68, %parallel_loop3A_69 : vector<16xf32>
      %parallel_loop3A_71 = tpu.vector_load_idx %arg6[%parallel_loop3A_63] : memref<10000xf32, #tpu.memory_space<vmem>>[vector<16xi32>], vector<16xf32>,
      %parallel_loop3A_72 = tpu.vector_load_idx %arg6[%parallel_loop3A_67] : memref<10000xf32, #tpu.memory_space<vmem>>[vector<16xi32>], vector<16xf32>,
      %parallel_loop3A_73 = arith.subf %parallel_loop3A_71, %parallel_loop3A_72 : vector<16xf32>
      %parallel_loop3A_74 = tpu.vector_load_idx %arg7[%parallel_loop3A_63] : memref<10000xf32, #tpu.memory_space<vmem>>[vector<16xi32>], vector<16xf32>,
      %parallel_loop3A_75 = tpu.vector_load_idx %arg7[%parallel_loop3A_67] : memref<10000xf32, #tpu.memory_space<vmem>>[vector<16xi32>], vector<16xf32>,
      %parallel_loop3A_76 = arith.subf %parallel_loop3A_74, %parallel_loop3A_75 : vector<16xf32>
      %parallel_loop3A_77 = arith.mulf %parallel_loop3A_70, %parallel_loop3A_70 : vector<16xf32>
      %parallel_loop3A_78 = arith.mulf %parallel_loop3A_73, %parallel_loop3A_73 : vector<16xf32>
      %parallel_loop3A_79 = arith.addf %parallel_loop3A_77, %parallel_loop3A_78 : vector<16xf32>
      %parallel_loop3A_80 = arith.mulf %parallel_loop3A_76, %parallel_loop3A_76 : vector<16xf32>
      %parallel_loop3A_81 = arith.addf %parallel_loop3A_79, %parallel_loop3A_80 : vector<16xf32>
      %parallel_loop3A_82 = arith.index_cast %parallel_loop3A_52 : i32 to index
      %parallel_loop3A_83 = tpu.vector_load %arg9[%parallel_loop3A_82] {strides = array<i32>} : memref<20000xf32, #tpu.memory_space<vmem>>, vector<16xf32>,
      tpu.vector_store %arg9[%parallel_loop3A_82], %parallel_loop3A_81 {strides = array<i32>} : memref<20000xf32, #tpu.memory_space<vmem>>, vector<16xf32>,
    } {sc.loop_unroll_factor = 16 : i64, sc.parallel_access}
    "tpu.region"() ({
      %run_scoped3A = tpu.sem_alloc : memref<!tpu.dma_semaphore, #tpu.memory_space<semaphore_mem>>
      %dma_start3A_52 = tpu.memref_slice %arg4[%mul3A_2] : memref<640000xf32, #tpu.memory_space<hbm>> -> memref<20000xf32, #tpu.memory_space<hbm>>
      %dma_start3A_53 = tpu.memref_slice %arg4[%mul3A_2] : memref<640000xf32, #tpu.memory_space<hbm>> -> memref<20000xf32, #tpu.memory_space<hbm>>
      tpu.enqueue_dma source(%arg9 : memref<20000xf32, #tpu.memory_space<vmem>>) target(%dma_start3A_53 : memref<20000xf32, #tpu.memory_space<hbm>>) target_semaphore(%run_scoped3A : memref<!tpu.dma_semaphore, #tpu.memory_space<semaphore_mem>>)
      %dma_wait3A_54 = tpu.memref_slice %arg4[%mul3A_2] : memref<640000xf32, #tpu.memory_space<hbm>> -> memref<20000xf32, #tpu.memory_space<hbm>>
      %dma_wait3A_55 = tpu.memref_slice %arg4[%mul3A_2] : memref<640000xf32, #tpu.memory_space<hbm>> -> memref<20000xf32, #tpu.memory_space<hbm>>
      tpu.wait_dma2 semaphore(%run_scoped3A : memref<!tpu.dma_semaphore, #tpu.memory_space<semaphore_mem>>) src(%arg9 : memref<20000xf32, #tpu.memory_space<vmem>>) dst(%dma_wait3A_55 : memref<20000xf32, #tpu.memory_space<hbm>>)
      tpu.yield
    }) : () -> ()
    return
  }
}

module attributes {stable_mosaic.version = 14 : i64} {
  func.func @_rbf_tc(%arg0: i32, %arg1: memref<200x128xf32, #tpu.memory_space<vmem>>, %arg2: memref<64x1xf32, #tpu.memory_space<vmem>>, %arg3: memref<64x1xf32, #tpu.memory_space<vmem>>, %arg4: memref<64x25600xf32, #tpu.memory_space<vmem>>) attributes {dimension_semantics = [#tpu.dimension_semantics<arbitrary>], iteration_bounds = array<i64: 25>, scalar_prefetch = 0 : i64, scratch_operands = 0 : i64, tpu.core_type = #tpu.core_type<tc>, window_params = [{transform_indices = @transform_0, window_bounds = array<i64: 200, 128>}, {pipeline_mode = #tpu.pipeline_mode<synchronous>, transform_indices = @transform_1, window_bounds = array<i64: 64, 1>}, {pipeline_mode = #tpu.pipeline_mode<synchronous>, transform_indices = @transform_2, window_bounds = array<i64: 64, 1>}, {transform_indices = @transform_3, window_bounds = array<i64: 64, 25600>}]} {
    %get3A = arith.constant 0 : index
    %get3A_0 = arith.constant 0 : index
    %get3A_1 = vector.load %arg3[%get3A, %get3A_0] : memref<64x1xf32, #tpu.memory_space<vmem>>, vector<64x1xf32>
    %custom_jvp_call3A = arith.constant 0.000000e+00 : f32
    %max3A = vector.broadcast %custom_jvp_call3A : f32 to vector<64x1xf32>
    %max3A_2 = arith.maximumf %get3A_1, %max3A : vector<64x1xf32>
    %sub3A = vector.broadcast %custom_jvp_call3A : f32 to vector<64x1xf32>
    %sub3A_3 = arith.subf %get3A_1, %sub3A : vector<64x1xf32>
    %ne3A = arith.cmpf one, %sub3A_3, %sub3A_3 : vector<64x1xf32>
    %add3A = vector.broadcast %custom_jvp_call3A : f32 to vector<64x1xf32>
    %add3A_4 = arith.addf %get3A_1, %add3A : vector<64x1xf32>
    %abs3A = math.absf %sub3A_3 : vector<64x1xf32>
    %neg3A = arith.constant 0.000000e+00 : f32
    %neg3A_5 = vector.broadcast %neg3A : f32 to vector<64x1xf32>
    %neg3A_6 = arith.subf %neg3A_5, %abs3A : vector<64x1xf32>
    %exp3A = math.exp %neg3A_6 : vector<64x1xf32>
    %log1p3A = math.log1p %exp3A : vector<64x1xf32>
    %add3A_7 = arith.addf %max3A_2, %log1p3A : vector<64x1xf32>
    %select_n3A = arith.select %ne3A, %add3A_4, %add3A_7 : vector<64x1xi1>, vector<64x1xf32>
    %div3A = arith.constant -0.72134751 : f32
    %div3A_8 = vector.broadcast %div3A : f32 to vector<64x1xf32>
    %div3A_9 = arith.divf %div3A_8, %select_n3A : vector<64x1xf32>
    %mul3A = arith.constant 6.28318548 : f32
    %mul3A_10 = vector.broadcast %mul3A : f32 to vector<64x1xf32>
    %mul3A_11 = arith.mulf %mul3A_10, %select_n3A : vector<64x1xf32>
    %sqrt3A = math.sqrt %mul3A_11 : vector<64x1xf32>
    %div3A_12 = arith.constant -1.000000e+00 : f32
    %div3A_13 = vector.broadcast %div3A_12 : f32 to vector<64x1xf32>
    %div3A_14 = arith.divf %div3A_13, %sqrt3A : vector<64x1xf32>
    %get3A_15 = arith.constant 0 : index
    %get3A_16 = arith.constant 0 : index
    %get3A_17 = vector.load %arg2[%get3A_15, %get3A_16] : memref<64x1xf32, #tpu.memory_space<vmem>>, vector<64x1xf32>
    %broadcast_in_dim3A = vector.shape_cast %get3A_17 : vector<64x1xf32> to vector<64x1xf32>
    %broadcast_in_dim3A_18 = vector.broadcast %broadcast_in_dim3A : vector<64x1xf32> to vector<64x128xf32>
    %broadcast_in_dim3A_19 = vector.shape_cast %div3A_9 : vector<64x1xf32> to vector<64x1xf32>
    %broadcast_in_dim3A_20 = vector.broadcast %broadcast_in_dim3A_19 : vector<64x1xf32> to vector<64x128xf32>
    %broadcast_in_dim3A_21 = vector.shape_cast %div3A_14 : vector<64x1xf32> to vector<64x1xf32>
    %broadcast_in_dim3A_22 = vector.broadcast %broadcast_in_dim3A_21 : vector<64x1xf32> to vector<64x128xf32>
    %get3A_23 = arith.constant 0 : index
    %get3A_24 = arith.constant 0 : index
    %get3A_25 = vector.load %arg1[%get3A_23, %get3A_24] : memref<200x128xf32, #tpu.memory_space<vmem>>, vector<1x128xf32>
    %add3A_26 = arith.constant 9.99999991E-38 : f32
    %add3A_27 = vector.broadcast %add3A_26 : f32 to vector<1x128xf32>
    %add3A_28 = arith.addf %get3A_25, %add3A_27 : vector<1x128xf32>
    %rsqrt3A = math.rsqrt %add3A_28 : vector<1x128xf32>
    %mul3A_29 = arith.mulf %get3A_25, %rsqrt3A : vector<1x128xf32>
    %broadcast_in_dim3A_30 = vector.shape_cast %mul3A_29 : vector<1x128xf32> to vector<1x128xf32>
    %broadcast_in_dim3A_31 = vector.broadcast %broadcast_in_dim3A_30 : vector<1x128xf32> to vector<64x128xf32>
    %sub3A_32 = arith.subf %broadcast_in_dim3A_31, %broadcast_in_dim3A_18 : vector<64x128xf32>
    %mul3A_33 = arith.mulf %sub3A_32, %sub3A_32 : vector<64x128xf32>
    %mul3A_34 = arith.mulf %broadcast_in_dim3A_20, %mul3A_33 : vector<64x128xf32>
    %exp23A = math.exp2 %mul3A_34 : vector<64x128xf32>
    %mul3A_35 = arith.mulf %broadcast_in_dim3A_22, %exp23A : vector<64x128xf32>
    %swap3A = arith.constant 0 : index
    %swap3A_36 = arith.constant 0 : index
    %swap3A_37 = vector.load %arg4[%swap3A, %swap3A_36] : memref<64x25600xf32, #tpu.memory_space<vmem>>, vector<64x128xf32>
    tpu.vector_store %arg4[%swap3A, %swap3A_36], %mul3A_35 {strides = array<i32>} : memref<64x25600xf32, #tpu.memory_space<vmem>>, vector<64x128xf32>,
    %get3A_38 = arith.constant 1 : index
    %get3A_39 = arith.constant 0 : index
    %get3A_40 = vector.load %arg1[%get3A_38, %get3A_39] : memref<200x128xf32, #tpu.memory_space<vmem>>, vector<1x128xf32>
    %add3A_41 = arith.constant 9.99999991E-38 : f32
    %add3A_42 = vector.broadcast %add3A_41 : f32 to vector<1x128xf32>
    %add3A_43 = arith.addf %get3A_40, %add3A_42 : vector<1x128xf32>
    %rsqrt3A_44 = math.rsqrt %add3A_43 : vector<1x128xf32>
    %mul3A_45 = arith.mulf %get3A_40, %rsqrt3A_44 : vector<1x128xf32>
    %broadcast_in_dim3A_46 = vector.shape_cast %mul3A_45 : vector<1x128xf32> to vector<1x128xf32>
    %broadcast_in_dim3A_47 = vector.broadcast %broadcast_in_dim3A_46 : vector<1x128xf32> to vector<64x128xf32>
    %sub3A_48 = arith.subf %broadcast_in_dim3A_47, %broadcast_in_dim3A_18 : vector<64x128xf32>
    %mul3A_49 = arith.mulf %sub3A_48, %sub3A_48 : vector<64x128xf32>
    %mul3A_50 = arith.mulf %broadcast_in_dim3A_20, %mul3A_49 : vector<64x128xf32>
    %exp23A_51 = math.exp2 %mul3A_50 : vector<64x128xf32>
    %mul3A_52 = arith.mulf %broadcast_in_dim3A_22, %exp23A_51 : vector<64x128xf32>
    %swap3A_53 = arith.constant 0 : index
    %swap3A_54 = arith.constant 128 : index
    %swap3A_55 = vector.load %arg4[%swap3A_53, %swap3A_54] : memref<64x25600xf32, #tpu.memory_space<vmem>>, vector<64x128xf32>
    tpu.vector_store %arg4[%swap3A_53, %swap3A_54], %mul3A_52 {strides = array<i32>} : memref<64x25600xf32, #tpu.memory_space<vmem>>, vector<64x128xf32>,
    %get3A_56 = arith.constant 2 : index
    %get3A_57 = arith.constant 0 : index
    %get3A_58 = vector.load %arg1[%get3A_56, %get3A_57] : memref<200x128xf32, #tpu.memory_space<vmem>>, vector<1x128xf32>
    %add3A_59 = arith.constant 9.99999991E-38 : f32
    %add3A_60 = vector.broadcast %add3A_59 : f32 to vector<1x128xf32>
    %add3A_61 = arith.addf %get3A_58, %add3A_60 : vector<1x128xf32>
    %rsqrt3A_62 = math.rsqrt %add3A_61 : vector<1x128xf32>
    %mul3A_63 = arith.mulf %get3A_58, %rsqrt3A_62 : vector<1x128xf32>
    %broadcast_in_dim3A_64 = vector.shape_cast %mul3A_63 : vector<1x128xf32> to vector<1x128xf32>
    %broadcast_in_dim3A_65 = vector.broadcast %broadcast_in_dim3A_64 : vector<1x128xf32> to vector<64x128xf32>
    %sub3A_66 = arith.subf %broadcast_in_dim3A_65, %broadcast_in_dim3A_18 : vector<64x128xf32>
    %mul3A_67 = arith.mulf %sub3A_66, %sub3A_66 : vector<64x128xf32>
    %mul3A_68 = arith.mulf %broadcast_in_dim3A_20, %mul3A_67 : vector<64x128xf32>
    %exp23A_69 = math.exp2 %mul3A_68 : vector<64x128xf32>
    %mul3A_70 = arith.mulf %broadcast_in_dim3A_22, %exp23A_69 : vector<64x128xf32>
    %swap3A_71 = arith.constant 0 : index
    %swap3A_72 = arith.constant 256 : index
    %swap3A_73 = vector.load %arg4[%swap3A_71, %swap3A_72] : memref<64x25600xf32, #tpu.memory_space<vmem>>, vector<64x128xf32>
    tpu.vector_store %arg4[%swap3A_71, %swap3A_72], %mul3A_70 {strides = array<i32>} : memref<64x25600xf32, #tpu.memory_space<vmem>>, vector<64x128xf32>,
    %get3A_74 = arith.constant 3 : index
    %get3A_75 = arith.constant 0 : index
    %get3A_76 = vector.load %arg1[%get3A_74, %get3A_75] : memref<200x128xf32, #tpu.memory_space<vmem>>, vector<1x128xf32>
    %add3A_77 = arith.constant 9.99999991E-38 : f32
    %add3A_78 = vector.broadcast %add3A_77 : f32 to vector<1x128xf32>
    %add3A_79 = arith.addf %get3A_76, %add3A_78 : vector<1x128xf32>
    %rsqrt3A_80 = math.rsqrt %add3A_79 : vector<1x128xf32>
    %mul3A_81 = arith.mulf %get3A_76, %rsqrt3A_80 : vector<1x128xf32>
    %broadcast_in_dim3A_82 = vector.shape_cast %mul3A_81 : vector<1x128xf32> to vector<1x128xf32>
    %broadcast_in_dim3A_83 = vector.broadcast %broadcast_in_dim3A_82 : vector<1x128xf32> to vector<64x128xf32>
    %sub3A_84 = arith.subf %broadcast_in_dim3A_83, %broadcast_in_dim3A_18 : vector<64x128xf32>
    %mul3A_85 = arith.mulf %sub3A_84, %sub3A_84 : vector<64x128xf32>
    %mul3A_86 = arith.mulf %broadcast_in_dim3A_20, %mul3A_85 : vector<64x128xf32>
    %exp23A_87 = math.exp2 %mul3A_86 : vector<64x128xf32>
    %mul3A_88 = arith.mulf %broadcast_in_dim3A_22, %exp23A_87 : vector<64x128xf32>
    %swap3A_89 = arith.constant 0 : index
    %swap3A_90 = arith.constant 384 : index
    %swap3A_91 = vector.load %arg4[%swap3A_89, %swap3A_90] : memref<64x25600xf32, #tpu.memory_space<vmem>>, vector<64x128xf32>
    tpu.vector_store %arg4[%swap3A_89, %swap3A_90], %mul3A_88 {strides = array<i32>} : memref<64x25600xf32, #tpu.memory_space<vmem>>, vector<64x128xf32>,
    %get3A_92 = arith.constant 4 : index
    %get3A_93 = arith.constant 0 : index
    %get3A_94 = vector.load %arg1[%get3A_92, %get3A_93] : memref<200x128xf32, #tpu.memory_space<vmem>>, vector<1x128xf32>
    %add3A_95 = arith.constant 9.99999991E-38 : f32
    %add3A_96 = vector.broadcast %add3A_95 : f32 to vector<1x128xf32>
    %add3A_97 = arith.addf %get3A_94, %add3A_96 : vector<1x128xf32>
    %rsqrt3A_98 = math.rsqrt %add3A_97 : vector<1x128xf32>
    %mul3A_99 = arith.mulf %get3A_94, %rsqrt3A_98 : vector<1x128xf32>
    %broadcast_in_dim3A_100 = vector.shape_cast %mul3A_99 : vector<1x128xf32> to vector<1x128xf32>
    %broadcast_in_dim3A_101 = vector.broadcast %broadcast_in_dim3A_100 : vector<1x128xf32> to vector<64x128xf32>
    %sub3A_102 = arith.subf %broadcast_in_dim3A_101, %broadcast_in_dim3A_18 : vector<64x128xf32>
    %mul3A_103 = arith.mulf %sub3A_102, %sub3A_102 : vector<64x128xf32>
    %mul3A_104 = arith.mulf %broadcast_in_dim3A_20, %mul3A_103 : vector<64x128xf32>
    %exp23A_105 = math.exp2 %mul3A_104 : vector<64x128xf32>
    %mul3A_106 = arith.mulf %broadcast_in_dim3A_22, %exp23A_105 : vector<64x128xf32>
    %swap3A_107 = arith.constant 0 : index
    %swap3A_108 = arith.constant 512 : index
    %swap3A_109 = vector.load %arg4[%swap3A_107, %swap3A_108] : memref<64x25600xf32, #tpu.memory_space<vmem>>, vector<64x128xf32>
    tpu.vector_store %arg4[%swap3A_107, %swap3A_108], %mul3A_106 {strides = array<i32>} : memref<64x25600xf32, #tpu.memory_space<vmem>>, vector<64x128xf32>,
    %get3A_110 = arith.constant 5 : index
    %get3A_111 = arith.constant 0 : index
    %get3A_112 = vector.load %arg1[%get3A_110, %get3A_111] : memref<200x128xf32, #tpu.memory_space<vmem>>, vector<1x128xf32>
    %add3A_113 = arith.constant 9.99999991E-38 : f32
    %add3A_114 = vector.broadcast %add3A_113 : f32 to vector<1x128xf32>
    %add3A_115 = arith.addf %get3A_112, %add3A_114 : vector<1x128xf32>
    %rsqrt3A_116 = math.rsqrt %add3A_115 : vector<1x128xf32>
    %mul3A_117 = arith.mulf %get3A_112, %rsqrt3A_116 : vector<1x128xf32>
    %broadcast_in_dim3A_118 = vector.shape_cast %mul3A_117 : vector<1x128xf32> to vector<1x128xf32>
    %broadcast_in_dim3A_119 = vector.broadcast %broadcast_in_dim3A_118 : vector<1x128xf32> to vector<64x128xf32>
    %sub3A_120 = arith.subf %broadcast_in_dim3A_119, %broadcast_in_dim3A_18 : vector<64x128xf32>
    %mul3A_121 = arith.mulf %sub3A_120, %sub3A_120 : vector<64x128xf32>
    %mul3A_122 = arith.mulf %broadcast_in_dim3A_20, %mul3A_121 : vector<64x128xf32>
    %exp23A_123 = math.exp2 %mul3A_122 : vector<64x128xf32>
    %mul3A_124 = arith.mulf %broadcast_in_dim3A_22, %exp23A_123 : vector<64x128xf32>
    %swap3A_125 = arith.constant 0 : index
    %swap3A_126 = arith.constant 640 : index
    %swap3A_127 = vector.load %arg4[%swap3A_125, %swap3A_126] : memref<64x25600xf32, #tpu.memory_space<vmem>>, vector<64x128xf32>
    tpu.vector_store %arg4[%swap3A_125, %swap3A_126], %mul3A_124 {strides = array<i32>} : memref<64x25600xf32, #tpu.memory_space<vmem>>, vector<64x128xf32>,
    %get3A_128 = arith.constant 6 : index
    %get3A_129 = arith.constant 0 : index
    %get3A_130 = vector.load %arg1[%get3A_128, %get3A_129] : memref<200x128xf32, #tpu.memory_space<vmem>>, vector<1x128xf32>
    %add3A_131 = arith.constant 9.99999991E-38 : f32
    %add3A_132 = vector.broadcast %add3A_131 : f32 to vector<1x128xf32>
    %add3A_133 = arith.addf %get3A_130, %add3A_132 : vector<1x128xf32>
    %rsqrt3A_134 = math.rsqrt %add3A_133 : vector<1x128xf32>
    %mul3A_135 = arith.mulf %get3A_130, %rsqrt3A_134 : vector<1x128xf32>
    %broadcast_in_dim3A_136 = vector.shape_cast %mul3A_135 : vector<1x128xf32> to vector<1x128xf32>
    %broadcast_in_dim3A_137 = vector.broadcast %broadcast_in_dim3A_136 : vector<1x128xf32> to vector<64x128xf32>
    %sub3A_138 = arith.subf %broadcast_in_dim3A_137, %broadcast_in_dim3A_18 : vector<64x128xf32>
    %mul3A_139 = arith.mulf %sub3A_138, %sub3A_138 : vector<64x128xf32>
    %mul3A_140 = arith.mulf %broadcast_in_dim3A_20, %mul3A_139 : vector<64x128xf32>
    %exp23A_141 = math.exp2 %mul3A_140 : vector<64x128xf32>
    %mul3A_142 = arith.mulf %broadcast_in_dim3A_22, %exp23A_141 : vector<64x128xf32>
    %swap3A_143 = arith.constant 0 : index
    %swap3A_144 = arith.constant 768 : index
    %swap3A_145 = vector.load %arg4[%swap3A_143, %swap3A_144] : memref<64x25600xf32, #tpu.memory_space<vmem>>, vector<64x128xf32>
    tpu.vector_store %arg4[%swap3A_143, %swap3A_144], %mul3A_142 {strides = array<i32>} : memref<64x25600xf32, #tpu.memory_space<vmem>>, vector<64x128xf32>,
    %get3A_146 = arith.constant 7 : index
    %get3A_147 = arith.constant 0 : index
    %get3A_148 = vector.load %arg1[%get3A_146, %get3A_147] : memref<200x128xf32, #tpu.memory_space<vmem>>, vector<1x128xf32>
    %add3A_149 = arith.constant 9.99999991E-38 : f32
    %add3A_150 = vector.broadcast %add3A_149 : f32 to vector<1x128xf32>
    %add3A_151 = arith.addf %get3A_148, %add3A_150 : vector<1x128xf32>
    %rsqrt3A_152 = math.rsqrt %add3A_151 : vector<1x128xf32>
    %mul3A_153 = arith.mulf %get3A_148, %rsqrt3A_152 : vector<1x128xf32>
    %broadcast_in_dim3A_154 = vector.shape_cast %mul3A_153 : vector<1x128xf32> to vector<1x128xf32>
    %broadcast_in_dim3A_155 = vector.broadcast %broadcast_in_dim3A_154 : vector<1x128xf32> to vector<64x128xf32>
    %sub3A_156 = arith.subf %broadcast_in_dim3A_155, %broadcast_in_dim3A_18 : vector<64x128xf32>
    %mul3A_157 = arith.mulf %sub3A_156, %sub3A_156 : vector<64x128xf32>
    %mul3A_158 = arith.mulf %broadcast_in_dim3A_20, %mul3A_157 : vector<64x128xf32>
    %exp23A_159 = math.exp2 %mul3A_158 : vector<64x128xf32>
    %mul3A_160 = arith.mulf %broadcast_in_dim3A_22, %exp23A_159 : vector<64x128xf32>
    %swap3A_161 = arith.constant 0 : index
    %swap3A_162 = arith.constant 896 : index
    %swap3A_163 = vector.load %arg4[%swap3A_161, %swap3A_162] : memref<64x25600xf32, #tpu.memory_space<vmem>>, vector<64x128xf32>
    tpu.vector_store %arg4[%swap3A_161, %swap3A_162], %mul3A_160 {strides = array<i32>} : memref<64x25600xf32, #tpu.memory_space<vmem>>, vector<64x128xf32>,
    %get3A_164 = arith.constant 8 : index
    %get3A_165 = arith.constant 0 : index
    %get3A_166 = vector.load %arg1[%get3A_164, %get3A_165] : memref<200x128xf32, #tpu.memory_space<vmem>>, vector<1x128xf32>
    %add3A_167 = arith.constant 9.99999991E-38 : f32
    %add3A_168 = vector.broadcast %add3A_167 : f32 to vector<1x128xf32>
    %add3A_169 = arith.addf %get3A_166, %add3A_168 : vector<1x128xf32>
    %rsqrt3A_170 = math.rsqrt %add3A_169 : vector<1x128xf32>
    %mul3A_171 = arith.mulf %get3A_166, %rsqrt3A_170 : vector<1x128xf32>
    %broadcast_in_dim3A_172 = vector.shape_cast %mul3A_171 : vector<1x128xf32> to vector<1x128xf32>
    %broadcast_in_dim3A_173 = vector.broadcast %broadcast_in_dim3A_172 : vector<1x128xf32> to vector<64x128xf32>
    %sub3A_174 = arith.subf %broadcast_in_dim3A_173, %broadcast_in_dim3A_18 : vector<64x128xf32>
    %mul3A_175 = arith.mulf %sub3A_174, %sub3A_174 : vector<64x128xf32>
    %mul3A_176 = arith.mulf %broadcast_in_dim3A_20, %mul3A_175 : vector<64x128xf32>
    %exp23A_177 = math.exp2 %mul3A_176 : vector<64x128xf32>
    %mul3A_178 = arith.mulf %broadcast_in_dim3A_22, %exp23A_177 : vector<64x128xf32>
    %swap3A_179 = arith.constant 0 : index
    %swap3A_180 = arith.constant 1024 : index
    %swap3A_181 = vector.load %arg4[%swap3A_179, %swap3A_180] : memref<64x25600xf32, #tpu.memory_space<vmem>>, vector<64x128xf32>
    tpu.vector_store %arg4[%swap3A_179, %swap3A_180], %mul3A_178 {strides = array<i32>} : memref<64x25600xf32, #tpu.memory_space<vmem>>, vector<64x128xf32>,
    %get3A_182 = arith.constant 9 : index
    %get3A_183 = arith.constant 0 : index
    %get3A_184 = vector.load %arg1[%get3A_182, %get3A_183] : memref<200x128xf32, #tpu.memory_space<vmem>>, vector<1x128xf32>
    %add3A_185 = arith.constant 9.99999991E-38 : f32
    %add3A_186 = vector.broadcast %add3A_185 : f32 to vector<1x128xf32>
    %add3A_187 = arith.addf %get3A_184, %add3A_186 : vector<1x128xf32>
    %rsqrt3A_188 = math.rsqrt %add3A_187 : vector<1x128xf32>
    %mul3A_189 = arith.mulf %get3A_184, %rsqrt3A_188 : vector<1x128xf32>
    %broadcast_in_dim3A_190 = vector.shape_cast %mul3A_189 : vector<1x128xf32> to vector<1x128xf32>
    %broadcast_in_dim3A_191 = vector.broadcast %broadcast_in_dim3A_190 : vector<1x128xf32> to vector<64x128xf32>
    %sub3A_192 = arith.subf %broadcast_in_dim3A_191, %broadcast_in_dim3A_18 : vector<64x128xf32>
    %mul3A_193 = arith.mulf %sub3A_192, %sub3A_192 : vector<64x128xf32>
    %mul3A_194 = arith.mulf %broadcast_in_dim3A_20, %mul3A_193 : vector<64x128xf32>
    %exp23A_195 = math.exp2 %mul3A_194 : vector<64x128xf32>
    %mul3A_196 = arith.mulf %broadcast_in_dim3A_22, %exp23A_195 : vector<64x128xf32>
    %swap3A_197 = arith.constant 0 : index
    %swap3A_198 = arith.constant 1152 : index
    %swap3A_199 = vector.load %arg4[%swap3A_197, %swap3A_198] : memref<64x25600xf32, #tpu.memory_space<vmem>>, vector<64x128xf32>
    tpu.vector_store %arg4[%swap3A_197, %swap3A_198], %mul3A_196 {strides = array<i32>} : memref<64x25600xf32, #tpu.memory_space<vmem>>, vector<64x128xf32>,
    %get3A_200 = arith.constant 10 : index
    %get3A_201 = arith.constant 0 : index
    %get3A_202 = vector.load %arg1[%get3A_200, %get3A_201] : memref<200x128xf32, #tpu.memory_space<vmem>>, vector<1x128xf32>
    %add3A_203 = arith.constant 9.99999991E-38 : f32
    %add3A_204 = vector.broadcast %add3A_203 : f32 to vector<1x128xf32>
    %add3A_205 = arith.addf %get3A_202, %add3A_204 : vector<1x128xf32>
    %rsqrt3A_206 = math.rsqrt %add3A_205 : vector<1x128xf32>
    %mul3A_207 = arith.mulf %get3A_202, %rsqrt3A_206 : vector<1x128xf32>
    %broadcast_in_dim3A_208 = vector.shape_cast %mul3A_207 : vector<1x128xf32> to vector<1x128xf32>
    %broadcast_in_dim3A_209 = vector.broadcast %broadcast_in_dim3A_208 : vector<1x128xf32> to vector<64x128xf32>
    %sub3A_210 = arith.subf %broadcast_in_dim3A_209, %broadcast_in_dim3A_18 : vector<64x128xf32>
    %mul3A_211 = arith.mulf %sub3A_210, %sub3A_210 : vector<64x128xf32>
    %mul3A_212 = arith.mulf %broadcast_in_dim3A_20, %mul3A_211 : vector<64x128xf32>
    %exp23A_213 = math.exp2 %mul3A_212 : vector<64x128xf32>
    %mul3A_214 = arith.mulf %broadcast_in_dim3A_22, %exp23A_213 : vector<64x128xf32>
    %swap3A_215 = arith.constant 0 : index
    %swap3A_216 = arith.constant 1280 : index
    %swap3A_217 = vector.load %arg4[%swap3A_215, %swap3A_216] : memref<64x25600xf32, #tpu.memory_space<vmem>>, vector<64x128xf32>
    tpu.vector_store %arg4[%swap3A_215, %swap3A_216], %mul3A_214 {strides = array<i32>} : memref<64x25600xf32, #tpu.memory_space<vmem>>, vector<64x128xf32>,
    %get3A_218 = arith.constant 11 : index
    %get3A_219 = arith.constant 0 : index
    %get3A_220 = vector.load %arg1[%get3A_218, %get3A_219] : memref<200x128xf32, #tpu.memory_space<vmem>>, vector<1x128xf32>
    %add3A_221 = arith.constant 9.99999991E-38 : f32
    %add3A_222 = vector.broadcast %add3A_221 : f32 to vector<1x128xf32>
    %add3A_223 = arith.addf %get3A_220, %add3A_222 : vector<1x128xf32>
    %rsqrt3A_224 = math.rsqrt %add3A_223 : vector<1x128xf32>
    %mul3A_225 = arith.mulf %get3A_220, %rsqrt3A_224 : vector<1x128xf32>
    %broadcast_in_dim3A_226 = vector.shape_cast %mul3A_225 : vector<1x128xf32> to vector<1x128xf32>
    %broadcast_in_dim3A_227 = vector.broadcast %broadcast_in_dim3A_226 : vector<1x128xf32> to vector<64x128xf32>
    %sub3A_228 = arith.subf %broadcast_in_dim3A_227, %broadcast_in_dim3A_18 : vector<64x128xf32>
    %mul3A_229 = arith.mulf %sub3A_228, %sub3A_228 : vector<64x128xf32>
    %mul3A_230 = arith.mulf %broadcast_in_dim3A_20, %mul3A_229 : vector<64x128xf32>
    %exp23A_231 = math.exp2 %mul3A_230 : vector<64x128xf32>
    %mul3A_232 = arith.mulf %broadcast_in_dim3A_22, %exp23A_231 : vector<64x128xf32>
    %swap3A_233 = arith.constant 0 : index
    %swap3A_234 = arith.constant 1408 : index
    %swap3A_235 = vector.load %arg4[%swap3A_233, %swap3A_234] : memref<64x25600xf32, #tpu.memory_space<vmem>>, vector<64x128xf32>
    tpu.vector_store %arg4[%swap3A_233, %swap3A_234], %mul3A_232 {strides = array<i32>} : memref<64x25600xf32, #tpu.memory_space<vmem>>, vector<64x128xf32>,
    %get3A_236 = arith.constant 12 : index
    %get3A_237 = arith.constant 0 : index
    %get3A_238 = vector.load %arg1[%get3A_236, %get3A_237] : memref<200x128xf32, #tpu.memory_space<vmem>>, vector<1x128xf32>
    %add3A_239 = arith.constant 9.99999991E-38 : f32
    %add3A_240 = vector.broadcast %add3A_239 : f32 to vector<1x128xf32>
    %add3A_241 = arith.addf %get3A_238, %add3A_240 : vector<1x128xf32>
    %rsqrt3A_242 = math.rsqrt %add3A_241 : vector<1x128xf32>
    %mul3A_243 = arith.mulf %get3A_238, %rsqrt3A_242 : vector<1x128xf32>
    %broadcast_in_dim3A_244 = vector.shape_cast %mul3A_243 : vector<1x128xf32> to vector<1x128xf32>
    %broadcast_in_dim3A_245 = vector.broadcast %broadcast_in_dim3A_244 : vector<1x128xf32> to vector<64x128xf32>
    %sub3A_246 = arith.subf %broadcast_in_dim3A_245, %broadcast_in_dim3A_18 : vector<64x128xf32>
    %mul3A_247 = arith.mulf %sub3A_246, %sub3A_246 : vector<64x128xf32>
    %mul3A_248 = arith.mulf %broadcast_in_dim3A_20, %mul3A_247 : vector<64x128xf32>
    %exp23A_249 = math.exp2 %mul3A_248 : vector<64x128xf32>
    %mul3A_250 = arith.mulf %broadcast_in_dim3A_22, %exp23A_249 : vector<64x128xf32>
    %swap3A_251 = arith.constant 0 : index
    %swap3A_252 = arith.constant 1536 : index
    %swap3A_253 = vector.load %arg4[%swap3A_251, %swap3A_252] : memref<64x25600xf32, #tpu.memory_space<vmem>>, vector<64x128xf32>
    tpu.vector_store %arg4[%swap3A_251, %swap3A_252], %mul3A_250 {strides = array<i32>} : memref<64x25600xf32, #tpu.memory_space<vmem>>, vector<64x128xf32>,
    %get3A_254 = arith.constant 13 : index
    %get3A_255 = arith.constant 0 : index
    %get3A_256 = vector.load %arg1[%get3A_254, %get3A_255] : memref<200x128xf32, #tpu.memory_space<vmem>>, vector<1x128xf32>
    %add3A_257 = arith.constant 9.99999991E-38 : f32
    %add3A_258 = vector.broadcast %add3A_257 : f32 to vector<1x128xf32>
    %add3A_259 = arith.addf %get3A_256, %add3A_258 : vector<1x128xf32>
    %rsqrt3A_260 = math.rsqrt %add3A_259 : vector<1x128xf32>
    %mul3A_261 = arith.mulf %get3A_256, %rsqrt3A_260 : vector<1x128xf32>
    %broadcast_in_dim3A_262 = vector.shape_cast %mul3A_261 : vector<1x128xf32> to vector<1x128xf32>
    %broadcast_in_dim3A_263 = vector.broadcast %broadcast_in_dim3A_262 : vector<1x128xf32> to vector<64x128xf32>
    %sub3A_264 = arith.subf %broadcast_in_dim3A_263, %broadcast_in_dim3A_18 : vector<64x128xf32>
    %mul3A_265 = arith.mulf %sub3A_264, %sub3A_264 : vector<64x128xf32>
    %mul3A_266 = arith.mulf %broadcast_in_dim3A_20, %mul3A_265 : vector<64x128xf32>
    %exp23A_267 = math.exp2 %mul3A_266 : vector<64x128xf32>
    %mul3A_268 = arith.mulf %broadcast_in_dim3A_22, %exp23A_267 : vector<64x128xf32>
    %swap3A_269 = arith.constant 0 : index
    %swap3A_270 = arith.constant 1664 : index
    %swap3A_271 = vector.load %arg4[%swap3A_269, %swap3A_270] : memref<64x25600xf32, #tpu.memory_space<vmem>>, vector<64x128xf32>
    tpu.vector_store %arg4[%swap3A_269, %swap3A_270], %mul3A_268 {strides = array<i32>} : memref<64x25600xf32, #tpu.memory_space<vmem>>, vector<64x128xf32>,
    %get3A_272 = arith.constant 14 : index
    %get3A_273 = arith.constant 0 : index
    %get3A_274 = vector.load %arg1[%get3A_272, %get3A_273] : memref<200x128xf32, #tpu.memory_space<vmem>>, vector<1x128xf32>
    %add3A_275 = arith.constant 9.99999991E-38 : f32
    %add3A_276 = vector.broadcast %add3A_275 : f32 to vector<1x128xf32>
    %add3A_277 = arith.addf %get3A_274, %add3A_276 : vector<1x128xf32>
    %rsqrt3A_278 = math.rsqrt %add3A_277 : vector<1x128xf32>
    %mul3A_279 = arith.mulf %get3A_274, %rsqrt3A_278 : vector<1x128xf32>
    %broadcast_in_dim3A_280 = vector.shape_cast %mul3A_279 : vector<1x128xf32> to vector<1x128xf32>
    %broadcast_in_dim3A_281 = vector.broadcast %broadcast_in_dim3A_280 : vector<1x128xf32> to vector<64x128xf32>
    %sub3A_282 = arith.subf %broadcast_in_dim3A_281, %broadcast_in_dim3A_18 : vector<64x128xf32>
    %mul3A_283 = arith.mulf %sub3A_282, %sub3A_282 : vector<64x128xf32>
    %mul3A_284 = arith.mulf %broadcast_in_dim3A_20, %mul3A_283 : vector<64x128xf32>
    %exp23A_285 = math.exp2 %mul3A_284 : vector<64x128xf32>
    %mul3A_286 = arith.mulf %broadcast_in_dim3A_22, %exp23A_285 : vector<64x128xf32>
    %swap3A_287 = arith.constant 0 : index
    %swap3A_288 = arith.constant 1792 : index
    %swap3A_289 = vector.load %arg4[%swap3A_287, %swap3A_288] : memref<64x25600xf32, #tpu.memory_space<vmem>>, vector<64x128xf32>
    tpu.vector_store %arg4[%swap3A_287, %swap3A_288], %mul3A_286 {strides = array<i32>} : memref<64x25600xf32, #tpu.memory_space<vmem>>, vector<64x128xf32>,
    %get3A_290 = arith.constant 15 : index
    %get3A_291 = arith.constant 0 : index
    %get3A_292 = vector.load %arg1[%get3A_290, %get3A_291] : memref<200x128xf32, #tpu.memory_space<vmem>>, vector<1x128xf32>
    %add3A_293 = arith.constant 9.99999991E-38 : f32
    %add3A_294 = vector.broadcast %add3A_293 : f32 to vector<1x128xf32>
    %add3A_295 = arith.addf %get3A_292, %add3A_294 : vector<1x128xf32>
    %rsqrt3A_296 = math.rsqrt %add3A_295 : vector<1x128xf32>
    %mul3A_297 = arith.mulf %get3A_292, %rsqrt3A_296 : vector<1x128xf32>
    %broadcast_in_dim3A_298 = vector.shape_cast %mul3A_297 : vector<1x128xf32> to vector<1x128xf32>
    %broadcast_in_dim3A_299 = vector.broadcast %broadcast_in_dim3A_298 : vector<1x128xf32> to vector<64x128xf32>
    %sub3A_300 = arith.subf %broadcast_in_dim3A_299, %broadcast_in_dim3A_18 : vector<64x128xf32>
    %mul3A_301 = arith.mulf %sub3A_300, %sub3A_300 : vector<64x128xf32>
    %mul3A_302 = arith.mulf %broadcast_in_dim3A_20, %mul3A_301 : vector<64x128xf32>
    %exp23A_303 = math.exp2 %mul3A_302 : vector<64x128xf32>
    %mul3A_304 = arith.mulf %broadcast_in_dim3A_22, %exp23A_303 : vector<64x128xf32>
    %swap3A_305 = arith.constant 0 : index
    %swap3A_306 = arith.constant 1920 : index
    %swap3A_307 = vector.load %arg4[%swap3A_305, %swap3A_306] : memref<64x25600xf32, #tpu.memory_space<vmem>>, vector<64x128xf32>
    tpu.vector_store %arg4[%swap3A_305, %swap3A_306], %mul3A_304 {strides = array<i32>} : memref<64x25600xf32, #tpu.memory_space<vmem>>, vector<64x128xf32>,
    %get3A_308 = arith.constant 16 : index
    %get3A_309 = arith.constant 0 : index
    %get3A_310 = vector.load %arg1[%get3A_308, %get3A_309] : memref<200x128xf32, #tpu.memory_space<vmem>>, vector<1x128xf32>
    %add3A_311 = arith.constant 9.99999991E-38 : f32
    %add3A_312 = vector.broadcast %add3A_311 : f32 to vector<1x128xf32>
    %add3A_313 = arith.addf %get3A_310, %add3A_312 : vector<1x128xf32>
    %rsqrt3A_314 = math.rsqrt %add3A_313 : vector<1x128xf32>
    %mul3A_315 = arith.mulf %get3A_310, %rsqrt3A_314 : vector<1x128xf32>
    %broadcast_in_dim3A_316 = vector.shape_cast %mul3A_315 : vector<1x128xf32> to vector<1x128xf32>
    %broadcast_in_dim3A_317 = vector.broadcast %broadcast_in_dim3A_316 : vector<1x128xf32> to vector<64x128xf32>
    %sub3A_318 = arith.subf %broadcast_in_dim3A_317, %broadcast_in_dim3A_18 : vector<64x128xf32>
    %mul3A_319 = arith.mulf %sub3A_318, %sub3A_318 : vector<64x128xf32>
    %mul3A_320 = arith.mulf %broadcast_in_dim3A_20, %mul3A_319 : vector<64x128xf32>
    %exp23A_321 = math.exp2 %mul3A_320 : vector<64x128xf32>
    %mul3A_322 = arith.mulf %broadcast_in_dim3A_22, %exp23A_321 : vector<64x128xf32>
    %swap3A_323 = arith.constant 0 : index
    %swap3A_324 = arith.constant 2048 : index
    %swap3A_325 = vector.load %arg4[%swap3A_323, %swap3A_324] : memref<64x25600xf32, #tpu.memory_space<vmem>>, vector<64x128xf32>
    tpu.vector_store %arg4[%swap3A_323, %swap3A_324], %mul3A_322 {strides = array<i32>} : memref<64x25600xf32, #tpu.memory_space<vmem>>, vector<64x128xf32>,
    %get3A_326 = arith.constant 17 : index
    %get3A_327 = arith.constant 0 : index
    %get3A_328 = vector.load %arg1[%get3A_326, %get3A_327] : memref<200x128xf32, #tpu.memory_space<vmem>>, vector<1x128xf32>
    %add3A_329 = arith.constant 9.99999991E-38 : f32
    %add3A_330 = vector.broadcast %add3A_329 : f32 to vector<1x128xf32>
    %add3A_331 = arith.addf %get3A_328, %add3A_330 : vector<1x128xf32>
    %rsqrt3A_332 = math.rsqrt %add3A_331 : vector<1x128xf32>
    %mul3A_333 = arith.mulf %get3A_328, %rsqrt3A_332 : vector<1x128xf32>
    %broadcast_in_dim3A_334 = vector.shape_cast %mul3A_333 : vector<1x128xf32> to vector<1x128xf32>
    %broadcast_in_dim3A_335 = vector.broadcast %broadcast_in_dim3A_334 : vector<1x128xf32> to vector<64x128xf32>
    %sub3A_336 = arith.subf %broadcast_in_dim3A_335, %broadcast_in_dim3A_18 : vector<64x128xf32>
    %mul3A_337 = arith.mulf %sub3A_336, %sub3A_336 : vector<64x128xf32>
    %mul3A_338 = arith.mulf %broadcast_in_dim3A_20, %mul3A_337 : vector<64x128xf32>
    %exp23A_339 = math.exp2 %mul3A_338 : vector<64x128xf32>
    %mul3A_340 = arith.mulf %broadcast_in_dim3A_22, %exp23A_339 : vector<64x128xf32>
    %swap3A_341 = arith.constant 0 : index
    %swap3A_342 = arith.constant 2176 : index
    %swap3A_343 = vector.load %arg4[%swap3A_341, %swap3A_342] : memref<64x25600xf32, #tpu.memory_space<vmem>>, vector<64x128xf32>
    tpu.vector_store %arg4[%swap3A_341, %swap3A_342], %mul3A_340 {strides = array<i32>} : memref<64x25600xf32, #tpu.memory_space<vmem>>, vector<64x128xf32>,
    %get3A_344 = arith.constant 18 : index
    %get3A_345 = arith.constant 0 : index
    %get3A_346 = vector.load %arg1[%get3A_344, %get3A_345] : memref<200x128xf32, #tpu.memory_space<vmem>>, vector<1x128xf32>
    %add3A_347 = arith.constant 9.99999991E-38 : f32
    %add3A_348 = vector.broadcast %add3A_347 : f32 to vector<1x128xf32>
    %add3A_349 = arith.addf %get3A_346, %add3A_348 : vector<1x128xf32>
    %rsqrt3A_350 = math.rsqrt %add3A_349 : vector<1x128xf32>
    %mul3A_351 = arith.mulf %get3A_346, %rsqrt3A_350 : vector<1x128xf32>
    %broadcast_in_dim3A_352 = vector.shape_cast %mul3A_351 : vector<1x128xf32> to vector<1x128xf32>
    %broadcast_in_dim3A_353 = vector.broadcast %broadcast_in_dim3A_352 : vector<1x128xf32> to vector<64x128xf32>
    %sub3A_354 = arith.subf %broadcast_in_dim3A_353, %broadcast_in_dim3A_18 : vector<64x128xf32>
    %mul3A_355 = arith.mulf %sub3A_354, %sub3A_354 : vector<64x128xf32>
    %mul3A_356 = arith.mulf %broadcast_in_dim3A_20, %mul3A_355 : vector<64x128xf32>
    %exp23A_357 = math.exp2 %mul3A_356 : vector<64x128xf32>
    %mul3A_358 = arith.mulf %broadcast_in_dim3A_22, %exp23A_357 : vector<64x128xf32>
    %swap3A_359 = arith.constant 0 : index
    %swap3A_360 = arith.constant 2304 : index
    %swap3A_361 = vector.load %arg4[%swap3A_359, %swap3A_360] : memref<64x25600xf32, #tpu.memory_space<vmem>>, vector<64x128xf32>
    tpu.vector_store %arg4[%swap3A_359, %swap3A_360], %mul3A_358 {strides = array<i32>} : memref<64x25600xf32, #tpu.memory_space<vmem>>, vector<64x128xf32>,
    %get3A_362 = arith.constant 19 : index
    %get3A_363 = arith.constant 0 : index
    %get3A_364 = vector.load %arg1[%get3A_362, %get3A_363] : memref<200x128xf32, #tpu.memory_space<vmem>>, vector<1x128xf32>
    %add3A_365 = arith.constant 9.99999991E-38 : f32
    %add3A_366 = vector.broadcast %add3A_365 : f32 to vector<1x128xf32>
    %add3A_367 = arith.addf %get3A_364, %add3A_366 : vector<1x128xf32>
    %rsqrt3A_368 = math.rsqrt %add3A_367 : vector<1x128xf32>
    %mul3A_369 = arith.mulf %get3A_364, %rsqrt3A_368 : vector<1x128xf32>
    %broadcast_in_dim3A_370 = vector.shape_cast %mul3A_369 : vector<1x128xf32> to vector<1x128xf32>
    %broadcast_in_dim3A_371 = vector.broadcast %broadcast_in_dim3A_370 : vector<1x128xf32> to vector<64x128xf32>
    %sub3A_372 = arith.subf %broadcast_in_dim3A_371, %broadcast_in_dim3A_18 : vector<64x128xf32>
    %mul3A_373 = arith.mulf %sub3A_372, %sub3A_372 : vector<64x128xf32>
    %mul3A_374 = arith.mulf %broadcast_in_dim3A_20, %mul3A_373 : vector<64x128xf32>
    %exp23A_375 = math.exp2 %mul3A_374 : vector<64x128xf32>
    %mul3A_376 = arith.mulf %broadcast_in_dim3A_22, %exp23A_375 : vector<64x128xf32>
    %swap3A_377 = arith.constant 0 : index
    %swap3A_378 = arith.constant 2432 : index
    %swap3A_379 = vector.load %arg4[%swap3A_377, %swap3A_378] : memref<64x25600xf32, #tpu.memory_space<vmem>>, vector<64x128xf32>
    tpu.vector_store %arg4[%swap3A_377, %swap3A_378], %mul3A_376 {strides = array<i32>} : memref<64x25600xf32, #tpu.memory_space<vmem>>, vector<64x128xf32>,
    %get3A_380 = arith.constant 20 : index
    %get3A_381 = arith.constant 0 : index
    %get3A_382 = vector.load %arg1[%get3A_380, %get3A_381] : memref<200x128xf32, #tpu.memory_space<vmem>>, vector<1x128xf32>
    %add3A_383 = arith.constant 9.99999991E-38 : f32
    %add3A_384 = vector.broadcast %add3A_383 : f32 to vector<1x128xf32>
    %add3A_385 = arith.addf %get3A_382, %add3A_384 : vector<1x128xf32>
    %rsqrt3A_386 = math.rsqrt %add3A_385 : vector<1x128xf32>
    %mul3A_387 = arith.mulf %get3A_382, %rsqrt3A_386 : vector<1x128xf32>
    %broadcast_in_dim3A_388 = vector.shape_cast %mul3A_387 : vector<1x128xf32> to vector<1x128xf32>
    %broadcast_in_dim3A_389 = vector.broadcast %broadcast_in_dim3A_388 : vector<1x128xf32> to vector<64x128xf32>
    %sub3A_390 = arith.subf %broadcast_in_dim3A_389, %broadcast_in_dim3A_18 : vector<64x128xf32>
    %mul3A_391 = arith.mulf %sub3A_390, %sub3A_390 : vector<64x128xf32>
    %mul3A_392 = arith.mulf %broadcast_in_dim3A_20, %mul3A_391 : vector<64x128xf32>
    %exp23A_393 = math.exp2 %mul3A_392 : vector<64x128xf32>
    %mul3A_394 = arith.mulf %broadcast_in_dim3A_22, %exp23A_393 : vector<64x128xf32>
    %swap3A_395 = arith.constant 0 : index
    %swap3A_396 = arith.constant 2560 : index
    %swap3A_397 = vector.load %arg4[%swap3A_395, %swap3A_396] : memref<64x25600xf32, #tpu.memory_space<vmem>>, vector<64x128xf32>
    tpu.vector_store %arg4[%swap3A_395, %swap3A_396], %mul3A_394 {strides = array<i32>} : memref<64x25600xf32, #tpu.memory_space<vmem>>, vector<64x128xf32>,
    %get3A_398 = arith.constant 21 : index
    %get3A_399 = arith.constant 0 : index
    %get3A_400 = vector.load %arg1[%get3A_398, %get3A_399] : memref<200x128xf32, #tpu.memory_space<vmem>>, vector<1x128xf32>
    %add3A_401 = arith.constant 9.99999991E-38 : f32
    %add3A_402 = vector.broadcast %add3A_401 : f32 to vector<1x128xf32>
    %add3A_403 = arith.addf %get3A_400, %add3A_402 : vector<1x128xf32>
    %rsqrt3A_404 = math.rsqrt %add3A_403 : vector<1x128xf32>
    %mul3A_405 = arith.mulf %get3A_400, %rsqrt3A_404 : vector<1x128xf32>
    %broadcast_in_dim3A_406 = vector.shape_cast %mul3A_405 : vector<1x128xf32> to vector<1x128xf32>
    %broadcast_in_dim3A_407 = vector.broadcast %broadcast_in_dim3A_406 : vector<1x128xf32> to vector<64x128xf32>
    %sub3A_408 = arith.subf %broadcast_in_dim3A_407, %broadcast_in_dim3A_18 : vector<64x128xf32>
    %mul3A_409 = arith.mulf %sub3A_408, %sub3A_408 : vector<64x128xf32>
    %mul3A_410 = arith.mulf %broadcast_in_dim3A_20, %mul3A_409 : vector<64x128xf32>
    %exp23A_411 = math.exp2 %mul3A_410 : vector<64x128xf32>
    %mul3A_412 = arith.mulf %broadcast_in_dim3A_22, %exp23A_411 : vector<64x128xf32>
    %swap3A_413 = arith.constant 0 : index
    %swap3A_414 = arith.constant 2688 : index
    %swap3A_415 = vector.load %arg4[%swap3A_413, %swap3A_414] : memref<64x25600xf32, #tpu.memory_space<vmem>>, vector<64x128xf32>
    tpu.vector_store %arg4[%swap3A_413, %swap3A_414], %mul3A_412 {strides = array<i32>} : memref<64x25600xf32, #tpu.memory_space<vmem>>, vector<64x128xf32>,
    %get3A_416 = arith.constant 22 : index
    %get3A_417 = arith.constant 0 : index
    %get3A_418 = vector.load %arg1[%get3A_416, %get3A_417] : memref<200x128xf32, #tpu.memory_space<vmem>>, vector<1x128xf32>
    %add3A_419 = arith.constant 9.99999991E-38 : f32
    %add3A_420 = vector.broadcast %add3A_419 : f32 to vector<1x128xf32>
    %add3A_421 = arith.addf %get3A_418, %add3A_420 : vector<1x128xf32>
    %rsqrt3A_422 = math.rsqrt %add3A_421 : vector<1x128xf32>
    %mul3A_423 = arith.mulf %get3A_418, %rsqrt3A_422 : vector<1x128xf32>
    %broadcast_in_dim3A_424 = vector.shape_cast %mul3A_423 : vector<1x128xf32> to vector<1x128xf32>
    %broadcast_in_dim3A_425 = vector.broadcast %broadcast_in_dim3A_424 : vector<1x128xf32> to vector<64x128xf32>
    %sub3A_426 = arith.subf %broadcast_in_dim3A_425, %broadcast_in_dim3A_18 : vector<64x128xf32>
    %mul3A_427 = arith.mulf %sub3A_426, %sub3A_426 : vector<64x128xf32>
    %mul3A_428 = arith.mulf %broadcast_in_dim3A_20, %mul3A_427 : vector<64x128xf32>
    %exp23A_429 = math.exp2 %mul3A_428 : vector<64x128xf32>
    %mul3A_430 = arith.mulf %broadcast_in_dim3A_22, %exp23A_429 : vector<64x128xf32>
    %swap3A_431 = arith.constant 0 : index
    %swap3A_432 = arith.constant 2816 : index
    %swap3A_433 = vector.load %arg4[%swap3A_431, %swap3A_432] : memref<64x25600xf32, #tpu.memory_space<vmem>>, vector<64x128xf32>
    tpu.vector_store %arg4[%swap3A_431, %swap3A_432], %mul3A_430 {strides = array<i32>} : memref<64x25600xf32, #tpu.memory_space<vmem>>, vector<64x128xf32>,
    %get3A_434 = arith.constant 23 : index
    %get3A_435 = arith.constant 0 : index
    %get3A_436 = vector.load %arg1[%get3A_434, %get3A_435] : memref<200x128xf32, #tpu.memory_space<vmem>>, vector<1x128xf32>
    %add3A_437 = arith.constant 9.99999991E-38 : f32
    %add3A_438 = vector.broadcast %add3A_437 : f32 to vector<1x128xf32>
    %add3A_439 = arith.addf %get3A_436, %add3A_438 : vector<1x128xf32>
    %rsqrt3A_440 = math.rsqrt %add3A_439 : vector<1x128xf32>
    %mul3A_441 = arith.mulf %get3A_436, %rsqrt3A_440 : vector<1x128xf32>
    %broadcast_in_dim3A_442 = vector.shape_cast %mul3A_441 : vector<1x128xf32> to vector<1x128xf32>
    %broadcast_in_dim3A_443 = vector.broadcast %broadcast_in_dim3A_442 : vector<1x128xf32> to vector<64x128xf32>
    %sub3A_444 = arith.subf %broadcast_in_dim3A_443, %broadcast_in_dim3A_18 : vector<64x128xf32>
    %mul3A_445 = arith.mulf %sub3A_444, %sub3A_444 : vector<64x128xf32>
    %mul3A_446 = arith.mulf %broadcast_in_dim3A_20, %mul3A_445 : vector<64x128xf32>
    %exp23A_447 = math.exp2 %mul3A_446 : vector<64x128xf32>
    %mul3A_448 = arith.mulf %broadcast_in_dim3A_22, %exp23A_447 : vector<64x128xf32>
    %swap3A_449 = arith.constant 0 : index
    %swap3A_450 = arith.constant 2944 : index
    %swap3A_451 = vector.load %arg4[%swap3A_449, %swap3A_450] : memref<64x25600xf32, #tpu.memory_space<vmem>>, vector<64x128xf32>
    tpu.vector_store %arg4[%swap3A_449, %swap3A_450], %mul3A_448 {strides = array<i32>} : memref<64x25600xf32, #tpu.memory_space<vmem>>, vector<64x128xf32>,
    %get3A_452 = arith.constant 24 : index
    %get3A_453 = arith.constant 0 : index
    %get3A_454 = vector.load %arg1[%get3A_452, %get3A_453] : memref<200x128xf32, #tpu.memory_space<vmem>>, vector<1x128xf32>
    %add3A_455 = arith.constant 9.99999991E-38 : f32
    %add3A_456 = vector.broadcast %add3A_455 : f32 to vector<1x128xf32>
    %add3A_457 = arith.addf %get3A_454, %add3A_456 : vector<1x128xf32>
    %rsqrt3A_458 = math.rsqrt %add3A_457 : vector<1x128xf32>
    %mul3A_459 = arith.mulf %get3A_454, %rsqrt3A_458 : vector<1x128xf32>
    %broadcast_in_dim3A_460 = vector.shape_cast %mul3A_459 : vector<1x128xf32> to vector<1x128xf32>
    %broadcast_in_dim3A_461 = vector.broadcast %broadcast_in_dim3A_460 : vector<1x128xf32> to vector<64x128xf32>
    %sub3A_462 = arith.subf %broadcast_in_dim3A_461, %broadcast_in_dim3A_18 : vector<64x128xf32>
    %mul3A_463 = arith.mulf %sub3A_462, %sub3A_462 : vector<64x128xf32>
    %mul3A_464 = arith.mulf %broadcast_in_dim3A_20, %mul3A_463 : vector<64x128xf32>
    %exp23A_465 = math.exp2 %mul3A_464 : vector<64x128xf32>
    %mul3A_466 = arith.mulf %broadcast_in_dim3A_22, %exp23A_465 : vector<64x128xf32>
    %swap3A_467 = arith.constant 0 : index
    %swap3A_468 = arith.constant 3072 : index
    %swap3A_469 = vector.load %arg4[%swap3A_467, %swap3A_468] : memref<64x25600xf32, #tpu.memory_space<vmem>>, vector<64x128xf32>
    tpu.vector_store %arg4[%swap3A_467, %swap3A_468], %mul3A_466 {strides = array<i32>} : memref<64x25600xf32, #tpu.memory_space<vmem>>, vector<64x128xf32>,
    %get3A_470 = arith.constant 25 : index
    %get3A_471 = arith.constant 0 : index
    %get3A_472 = vector.load %arg1[%get3A_470, %get3A_471] : memref<200x128xf32, #tpu.memory_space<vmem>>, vector<1x128xf32>
    %add3A_473 = arith.constant 9.99999991E-38 : f32
    %add3A_474 = vector.broadcast %add3A_473 : f32 to vector<1x128xf32>
    %add3A_475 = arith.addf %get3A_472, %add3A_474 : vector<1x128xf32>
    %rsqrt3A_476 = math.rsqrt %add3A_475 : vector<1x128xf32>
    %mul3A_477 = arith.mulf %get3A_472, %rsqrt3A_476 : vector<1x128xf32>
    %broadcast_in_dim3A_478 = vector.shape_cast %mul3A_477 : vector<1x128xf32> to vector<1x128xf32>
    %broadcast_in_dim3A_479 = vector.broadcast %broadcast_in_dim3A_478 : vector<1x128xf32> to vector<64x128xf32>
    %sub3A_480 = arith.subf %broadcast_in_dim3A_479, %broadcast_in_dim3A_18 : vector<64x128xf32>
    %mul3A_481 = arith.mulf %sub3A_480, %sub3A_480 : vector<64x128xf32>
    %mul3A_482 = arith.mulf %broadcast_in_dim3A_20, %mul3A_481 : vector<64x128xf32>
    %exp23A_483 = math.exp2 %mul3A_482 : vector<64x128xf32>
    %mul3A_484 = arith.mulf %broadcast_in_dim3A_22, %exp23A_483 : vector<64x128xf32>
    %swap3A_485 = arith.constant 0 : index
    %swap3A_486 = arith.constant 3200 : index
    %swap3A_487 = vector.load %arg4[%swap3A_485, %swap3A_486] : memref<64x25600xf32, #tpu.memory_space<vmem>>, vector<64x128xf32>
    tpu.vector_store %arg4[%swap3A_485, %swap3A_486], %mul3A_484 {strides = array<i32>} : memref<64x25600xf32, #tpu.memory_space<vmem>>, vector<64x128xf32>,
    %get3A_488 = arith.constant 26 : index
    %get3A_489 = arith.constant 0 : index
    %get3A_490 = vector.load %arg1[%get3A_488, %get3A_489] : memref<200x128xf32, #tpu.memory_space<vmem>>, vector<1x128xf32>
    %add3A_491 = arith.constant 9.99999991E-38 : f32
    %add3A_492 = vector.broadcast %add3A_491 : f32 to vector<1x128xf32>
    %add3A_493 = arith.addf %get3A_490, %add3A_492 : vector<1x128xf32>
    %rsqrt3A_494 = math.rsqrt %add3A_493 : vector<1x128xf32>
    %mul3A_495 = arith.mulf %get3A_490, %rsqrt3A_494 : vector<1x128xf32>
    %broadcast_in_dim3A_496 = vector.shape_cast %mul3A_495 : vector<1x128xf32> to vector<1x128xf32>
    %broadcast_in_dim3A_497 = vector.broadcast %broadcast_in_dim3A_496 : vector<1x128xf32> to vector<64x128xf32>
    %sub3A_498 = arith.subf %broadcast_in_dim3A_497, %broadcast_in_dim3A_18 : vector<64x128xf32>
    %mul3A_499 = arith.mulf %sub3A_498, %sub3A_498 : vector<64x128xf32>
    %mul3A_500 = arith.mulf %broadcast_in_dim3A_20, %mul3A_499 : vector<64x128xf32>
    %exp23A_501 = math.exp2 %mul3A_500 : vector<64x128xf32>
    %mul3A_502 = arith.mulf %broadcast_in_dim3A_22, %exp23A_501 : vector<64x128xf32>
    %swap3A_503 = arith.constant 0 : index
    %swap3A_504 = arith.constant 3328 : index
    %swap3A_505 = vector.load %arg4[%swap3A_503, %swap3A_504] : memref<64x25600xf32, #tpu.memory_space<vmem>>, vector<64x128xf32>
    tpu.vector_store %arg4[%swap3A_503, %swap3A_504], %mul3A_502 {strides = array<i32>} : memref<64x25600xf32, #tpu.memory_space<vmem>>, vector<64x128xf32>,
    %get3A_506 = arith.constant 27 : index
    %get3A_507 = arith.constant 0 : index
    %get3A_508 = vector.load %arg1[%get3A_506, %get3A_507] : memref<200x128xf32, #tpu.memory_space<vmem>>, vector<1x128xf32>
    %add3A_509 = arith.constant 9.99999991E-38 : f32
    %add3A_510 = vector.broadcast %add3A_509 : f32 to vector<1x128xf32>
    %add3A_511 = arith.addf %get3A_508, %add3A_510 : vector<1x128xf32>
    %rsqrt3A_512 = math.rsqrt %add3A_511 : vector<1x128xf32>
    %mul3A_513 = arith.mulf %get3A_508, %rsqrt3A_512 : vector<1x128xf32>
    %broadcast_in_dim3A_514 = vector.shape_cast %mul3A_513 : vector<1x128xf32> to vector<1x128xf32>
    %broadcast_in_dim3A_515 = vector.broadcast %broadcast_in_dim3A_514 : vector<1x128xf32> to vector<64x128xf32>
    %sub3A_516 = arith.subf %broadcast_in_dim3A_515, %broadcast_in_dim3A_18 : vector<64x128xf32>
    %mul3A_517 = arith.mulf %sub3A_516, %sub3A_516 : vector<64x128xf32>
    %mul3A_518 = arith.mulf %broadcast_in_dim3A_20, %mul3A_517 : vector<64x128xf32>
    %exp23A_519 = math.exp2 %mul3A_518 : vector<64x128xf32>
    %mul3A_520 = arith.mulf %broadcast_in_dim3A_22, %exp23A_519 : vector<64x128xf32>
    %swap3A_521 = arith.constant 0 : index
    %swap3A_522 = arith.constant 3456 : index
    %swap3A_523 = vector.load %arg4[%swap3A_521, %swap3A_522] : memref<64x25600xf32, #tpu.memory_space<vmem>>, vector<64x128xf32>
    tpu.vector_store %arg4[%swap3A_521, %swap3A_522], %mul3A_520 {strides = array<i32>} : memref<64x25600xf32, #tpu.memory_space<vmem>>, vector<64x128xf32>,
    %get3A_524 = arith.constant 28 : index
    %get3A_525 = arith.constant 0 : index
    %get3A_526 = vector.load %arg1[%get3A_524, %get3A_525] : memref<200x128xf32, #tpu.memory_space<vmem>>, vector<1x128xf32>
    %add3A_527 = arith.constant 9.99999991E-38 : f32
    %add3A_528 = vector.broadcast %add3A_527 : f32 to vector<1x128xf32>
    %add3A_529 = arith.addf %get3A_526, %add3A_528 : vector<1x128xf32>
    %rsqrt3A_530 = math.rsqrt %add3A_529 : vector<1x128xf32>
    %mul3A_531 = arith.mulf %get3A_526, %rsqrt3A_530 : vector<1x128xf32>
    %broadcast_in_dim3A_532 = vector.shape_cast %mul3A_531 : vector<1x128xf32> to vector<1x128xf32>
    %broadcast_in_dim3A_533 = vector.broadcast %broadcast_in_dim3A_532 : vector<1x128xf32> to vector<64x128xf32>
    %sub3A_534 = arith.subf %broadcast_in_dim3A_533, %broadcast_in_dim3A_18 : vector<64x128xf32>
    %mul3A_535 = arith.mulf %sub3A_534, %sub3A_534 : vector<64x128xf32>
    %mul3A_536 = arith.mulf %broadcast_in_dim3A_20, %mul3A_535 : vector<64x128xf32>
    %exp23A_537 = math.exp2 %mul3A_536 : vector<64x128xf32>
    %mul3A_538 = arith.mulf %broadcast_in_dim3A_22, %exp23A_537 : vector<64x128xf32>
    %swap3A_539 = arith.constant 0 : index
    %swap3A_540 = arith.constant 3584 : index
    %swap3A_541 = vector.load %arg4[%swap3A_539, %swap3A_540] : memref<64x25600xf32, #tpu.memory_space<vmem>>, vector<64x128xf32>
    tpu.vector_store %arg4[%swap3A_539, %swap3A_540], %mul3A_538 {strides = array<i32>} : memref<64x25600xf32, #tpu.memory_space<vmem>>, vector<64x128xf32>,
    %get3A_542 = arith.constant 29 : index
    %get3A_543 = arith.constant 0 : index
    %get3A_544 = vector.load %arg1[%get3A_542, %get3A_543] : memref<200x128xf32, #tpu.memory_space<vmem>>, vector<1x128xf32>
    %add3A_545 = arith.constant 9.99999991E-38 : f32
    %add3A_546 = vector.broadcast %add3A_545 : f32 to vector<1x128xf32>
    %add3A_547 = arith.addf %get3A_544, %add3A_546 : vector<1x128xf32>
    %rsqrt3A_548 = math.rsqrt %add3A_547 : vector<1x128xf32>
    %mul3A_549 = arith.mulf %get3A_544, %rsqrt3A_548 : vector<1x128xf32>
    %broadcast_in_dim3A_550 = vector.shape_cast %mul3A_549 : vector<1x128xf32> to vector<1x128xf32>
    %broadcast_in_dim3A_551 = vector.broadcast %broadcast_in_dim3A_550 : vector<1x128xf32> to vector<64x128xf32>
    %sub3A_552 = arith.subf %broadcast_in_dim3A_551, %broadcast_in_dim3A_18 : vector<64x128xf32>
    %mul3A_553 = arith.mulf %sub3A_552, %sub3A_552 : vector<64x128xf32>
    %mul3A_554 = arith.mulf %broadcast_in_dim3A_20, %mul3A_553 : vector<64x128xf32>
    %exp23A_555 = math.exp2 %mul3A_554 : vector<64x128xf32>
    %mul3A_556 = arith.mulf %broadcast_in_dim3A_22, %exp23A_555 : vector<64x128xf32>
    %swap3A_557 = arith.constant 0 : index
    %swap3A_558 = arith.constant 3712 : index
    %swap3A_559 = vector.load %arg4[%swap3A_557, %swap3A_558] : memref<64x25600xf32, #tpu.memory_space<vmem>>, vector<64x128xf32>
    tpu.vector_store %arg4[%swap3A_557, %swap3A_558], %mul3A_556 {strides = array<i32>} : memref<64x25600xf32, #tpu.memory_space<vmem>>, vector<64x128xf32>,
    %get3A_560 = arith.constant 30 : index
    %get3A_561 = arith.constant 0 : index
    %get3A_562 = vector.load %arg1[%get3A_560, %get3A_561] : memref<200x128xf32, #tpu.memory_space<vmem>>, vector<1x128xf32>
    %add3A_563 = arith.constant 9.99999991E-38 : f32
    %add3A_564 = vector.broadcast %add3A_563 : f32 to vector<1x128xf32>
    %add3A_565 = arith.addf %get3A_562, %add3A_564 : vector<1x128xf32>
    %rsqrt3A_566 = math.rsqrt %add3A_565 : vector<1x128xf32>
    %mul3A_567 = arith.mulf %get3A_562, %rsqrt3A_566 : vector<1x128xf32>
    %broadcast_in_dim3A_568 = vector.shape_cast %mul3A_567 : vector<1x128xf32> to vector<1x128xf32>
    %broadcast_in_dim3A_569 = vector.broadcast %broadcast_in_dim3A_568 : vector<1x128xf32> to vector<64x128xf32>
    %sub3A_570 = arith.subf %broadcast_in_dim3A_569, %broadcast_in_dim3A_18 : vector<64x128xf32>
    %mul3A_571 = arith.mulf %sub3A_570, %sub3A_570 : vector<64x128xf32>
    %mul3A_572 = arith.mulf %broadcast_in_dim3A_20, %mul3A_571 : vector<64x128xf32>
    %exp23A_573 = math.exp2 %mul3A_572 : vector<64x128xf32>
    %mul3A_574 = arith.mulf %broadcast_in_dim3A_22, %exp23A_573 : vector<64x128xf32>
    %swap3A_575 = arith.constant 0 : index
    %swap3A_576 = arith.constant 3840 : index
    %swap3A_577 = vector.load %arg4[%swap3A_575, %swap3A_576] : memref<64x25600xf32, #tpu.memory_space<vmem>>, vector<64x128xf32>
    tpu.vector_store %arg4[%swap3A_575, %swap3A_576], %mul3A_574 {strides = array<i32>} : memref<64x25600xf32, #tpu.memory_space<vmem>>, vector<64x128xf32>,
    %get3A_578 = arith.constant 31 : index
    %get3A_579 = arith.constant 0 : index
    %get3A_580 = vector.load %arg1[%get3A_578, %get3A_579] : memref<200x128xf32, #tpu.memory_space<vmem>>, vector<1x128xf32>
    %add3A_581 = arith.constant 9.99999991E-38 : f32
    %add3A_582 = vector.broadcast %add3A_581 : f32 to vector<1x128xf32>
    %add3A_583 = arith.addf %get3A_580, %add3A_582 : vector<1x128xf32>
    %rsqrt3A_584 = math.rsqrt %add3A_583 : vector<1x128xf32>
    %mul3A_585 = arith.mulf %get3A_580, %rsqrt3A_584 : vector<1x128xf32>
    %broadcast_in_dim3A_586 = vector.shape_cast %mul3A_585 : vector<1x128xf32> to vector<1x128xf32>
    %broadcast_in_dim3A_587 = vector.broadcast %broadcast_in_dim3A_586 : vector<1x128xf32> to vector<64x128xf32>
    %sub3A_588 = arith.subf %broadcast_in_dim3A_587, %broadcast_in_dim3A_18 : vector<64x128xf32>
    %mul3A_589 = arith.mulf %sub3A_588, %sub3A_588 : vector<64x128xf32>
    %mul3A_590 = arith.mulf %broadcast_in_dim3A_20, %mul3A_589 : vector<64x128xf32>
    %exp23A_591 = math.exp2 %mul3A_590 : vector<64x128xf32>
    %mul3A_592 = arith.mulf %broadcast_in_dim3A_22, %exp23A_591 : vector<64x128xf32>
    %swap3A_593 = arith.constant 0 : index
    %swap3A_594 = arith.constant 3968 : index
    %swap3A_595 = vector.load %arg4[%swap3A_593, %swap3A_594] : memref<64x25600xf32, #tpu.memory_space<vmem>>, vector<64x128xf32>
    tpu.vector_store %arg4[%swap3A_593, %swap3A_594], %mul3A_592 {strides = array<i32>} : memref<64x25600xf32, #tpu.memory_space<vmem>>, vector<64x128xf32>,
    %get3A_596 = arith.constant 32 : index
    %get3A_597 = arith.constant 0 : index
    %get3A_598 = vector.load %arg1[%get3A_596, %get3A_597] : memref<200x128xf32, #tpu.memory_space<vmem>>, vector<1x128xf32>
    %add3A_599 = arith.constant 9.99999991E-38 : f32
    %add3A_600 = vector.broadcast %add3A_599 : f32 to vector<1x128xf32>
    %add3A_601 = arith.addf %get3A_598, %add3A_600 : vector<1x128xf32>
    %rsqrt3A_602 = math.rsqrt %add3A_601 : vector<1x128xf32>
    %mul3A_603 = arith.mulf %get3A_598, %rsqrt3A_602 : vector<1x128xf32>
    %broadcast_in_dim3A_604 = vector.shape_cast %mul3A_603 : vector<1x128xf32> to vector<1x128xf32>
    %broadcast_in_dim3A_605 = vector.broadcast %broadcast_in_dim3A_604 : vector<1x128xf32> to vector<64x128xf32>
    %sub3A_606 = arith.subf %broadcast_in_dim3A_605, %broadcast_in_dim3A_18 : vector<64x128xf32>
    %mul3A_607 = arith.mulf %sub3A_606, %sub3A_606 : vector<64x128xf32>
    %mul3A_608 = arith.mulf %broadcast_in_dim3A_20, %mul3A_607 : vector<64x128xf32>
    %exp23A_609 = math.exp2 %mul3A_608 : vector<64x128xf32>
    %mul3A_610 = arith.mulf %broadcast_in_dim3A_22, %exp23A_609 : vector<64x128xf32>
    %swap3A_611 = arith.constant 0 : index
    %swap3A_612 = arith.constant 4096 : index
    %swap3A_613 = vector.load %arg4[%swap3A_611, %swap3A_612] : memref<64x25600xf32, #tpu.memory_space<vmem>>, vector<64x128xf32>
    tpu.vector_store %arg4[%swap3A_611, %swap3A_612], %mul3A_610 {strides = array<i32>} : memref<64x25600xf32, #tpu.memory_space<vmem>>, vector<64x128xf32>,
    %get3A_614 = arith.constant 33 : index
    %get3A_615 = arith.constant 0 : index
    %get3A_616 = vector.load %arg1[%get3A_614, %get3A_615] : memref<200x128xf32, #tpu.memory_space<vmem>>, vector<1x128xf32>
    %add3A_617 = arith.constant 9.99999991E-38 : f32
    %add3A_618 = vector.broadcast %add3A_617 : f32 to vector<1x128xf32>
    %add3A_619 = arith.addf %get3A_616, %add3A_618 : vector<1x128xf32>
    %rsqrt3A_620 = math.rsqrt %add3A_619 : vector<1x128xf32>
    %mul3A_621 = arith.mulf %get3A_616, %rsqrt3A_620 : vector<1x128xf32>
    %broadcast_in_dim3A_622 = vector.shape_cast %mul3A_621 : vector<1x128xf32> to vector<1x128xf32>
    %broadcast_in_dim3A_623 = vector.broadcast %broadcast_in_dim3A_622 : vector<1x128xf32> to vector<64x128xf32>
    %sub3A_624 = arith.subf %broadcast_in_dim3A_623, %broadcast_in_dim3A_18 : vector<64x128xf32>
    %mul3A_625 = arith.mulf %sub3A_624, %sub3A_624 : vector<64x128xf32>
    %mul3A_626 = arith.mulf %broadcast_in_dim3A_20, %mul3A_625 : vector<64x128xf32>
    %exp23A_627 = math.exp2 %mul3A_626 : vector<64x128xf32>
    %mul3A_628 = arith.mulf %broadcast_in_dim3A_22, %exp23A_627 : vector<64x128xf32>
    %swap3A_629 = arith.constant 0 : index
    %swap3A_630 = arith.constant 4224 : index
    %swap3A_631 = vector.load %arg4[%swap3A_629, %swap3A_630] : memref<64x25600xf32, #tpu.memory_space<vmem>>, vector<64x128xf32>
    tpu.vector_store %arg4[%swap3A_629, %swap3A_630], %mul3A_628 {strides = array<i32>} : memref<64x25600xf32, #tpu.memory_space<vmem>>, vector<64x128xf32>,
    %get3A_632 = arith.constant 34 : index
    %get3A_633 = arith.constant 0 : index
    %get3A_634 = vector.load %arg1[%get3A_632, %get3A_633] : memref<200x128xf32, #tpu.memory_space<vmem>>, vector<1x128xf32>
    %add3A_635 = arith.constant 9.99999991E-38 : f32
    %add3A_636 = vector.broadcast %add3A_635 : f32 to vector<1x128xf32>
    %add3A_637 = arith.addf %get3A_634, %add3A_636 : vector<1x128xf32>
    %rsqrt3A_638 = math.rsqrt %add3A_637 : vector<1x128xf32>
    %mul3A_639 = arith.mulf %get3A_634, %rsqrt3A_638 : vector<1x128xf32>
    %broadcast_in_dim3A_640 = vector.shape_cast %mul3A_639 : vector<1x128xf32> to vector<1x128xf32>
    %broadcast_in_dim3A_641 = vector.broadcast %broadcast_in_dim3A_640 : vector<1x128xf32> to vector<64x128xf32>
    %sub3A_642 = arith.subf %broadcast_in_dim3A_641, %broadcast_in_dim3A_18 : vector<64x128xf32>
    %mul3A_643 = arith.mulf %sub3A_642, %sub3A_642 : vector<64x128xf32>
    %mul3A_644 = arith.mulf %broadcast_in_dim3A_20, %mul3A_643 : vector<64x128xf32>
    %exp23A_645 = math.exp2 %mul3A_644 : vector<64x128xf32>
    %mul3A_646 = arith.mulf %broadcast_in_dim3A_22, %exp23A_645 : vector<64x128xf32>
    %swap3A_647 = arith.constant 0 : index
    %swap3A_648 = arith.constant 4352 : index
    %swap3A_649 = vector.load %arg4[%swap3A_647, %swap3A_648] : memref<64x25600xf32, #tpu.memory_space<vmem>>, vector<64x128xf32>
    tpu.vector_store %arg4[%swap3A_647, %swap3A_648], %mul3A_646 {strides = array<i32>} : memref<64x25600xf32, #tpu.memory_space<vmem>>, vector<64x128xf32>,
    %get3A_650 = arith.constant 35 : index
    %get3A_651 = arith.constant 0 : index
    %get3A_652 = vector.load %arg1[%get3A_650, %get3A_651] : memref<200x128xf32, #tpu.memory_space<vmem>>, vector<1x128xf32>
    %add3A_653 = arith.constant 9.99999991E-38 : f32
    %add3A_654 = vector.broadcast %add3A_653 : f32 to vector<1x128xf32>
    %add3A_655 = arith.addf %get3A_652, %add3A_654 : vector<1x128xf32>
    %rsqrt3A_656 = math.rsqrt %add3A_655 : vector<1x128xf32>
    %mul3A_657 = arith.mulf %get3A_652, %rsqrt3A_656 : vector<1x128xf32>
    %broadcast_in_dim3A_658 = vector.shape_cast %mul3A_657 : vector<1x128xf32> to vector<1x128xf32>
    %broadcast_in_dim3A_659 = vector.broadcast %broadcast_in_dim3A_658 : vector<1x128xf32> to vector<64x128xf32>
    %sub3A_660 = arith.subf %broadcast_in_dim3A_659, %broadcast_in_dim3A_18 : vector<64x128xf32>
    %mul3A_661 = arith.mulf %sub3A_660, %sub3A_660 : vector<64x128xf32>
    %mul3A_662 = arith.mulf %broadcast_in_dim3A_20, %mul3A_661 : vector<64x128xf32>
    %exp23A_663 = math.exp2 %mul3A_662 : vector<64x128xf32>
    %mul3A_664 = arith.mulf %broadcast_in_dim3A_22, %exp23A_663 : vector<64x128xf32>
    %swap3A_665 = arith.constant 0 : index
    %swap3A_666 = arith.constant 4480 : index
    %swap3A_667 = vector.load %arg4[%swap3A_665, %swap3A_666] : memref<64x25600xf32, #tpu.memory_space<vmem>>, vector<64x128xf32>
    tpu.vector_store %arg4[%swap3A_665, %swap3A_666], %mul3A_664 {strides = array<i32>} : memref<64x25600xf32, #tpu.memory_space<vmem>>, vector<64x128xf32>,
    %get3A_668 = arith.constant 36 : index
    %get3A_669 = arith.constant 0 : index
    %get3A_670 = vector.load %arg1[%get3A_668, %get3A_669] : memref<200x128xf32, #tpu.memory_space<vmem>>, vector<1x128xf32>
    %add3A_671 = arith.constant 9.99999991E-38 : f32
    %add3A_672 = vector.broadcast %add3A_671 : f32 to vector<1x128xf32>
    %add3A_673 = arith.addf %get3A_670, %add3A_672 : vector<1x128xf32>
    %rsqrt3A_674 = math.rsqrt %add3A_673 : vector<1x128xf32>
    %mul3A_675 = arith.mulf %get3A_670, %rsqrt3A_674 : vector<1x128xf32>
    %broadcast_in_dim3A_676 = vector.shape_cast %mul3A_675 : vector<1x128xf32> to vector<1x128xf32>
    %broadcast_in_dim3A_677 = vector.broadcast %broadcast_in_dim3A_676 : vector<1x128xf32> to vector<64x128xf32>
    %sub3A_678 = arith.subf %broadcast_in_dim3A_677, %broadcast_in_dim3A_18 : vector<64x128xf32>
    %mul3A_679 = arith.mulf %sub3A_678, %sub3A_678 : vector<64x128xf32>
    %mul3A_680 = arith.mulf %broadcast_in_dim3A_20, %mul3A_679 : vector<64x128xf32>
    %exp23A_681 = math.exp2 %mul3A_680 : vector<64x128xf32>
    %mul3A_682 = arith.mulf %broadcast_in_dim3A_22, %exp23A_681 : vector<64x128xf32>
    %swap3A_683 = arith.constant 0 : index
    %swap3A_684 = arith.constant 4608 : index
    %swap3A_685 = vector.load %arg4[%swap3A_683, %swap3A_684] : memref<64x25600xf32, #tpu.memory_space<vmem>>, vector<64x128xf32>
    tpu.vector_store %arg4[%swap3A_683, %swap3A_684], %mul3A_682 {strides = array<i32>} : memref<64x25600xf32, #tpu.memory_space<vmem>>, vector<64x128xf32>,
    %get3A_686 = arith.constant 37 : index
    %get3A_687 = arith.constant 0 : index
    %get3A_688 = vector.load %arg1[%get3A_686, %get3A_687] : memref<200x128xf32, #tpu.memory_space<vmem>>, vector<1x128xf32>
    %add3A_689 = arith.constant 9.99999991E-38 : f32
    %add3A_690 = vector.broadcast %add3A_689 : f32 to vector<1x128xf32>
    %add3A_691 = arith.addf %get3A_688, %add3A_690 : vector<1x128xf32>
    %rsqrt3A_692 = math.rsqrt %add3A_691 : vector<1x128xf32>
    %mul3A_693 = arith.mulf %get3A_688, %rsqrt3A_692 : vector<1x128xf32>
    %broadcast_in_dim3A_694 = vector.shape_cast %mul3A_693 : vector<1x128xf32> to vector<1x128xf32>
    %broadcast_in_dim3A_695 = vector.broadcast %broadcast_in_dim3A_694 : vector<1x128xf32> to vector<64x128xf32>
    %sub3A_696 = arith.subf %broadcast_in_dim3A_695, %broadcast_in_dim3A_18 : vector<64x128xf32>
    %mul3A_697 = arith.mulf %sub3A_696, %sub3A_696 : vector<64x128xf32>
    %mul3A_698 = arith.mulf %broadcast_in_dim3A_20, %mul3A_697 : vector<64x128xf32>
    %exp23A_699 = math.exp2 %mul3A_698 : vector<64x128xf32>
    %mul3A_700 = arith.mulf %broadcast_in_dim3A_22, %exp23A_699 : vector<64x128xf32>
    %swap3A_701 = arith.constant 0 : index
    %swap3A_702 = arith.constant 4736 : index
    %swap3A_703 = vector.load %arg4[%swap3A_701, %swap3A_702] : memref<64x25600xf32, #tpu.memory_space<vmem>>, vector<64x128xf32>
    tpu.vector_store %arg4[%swap3A_701, %swap3A_702], %mul3A_700 {strides = array<i32>} : memref<64x25600xf32, #tpu.memory_space<vmem>>, vector<64x128xf32>,
    %get3A_704 = arith.constant 38 : index
    %get3A_705 = arith.constant 0 : index
    %get3A_706 = vector.load %arg1[%get3A_704, %get3A_705] : memref<200x128xf32, #tpu.memory_space<vmem>>, vector<1x128xf32>
    %add3A_707 = arith.constant 9.99999991E-38 : f32
    %add3A_708 = vector.broadcast %add3A_707 : f32 to vector<1x128xf32>
    %add3A_709 = arith.addf %get3A_706, %add3A_708 : vector<1x128xf32>
    %rsqrt3A_710 = math.rsqrt %add3A_709 : vector<1x128xf32>
    %mul3A_711 = arith.mulf %get3A_706, %rsqrt3A_710 : vector<1x128xf32>
    %broadcast_in_dim3A_712 = vector.shape_cast %mul3A_711 : vector<1x128xf32> to vector<1x128xf32>
    %broadcast_in_dim3A_713 = vector.broadcast %broadcast_in_dim3A_712 : vector<1x128xf32> to vector<64x128xf32>
    %sub3A_714 = arith.subf %broadcast_in_dim3A_713, %broadcast_in_dim3A_18 : vector<64x128xf32>
    %mul3A_715 = arith.mulf %sub3A_714, %sub3A_714 : vector<64x128xf32>
    %mul3A_716 = arith.mulf %broadcast_in_dim3A_20, %mul3A_715 : vector<64x128xf32>
    %exp23A_717 = math.exp2 %mul3A_716 : vector<64x128xf32>
    %mul3A_718 = arith.mulf %broadcast_in_dim3A_22, %exp23A_717 : vector<64x128xf32>
    %swap3A_719 = arith.constant 0 : index
    %swap3A_720 = arith.constant 4864 : index
    %swap3A_721 = vector.load %arg4[%swap3A_719, %swap3A_720] : memref<64x25600xf32, #tpu.memory_space<vmem>>, vector<64x128xf32>
    tpu.vector_store %arg4[%swap3A_719, %swap3A_720], %mul3A_718 {strides = array<i32>} : memref<64x25600xf32, #tpu.memory_space<vmem>>, vector<64x128xf32>,
    %get3A_722 = arith.constant 39 : index
    %get3A_723 = arith.constant 0 : index
    %get3A_724 = vector.load %arg1[%get3A_722, %get3A_723] : memref<200x128xf32, #tpu.memory_space<vmem>>, vector<1x128xf32>
    %add3A_725 = arith.constant 9.99999991E-38 : f32
    %add3A_726 = vector.broadcast %add3A_725 : f32 to vector<1x128xf32>
    %add3A_727 = arith.addf %get3A_724, %add3A_726 : vector<1x128xf32>
    %rsqrt3A_728 = math.rsqrt %add3A_727 : vector<1x128xf32>
    %mul3A_729 = arith.mulf %get3A_724, %rsqrt3A_728 : vector<1x128xf32>
    %broadcast_in_dim3A_730 = vector.shape_cast %mul3A_729 : vector<1x128xf32> to vector<1x128xf32>
    %broadcast_in_dim3A_731 = vector.broadcast %broadcast_in_dim3A_730 : vector<1x128xf32> to vector<64x128xf32>
    %sub3A_732 = arith.subf %broadcast_in_dim3A_731, %broadcast_in_dim3A_18 : vector<64x128xf32>
    %mul3A_733 = arith.mulf %sub3A_732, %sub3A_732 : vector<64x128xf32>
    %mul3A_734 = arith.mulf %broadcast_in_dim3A_20, %mul3A_733 : vector<64x128xf32>
    %exp23A_735 = math.exp2 %mul3A_734 : vector<64x128xf32>
    %mul3A_736 = arith.mulf %broadcast_in_dim3A_22, %exp23A_735 : vector<64x128xf32>
    %swap3A_737 = arith.constant 0 : index
    %swap3A_738 = arith.constant 4992 : index
    %swap3A_739 = vector.load %arg4[%swap3A_737, %swap3A_738] : memref<64x25600xf32, #tpu.memory_space<vmem>>, vector<64x128xf32>
    tpu.vector_store %arg4[%swap3A_737, %swap3A_738], %mul3A_736 {strides = array<i32>} : memref<64x25600xf32, #tpu.memory_space<vmem>>, vector<64x128xf32>,
    %get3A_740 = arith.constant 40 : index
    %get3A_741 = arith.constant 0 : index
    %get3A_742 = vector.load %arg1[%get3A_740, %get3A_741] : memref<200x128xf32, #tpu.memory_space<vmem>>, vector<1x128xf32>
    %add3A_743 = arith.constant 9.99999991E-38 : f32
    %add3A_744 = vector.broadcast %add3A_743 : f32 to vector<1x128xf32>
    %add3A_745 = arith.addf %get3A_742, %add3A_744 : vector<1x128xf32>
    %rsqrt3A_746 = math.rsqrt %add3A_745 : vector<1x128xf32>
    %mul3A_747 = arith.mulf %get3A_742, %rsqrt3A_746 : vector<1x128xf32>
    %broadcast_in_dim3A_748 = vector.shape_cast %mul3A_747 : vector<1x128xf32> to vector<1x128xf32>
    %broadcast_in_dim3A_749 = vector.broadcast %broadcast_in_dim3A_748 : vector<1x128xf32> to vector<64x128xf32>
    %sub3A_750 = arith.subf %broadcast_in_dim3A_749, %broadcast_in_dim3A_18 : vector<64x128xf32>
    %mul3A_751 = arith.mulf %sub3A_750, %sub3A_750 : vector<64x128xf32>
    %mul3A_752 = arith.mulf %broadcast_in_dim3A_20, %mul3A_751 : vector<64x128xf32>
    %exp23A_753 = math.exp2 %mul3A_752 : vector<64x128xf32>
    %mul3A_754 = arith.mulf %broadcast_in_dim3A_22, %exp23A_753 : vector<64x128xf32>
    %swap3A_755 = arith.constant 0 : index
    %swap3A_756 = arith.constant 5120 : index
    %swap3A_757 = vector.load %arg4[%swap3A_755, %swap3A_756] : memref<64x25600xf32, #tpu.memory_space<vmem>>, vector<64x128xf32>
    tpu.vector_store %arg4[%swap3A_755, %swap3A_756], %mul3A_754 {strides = array<i32>} : memref<64x25600xf32, #tpu.memory_space<vmem>>, vector<64x128xf32>,
    %get3A_758 = arith.constant 41 : index
    %get3A_759 = arith.constant 0 : index
    %get3A_760 = vector.load %arg1[%get3A_758, %get3A_759] : memref<200x128xf32, #tpu.memory_space<vmem>>, vector<1x128xf32>
    %add3A_761 = arith.constant 9.99999991E-38 : f32
    %add3A_762 = vector.broadcast %add3A_761 : f32 to vector<1x128xf32>
    %add3A_763 = arith.addf %get3A_760, %add3A_762 : vector<1x128xf32>
    %rsqrt3A_764 = math.rsqrt %add3A_763 : vector<1x128xf32>
    %mul3A_765 = arith.mulf %get3A_760, %rsqrt3A_764 : vector<1x128xf32>
    %broadcast_in_dim3A_766 = vector.shape_cast %mul3A_765 : vector<1x128xf32> to vector<1x128xf32>
    %broadcast_in_dim3A_767 = vector.broadcast %broadcast_in_dim3A_766 : vector<1x128xf32> to vector<64x128xf32>
    %sub3A_768 = arith.subf %broadcast_in_dim3A_767, %broadcast_in_dim3A_18 : vector<64x128xf32>
    %mul3A_769 = arith.mulf %sub3A_768, %sub3A_768 : vector<64x128xf32>
    %mul3A_770 = arith.mulf %broadcast_in_dim3A_20, %mul3A_769 : vector<64x128xf32>
    %exp23A_771 = math.exp2 %mul3A_770 : vector<64x128xf32>
    %mul3A_772 = arith.mulf %broadcast_in_dim3A_22, %exp23A_771 : vector<64x128xf32>
    %swap3A_773 = arith.constant 0 : index
    %swap3A_774 = arith.constant 5248 : index
    %swap3A_775 = vector.load %arg4[%swap3A_773, %swap3A_774] : memref<64x25600xf32, #tpu.memory_space<vmem>>, vector<64x128xf32>
    tpu.vector_store %arg4[%swap3A_773, %swap3A_774], %mul3A_772 {strides = array<i32>} : memref<64x25600xf32, #tpu.memory_space<vmem>>, vector<64x128xf32>,
    %get3A_776 = arith.constant 42 : index
    %get3A_777 = arith.constant 0 : index
    %get3A_778 = vector.load %arg1[%get3A_776, %get3A_777] : memref<200x128xf32, #tpu.memory_space<vmem>>, vector<1x128xf32>
    %add3A_779 = arith.constant 9.99999991E-38 : f32
    %add3A_780 = vector.broadcast %add3A_779 : f32 to vector<1x128xf32>
    %add3A_781 = arith.addf %get3A_778, %add3A_780 : vector<1x128xf32>
    %rsqrt3A_782 = math.rsqrt %add3A_781 : vector<1x128xf32>
    %mul3A_783 = arith.mulf %get3A_778, %rsqrt3A_782 : vector<1x128xf32>
    %broadcast_in_dim3A_784 = vector.shape_cast %mul3A_783 : vector<1x128xf32> to vector<1x128xf32>
    %broadcast_in_dim3A_785 = vector.broadcast %broadcast_in_dim3A_784 : vector<1x128xf32> to vector<64x128xf32>
    %sub3A_786 = arith.subf %broadcast_in_dim3A_785, %broadcast_in_dim3A_18 : vector<64x128xf32>
    %mul3A_787 = arith.mulf %sub3A_786, %sub3A_786 : vector<64x128xf32>
    %mul3A_788 = arith.mulf %broadcast_in_dim3A_20, %mul3A_787 : vector<64x128xf32>
    %exp23A_789 = math.exp2 %mul3A_788 : vector<64x128xf32>
    %mul3A_790 = arith.mulf %broadcast_in_dim3A_22, %exp23A_789 : vector<64x128xf32>
    %swap3A_791 = arith.constant 0 : index
    %swap3A_792 = arith.constant 5376 : index
    %swap3A_793 = vector.load %arg4[%swap3A_791, %swap3A_792] : memref<64x25600xf32, #tpu.memory_space<vmem>>, vector<64x128xf32>
    tpu.vector_store %arg4[%swap3A_791, %swap3A_792], %mul3A_790 {strides = array<i32>} : memref<64x25600xf32, #tpu.memory_space<vmem>>, vector<64x128xf32>,
    %get3A_794 = arith.constant 43 : index
    %get3A_795 = arith.constant 0 : index
    %get3A_796 = vector.load %arg1[%get3A_794, %get3A_795] : memref<200x128xf32, #tpu.memory_space<vmem>>, vector<1x128xf32>
    %add3A_797 = arith.constant 9.99999991E-38 : f32
    %add3A_798 = vector.broadcast %add3A_797 : f32 to vector<1x128xf32>
    %add3A_799 = arith.addf %get3A_796, %add3A_798 : vector<1x128xf32>
    %rsqrt3A_800 = math.rsqrt %add3A_799 : vector<1x128xf32>
    %mul3A_801 = arith.mulf %get3A_796, %rsqrt3A_800 : vector<1x128xf32>
    %broadcast_in_dim3A_802 = vector.shape_cast %mul3A_801 : vector<1x128xf32> to vector<1x128xf32>
    %broadcast_in_dim3A_803 = vector.broadcast %broadcast_in_dim3A_802 : vector<1x128xf32> to vector<64x128xf32>
    %sub3A_804 = arith.subf %broadcast_in_dim3A_803, %broadcast_in_dim3A_18 : vector<64x128xf32>
    %mul3A_805 = arith.mulf %sub3A_804, %sub3A_804 : vector<64x128xf32>
    %mul3A_806 = arith.mulf %broadcast_in_dim3A_20, %mul3A_805 : vector<64x128xf32>
    %exp23A_807 = math.exp2 %mul3A_806 : vector<64x128xf32>
    %mul3A_808 = arith.mulf %broadcast_in_dim3A_22, %exp23A_807 : vector<64x128xf32>
    %swap3A_809 = arith.constant 0 : index
    %swap3A_810 = arith.constant 5504 : index
    %swap3A_811 = vector.load %arg4[%swap3A_809, %swap3A_810] : memref<64x25600xf32, #tpu.memory_space<vmem>>, vector<64x128xf32>
    tpu.vector_store %arg4[%swap3A_809, %swap3A_810], %mul3A_808 {strides = array<i32>} : memref<64x25600xf32, #tpu.memory_space<vmem>>, vector<64x128xf32>,
    %get3A_812 = arith.constant 44 : index
    %get3A_813 = arith.constant 0 : index
    %get3A_814 = vector.load %arg1[%get3A_812, %get3A_813] : memref<200x128xf32, #tpu.memory_space<vmem>>, vector<1x128xf32>
    %add3A_815 = arith.constant 9.99999991E-38 : f32
    %add3A_816 = vector.broadcast %add3A_815 : f32 to vector<1x128xf32>
    %add3A_817 = arith.addf %get3A_814, %add3A_816 : vector<1x128xf32>
    %rsqrt3A_818 = math.rsqrt %add3A_817 : vector<1x128xf32>
    %mul3A_819 = arith.mulf %get3A_814, %rsqrt3A_818 : vector<1x128xf32>
    %broadcast_in_dim3A_820 = vector.shape_cast %mul3A_819 : vector<1x128xf32> to vector<1x128xf32>
    %broadcast_in_dim3A_821 = vector.broadcast %broadcast_in_dim3A_820 : vector<1x128xf32> to vector<64x128xf32>
    %sub3A_822 = arith.subf %broadcast_in_dim3A_821, %broadcast_in_dim3A_18 : vector<64x128xf32>
    %mul3A_823 = arith.mulf %sub3A_822, %sub3A_822 : vector<64x128xf32>
    %mul3A_824 = arith.mulf %broadcast_in_dim3A_20, %mul3A_823 : vector<64x128xf32>
    %exp23A_825 = math.exp2 %mul3A_824 : vector<64x128xf32>
    %mul3A_826 = arith.mulf %broadcast_in_dim3A_22, %exp23A_825 : vector<64x128xf32>
    %swap3A_827 = arith.constant 0 : index
    %swap3A_828 = arith.constant 5632 : index
    %swap3A_829 = vector.load %arg4[%swap3A_827, %swap3A_828] : memref<64x25600xf32, #tpu.memory_space<vmem>>, vector<64x128xf32>
    tpu.vector_store %arg4[%swap3A_827, %swap3A_828], %mul3A_826 {strides = array<i32>} : memref<64x25600xf32, #tpu.memory_space<vmem>>, vector<64x128xf32>,
    %get3A_830 = arith.constant 45 : index
    %get3A_831 = arith.constant 0 : index
    %get3A_832 = vector.load %arg1[%get3A_830, %get3A_831] : memref<200x128xf32, #tpu.memory_space<vmem>>, vector<1x128xf32>
    %add3A_833 = arith.constant 9.99999991E-38 : f32
    %add3A_834 = vector.broadcast %add3A_833 : f32 to vector<1x128xf32>
    %add3A_835 = arith.addf %get3A_832, %add3A_834 : vector<1x128xf32>
    %rsqrt3A_836 = math.rsqrt %add3A_835 : vector<1x128xf32>
    %mul3A_837 = arith.mulf %get3A_832, %rsqrt3A_836 : vector<1x128xf32>
    %broadcast_in_dim3A_838 = vector.shape_cast %mul3A_837 : vector<1x128xf32> to vector<1x128xf32>
    %broadcast_in_dim3A_839 = vector.broadcast %broadcast_in_dim3A_838 : vector<1x128xf32> to vector<64x128xf32>
    %sub3A_840 = arith.subf %broadcast_in_dim3A_839, %broadcast_in_dim3A_18 : vector<64x128xf32>
    %mul3A_841 = arith.mulf %sub3A_840, %sub3A_840 : vector<64x128xf32>
    %mul3A_842 = arith.mulf %broadcast_in_dim3A_20, %mul3A_841 : vector<64x128xf32>
    %exp23A_843 = math.exp2 %mul3A_842 : vector<64x128xf32>
    %mul3A_844 = arith.mulf %broadcast_in_dim3A_22, %exp23A_843 : vector<64x128xf32>
    %swap3A_845 = arith.constant 0 : index
    %swap3A_846 = arith.constant 5760 : index
    %swap3A_847 = vector.load %arg4[%swap3A_845, %swap3A_846] : memref<64x25600xf32, #tpu.memory_space<vmem>>, vector<64x128xf32>
    tpu.vector_store %arg4[%swap3A_845, %swap3A_846], %mul3A_844 {strides = array<i32>} : memref<64x25600xf32, #tpu.memory_space<vmem>>, vector<64x128xf32>,
    %get3A_848 = arith.constant 46 : index
    %get3A_849 = arith.constant 0 : index
    %get3A_850 = vector.load %arg1[%get3A_848, %get3A_849] : memref<200x128xf32, #tpu.memory_space<vmem>>, vector<1x128xf32>
    %add3A_851 = arith.constant 9.99999991E-38 : f32
    %add3A_852 = vector.broadcast %add3A_851 : f32 to vector<1x128xf32>
    %add3A_853 = arith.addf %get3A_850, %add3A_852 : vector<1x128xf32>
    %rsqrt3A_854 = math.rsqrt %add3A_853 : vector<1x128xf32>
    %mul3A_855 = arith.mulf %get3A_850, %rsqrt3A_854 : vector<1x128xf32>
    %broadcast_in_dim3A_856 = vector.shape_cast %mul3A_855 : vector<1x128xf32> to vector<1x128xf32>
    %broadcast_in_dim3A_857 = vector.broadcast %broadcast_in_dim3A_856 : vector<1x128xf32> to vector<64x128xf32>
    %sub3A_858 = arith.subf %broadcast_in_dim3A_857, %broadcast_in_dim3A_18 : vector<64x128xf32>
    %mul3A_859 = arith.mulf %sub3A_858, %sub3A_858 : vector<64x128xf32>
    %mul3A_860 = arith.mulf %broadcast_in_dim3A_20, %mul3A_859 : vector<64x128xf32>
    %exp23A_861 = math.exp2 %mul3A_860 : vector<64x128xf32>
    %mul3A_862 = arith.mulf %broadcast_in_dim3A_22, %exp23A_861 : vector<64x128xf32>
    %swap3A_863 = arith.constant 0 : index
    %swap3A_864 = arith.constant 5888 : index
    %swap3A_865 = vector.load %arg4[%swap3A_863, %swap3A_864] : memref<64x25600xf32, #tpu.memory_space<vmem>>, vector<64x128xf32>
    tpu.vector_store %arg4[%swap3A_863, %swap3A_864], %mul3A_862 {strides = array<i32>} : memref<64x25600xf32, #tpu.memory_space<vmem>>, vector<64x128xf32>,
    %get3A_866 = arith.constant 47 : index
    %get3A_867 = arith.constant 0 : index
    %get3A_868 = vector.load %arg1[%get3A_866, %get3A_867] : memref<200x128xf32, #tpu.memory_space<vmem>>, vector<1x128xf32>
    %add3A_869 = arith.constant 9.99999991E-38 : f32
    %add3A_870 = vector.broadcast %add3A_869 : f32 to vector<1x128xf32>
    %add3A_871 = arith.addf %get3A_868, %add3A_870 : vector<1x128xf32>
    %rsqrt3A_872 = math.rsqrt %add3A_871 : vector<1x128xf32>
    %mul3A_873 = arith.mulf %get3A_868, %rsqrt3A_872 : vector<1x128xf32>
    %broadcast_in_dim3A_874 = vector.shape_cast %mul3A_873 : vector<1x128xf32> to vector<1x128xf32>
    %broadcast_in_dim3A_875 = vector.broadcast %broadcast_in_dim3A_874 : vector<1x128xf32> to vector<64x128xf32>
    %sub3A_876 = arith.subf %broadcast_in_dim3A_875, %broadcast_in_dim3A_18 : vector<64x128xf32>
    %mul3A_877 = arith.mulf %sub3A_876, %sub3A_876 : vector<64x128xf32>
    %mul3A_878 = arith.mulf %broadcast_in_dim3A_20, %mul3A_877 : vector<64x128xf32>
    %exp23A_879 = math.exp2 %mul3A_878 : vector<64x128xf32>
    %mul3A_880 = arith.mulf %broadcast_in_dim3A_22, %exp23A_879 : vector<64x128xf32>
    %swap3A_881 = arith.constant 0 : index
    %swap3A_882 = arith.constant 6016 : index
    %swap3A_883 = vector.load %arg4[%swap3A_881, %swap3A_882] : memref<64x25600xf32, #tpu.memory_space<vmem>>, vector<64x128xf32>
    tpu.vector_store %arg4[%swap3A_881, %swap3A_882], %mul3A_880 {strides = array<i32>} : memref<64x25600xf32, #tpu.memory_space<vmem>>, vector<64x128xf32>,
    %get3A_884 = arith.constant 48 : index
    %get3A_885 = arith.constant 0 : index
    %get3A_886 = vector.load %arg1[%get3A_884, %get3A_885] : memref<200x128xf32, #tpu.memory_space<vmem>>, vector<1x128xf32>
    %add3A_887 = arith.constant 9.99999991E-38 : f32
    %add3A_888 = vector.broadcast %add3A_887 : f32 to vector<1x128xf32>
    %add3A_889 = arith.addf %get3A_886, %add3A_888 : vector<1x128xf32>
    %rsqrt3A_890 = math.rsqrt %add3A_889 : vector<1x128xf32>
    %mul3A_891 = arith.mulf %get3A_886, %rsqrt3A_890 : vector<1x128xf32>
    %broadcast_in_dim3A_892 = vector.shape_cast %mul3A_891 : vector<1x128xf32> to vector<1x128xf32>
    %broadcast_in_dim3A_893 = vector.broadcast %broadcast_in_dim3A_892 : vector<1x128xf32> to vector<64x128xf32>
    %sub3A_894 = arith.subf %broadcast_in_dim3A_893, %broadcast_in_dim3A_18 : vector<64x128xf32>
    %mul3A_895 = arith.mulf %sub3A_894, %sub3A_894 : vector<64x128xf32>
    %mul3A_896 = arith.mulf %broadcast_in_dim3A_20, %mul3A_895 : vector<64x128xf32>
    %exp23A_897 = math.exp2 %mul3A_896 : vector<64x128xf32>
    %mul3A_898 = arith.mulf %broadcast_in_dim3A_22, %exp23A_897 : vector<64x128xf32>
    %swap3A_899 = arith.constant 0 : index
    %swap3A_900 = arith.constant 6144 : index
    %swap3A_901 = vector.load %arg4[%swap3A_899, %swap3A_900] : memref<64x25600xf32, #tpu.memory_space<vmem>>, vector<64x128xf32>
    tpu.vector_store %arg4[%swap3A_899, %swap3A_900], %mul3A_898 {strides = array<i32>} : memref<64x25600xf32, #tpu.memory_space<vmem>>, vector<64x128xf32>,
    %get3A_902 = arith.constant 49 : index
    %get3A_903 = arith.constant 0 : index
    %get3A_904 = vector.load %arg1[%get3A_902, %get3A_903] : memref<200x128xf32, #tpu.memory_space<vmem>>, vector<1x128xf32>
    %add3A_905 = arith.constant 9.99999991E-38 : f32
    %add3A_906 = vector.broadcast %add3A_905 : f32 to vector<1x128xf32>
    %add3A_907 = arith.addf %get3A_904, %add3A_906 : vector<1x128xf32>
    %rsqrt3A_908 = math.rsqrt %add3A_907 : vector<1x128xf32>
    %mul3A_909 = arith.mulf %get3A_904, %rsqrt3A_908 : vector<1x128xf32>
    %broadcast_in_dim3A_910 = vector.shape_cast %mul3A_909 : vector<1x128xf32> to vector<1x128xf32>
    %broadcast_in_dim3A_911 = vector.broadcast %broadcast_in_dim3A_910 : vector<1x128xf32> to vector<64x128xf32>
    %sub3A_912 = arith.subf %broadcast_in_dim3A_911, %broadcast_in_dim3A_18 : vector<64x128xf32>
    %mul3A_913 = arith.mulf %sub3A_912, %sub3A_912 : vector<64x128xf32>
    %mul3A_914 = arith.mulf %broadcast_in_dim3A_20, %mul3A_913 : vector<64x128xf32>
    %exp23A_915 = math.exp2 %mul3A_914 : vector<64x128xf32>
    %mul3A_916 = arith.mulf %broadcast_in_dim3A_22, %exp23A_915 : vector<64x128xf32>
    %swap3A_917 = arith.constant 0 : index
    %swap3A_918 = arith.constant 6272 : index
    %swap3A_919 = vector.load %arg4[%swap3A_917, %swap3A_918] : memref<64x25600xf32, #tpu.memory_space<vmem>>, vector<64x128xf32>
    tpu.vector_store %arg4[%swap3A_917, %swap3A_918], %mul3A_916 {strides = array<i32>} : memref<64x25600xf32, #tpu.memory_space<vmem>>, vector<64x128xf32>,
    %get3A_920 = arith.constant 50 : index
    %get3A_921 = arith.constant 0 : index
    %get3A_922 = vector.load %arg1[%get3A_920, %get3A_921] : memref<200x128xf32, #tpu.memory_space<vmem>>, vector<1x128xf32>
    %add3A_923 = arith.constant 9.99999991E-38 : f32
    %add3A_924 = vector.broadcast %add3A_923 : f32 to vector<1x128xf32>
    %add3A_925 = arith.addf %get3A_922, %add3A_924 : vector<1x128xf32>
    %rsqrt3A_926 = math.rsqrt %add3A_925 : vector<1x128xf32>
    %mul3A_927 = arith.mulf %get3A_922, %rsqrt3A_926 : vector<1x128xf32>
    %broadcast_in_dim3A_928 = vector.shape_cast %mul3A_927 : vector<1x128xf32> to vector<1x128xf32>
    %broadcast_in_dim3A_929 = vector.broadcast %broadcast_in_dim3A_928 : vector<1x128xf32> to vector<64x128xf32>
    %sub3A_930 = arith.subf %broadcast_in_dim3A_929, %broadcast_in_dim3A_18 : vector<64x128xf32>
    %mul3A_931 = arith.mulf %sub3A_930, %sub3A_930 : vector<64x128xf32>
    %mul3A_932 = arith.mulf %broadcast_in_dim3A_20, %mul3A_931 : vector<64x128xf32>
    %exp23A_933 = math.exp2 %mul3A_932 : vector<64x128xf32>
    %mul3A_934 = arith.mulf %broadcast_in_dim3A_22, %exp23A_933 : vector<64x128xf32>
    %swap3A_935 = arith.constant 0 : index
    %swap3A_936 = arith.constant 6400 : index
    %swap3A_937 = vector.load %arg4[%swap3A_935, %swap3A_936] : memref<64x25600xf32, #tpu.memory_space<vmem>>, vector<64x128xf32>
    tpu.vector_store %arg4[%swap3A_935, %swap3A_936], %mul3A_934 {strides = array<i32>} : memref<64x25600xf32, #tpu.memory_space<vmem>>, vector<64x128xf32>,
    %get3A_938 = arith.constant 51 : index
    %get3A_939 = arith.constant 0 : index
    %get3A_940 = vector.load %arg1[%get3A_938, %get3A_939] : memref<200x128xf32, #tpu.memory_space<vmem>>, vector<1x128xf32>
    %add3A_941 = arith.constant 9.99999991E-38 : f32
    %add3A_942 = vector.broadcast %add3A_941 : f32 to vector<1x128xf32>
    %add3A_943 = arith.addf %get3A_940, %add3A_942 : vector<1x128xf32>
    %rsqrt3A_944 = math.rsqrt %add3A_943 : vector<1x128xf32>
    %mul3A_945 = arith.mulf %get3A_940, %rsqrt3A_944 : vector<1x128xf32>
    %broadcast_in_dim3A_946 = vector.shape_cast %mul3A_945 : vector<1x128xf32> to vector<1x128xf32>
    %broadcast_in_dim3A_947 = vector.broadcast %broadcast_in_dim3A_946 : vector<1x128xf32> to vector<64x128xf32>
    %sub3A_948 = arith.subf %broadcast_in_dim3A_947, %broadcast_in_dim3A_18 : vector<64x128xf32>
    %mul3A_949 = arith.mulf %sub3A_948, %sub3A_948 : vector<64x128xf32>
    %mul3A_950 = arith.mulf %broadcast_in_dim3A_20, %mul3A_949 : vector<64x128xf32>
    %exp23A_951 = math.exp2 %mul3A_950 : vector<64x128xf32>
    %mul3A_952 = arith.mulf %broadcast_in_dim3A_22, %exp23A_951 : vector<64x128xf32>
    %swap3A_953 = arith.constant 0 : index
    %swap3A_954 = arith.constant 6528 : index
    %swap3A_955 = vector.load %arg4[%swap3A_953, %swap3A_954] : memref<64x25600xf32, #tpu.memory_space<vmem>>, vector<64x128xf32>
    tpu.vector_store %arg4[%swap3A_953, %swap3A_954], %mul3A_952 {strides = array<i32>} : memref<64x25600xf32, #tpu.memory_space<vmem>>, vector<64x128xf32>,
    %get3A_956 = arith.constant 52 : index
    %get3A_957 = arith.constant 0 : index
    %get3A_958 = vector.load %arg1[%get3A_956, %get3A_957] : memref<200x128xf32, #tpu.memory_space<vmem>>, vector<1x128xf32>
    %add3A_959 = arith.constant 9.99999991E-38 : f32
    %add3A_960 = vector.broadcast %add3A_959 : f32 to vector<1x128xf32>
    %add3A_961 = arith.addf %get3A_958, %add3A_960 : vector<1x128xf32>
    %rsqrt3A_962 = math.rsqrt %add3A_961 : vector<1x128xf32>
    %mul3A_963 = arith.mulf %get3A_958, %rsqrt3A_962 : vector<1x128xf32>
    %broadcast_in_dim3A_964 = vector.shape_cast %mul3A_963 : vector<1x128xf32> to vector<1x128xf32>
    %broadcast_in_dim3A_965 = vector.broadcast %broadcast_in_dim3A_964 : vector<1x128xf32> to vector<64x128xf32>
    %sub3A_966 = arith.subf %broadcast_in_dim3A_965, %broadcast_in_dim3A_18 : vector<64x128xf32>
    %mul3A_967 = arith.mulf %sub3A_966, %sub3A_966 : vector<64x128xf32>
    %mul3A_968 = arith.mulf %broadcast_in_dim3A_20, %mul3A_967 : vector<64x128xf32>
    %exp23A_969 = math.exp2 %mul3A_968 : vector<64x128xf32>
    %mul3A_970 = arith.mulf %broadcast_in_dim3A_22, %exp23A_969 : vector<64x128xf32>
    %swap3A_971 = arith.constant 0 : index
    %swap3A_972 = arith.constant 6656 : index
    %swap3A_973 = vector.load %arg4[%swap3A_971, %swap3A_972] : memref<64x25600xf32, #tpu.memory_space<vmem>>, vector<64x128xf32>
    tpu.vector_store %arg4[%swap3A_971, %swap3A_972], %mul3A_970 {strides = array<i32>} : memref<64x25600xf32, #tpu.memory_space<vmem>>, vector<64x128xf32>,
    %get3A_974 = arith.constant 53 : index
    %get3A_975 = arith.constant 0 : index
    %get3A_976 = vector.load %arg1[%get3A_974, %get3A_975] : memref<200x128xf32, #tpu.memory_space<vmem>>, vector<1x128xf32>
    %add3A_977 = arith.constant 9.99999991E-38 : f32
    %add3A_978 = vector.broadcast %add3A_977 : f32 to vector<1x128xf32>
    %add3A_979 = arith.addf %get3A_976, %add3A_978 : vector<1x128xf32>
    %rsqrt3A_980 = math.rsqrt %add3A_979 : vector<1x128xf32>
    %mul3A_981 = arith.mulf %get3A_976, %rsqrt3A_980 : vector<1x128xf32>
    %broadcast_in_dim3A_982 = vector.shape_cast %mul3A_981 : vector<1x128xf32> to vector<1x128xf32>
    %broadcast_in_dim3A_983 = vector.broadcast %broadcast_in_dim3A_982 : vector<1x128xf32> to vector<64x128xf32>
    %sub3A_984 = arith.subf %broadcast_in_dim3A_983, %broadcast_in_dim3A_18 : vector<64x128xf32>
    %mul3A_985 = arith.mulf %sub3A_984, %sub3A_984 : vector<64x128xf32>
    %mul3A_986 = arith.mulf %broadcast_in_dim3A_20, %mul3A_985 : vector<64x128xf32>
    %exp23A_987 = math.exp2 %mul3A_986 : vector<64x128xf32>
    %mul3A_988 = arith.mulf %broadcast_in_dim3A_22, %exp23A_987 : vector<64x128xf32>
    %swap3A_989 = arith.constant 0 : index
    %swap3A_990 = arith.constant 6784 : index
    %swap3A_991 = vector.load %arg4[%swap3A_989, %swap3A_990] : memref<64x25600xf32, #tpu.memory_space<vmem>>, vector<64x128xf32>
    tpu.vector_store %arg4[%swap3A_989, %swap3A_990], %mul3A_988 {strides = array<i32>} : memref<64x25600xf32, #tpu.memory_space<vmem>>, vector<64x128xf32>,
    %get3A_992 = arith.constant 54 : index
    %get3A_993 = arith.constant 0 : index
    %get3A_994 = vector.load %arg1[%get3A_992, %get3A_993] : memref<200x128xf32, #tpu.memory_space<vmem>>, vector<1x128xf32>
    %add3A_995 = arith.constant 9.99999991E-38 : f32
    %add3A_996 = vector.broadcast %add3A_995 : f32 to vector<1x128xf32>
    %add3A_997 = arith.addf %get3A_994, %add3A_996 : vector<1x128xf32>
    %rsqrt3A_998 = math.rsqrt %add3A_997 : vector<1x128xf32>
    %mul3A_999 = arith.mulf %get3A_994, %rsqrt3A_998 : vector<1x128xf32>
    %broadcast_in_dim3A_1000 = vector.shape_cast %mul3A_999 : vector<1x128xf32> to vector<1x128xf32>
    %broadcast_in_dim3A_1001 = vector.broadcast %broadcast_in_dim3A_1000 : vector<1x128xf32> to vector<64x128xf32>
    %sub3A_1002 = arith.subf %broadcast_in_dim3A_1001, %broadcast_in_dim3A_18 : vector<64x128xf32>
    %mul3A_1003 = arith.mulf %sub3A_1002, %sub3A_1002 : vector<64x128xf32>
    %mul3A_1004 = arith.mulf %broadcast_in_dim3A_20, %mul3A_1003 : vector<64x128xf32>
    %exp23A_1005 = math.exp2 %mul3A_1004 : vector<64x128xf32>
    %mul3A_1006 = arith.mulf %broadcast_in_dim3A_22, %exp23A_1005 : vector<64x128xf32>
    %swap3A_1007 = arith.constant 0 : index
    %swap3A_1008 = arith.constant 6912 : index
    %swap3A_1009 = vector.load %arg4[%swap3A_1007, %swap3A_1008] : memref<64x25600xf32, #tpu.memory_space<vmem>>, vector<64x128xf32>
    tpu.vector_store %arg4[%swap3A_1007, %swap3A_1008], %mul3A_1006 {strides = array<i32>} : memref<64x25600xf32, #tpu.memory_space<vmem>>, vector<64x128xf32>,
    %get3A_1010 = arith.constant 55 : index
    %get3A_1011 = arith.constant 0 : index
    %get3A_1012 = vector.load %arg1[%get3A_1010, %get3A_1011] : memref<200x128xf32, #tpu.memory_space<vmem>>, vector<1x128xf32>
    %add3A_1013 = arith.constant 9.99999991E-38 : f32
    %add3A_1014 = vector.broadcast %add3A_1013 : f32 to vector<1x128xf32>
    %add3A_1015 = arith.addf %get3A_1012, %add3A_1014 : vector<1x128xf32>
    %rsqrt3A_1016 = math.rsqrt %add3A_1015 : vector<1x128xf32>
    %mul3A_1017 = arith.mulf %get3A_1012, %rsqrt3A_1016 : vector<1x128xf32>
    %broadcast_in_dim3A_1018 = vector.shape_cast %mul3A_1017 : vector<1x128xf32> to vector<1x128xf32>
    %broadcast_in_dim3A_1019 = vector.broadcast %broadcast_in_dim3A_1018 : vector<1x128xf32> to vector<64x128xf32>
    %sub3A_1020 = arith.subf %broadcast_in_dim3A_1019, %broadcast_in_dim3A_18 : vector<64x128xf32>
    %mul3A_1021 = arith.mulf %sub3A_1020, %sub3A_1020 : vector<64x128xf32>
    %mul3A_1022 = arith.mulf %broadcast_in_dim3A_20, %mul3A_1021 : vector<64x128xf32>
    %exp23A_1023 = math.exp2 %mul3A_1022 : vector<64x128xf32>
    %mul3A_1024 = arith.mulf %broadcast_in_dim3A_22, %exp23A_1023 : vector<64x128xf32>
    %swap3A_1025 = arith.constant 0 : index
    %swap3A_1026 = arith.constant 7040 : index
    %swap3A_1027 = vector.load %arg4[%swap3A_1025, %swap3A_1026] : memref<64x25600xf32, #tpu.memory_space<vmem>>, vector<64x128xf32>
    tpu.vector_store %arg4[%swap3A_1025, %swap3A_1026], %mul3A_1024 {strides = array<i32>} : memref<64x25600xf32, #tpu.memory_space<vmem>>, vector<64x128xf32>,
    %get3A_1028 = arith.constant 56 : index
    %get3A_1029 = arith.constant 0 : index
    %get3A_1030 = vector.load %arg1[%get3A_1028, %get3A_1029] : memref<200x128xf32, #tpu.memory_space<vmem>>, vector<1x128xf32>
    %add3A_1031 = arith.constant 9.99999991E-38 : f32
    %add3A_1032 = vector.broadcast %add3A_1031 : f32 to vector<1x128xf32>
    %add3A_1033 = arith.addf %get3A_1030, %add3A_1032 : vector<1x128xf32>
    %rsqrt3A_1034 = math.rsqrt %add3A_1033 : vector<1x128xf32>
    %mul3A_1035 = arith.mulf %get3A_1030, %rsqrt3A_1034 : vector<1x128xf32>
    %broadcast_in_dim3A_1036 = vector.shape_cast %mul3A_1035 : vector<1x128xf32> to vector<1x128xf32>
    %broadcast_in_dim3A_1037 = vector.broadcast %broadcast_in_dim3A_1036 : vector<1x128xf32> to vector<64x128xf32>
    %sub3A_1038 = arith.subf %broadcast_in_dim3A_1037, %broadcast_in_dim3A_18 : vector<64x128xf32>
    %mul3A_1039 = arith.mulf %sub3A_1038, %sub3A_1038 : vector<64x128xf32>
    %mul3A_1040 = arith.mulf %broadcast_in_dim3A_20, %mul3A_1039 : vector<64x128xf32>
    %exp23A_1041 = math.exp2 %mul3A_1040 : vector<64x128xf32>
    %mul3A_1042 = arith.mulf %broadcast_in_dim3A_22, %exp23A_1041 : vector<64x128xf32>
    %swap3A_1043 = arith.constant 0 : index
    %swap3A_1044 = arith.constant 7168 : index
    %swap3A_1045 = vector.load %arg4[%swap3A_1043, %swap3A_1044] : memref<64x25600xf32, #tpu.memory_space<vmem>>, vector<64x128xf32>
    tpu.vector_store %arg4[%swap3A_1043, %swap3A_1044], %mul3A_1042 {strides = array<i32>} : memref<64x25600xf32, #tpu.memory_space<vmem>>, vector<64x128xf32>,
    %get3A_1046 = arith.constant 57 : index
    %get3A_1047 = arith.constant 0 : index
    %get3A_1048 = vector.load %arg1[%get3A_1046, %get3A_1047] : memref<200x128xf32, #tpu.memory_space<vmem>>, vector<1x128xf32>
    %add3A_1049 = arith.constant 9.99999991E-38 : f32
    %add3A_1050 = vector.broadcast %add3A_1049 : f32 to vector<1x128xf32>
    %add3A_1051 = arith.addf %get3A_1048, %add3A_1050 : vector<1x128xf32>
    %rsqrt3A_1052 = math.rsqrt %add3A_1051 : vector<1x128xf32>
    %mul3A_1053 = arith.mulf %get3A_1048, %rsqrt3A_1052 : vector<1x128xf32>
    %broadcast_in_dim3A_1054 = vector.shape_cast %mul3A_1053 : vector<1x128xf32> to vector<1x128xf32>
    %broadcast_in_dim3A_1055 = vector.broadcast %broadcast_in_dim3A_1054 : vector<1x128xf32> to vector<64x128xf32>
    %sub3A_1056 = arith.subf %broadcast_in_dim3A_1055, %broadcast_in_dim3A_18 : vector<64x128xf32>
    %mul3A_1057 = arith.mulf %sub3A_1056, %sub3A_1056 : vector<64x128xf32>
    %mul3A_1058 = arith.mulf %broadcast_in_dim3A_20, %mul3A_1057 : vector<64x128xf32>
    %exp23A_1059 = math.exp2 %mul3A_1058 : vector<64x128xf32>
    %mul3A_1060 = arith.mulf %broadcast_in_dim3A_22, %exp23A_1059 : vector<64x128xf32>
    %swap3A_1061 = arith.constant 0 : index
    %swap3A_1062 = arith.constant 7296 : index
    %swap3A_1063 = vector.load %arg4[%swap3A_1061, %swap3A_1062] : memref<64x25600xf32, #tpu.memory_space<vmem>>, vector<64x128xf32>
    tpu.vector_store %arg4[%swap3A_1061, %swap3A_1062], %mul3A_1060 {strides = array<i32>} : memref<64x25600xf32, #tpu.memory_space<vmem>>, vector<64x128xf32>,
    %get3A_1064 = arith.constant 58 : index
    %get3A_1065 = arith.constant 0 : index
    %get3A_1066 = vector.load %arg1[%get3A_1064, %get3A_1065] : memref<200x128xf32, #tpu.memory_space<vmem>>, vector<1x128xf32>
    %add3A_1067 = arith.constant 9.99999991E-38 : f32
    %add3A_1068 = vector.broadcast %add3A_1067 : f32 to vector<1x128xf32>
    %add3A_1069 = arith.addf %get3A_1066, %add3A_1068 : vector<1x128xf32>
    %rsqrt3A_1070 = math.rsqrt %add3A_1069 : vector<1x128xf32>
    %mul3A_1071 = arith.mulf %get3A_1066, %rsqrt3A_1070 : vector<1x128xf32>
    %broadcast_in_dim3A_1072 = vector.shape_cast %mul3A_1071 : vector<1x128xf32> to vector<1x128xf32>
    %broadcast_in_dim3A_1073 = vector.broadcast %broadcast_in_dim3A_1072 : vector<1x128xf32> to vector<64x128xf32>
    %sub3A_1074 = arith.subf %broadcast_in_dim3A_1073, %broadcast_in_dim3A_18 : vector<64x128xf32>
    %mul3A_1075 = arith.mulf %sub3A_1074, %sub3A_1074 : vector<64x128xf32>
    %mul3A_1076 = arith.mulf %broadcast_in_dim3A_20, %mul3A_1075 : vector<64x128xf32>
    %exp23A_1077 = math.exp2 %mul3A_1076 : vector<64x128xf32>
    %mul3A_1078 = arith.mulf %broadcast_in_dim3A_22, %exp23A_1077 : vector<64x128xf32>
    %swap3A_1079 = arith.constant 0 : index
    %swap3A_1080 = arith.constant 7424 : index
    %swap3A_1081 = vector.load %arg4[%swap3A_1079, %swap3A_1080] : memref<64x25600xf32, #tpu.memory_space<vmem>>, vector<64x128xf32>
    tpu.vector_store %arg4[%swap3A_1079, %swap3A_1080], %mul3A_1078 {strides = array<i32>} : memref<64x25600xf32, #tpu.memory_space<vmem>>, vector<64x128xf32>,
    %get3A_1082 = arith.constant 59 : index
    %get3A_1083 = arith.constant 0 : index
    %get3A_1084 = vector.load %arg1[%get3A_1082, %get3A_1083] : memref<200x128xf32, #tpu.memory_space<vmem>>, vector<1x128xf32>
    %add3A_1085 = arith.constant 9.99999991E-38 : f32
    %add3A_1086 = vector.broadcast %add3A_1085 : f32 to vector<1x128xf32>
    %add3A_1087 = arith.addf %get3A_1084, %add3A_1086 : vector<1x128xf32>
    %rsqrt3A_1088 = math.rsqrt %add3A_1087 : vector<1x128xf32>
    %mul3A_1089 = arith.mulf %get3A_1084, %rsqrt3A_1088 : vector<1x128xf32>
    %broadcast_in_dim3A_1090 = vector.shape_cast %mul3A_1089 : vector<1x128xf32> to vector<1x128xf32>
    %broadcast_in_dim3A_1091 = vector.broadcast %broadcast_in_dim3A_1090 : vector<1x128xf32> to vector<64x128xf32>
    %sub3A_1092 = arith.subf %broadcast_in_dim3A_1091, %broadcast_in_dim3A_18 : vector<64x128xf32>
    %mul3A_1093 = arith.mulf %sub3A_1092, %sub3A_1092 : vector<64x128xf32>
    %mul3A_1094 = arith.mulf %broadcast_in_dim3A_20, %mul3A_1093 : vector<64x128xf32>
    %exp23A_1095 = math.exp2 %mul3A_1094 : vector<64x128xf32>
    %mul3A_1096 = arith.mulf %broadcast_in_dim3A_22, %exp23A_1095 : vector<64x128xf32>
    %swap3A_1097 = arith.constant 0 : index
    %swap3A_1098 = arith.constant 7552 : index
    %swap3A_1099 = vector.load %arg4[%swap3A_1097, %swap3A_1098] : memref<64x25600xf32, #tpu.memory_space<vmem>>, vector<64x128xf32>
    tpu.vector_store %arg4[%swap3A_1097, %swap3A_1098], %mul3A_1096 {strides = array<i32>} : memref<64x25600xf32, #tpu.memory_space<vmem>>, vector<64x128xf32>,
    %get3A_1100 = arith.constant 60 : index
    %get3A_1101 = arith.constant 0 : index
    %get3A_1102 = vector.load %arg1[%get3A_1100, %get3A_1101] : memref<200x128xf32, #tpu.memory_space<vmem>>, vector<1x128xf32>
    %add3A_1103 = arith.constant 9.99999991E-38 : f32
    %add3A_1104 = vector.broadcast %add3A_1103 : f32 to vector<1x128xf32>
    %add3A_1105 = arith.addf %get3A_1102, %add3A_1104 : vector<1x128xf32>
    %rsqrt3A_1106 = math.rsqrt %add3A_1105 : vector<1x128xf32>
    %mul3A_1107 = arith.mulf %get3A_1102, %rsqrt3A_1106 : vector<1x128xf32>
    %broadcast_in_dim3A_1108 = vector.shape_cast %mul3A_1107 : vector<1x128xf32> to vector<1x128xf32>
    %broadcast_in_dim3A_1109 = vector.broadcast %broadcast_in_dim3A_1108 : vector<1x128xf32> to vector<64x128xf32>
    %sub3A_1110 = arith.subf %broadcast_in_dim3A_1109, %broadcast_in_dim3A_18 : vector<64x128xf32>
    %mul3A_1111 = arith.mulf %sub3A_1110, %sub3A_1110 : vector<64x128xf32>
    %mul3A_1112 = arith.mulf %broadcast_in_dim3A_20, %mul3A_1111 : vector<64x128xf32>
    %exp23A_1113 = math.exp2 %mul3A_1112 : vector<64x128xf32>
    %mul3A_1114 = arith.mulf %broadcast_in_dim3A_22, %exp23A_1113 : vector<64x128xf32>
    %swap3A_1115 = arith.constant 0 : index
    %swap3A_1116 = arith.constant 7680 : index
    %swap3A_1117 = vector.load %arg4[%swap3A_1115, %swap3A_1116] : memref<64x25600xf32, #tpu.memory_space<vmem>>, vector<64x128xf32>
    tpu.vector_store %arg4[%swap3A_1115, %swap3A_1116], %mul3A_1114 {strides = array<i32>} : memref<64x25600xf32, #tpu.memory_space<vmem>>, vector<64x128xf32>,
    %get3A_1118 = arith.constant 61 : index
    %get3A_1119 = arith.constant 0 : index
    %get3A_1120 = vector.load %arg1[%get3A_1118, %get3A_1119] : memref<200x128xf32, #tpu.memory_space<vmem>>, vector<1x128xf32>
    %add3A_1121 = arith.constant 9.99999991E-38 : f32
    %add3A_1122 = vector.broadcast %add3A_1121 : f32 to vector<1x128xf32>
    %add3A_1123 = arith.addf %get3A_1120, %add3A_1122 : vector<1x128xf32>
    %rsqrt3A_1124 = math.rsqrt %add3A_1123 : vector<1x128xf32>
    %mul3A_1125 = arith.mulf %get3A_1120, %rsqrt3A_1124 : vector<1x128xf32>
    %broadcast_in_dim3A_1126 = vector.shape_cast %mul3A_1125 : vector<1x128xf32> to vector<1x128xf32>
    %broadcast_in_dim3A_1127 = vector.broadcast %broadcast_in_dim3A_1126 : vector<1x128xf32> to vector<64x128xf32>
    %sub3A_1128 = arith.subf %broadcast_in_dim3A_1127, %broadcast_in_dim3A_18 : vector<64x128xf32>
    %mul3A_1129 = arith.mulf %sub3A_1128, %sub3A_1128 : vector<64x128xf32>
    %mul3A_1130 = arith.mulf %broadcast_in_dim3A_20, %mul3A_1129 : vector<64x128xf32>
    %exp23A_1131 = math.exp2 %mul3A_1130 : vector<64x128xf32>
    %mul3A_1132 = arith.mulf %broadcast_in_dim3A_22, %exp23A_1131 : vector<64x128xf32>
    %swap3A_1133 = arith.constant 0 : index
    %swap3A_1134 = arith.constant 7808 : index
    %swap3A_1135 = vector.load %arg4[%swap3A_1133, %swap3A_1134] : memref<64x25600xf32, #tpu.memory_space<vmem>>, vector<64x128xf32>
    tpu.vector_store %arg4[%swap3A_1133, %swap3A_1134], %mul3A_1132 {strides = array<i32>} : memref<64x25600xf32, #tpu.memory_space<vmem>>, vector<64x128xf32>,
    %get3A_1136 = arith.constant 62 : index
    %get3A_1137 = arith.constant 0 : index
    %get3A_1138 = vector.load %arg1[%get3A_1136, %get3A_1137] : memref<200x128xf32, #tpu.memory_space<vmem>>, vector<1x128xf32>
    %add3A_1139 = arith.constant 9.99999991E-38 : f32
    %add3A_1140 = vector.broadcast %add3A_1139 : f32 to vector<1x128xf32>
    %add3A_1141 = arith.addf %get3A_1138, %add3A_1140 : vector<1x128xf32>
    %rsqrt3A_1142 = math.rsqrt %add3A_1141 : vector<1x128xf32>
    %mul3A_1143 = arith.mulf %get3A_1138, %rsqrt3A_1142 : vector<1x128xf32>
    %broadcast_in_dim3A_1144 = vector.shape_cast %mul3A_1143 : vector<1x128xf32> to vector<1x128xf32>
    %broadcast_in_dim3A_1145 = vector.broadcast %broadcast_in_dim3A_1144 : vector<1x128xf32> to vector<64x128xf32>
    %sub3A_1146 = arith.subf %broadcast_in_dim3A_1145, %broadcast_in_dim3A_18 : vector<64x128xf32>
    %mul3A_1147 = arith.mulf %sub3A_1146, %sub3A_1146 : vector<64x128xf32>
    %mul3A_1148 = arith.mulf %broadcast_in_dim3A_20, %mul3A_1147 : vector<64x128xf32>
    %exp23A_1149 = math.exp2 %mul3A_1148 : vector<64x128xf32>
    %mul3A_1150 = arith.mulf %broadcast_in_dim3A_22, %exp23A_1149 : vector<64x128xf32>
    %swap3A_1151 = arith.constant 0 : index
    %swap3A_1152 = arith.constant 7936 : index
    %swap3A_1153 = vector.load %arg4[%swap3A_1151, %swap3A_1152] : memref<64x25600xf32, #tpu.memory_space<vmem>>, vector<64x128xf32>
    tpu.vector_store %arg4[%swap3A_1151, %swap3A_1152], %mul3A_1150 {strides = array<i32>} : memref<64x25600xf32, #tpu.memory_space<vmem>>, vector<64x128xf32>,
    %get3A_1154 = arith.constant 63 : index
    %get3A_1155 = arith.constant 0 : index
    %get3A_1156 = vector.load %arg1[%get3A_1154, %get3A_1155] : memref<200x128xf32, #tpu.memory_space<vmem>>, vector<1x128xf32>
    %add3A_1157 = arith.constant 9.99999991E-38 : f32
    %add3A_1158 = vector.broadcast %add3A_1157 : f32 to vector<1x128xf32>
    %add3A_1159 = arith.addf %get3A_1156, %add3A_1158 : vector<1x128xf32>
    %rsqrt3A_1160 = math.rsqrt %add3A_1159 : vector<1x128xf32>
    %mul3A_1161 = arith.mulf %get3A_1156, %rsqrt3A_1160 : vector<1x128xf32>
    %broadcast_in_dim3A_1162 = vector.shape_cast %mul3A_1161 : vector<1x128xf32> to vector<1x128xf32>
    %broadcast_in_dim3A_1163 = vector.broadcast %broadcast_in_dim3A_1162 : vector<1x128xf32> to vector<64x128xf32>
    %sub3A_1164 = arith.subf %broadcast_in_dim3A_1163, %broadcast_in_dim3A_18 : vector<64x128xf32>
    %mul3A_1165 = arith.mulf %sub3A_1164, %sub3A_1164 : vector<64x128xf32>
    %mul3A_1166 = arith.mulf %broadcast_in_dim3A_20, %mul3A_1165 : vector<64x128xf32>
    %exp23A_1167 = math.exp2 %mul3A_1166 : vector<64x128xf32>
    %mul3A_1168 = arith.mulf %broadcast_in_dim3A_22, %exp23A_1167 : vector<64x128xf32>
    %swap3A_1169 = arith.constant 0 : index
    %swap3A_1170 = arith.constant 8064 : index
    %swap3A_1171 = vector.load %arg4[%swap3A_1169, %swap3A_1170] : memref<64x25600xf32, #tpu.memory_space<vmem>>, vector<64x128xf32>
    tpu.vector_store %arg4[%swap3A_1169, %swap3A_1170], %mul3A_1168 {strides = array<i32>} : memref<64x25600xf32, #tpu.memory_space<vmem>>, vector<64x128xf32>,
    %get3A_1172 = arith.constant 64 : index
    %get3A_1173 = arith.constant 0 : index
    %get3A_1174 = vector.load %arg1[%get3A_1172, %get3A_1173] : memref<200x128xf32, #tpu.memory_space<vmem>>, vector<1x128xf32>
    %add3A_1175 = arith.constant 9.99999991E-38 : f32
    %add3A_1176 = vector.broadcast %add3A_1175 : f32 to vector<1x128xf32>
    %add3A_1177 = arith.addf %get3A_1174, %add3A_1176 : vector<1x128xf32>
    %rsqrt3A_1178 = math.rsqrt %add3A_1177 : vector<1x128xf32>
    %mul3A_1179 = arith.mulf %get3A_1174, %rsqrt3A_1178 : vector<1x128xf32>
    %broadcast_in_dim3A_1180 = vector.shape_cast %mul3A_1179 : vector<1x128xf32> to vector<1x128xf32>
    %broadcast_in_dim3A_1181 = vector.broadcast %broadcast_in_dim3A_1180 : vector<1x128xf32> to vector<64x128xf32>
    %sub3A_1182 = arith.subf %broadcast_in_dim3A_1181, %broadcast_in_dim3A_18 : vector<64x128xf32>
    %mul3A_1183 = arith.mulf %sub3A_1182, %sub3A_1182 : vector<64x128xf32>
    %mul3A_1184 = arith.mulf %broadcast_in_dim3A_20, %mul3A_1183 : vector<64x128xf32>
    %exp23A_1185 = math.exp2 %mul3A_1184 : vector<64x128xf32>
    %mul3A_1186 = arith.mulf %broadcast_in_dim3A_22, %exp23A_1185 : vector<64x128xf32>
    %swap3A_1187 = arith.constant 0 : index
    %swap3A_1188 = arith.constant 8192 : index
    %swap3A_1189 = vector.load %arg4[%swap3A_1187, %swap3A_1188] : memref<64x25600xf32, #tpu.memory_space<vmem>>, vector<64x128xf32>
    tpu.vector_store %arg4[%swap3A_1187, %swap3A_1188], %mul3A_1186 {strides = array<i32>} : memref<64x25600xf32, #tpu.memory_space<vmem>>, vector<64x128xf32>,
    %get3A_1190 = arith.constant 65 : index
    %get3A_1191 = arith.constant 0 : index
    %get3A_1192 = vector.load %arg1[%get3A_1190, %get3A_1191] : memref<200x128xf32, #tpu.memory_space<vmem>>, vector<1x128xf32>
    %add3A_1193 = arith.constant 9.99999991E-38 : f32
    %add3A_1194 = vector.broadcast %add3A_1193 : f32 to vector<1x128xf32>
    %add3A_1195 = arith.addf %get3A_1192, %add3A_1194 : vector<1x128xf32>
    %rsqrt3A_1196 = math.rsqrt %add3A_1195 : vector<1x128xf32>
    %mul3A_1197 = arith.mulf %get3A_1192, %rsqrt3A_1196 : vector<1x128xf32>
    %broadcast_in_dim3A_1198 = vector.shape_cast %mul3A_1197 : vector<1x128xf32> to vector<1x128xf32>
    %broadcast_in_dim3A_1199 = vector.broadcast %broadcast_in_dim3A_1198 : vector<1x128xf32> to vector<64x128xf32>
    %sub3A_1200 = arith.subf %broadcast_in_dim3A_1199, %broadcast_in_dim3A_18 : vector<64x128xf32>
    %mul3A_1201 = arith.mulf %sub3A_1200, %sub3A_1200 : vector<64x128xf32>
    %mul3A_1202 = arith.mulf %broadcast_in_dim3A_20, %mul3A_1201 : vector<64x128xf32>
    %exp23A_1203 = math.exp2 %mul3A_1202 : vector<64x128xf32>
    %mul3A_1204 = arith.mulf %broadcast_in_dim3A_22, %exp23A_1203 : vector<64x128xf32>
    %swap3A_1205 = arith.constant 0 : index
    %swap3A_1206 = arith.constant 8320 : index
    %swap3A_1207 = vector.load %arg4[%swap3A_1205, %swap3A_1206] : memref<64x25600xf32, #tpu.memory_space<vmem>>, vector<64x128xf32>
    tpu.vector_store %arg4[%swap3A_1205, %swap3A_1206], %mul3A_1204 {strides = array<i32>} : memref<64x25600xf32, #tpu.memory_space<vmem>>, vector<64x128xf32>,
    %get3A_1208 = arith.constant 66 : index
    %get3A_1209 = arith.constant 0 : index
    %get3A_1210 = vector.load %arg1[%get3A_1208, %get3A_1209] : memref<200x128xf32, #tpu.memory_space<vmem>>, vector<1x128xf32>
    %add3A_1211 = arith.constant 9.99999991E-38 : f32
    %add3A_1212 = vector.broadcast %add3A_1211 : f32 to vector<1x128xf32>
    %add3A_1213 = arith.addf %get3A_1210, %add3A_1212 : vector<1x128xf32>
    %rsqrt3A_1214 = math.rsqrt %add3A_1213 : vector<1x128xf32>
    %mul3A_1215 = arith.mulf %get3A_1210, %rsqrt3A_1214 : vector<1x128xf32>
    %broadcast_in_dim3A_1216 = vector.shape_cast %mul3A_1215 : vector<1x128xf32> to vector<1x128xf32>
    %broadcast_in_dim3A_1217 = vector.broadcast %broadcast_in_dim3A_1216 : vector<1x128xf32> to vector<64x128xf32>
    %sub3A_1218 = arith.subf %broadcast_in_dim3A_1217, %broadcast_in_dim3A_18 : vector<64x128xf32>
    %mul3A_1219 = arith.mulf %sub3A_1218, %sub3A_1218 : vector<64x128xf32>
    %mul3A_1220 = arith.mulf %broadcast_in_dim3A_20, %mul3A_1219 : vector<64x128xf32>
    %exp23A_1221 = math.exp2 %mul3A_1220 : vector<64x128xf32>
    %mul3A_1222 = arith.mulf %broadcast_in_dim3A_22, %exp23A_1221 : vector<64x128xf32>
    %swap3A_1223 = arith.constant 0 : index
    %swap3A_1224 = arith.constant 8448 : index
    %swap3A_1225 = vector.load %arg4[%swap3A_1223, %swap3A_1224] : memref<64x25600xf32, #tpu.memory_space<vmem>>, vector<64x128xf32>
    tpu.vector_store %arg4[%swap3A_1223, %swap3A_1224], %mul3A_1222 {strides = array<i32>} : memref<64x25600xf32, #tpu.memory_space<vmem>>, vector<64x128xf32>,
    %get3A_1226 = arith.constant 67 : index
    %get3A_1227 = arith.constant 0 : index
    %get3A_1228 = vector.load %arg1[%get3A_1226, %get3A_1227] : memref<200x128xf32, #tpu.memory_space<vmem>>, vector<1x128xf32>
    %add3A_1229 = arith.constant 9.99999991E-38 : f32
    %add3A_1230 = vector.broadcast %add3A_1229 : f32 to vector<1x128xf32>
    %add3A_1231 = arith.addf %get3A_1228, %add3A_1230 : vector<1x128xf32>
    %rsqrt3A_1232 = math.rsqrt %add3A_1231 : vector<1x128xf32>
    %mul3A_1233 = arith.mulf %get3A_1228, %rsqrt3A_1232 : vector<1x128xf32>
    %broadcast_in_dim3A_1234 = vector.shape_cast %mul3A_1233 : vector<1x128xf32> to vector<1x128xf32>
    %broadcast_in_dim3A_1235 = vector.broadcast %broadcast_in_dim3A_1234 : vector<1x128xf32> to vector<64x128xf32>
    %sub3A_1236 = arith.subf %broadcast_in_dim3A_1235, %broadcast_in_dim3A_18 : vector<64x128xf32>
    %mul3A_1237 = arith.mulf %sub3A_1236, %sub3A_1236 : vector<64x128xf32>
    %mul3A_1238 = arith.mulf %broadcast_in_dim3A_20, %mul3A_1237 : vector<64x128xf32>
    %exp23A_1239 = math.exp2 %mul3A_1238 : vector<64x128xf32>
    %mul3A_1240 = arith.mulf %broadcast_in_dim3A_22, %exp23A_1239 : vector<64x128xf32>
    %swap3A_1241 = arith.constant 0 : index
    %swap3A_1242 = arith.constant 8576 : index
    %swap3A_1243 = vector.load %arg4[%swap3A_1241, %swap3A_1242] : memref<64x25600xf32, #tpu.memory_space<vmem>>, vector<64x128xf32>
    tpu.vector_store %arg4[%swap3A_1241, %swap3A_1242], %mul3A_1240 {strides = array<i32>} : memref<64x25600xf32, #tpu.memory_space<vmem>>, vector<64x128xf32>,
    %get3A_1244 = arith.constant 68 : index
    %get3A_1245 = arith.constant 0 : index
    %get3A_1246 = vector.load %arg1[%get3A_1244, %get3A_1245] : memref<200x128xf32, #tpu.memory_space<vmem>>, vector<1x128xf32>
    %add3A_1247 = arith.constant 9.99999991E-38 : f32
    %add3A_1248 = vector.broadcast %add3A_1247 : f32 to vector<1x128xf32>
    %add3A_1249 = arith.addf %get3A_1246, %add3A_1248 : vector<1x128xf32>
    %rsqrt3A_1250 = math.rsqrt %add3A_1249 : vector<1x128xf32>
    %mul3A_1251 = arith.mulf %get3A_1246, %rsqrt3A_1250 : vector<1x128xf32>
    %broadcast_in_dim3A_1252 = vector.shape_cast %mul3A_1251 : vector<1x128xf32> to vector<1x128xf32>
    %broadcast_in_dim3A_1253 = vector.broadcast %broadcast_in_dim3A_1252 : vector<1x128xf32> to vector<64x128xf32>
    %sub3A_1254 = arith.subf %broadcast_in_dim3A_1253, %broadcast_in_dim3A_18 : vector<64x128xf32>
    %mul3A_1255 = arith.mulf %sub3A_1254, %sub3A_1254 : vector<64x128xf32>
    %mul3A_1256 = arith.mulf %broadcast_in_dim3A_20, %mul3A_1255 : vector<64x128xf32>
    %exp23A_1257 = math.exp2 %mul3A_1256 : vector<64x128xf32>
    %mul3A_1258 = arith.mulf %broadcast_in_dim3A_22, %exp23A_1257 : vector<64x128xf32>
    %swap3A_1259 = arith.constant 0 : index
    %swap3A_1260 = arith.constant 8704 : index
    %swap3A_1261 = vector.load %arg4[%swap3A_1259, %swap3A_1260] : memref<64x25600xf32, #tpu.memory_space<vmem>>, vector<64x128xf32>
    tpu.vector_store %arg4[%swap3A_1259, %swap3A_1260], %mul3A_1258 {strides = array<i32>} : memref<64x25600xf32, #tpu.memory_space<vmem>>, vector<64x128xf32>,
    %get3A_1262 = arith.constant 69 : index
    %get3A_1263 = arith.constant 0 : index
    %get3A_1264 = vector.load %arg1[%get3A_1262, %get3A_1263] : memref<200x128xf32, #tpu.memory_space<vmem>>, vector<1x128xf32>
    %add3A_1265 = arith.constant 9.99999991E-38 : f32
    %add3A_1266 = vector.broadcast %add3A_1265 : f32 to vector<1x128xf32>
    %add3A_1267 = arith.addf %get3A_1264, %add3A_1266 : vector<1x128xf32>
    %rsqrt3A_1268 = math.rsqrt %add3A_1267 : vector<1x128xf32>
    %mul3A_1269 = arith.mulf %get3A_1264, %rsqrt3A_1268 : vector<1x128xf32>
    %broadcast_in_dim3A_1270 = vector.shape_cast %mul3A_1269 : vector<1x128xf32> to vector<1x128xf32>
    %broadcast_in_dim3A_1271 = vector.broadcast %broadcast_in_dim3A_1270 : vector<1x128xf32> to vector<64x128xf32>
    %sub3A_1272 = arith.subf %broadcast_in_dim3A_1271, %broadcast_in_dim3A_18 : vector<64x128xf32>
    %mul3A_1273 = arith.mulf %sub3A_1272, %sub3A_1272 : vector<64x128xf32>
    %mul3A_1274 = arith.mulf %broadcast_in_dim3A_20, %mul3A_1273 : vector<64x128xf32>
    %exp23A_1275 = math.exp2 %mul3A_1274 : vector<64x128xf32>
    %mul3A_1276 = arith.mulf %broadcast_in_dim3A_22, %exp23A_1275 : vector<64x128xf32>
    %swap3A_1277 = arith.constant 0 : index
    %swap3A_1278 = arith.constant 8832 : index
    %swap3A_1279 = vector.load %arg4[%swap3A_1277, %swap3A_1278] : memref<64x25600xf32, #tpu.memory_space<vmem>>, vector<64x128xf32>
    tpu.vector_store %arg4[%swap3A_1277, %swap3A_1278], %mul3A_1276 {strides = array<i32>} : memref<64x25600xf32, #tpu.memory_space<vmem>>, vector<64x128xf32>,
    %get3A_1280 = arith.constant 70 : index
    %get3A_1281 = arith.constant 0 : index
    %get3A_1282 = vector.load %arg1[%get3A_1280, %get3A_1281] : memref<200x128xf32, #tpu.memory_space<vmem>>, vector<1x128xf32>
    %add3A_1283 = arith.constant 9.99999991E-38 : f32
    %add3A_1284 = vector.broadcast %add3A_1283 : f32 to vector<1x128xf32>
    %add3A_1285 = arith.addf %get3A_1282, %add3A_1284 : vector<1x128xf32>
    %rsqrt3A_1286 = math.rsqrt %add3A_1285 : vector<1x128xf32>
    %mul3A_1287 = arith.mulf %get3A_1282, %rsqrt3A_1286 : vector<1x128xf32>
    %broadcast_in_dim3A_1288 = vector.shape_cast %mul3A_1287 : vector<1x128xf32> to vector<1x128xf32>
    %broadcast_in_dim3A_1289 = vector.broadcast %broadcast_in_dim3A_1288 : vector<1x128xf32> to vector<64x128xf32>
    %sub3A_1290 = arith.subf %broadcast_in_dim3A_1289, %broadcast_in_dim3A_18 : vector<64x128xf32>
    %mul3A_1291 = arith.mulf %sub3A_1290, %sub3A_1290 : vector<64x128xf32>
    %mul3A_1292 = arith.mulf %broadcast_in_dim3A_20, %mul3A_1291 : vector<64x128xf32>
    %exp23A_1293 = math.exp2 %mul3A_1292 : vector<64x128xf32>
    %mul3A_1294 = arith.mulf %broadcast_in_dim3A_22, %exp23A_1293 : vector<64x128xf32>
    %swap3A_1295 = arith.constant 0 : index
    %swap3A_1296 = arith.constant 8960 : index
    %swap3A_1297 = vector.load %arg4[%swap3A_1295, %swap3A_1296] : memref<64x25600xf32, #tpu.memory_space<vmem>>, vector<64x128xf32>
    tpu.vector_store %arg4[%swap3A_1295, %swap3A_1296], %mul3A_1294 {strides = array<i32>} : memref<64x25600xf32, #tpu.memory_space<vmem>>, vector<64x128xf32>,
    %get3A_1298 = arith.constant 71 : index
    %get3A_1299 = arith.constant 0 : index
    %get3A_1300 = vector.load %arg1[%get3A_1298, %get3A_1299] : memref<200x128xf32, #tpu.memory_space<vmem>>, vector<1x128xf32>
    %add3A_1301 = arith.constant 9.99999991E-38 : f32
    %add3A_1302 = vector.broadcast %add3A_1301 : f32 to vector<1x128xf32>
    %add3A_1303 = arith.addf %get3A_1300, %add3A_1302 : vector<1x128xf32>
    %rsqrt3A_1304 = math.rsqrt %add3A_1303 : vector<1x128xf32>
    %mul3A_1305 = arith.mulf %get3A_1300, %rsqrt3A_1304 : vector<1x128xf32>
    %broadcast_in_dim3A_1306 = vector.shape_cast %mul3A_1305 : vector<1x128xf32> to vector<1x128xf32>
    %broadcast_in_dim3A_1307 = vector.broadcast %broadcast_in_dim3A_1306 : vector<1x128xf32> to vector<64x128xf32>
    %sub3A_1308 = arith.subf %broadcast_in_dim3A_1307, %broadcast_in_dim3A_18 : vector<64x128xf32>
    %mul3A_1309 = arith.mulf %sub3A_1308, %sub3A_1308 : vector<64x128xf32>
    %mul3A_1310 = arith.mulf %broadcast_in_dim3A_20, %mul3A_1309 : vector<64x128xf32>
    %exp23A_1311 = math.exp2 %mul3A_1310 : vector<64x128xf32>
    %mul3A_1312 = arith.mulf %broadcast_in_dim3A_22, %exp23A_1311 : vector<64x128xf32>
    %swap3A_1313 = arith.constant 0 : index
    %swap3A_1314 = arith.constant 9088 : index
    %swap3A_1315 = vector.load %arg4[%swap3A_1313, %swap3A_1314] : memref<64x25600xf32, #tpu.memory_space<vmem>>, vector<64x128xf32>
    tpu.vector_store %arg4[%swap3A_1313, %swap3A_1314], %mul3A_1312 {strides = array<i32>} : memref<64x25600xf32, #tpu.memory_space<vmem>>, vector<64x128xf32>,
    %get3A_1316 = arith.constant 72 : index
    %get3A_1317 = arith.constant 0 : index
    %get3A_1318 = vector.load %arg1[%get3A_1316, %get3A_1317] : memref<200x128xf32, #tpu.memory_space<vmem>>, vector<1x128xf32>
    %add3A_1319 = arith.constant 9.99999991E-38 : f32
    %add3A_1320 = vector.broadcast %add3A_1319 : f32 to vector<1x128xf32>
    %add3A_1321 = arith.addf %get3A_1318, %add3A_1320 : vector<1x128xf32>
    %rsqrt3A_1322 = math.rsqrt %add3A_1321 : vector<1x128xf32>
    %mul3A_1323 = arith.mulf %get3A_1318, %rsqrt3A_1322 : vector<1x128xf32>
    %broadcast_in_dim3A_1324 = vector.shape_cast %mul3A_1323 : vector<1x128xf32> to vector<1x128xf32>
    %broadcast_in_dim3A_1325 = vector.broadcast %broadcast_in_dim3A_1324 : vector<1x128xf32> to vector<64x128xf32>
    %sub3A_1326 = arith.subf %broadcast_in_dim3A_1325, %broadcast_in_dim3A_18 : vector<64x128xf32>
    %mul3A_1327 = arith.mulf %sub3A_1326, %sub3A_1326 : vector<64x128xf32>
    %mul3A_1328 = arith.mulf %broadcast_in_dim3A_20, %mul3A_1327 : vector<64x128xf32>
    %exp23A_1329 = math.exp2 %mul3A_1328 : vector<64x128xf32>
    %mul3A_1330 = arith.mulf %broadcast_in_dim3A_22, %exp23A_1329 : vector<64x128xf32>
    %swap3A_1331 = arith.constant 0 : index
    %swap3A_1332 = arith.constant 9216 : index
    %swap3A_1333 = vector.load %arg4[%swap3A_1331, %swap3A_1332] : memref<64x25600xf32, #tpu.memory_space<vmem>>, vector<64x128xf32>
    tpu.vector_store %arg4[%swap3A_1331, %swap3A_1332], %mul3A_1330 {strides = array<i32>} : memref<64x25600xf32, #tpu.memory_space<vmem>>, vector<64x128xf32>,
    %get3A_1334 = arith.constant 73 : index
    %get3A_1335 = arith.constant 0 : index
    %get3A_1336 = vector.load %arg1[%get3A_1334, %get3A_1335] : memref<200x128xf32, #tpu.memory_space<vmem>>, vector<1x128xf32>
    %add3A_1337 = arith.constant 9.99999991E-38 : f32
    %add3A_1338 = vector.broadcast %add3A_1337 : f32 to vector<1x128xf32>
    %add3A_1339 = arith.addf %get3A_1336, %add3A_1338 : vector<1x128xf32>
    %rsqrt3A_1340 = math.rsqrt %add3A_1339 : vector<1x128xf32>
    %mul3A_1341 = arith.mulf %get3A_1336, %rsqrt3A_1340 : vector<1x128xf32>
    %broadcast_in_dim3A_1342 = vector.shape_cast %mul3A_1341 : vector<1x128xf32> to vector<1x128xf32>
    %broadcast_in_dim3A_1343 = vector.broadcast %broadcast_in_dim3A_1342 : vector<1x128xf32> to vector<64x128xf32>
    %sub3A_1344 = arith.subf %broadcast_in_dim3A_1343, %broadcast_in_dim3A_18 : vector<64x128xf32>
    %mul3A_1345 = arith.mulf %sub3A_1344, %sub3A_1344 : vector<64x128xf32>
    %mul3A_1346 = arith.mulf %broadcast_in_dim3A_20, %mul3A_1345 : vector<64x128xf32>
    %exp23A_1347 = math.exp2 %mul3A_1346 : vector<64x128xf32>
    %mul3A_1348 = arith.mulf %broadcast_in_dim3A_22, %exp23A_1347 : vector<64x128xf32>
    %swap3A_1349 = arith.constant 0 : index
    %swap3A_1350 = arith.constant 9344 : index
    %swap3A_1351 = vector.load %arg4[%swap3A_1349, %swap3A_1350] : memref<64x25600xf32, #tpu.memory_space<vmem>>, vector<64x128xf32>
    tpu.vector_store %arg4[%swap3A_1349, %swap3A_1350], %mul3A_1348 {strides = array<i32>} : memref<64x25600xf32, #tpu.memory_space<vmem>>, vector<64x128xf32>,
    %get3A_1352 = arith.constant 74 : index
    %get3A_1353 = arith.constant 0 : index
    %get3A_1354 = vector.load %arg1[%get3A_1352, %get3A_1353] : memref<200x128xf32, #tpu.memory_space<vmem>>, vector<1x128xf32>
    %add3A_1355 = arith.constant 9.99999991E-38 : f32
    %add3A_1356 = vector.broadcast %add3A_1355 : f32 to vector<1x128xf32>
    %add3A_1357 = arith.addf %get3A_1354, %add3A_1356 : vector<1x128xf32>
    %rsqrt3A_1358 = math.rsqrt %add3A_1357 : vector<1x128xf32>
    %mul3A_1359 = arith.mulf %get3A_1354, %rsqrt3A_1358 : vector<1x128xf32>
    %broadcast_in_dim3A_1360 = vector.shape_cast %mul3A_1359 : vector<1x128xf32> to vector<1x128xf32>
    %broadcast_in_dim3A_1361 = vector.broadcast %broadcast_in_dim3A_1360 : vector<1x128xf32> to vector<64x128xf32>
    %sub3A_1362 = arith.subf %broadcast_in_dim3A_1361, %broadcast_in_dim3A_18 : vector<64x128xf32>
    %mul3A_1363 = arith.mulf %sub3A_1362, %sub3A_1362 : vector<64x128xf32>
    %mul3A_1364 = arith.mulf %broadcast_in_dim3A_20, %mul3A_1363 : vector<64x128xf32>
    %exp23A_1365 = math.exp2 %mul3A_1364 : vector<64x128xf32>
    %mul3A_1366 = arith.mulf %broadcast_in_dim3A_22, %exp23A_1365 : vector<64x128xf32>
    %swap3A_1367 = arith.constant 0 : index
    %swap3A_1368 = arith.constant 9472 : index
    %swap3A_1369 = vector.load %arg4[%swap3A_1367, %swap3A_1368] : memref<64x25600xf32, #tpu.memory_space<vmem>>, vector<64x128xf32>
    tpu.vector_store %arg4[%swap3A_1367, %swap3A_1368], %mul3A_1366 {strides = array<i32>} : memref<64x25600xf32, #tpu.memory_space<vmem>>, vector<64x128xf32>,
    %get3A_1370 = arith.constant 75 : index
    %get3A_1371 = arith.constant 0 : index
    %get3A_1372 = vector.load %arg1[%get3A_1370, %get3A_1371] : memref<200x128xf32, #tpu.memory_space<vmem>>, vector<1x128xf32>
    %add3A_1373 = arith.constant 9.99999991E-38 : f32
    %add3A_1374 = vector.broadcast %add3A_1373 : f32 to vector<1x128xf32>
    %add3A_1375 = arith.addf %get3A_1372, %add3A_1374 : vector<1x128xf32>
    %rsqrt3A_1376 = math.rsqrt %add3A_1375 : vector<1x128xf32>
    %mul3A_1377 = arith.mulf %get3A_1372, %rsqrt3A_1376 : vector<1x128xf32>
    %broadcast_in_dim3A_1378 = vector.shape_cast %mul3A_1377 : vector<1x128xf32> to vector<1x128xf32>
    %broadcast_in_dim3A_1379 = vector.broadcast %broadcast_in_dim3A_1378 : vector<1x128xf32> to vector<64x128xf32>
    %sub3A_1380 = arith.subf %broadcast_in_dim3A_1379, %broadcast_in_dim3A_18 : vector<64x128xf32>
    %mul3A_1381 = arith.mulf %sub3A_1380, %sub3A_1380 : vector<64x128xf32>
    %mul3A_1382 = arith.mulf %broadcast_in_dim3A_20, %mul3A_1381 : vector<64x128xf32>
    %exp23A_1383 = math.exp2 %mul3A_1382 : vector<64x128xf32>
    %mul3A_1384 = arith.mulf %broadcast_in_dim3A_22, %exp23A_1383 : vector<64x128xf32>
    %swap3A_1385 = arith.constant 0 : index
    %swap3A_1386 = arith.constant 9600 : index
    %swap3A_1387 = vector.load %arg4[%swap3A_1385, %swap3A_1386] : memref<64x25600xf32, #tpu.memory_space<vmem>>, vector<64x128xf32>
    tpu.vector_store %arg4[%swap3A_1385, %swap3A_1386], %mul3A_1384 {strides = array<i32>} : memref<64x25600xf32, #tpu.memory_space<vmem>>, vector<64x128xf32>,
    %get3A_1388 = arith.constant 76 : index
    %get3A_1389 = arith.constant 0 : index
    %get3A_1390 = vector.load %arg1[%get3A_1388, %get3A_1389] : memref<200x128xf32, #tpu.memory_space<vmem>>, vector<1x128xf32>
    %add3A_1391 = arith.constant 9.99999991E-38 : f32
    %add3A_1392 = vector.broadcast %add3A_1391 : f32 to vector<1x128xf32>
    %add3A_1393 = arith.addf %get3A_1390, %add3A_1392 : vector<1x128xf32>
    %rsqrt3A_1394 = math.rsqrt %add3A_1393 : vector<1x128xf32>
    %mul3A_1395 = arith.mulf %get3A_1390, %rsqrt3A_1394 : vector<1x128xf32>
    %broadcast_in_dim3A_1396 = vector.shape_cast %mul3A_1395 : vector<1x128xf32> to vector<1x128xf32>
    %broadcast_in_dim3A_1397 = vector.broadcast %broadcast_in_dim3A_1396 : vector<1x128xf32> to vector<64x128xf32>
    %sub3A_1398 = arith.subf %broadcast_in_dim3A_1397, %broadcast_in_dim3A_18 : vector<64x128xf32>
    %mul3A_1399 = arith.mulf %sub3A_1398, %sub3A_1398 : vector<64x128xf32>
    %mul3A_1400 = arith.mulf %broadcast_in_dim3A_20, %mul3A_1399 : vector<64x128xf32>
    %exp23A_1401 = math.exp2 %mul3A_1400 : vector<64x128xf32>
    %mul3A_1402 = arith.mulf %broadcast_in_dim3A_22, %exp23A_1401 : vector<64x128xf32>
    %swap3A_1403 = arith.constant 0 : index
    %swap3A_1404 = arith.constant 9728 : index
    %swap3A_1405 = vector.load %arg4[%swap3A_1403, %swap3A_1404] : memref<64x25600xf32, #tpu.memory_space<vmem>>, vector<64x128xf32>
    tpu.vector_store %arg4[%swap3A_1403, %swap3A_1404], %mul3A_1402 {strides = array<i32>} : memref<64x25600xf32, #tpu.memory_space<vmem>>, vector<64x128xf32>,
    %get3A_1406 = arith.constant 77 : index
    %get3A_1407 = arith.constant 0 : index
    %get3A_1408 = vector.load %arg1[%get3A_1406, %get3A_1407] : memref<200x128xf32, #tpu.memory_space<vmem>>, vector<1x128xf32>
    %add3A_1409 = arith.constant 9.99999991E-38 : f32
    %add3A_1410 = vector.broadcast %add3A_1409 : f32 to vector<1x128xf32>
    %add3A_1411 = arith.addf %get3A_1408, %add3A_1410 : vector<1x128xf32>
    %rsqrt3A_1412 = math.rsqrt %add3A_1411 : vector<1x128xf32>
    %mul3A_1413 = arith.mulf %get3A_1408, %rsqrt3A_1412 : vector<1x128xf32>
    %broadcast_in_dim3A_1414 = vector.shape_cast %mul3A_1413 : vector<1x128xf32> to vector<1x128xf32>
    %broadcast_in_dim3A_1415 = vector.broadcast %broadcast_in_dim3A_1414 : vector<1x128xf32> to vector<64x128xf32>
    %sub3A_1416 = arith.subf %broadcast_in_dim3A_1415, %broadcast_in_dim3A_18 : vector<64x128xf32>
    %mul3A_1417 = arith.mulf %sub3A_1416, %sub3A_1416 : vector<64x128xf32>
    %mul3A_1418 = arith.mulf %broadcast_in_dim3A_20, %mul3A_1417 : vector<64x128xf32>
    %exp23A_1419 = math.exp2 %mul3A_1418 : vector<64x128xf32>
    %mul3A_1420 = arith.mulf %broadcast_in_dim3A_22, %exp23A_1419 : vector<64x128xf32>
    %swap3A_1421 = arith.constant 0 : index
    %swap3A_1422 = arith.constant 9856 : index
    %swap3A_1423 = vector.load %arg4[%swap3A_1421, %swap3A_1422] : memref<64x25600xf32, #tpu.memory_space<vmem>>, vector<64x128xf32>
    tpu.vector_store %arg4[%swap3A_1421, %swap3A_1422], %mul3A_1420 {strides = array<i32>} : memref<64x25600xf32, #tpu.memory_space<vmem>>, vector<64x128xf32>,
    %get3A_1424 = arith.constant 78 : index
    %get3A_1425 = arith.constant 0 : index
    %get3A_1426 = vector.load %arg1[%get3A_1424, %get3A_1425] : memref<200x128xf32, #tpu.memory_space<vmem>>, vector<1x128xf32>
    %add3A_1427 = arith.constant 9.99999991E-38 : f32
    %add3A_1428 = vector.broadcast %add3A_1427 : f32 to vector<1x128xf32>
    %add3A_1429 = arith.addf %get3A_1426, %add3A_1428 : vector<1x128xf32>
    %rsqrt3A_1430 = math.rsqrt %add3A_1429 : vector<1x128xf32>
    %mul3A_1431 = arith.mulf %get3A_1426, %rsqrt3A_1430 : vector<1x128xf32>
    %broadcast_in_dim3A_1432 = vector.shape_cast %mul3A_1431 : vector<1x128xf32> to vector<1x128xf32>
    %broadcast_in_dim3A_1433 = vector.broadcast %broadcast_in_dim3A_1432 : vector<1x128xf32> to vector<64x128xf32>
    %sub3A_1434 = arith.subf %broadcast_in_dim3A_1433, %broadcast_in_dim3A_18 : vector<64x128xf32>
    %mul3A_1435 = arith.mulf %sub3A_1434, %sub3A_1434 : vector<64x128xf32>
    %mul3A_1436 = arith.mulf %broadcast_in_dim3A_20, %mul3A_1435 : vector<64x128xf32>
    %exp23A_1437 = math.exp2 %mul3A_1436 : vector<64x128xf32>
    %mul3A_1438 = arith.mulf %broadcast_in_dim3A_22, %exp23A_1437 : vector<64x128xf32>
    %swap3A_1439 = arith.constant 0 : index
    %swap3A_1440 = arith.constant 9984 : index
    %swap3A_1441 = vector.load %arg4[%swap3A_1439, %swap3A_1440] : memref<64x25600xf32, #tpu.memory_space<vmem>>, vector<64x128xf32>
    tpu.vector_store %arg4[%swap3A_1439, %swap3A_1440], %mul3A_1438 {strides = array<i32>} : memref<64x25600xf32, #tpu.memory_space<vmem>>, vector<64x128xf32>,
    %get3A_1442 = arith.constant 79 : index
    %get3A_1443 = arith.constant 0 : index
    %get3A_1444 = vector.load %arg1[%get3A_1442, %get3A_1443] : memref<200x128xf32, #tpu.memory_space<vmem>>, vector<1x128xf32>
    %add3A_1445 = arith.constant 9.99999991E-38 : f32
    %add3A_1446 = vector.broadcast %add3A_1445 : f32 to vector<1x128xf32>
    %add3A_1447 = arith.addf %get3A_1444, %add3A_1446 : vector<1x128xf32>
    %rsqrt3A_1448 = math.rsqrt %add3A_1447 : vector<1x128xf32>
    %mul3A_1449 = arith.mulf %get3A_1444, %rsqrt3A_1448 : vector<1x128xf32>
    %broadcast_in_dim3A_1450 = vector.shape_cast %mul3A_1449 : vector<1x128xf32> to vector<1x128xf32>
    %broadcast_in_dim3A_1451 = vector.broadcast %broadcast_in_dim3A_1450 : vector<1x128xf32> to vector<64x128xf32>
    %sub3A_1452 = arith.subf %broadcast_in_dim3A_1451, %broadcast_in_dim3A_18 : vector<64x128xf32>
    %mul3A_1453 = arith.mulf %sub3A_1452, %sub3A_1452 : vector<64x128xf32>
    %mul3A_1454 = arith.mulf %broadcast_in_dim3A_20, %mul3A_1453 : vector<64x128xf32>
    %exp23A_1455 = math.exp2 %mul3A_1454 : vector<64x128xf32>
    %mul3A_1456 = arith.mulf %broadcast_in_dim3A_22, %exp23A_1455 : vector<64x128xf32>
    %swap3A_1457 = arith.constant 0 : index
    %swap3A_1458 = arith.constant 10112 : index
    %swap3A_1459 = vector.load %arg4[%swap3A_1457, %swap3A_1458] : memref<64x25600xf32, #tpu.memory_space<vmem>>, vector<64x128xf32>
    tpu.vector_store %arg4[%swap3A_1457, %swap3A_1458], %mul3A_1456 {strides = array<i32>} : memref<64x25600xf32, #tpu.memory_space<vmem>>, vector<64x128xf32>,
    %get3A_1460 = arith.constant 80 : index
    %get3A_1461 = arith.constant 0 : index
    %get3A_1462 = vector.load %arg1[%get3A_1460, %get3A_1461] : memref<200x128xf32, #tpu.memory_space<vmem>>, vector<1x128xf32>
    %add3A_1463 = arith.constant 9.99999991E-38 : f32
    %add3A_1464 = vector.broadcast %add3A_1463 : f32 to vector<1x128xf32>
    %add3A_1465 = arith.addf %get3A_1462, %add3A_1464 : vector<1x128xf32>
    %rsqrt3A_1466 = math.rsqrt %add3A_1465 : vector<1x128xf32>
    %mul3A_1467 = arith.mulf %get3A_1462, %rsqrt3A_1466 : vector<1x128xf32>
    %broadcast_in_dim3A_1468 = vector.shape_cast %mul3A_1467 : vector<1x128xf32> to vector<1x128xf32>
    %broadcast_in_dim3A_1469 = vector.broadcast %broadcast_in_dim3A_1468 : vector<1x128xf32> to vector<64x128xf32>
    %sub3A_1470 = arith.subf %broadcast_in_dim3A_1469, %broadcast_in_dim3A_18 : vector<64x128xf32>
    %mul3A_1471 = arith.mulf %sub3A_1470, %sub3A_1470 : vector<64x128xf32>
    %mul3A_1472 = arith.mulf %broadcast_in_dim3A_20, %mul3A_1471 : vector<64x128xf32>
    %exp23A_1473 = math.exp2 %mul3A_1472 : vector<64x128xf32>
    %mul3A_1474 = arith.mulf %broadcast_in_dim3A_22, %exp23A_1473 : vector<64x128xf32>
    %swap3A_1475 = arith.constant 0 : index
    %swap3A_1476 = arith.constant 10240 : index
    %swap3A_1477 = vector.load %arg4[%swap3A_1475, %swap3A_1476] : memref<64x25600xf32, #tpu.memory_space<vmem>>, vector<64x128xf32>
    tpu.vector_store %arg4[%swap3A_1475, %swap3A_1476], %mul3A_1474 {strides = array<i32>} : memref<64x25600xf32, #tpu.memory_space<vmem>>, vector<64x128xf32>,
    %get3A_1478 = arith.constant 81 : index
    %get3A_1479 = arith.constant 0 : index
    %get3A_1480 = vector.load %arg1[%get3A_1478, %get3A_1479] : memref<200x128xf32, #tpu.memory_space<vmem>>, vector<1x128xf32>
    %add3A_1481 = arith.constant 9.99999991E-38 : f32
    %add3A_1482 = vector.broadcast %add3A_1481 : f32 to vector<1x128xf32>
    %add3A_1483 = arith.addf %get3A_1480, %add3A_1482 : vector<1x128xf32>
    %rsqrt3A_1484 = math.rsqrt %add3A_1483 : vector<1x128xf32>
    %mul3A_1485 = arith.mulf %get3A_1480, %rsqrt3A_1484 : vector<1x128xf32>
    %broadcast_in_dim3A_1486 = vector.shape_cast %mul3A_1485 : vector<1x128xf32> to vector<1x128xf32>
    %broadcast_in_dim3A_1487 = vector.broadcast %broadcast_in_dim3A_1486 : vector<1x128xf32> to vector<64x128xf32>
    %sub3A_1488 = arith.subf %broadcast_in_dim3A_1487, %broadcast_in_dim3A_18 : vector<64x128xf32>
    %mul3A_1489 = arith.mulf %sub3A_1488, %sub3A_1488 : vector<64x128xf32>
    %mul3A_1490 = arith.mulf %broadcast_in_dim3A_20, %mul3A_1489 : vector<64x128xf32>
    %exp23A_1491 = math.exp2 %mul3A_1490 : vector<64x128xf32>
    %mul3A_1492 = arith.mulf %broadcast_in_dim3A_22, %exp23A_1491 : vector<64x128xf32>
    %swap3A_1493 = arith.constant 0 : index
    %swap3A_1494 = arith.constant 10368 : index
    %swap3A_1495 = vector.load %arg4[%swap3A_1493, %swap3A_1494] : memref<64x25600xf32, #tpu.memory_space<vmem>>, vector<64x128xf32>
    tpu.vector_store %arg4[%swap3A_1493, %swap3A_1494], %mul3A_1492 {strides = array<i32>} : memref<64x25600xf32, #tpu.memory_space<vmem>>, vector<64x128xf32>,
    %get3A_1496 = arith.constant 82 : index
    %get3A_1497 = arith.constant 0 : index
    %get3A_1498 = vector.load %arg1[%get3A_1496, %get3A_1497] : memref<200x128xf32, #tpu.memory_space<vmem>>, vector<1x128xf32>
    %add3A_1499 = arith.constant 9.99999991E-38 : f32
    %add3A_1500 = vector.broadcast %add3A_1499 : f32 to vector<1x128xf32>
    %add3A_1501 = arith.addf %get3A_1498, %add3A_1500 : vector<1x128xf32>
    %rsqrt3A_1502 = math.rsqrt %add3A_1501 : vector<1x128xf32>
    %mul3A_1503 = arith.mulf %get3A_1498, %rsqrt3A_1502 : vector<1x128xf32>
    %broadcast_in_dim3A_1504 = vector.shape_cast %mul3A_1503 : vector<1x128xf32> to vector<1x128xf32>
    %broadcast_in_dim3A_1505 = vector.broadcast %broadcast_in_dim3A_1504 : vector<1x128xf32> to vector<64x128xf32>
    %sub3A_1506 = arith.subf %broadcast_in_dim3A_1505, %broadcast_in_dim3A_18 : vector<64x128xf32>
    %mul3A_1507 = arith.mulf %sub3A_1506, %sub3A_1506 : vector<64x128xf32>
    %mul3A_1508 = arith.mulf %broadcast_in_dim3A_20, %mul3A_1507 : vector<64x128xf32>
    %exp23A_1509 = math.exp2 %mul3A_1508 : vector<64x128xf32>
    %mul3A_1510 = arith.mulf %broadcast_in_dim3A_22, %exp23A_1509 : vector<64x128xf32>
    %swap3A_1511 = arith.constant 0 : index
    %swap3A_1512 = arith.constant 10496 : index
    %swap3A_1513 = vector.load %arg4[%swap3A_1511, %swap3A_1512] : memref<64x25600xf32, #tpu.memory_space<vmem>>, vector<64x128xf32>
    tpu.vector_store %arg4[%swap3A_1511, %swap3A_1512], %mul3A_1510 {strides = array<i32>} : memref<64x25600xf32, #tpu.memory_space<vmem>>, vector<64x128xf32>,
    %get3A_1514 = arith.constant 83 : index
    %get3A_1515 = arith.constant 0 : index
    %get3A_1516 = vector.load %arg1[%get3A_1514, %get3A_1515] : memref<200x128xf32, #tpu.memory_space<vmem>>, vector<1x128xf32>
    %add3A_1517 = arith.constant 9.99999991E-38 : f32
    %add3A_1518 = vector.broadcast %add3A_1517 : f32 to vector<1x128xf32>
    %add3A_1519 = arith.addf %get3A_1516, %add3A_1518 : vector<1x128xf32>
    %rsqrt3A_1520 = math.rsqrt %add3A_1519 : vector<1x128xf32>
    %mul3A_1521 = arith.mulf %get3A_1516, %rsqrt3A_1520 : vector<1x128xf32>
    %broadcast_in_dim3A_1522 = vector.shape_cast %mul3A_1521 : vector<1x128xf32> to vector<1x128xf32>
    %broadcast_in_dim3A_1523 = vector.broadcast %broadcast_in_dim3A_1522 : vector<1x128xf32> to vector<64x128xf32>
    %sub3A_1524 = arith.subf %broadcast_in_dim3A_1523, %broadcast_in_dim3A_18 : vector<64x128xf32>
    %mul3A_1525 = arith.mulf %sub3A_1524, %sub3A_1524 : vector<64x128xf32>
    %mul3A_1526 = arith.mulf %broadcast_in_dim3A_20, %mul3A_1525 : vector<64x128xf32>
    %exp23A_1527 = math.exp2 %mul3A_1526 : vector<64x128xf32>
    %mul3A_1528 = arith.mulf %broadcast_in_dim3A_22, %exp23A_1527 : vector<64x128xf32>
    %swap3A_1529 = arith.constant 0 : index
    %swap3A_1530 = arith.constant 10624 : index
    %swap3A_1531 = vector.load %arg4[%swap3A_1529, %swap3A_1530] : memref<64x25600xf32, #tpu.memory_space<vmem>>, vector<64x128xf32>
    tpu.vector_store %arg4[%swap3A_1529, %swap3A_1530], %mul3A_1528 {strides = array<i32>} : memref<64x25600xf32, #tpu.memory_space<vmem>>, vector<64x128xf32>,
    %get3A_1532 = arith.constant 84 : index
    %get3A_1533 = arith.constant 0 : index
    %get3A_1534 = vector.load %arg1[%get3A_1532, %get3A_1533] : memref<200x128xf32, #tpu.memory_space<vmem>>, vector<1x128xf32>
    %add3A_1535 = arith.constant 9.99999991E-38 : f32
    %add3A_1536 = vector.broadcast %add3A_1535 : f32 to vector<1x128xf32>
    %add3A_1537 = arith.addf %get3A_1534, %add3A_1536 : vector<1x128xf32>
    %rsqrt3A_1538 = math.rsqrt %add3A_1537 : vector<1x128xf32>
    %mul3A_1539 = arith.mulf %get3A_1534, %rsqrt3A_1538 : vector<1x128xf32>
    %broadcast_in_dim3A_1540 = vector.shape_cast %mul3A_1539 : vector<1x128xf32> to vector<1x128xf32>
    %broadcast_in_dim3A_1541 = vector.broadcast %broadcast_in_dim3A_1540 : vector<1x128xf32> to vector<64x128xf32>
    %sub3A_1542 = arith.subf %broadcast_in_dim3A_1541, %broadcast_in_dim3A_18 : vector<64x128xf32>
    %mul3A_1543 = arith.mulf %sub3A_1542, %sub3A_1542 : vector<64x128xf32>
    %mul3A_1544 = arith.mulf %broadcast_in_dim3A_20, %mul3A_1543 : vector<64x128xf32>
    %exp23A_1545 = math.exp2 %mul3A_1544 : vector<64x128xf32>
    %mul3A_1546 = arith.mulf %broadcast_in_dim3A_22, %exp23A_1545 : vector<64x128xf32>
    %swap3A_1547 = arith.constant 0 : index
    %swap3A_1548 = arith.constant 10752 : index
    %swap3A_1549 = vector.load %arg4[%swap3A_1547, %swap3A_1548] : memref<64x25600xf32, #tpu.memory_space<vmem>>, vector<64x128xf32>
    tpu.vector_store %arg4[%swap3A_1547, %swap3A_1548], %mul3A_1546 {strides = array<i32>} : memref<64x25600xf32, #tpu.memory_space<vmem>>, vector<64x128xf32>,
    %get3A_1550 = arith.constant 85 : index
    %get3A_1551 = arith.constant 0 : index
    %get3A_1552 = vector.load %arg1[%get3A_1550, %get3A_1551] : memref<200x128xf32, #tpu.memory_space<vmem>>, vector<1x128xf32>
    %add3A_1553 = arith.constant 9.99999991E-38 : f32
    %add3A_1554 = vector.broadcast %add3A_1553 : f32 to vector<1x128xf32>
    %add3A_1555 = arith.addf %get3A_1552, %add3A_1554 : vector<1x128xf32>
    %rsqrt3A_1556 = math.rsqrt %add3A_1555 : vector<1x128xf32>
    %mul3A_1557 = arith.mulf %get3A_1552, %rsqrt3A_1556 : vector<1x128xf32>
    %broadcast_in_dim3A_1558 = vector.shape_cast %mul3A_1557 : vector<1x128xf32> to vector<1x128xf32>
    %broadcast_in_dim3A_1559 = vector.broadcast %broadcast_in_dim3A_1558 : vector<1x128xf32> to vector<64x128xf32>
    %sub3A_1560 = arith.subf %broadcast_in_dim3A_1559, %broadcast_in_dim3A_18 : vector<64x128xf32>
    %mul3A_1561 = arith.mulf %sub3A_1560, %sub3A_1560 : vector<64x128xf32>
    %mul3A_1562 = arith.mulf %broadcast_in_dim3A_20, %mul3A_1561 : vector<64x128xf32>
    %exp23A_1563 = math.exp2 %mul3A_1562 : vector<64x128xf32>
    %mul3A_1564 = arith.mulf %broadcast_in_dim3A_22, %exp23A_1563 : vector<64x128xf32>
    %swap3A_1565 = arith.constant 0 : index
    %swap3A_1566 = arith.constant 10880 : index
    %swap3A_1567 = vector.load %arg4[%swap3A_1565, %swap3A_1566] : memref<64x25600xf32, #tpu.memory_space<vmem>>, vector<64x128xf32>
    tpu.vector_store %arg4[%swap3A_1565, %swap3A_1566], %mul3A_1564 {strides = array<i32>} : memref<64x25600xf32, #tpu.memory_space<vmem>>, vector<64x128xf32>,
    %get3A_1568 = arith.constant 86 : index
    %get3A_1569 = arith.constant 0 : index
    %get3A_1570 = vector.load %arg1[%get3A_1568, %get3A_1569] : memref<200x128xf32, #tpu.memory_space<vmem>>, vector<1x128xf32>
    %add3A_1571 = arith.constant 9.99999991E-38 : f32
    %add3A_1572 = vector.broadcast %add3A_1571 : f32 to vector<1x128xf32>
    %add3A_1573 = arith.addf %get3A_1570, %add3A_1572 : vector<1x128xf32>
    %rsqrt3A_1574 = math.rsqrt %add3A_1573 : vector<1x128xf32>
    %mul3A_1575 = arith.mulf %get3A_1570, %rsqrt3A_1574 : vector<1x128xf32>
    %broadcast_in_dim3A_1576 = vector.shape_cast %mul3A_1575 : vector<1x128xf32> to vector<1x128xf32>
    %broadcast_in_dim3A_1577 = vector.broadcast %broadcast_in_dim3A_1576 : vector<1x128xf32> to vector<64x128xf32>
    %sub3A_1578 = arith.subf %broadcast_in_dim3A_1577, %broadcast_in_dim3A_18 : vector<64x128xf32>
    %mul3A_1579 = arith.mulf %sub3A_1578, %sub3A_1578 : vector<64x128xf32>
    %mul3A_1580 = arith.mulf %broadcast_in_dim3A_20, %mul3A_1579 : vector<64x128xf32>
    %exp23A_1581 = math.exp2 %mul3A_1580 : vector<64x128xf32>
    %mul3A_1582 = arith.mulf %broadcast_in_dim3A_22, %exp23A_1581 : vector<64x128xf32>
    %swap3A_1583 = arith.constant 0 : index
    %swap3A_1584 = arith.constant 11008 : index
    %swap3A_1585 = vector.load %arg4[%swap3A_1583, %swap3A_1584] : memref<64x25600xf32, #tpu.memory_space<vmem>>, vector<64x128xf32>
    tpu.vector_store %arg4[%swap3A_1583, %swap3A_1584], %mul3A_1582 {strides = array<i32>} : memref<64x25600xf32, #tpu.memory_space<vmem>>, vector<64x128xf32>,
    %get3A_1586 = arith.constant 87 : index
    %get3A_1587 = arith.constant 0 : index
    %get3A_1588 = vector.load %arg1[%get3A_1586, %get3A_1587] : memref<200x128xf32, #tpu.memory_space<vmem>>, vector<1x128xf32>
    %add3A_1589 = arith.constant 9.99999991E-38 : f32
    %add3A_1590 = vector.broadcast %add3A_1589 : f32 to vector<1x128xf32>
    %add3A_1591 = arith.addf %get3A_1588, %add3A_1590 : vector<1x128xf32>
    %rsqrt3A_1592 = math.rsqrt %add3A_1591 : vector<1x128xf32>
    %mul3A_1593 = arith.mulf %get3A_1588, %rsqrt3A_1592 : vector<1x128xf32>
    %broadcast_in_dim3A_1594 = vector.shape_cast %mul3A_1593 : vector<1x128xf32> to vector<1x128xf32>
    %broadcast_in_dim3A_1595 = vector.broadcast %broadcast_in_dim3A_1594 : vector<1x128xf32> to vector<64x128xf32>
    %sub3A_1596 = arith.subf %broadcast_in_dim3A_1595, %broadcast_in_dim3A_18 : vector<64x128xf32>
    %mul3A_1597 = arith.mulf %sub3A_1596, %sub3A_1596 : vector<64x128xf32>
    %mul3A_1598 = arith.mulf %broadcast_in_dim3A_20, %mul3A_1597 : vector<64x128xf32>
    %exp23A_1599 = math.exp2 %mul3A_1598 : vector<64x128xf32>
    %mul3A_1600 = arith.mulf %broadcast_in_dim3A_22, %exp23A_1599 : vector<64x128xf32>
    %swap3A_1601 = arith.constant 0 : index
    %swap3A_1602 = arith.constant 11136 : index
    %swap3A_1603 = vector.load %arg4[%swap3A_1601, %swap3A_1602] : memref<64x25600xf32, #tpu.memory_space<vmem>>, vector<64x128xf32>
    tpu.vector_store %arg4[%swap3A_1601, %swap3A_1602], %mul3A_1600 {strides = array<i32>} : memref<64x25600xf32, #tpu.memory_space<vmem>>, vector<64x128xf32>,
    %get3A_1604 = arith.constant 88 : index
    %get3A_1605 = arith.constant 0 : index
    %get3A_1606 = vector.load %arg1[%get3A_1604, %get3A_1605] : memref<200x128xf32, #tpu.memory_space<vmem>>, vector<1x128xf32>
    %add3A_1607 = arith.constant 9.99999991E-38 : f32
    %add3A_1608 = vector.broadcast %add3A_1607 : f32 to vector<1x128xf32>
    %add3A_1609 = arith.addf %get3A_1606, %add3A_1608 : vector<1x128xf32>
    %rsqrt3A_1610 = math.rsqrt %add3A_1609 : vector<1x128xf32>
    %mul3A_1611 = arith.mulf %get3A_1606, %rsqrt3A_1610 : vector<1x128xf32>
    %broadcast_in_dim3A_1612 = vector.shape_cast %mul3A_1611 : vector<1x128xf32> to vector<1x128xf32>
    %broadcast_in_dim3A_1613 = vector.broadcast %broadcast_in_dim3A_1612 : vector<1x128xf32> to vector<64x128xf32>
    %sub3A_1614 = arith.subf %broadcast_in_dim3A_1613, %broadcast_in_dim3A_18 : vector<64x128xf32>
    %mul3A_1615 = arith.mulf %sub3A_1614, %sub3A_1614 : vector<64x128xf32>
    %mul3A_1616 = arith.mulf %broadcast_in_dim3A_20, %mul3A_1615 : vector<64x128xf32>
    %exp23A_1617 = math.exp2 %mul3A_1616 : vector<64x128xf32>
    %mul3A_1618 = arith.mulf %broadcast_in_dim3A_22, %exp23A_1617 : vector<64x128xf32>
    %swap3A_1619 = arith.constant 0 : index
    %swap3A_1620 = arith.constant 11264 : index
    %swap3A_1621 = vector.load %arg4[%swap3A_1619, %swap3A_1620] : memref<64x25600xf32, #tpu.memory_space<vmem>>, vector<64x128xf32>
    tpu.vector_store %arg4[%swap3A_1619, %swap3A_1620], %mul3A_1618 {strides = array<i32>} : memref<64x25600xf32, #tpu.memory_space<vmem>>, vector<64x128xf32>,
    %get3A_1622 = arith.constant 89 : index
    %get3A_1623 = arith.constant 0 : index
    %get3A_1624 = vector.load %arg1[%get3A_1622, %get3A_1623] : memref<200x128xf32, #tpu.memory_space<vmem>>, vector<1x128xf32>
    %add3A_1625 = arith.constant 9.99999991E-38 : f32
    %add3A_1626 = vector.broadcast %add3A_1625 : f32 to vector<1x128xf32>
    %add3A_1627 = arith.addf %get3A_1624, %add3A_1626 : vector<1x128xf32>
    %rsqrt3A_1628 = math.rsqrt %add3A_1627 : vector<1x128xf32>
    %mul3A_1629 = arith.mulf %get3A_1624, %rsqrt3A_1628 : vector<1x128xf32>
    %broadcast_in_dim3A_1630 = vector.shape_cast %mul3A_1629 : vector<1x128xf32> to vector<1x128xf32>
    %broadcast_in_dim3A_1631 = vector.broadcast %broadcast_in_dim3A_1630 : vector<1x128xf32> to vector<64x128xf32>
    %sub3A_1632 = arith.subf %broadcast_in_dim3A_1631, %broadcast_in_dim3A_18 : vector<64x128xf32>
    %mul3A_1633 = arith.mulf %sub3A_1632, %sub3A_1632 : vector<64x128xf32>
    %mul3A_1634 = arith.mulf %broadcast_in_dim3A_20, %mul3A_1633 : vector<64x128xf32>
    %exp23A_1635 = math.exp2 %mul3A_1634 : vector<64x128xf32>
    %mul3A_1636 = arith.mulf %broadcast_in_dim3A_22, %exp23A_1635 : vector<64x128xf32>
    %swap3A_1637 = arith.constant 0 : index
    %swap3A_1638 = arith.constant 11392 : index
    %swap3A_1639 = vector.load %arg4[%swap3A_1637, %swap3A_1638] : memref<64x25600xf32, #tpu.memory_space<vmem>>, vector<64x128xf32>
    tpu.vector_store %arg4[%swap3A_1637, %swap3A_1638], %mul3A_1636 {strides = array<i32>} : memref<64x25600xf32, #tpu.memory_space<vmem>>, vector<64x128xf32>,
    %get3A_1640 = arith.constant 90 : index
    %get3A_1641 = arith.constant 0 : index
    %get3A_1642 = vector.load %arg1[%get3A_1640, %get3A_1641] : memref<200x128xf32, #tpu.memory_space<vmem>>, vector<1x128xf32>
    %add3A_1643 = arith.constant 9.99999991E-38 : f32
    %add3A_1644 = vector.broadcast %add3A_1643 : f32 to vector<1x128xf32>
    %add3A_1645 = arith.addf %get3A_1642, %add3A_1644 : vector<1x128xf32>
    %rsqrt3A_1646 = math.rsqrt %add3A_1645 : vector<1x128xf32>
    %mul3A_1647 = arith.mulf %get3A_1642, %rsqrt3A_1646 : vector<1x128xf32>
    %broadcast_in_dim3A_1648 = vector.shape_cast %mul3A_1647 : vector<1x128xf32> to vector<1x128xf32>
    %broadcast_in_dim3A_1649 = vector.broadcast %broadcast_in_dim3A_1648 : vector<1x128xf32> to vector<64x128xf32>
    %sub3A_1650 = arith.subf %broadcast_in_dim3A_1649, %broadcast_in_dim3A_18 : vector<64x128xf32>
    %mul3A_1651 = arith.mulf %sub3A_1650, %sub3A_1650 : vector<64x128xf32>
    %mul3A_1652 = arith.mulf %broadcast_in_dim3A_20, %mul3A_1651 : vector<64x128xf32>
    %exp23A_1653 = math.exp2 %mul3A_1652 : vector<64x128xf32>
    %mul3A_1654 = arith.mulf %broadcast_in_dim3A_22, %exp23A_1653 : vector<64x128xf32>
    %swap3A_1655 = arith.constant 0 : index
    %swap3A_1656 = arith.constant 11520 : index
    %swap3A_1657 = vector.load %arg4[%swap3A_1655, %swap3A_1656] : memref<64x25600xf32, #tpu.memory_space<vmem>>, vector<64x128xf32>
    tpu.vector_store %arg4[%swap3A_1655, %swap3A_1656], %mul3A_1654 {strides = array<i32>} : memref<64x25600xf32, #tpu.memory_space<vmem>>, vector<64x128xf32>,
    %get3A_1658 = arith.constant 91 : index
    %get3A_1659 = arith.constant 0 : index
    %get3A_1660 = vector.load %arg1[%get3A_1658, %get3A_1659] : memref<200x128xf32, #tpu.memory_space<vmem>>, vector<1x128xf32>
    %add3A_1661 = arith.constant 9.99999991E-38 : f32
    %add3A_1662 = vector.broadcast %add3A_1661 : f32 to vector<1x128xf32>
    %add3A_1663 = arith.addf %get3A_1660, %add3A_1662 : vector<1x128xf32>
    %rsqrt3A_1664 = math.rsqrt %add3A_1663 : vector<1x128xf32>
    %mul3A_1665 = arith.mulf %get3A_1660, %rsqrt3A_1664 : vector<1x128xf32>
    %broadcast_in_dim3A_1666 = vector.shape_cast %mul3A_1665 : vector<1x128xf32> to vector<1x128xf32>
    %broadcast_in_dim3A_1667 = vector.broadcast %broadcast_in_dim3A_1666 : vector<1x128xf32> to vector<64x128xf32>
    %sub3A_1668 = arith.subf %broadcast_in_dim3A_1667, %broadcast_in_dim3A_18 : vector<64x128xf32>
    %mul3A_1669 = arith.mulf %sub3A_1668, %sub3A_1668 : vector<64x128xf32>
    %mul3A_1670 = arith.mulf %broadcast_in_dim3A_20, %mul3A_1669 : vector<64x128xf32>
    %exp23A_1671 = math.exp2 %mul3A_1670 : vector<64x128xf32>
    %mul3A_1672 = arith.mulf %broadcast_in_dim3A_22, %exp23A_1671 : vector<64x128xf32>
    %swap3A_1673 = arith.constant 0 : index
    %swap3A_1674 = arith.constant 11648 : index
    %swap3A_1675 = vector.load %arg4[%swap3A_1673, %swap3A_1674] : memref<64x25600xf32, #tpu.memory_space<vmem>>, vector<64x128xf32>
    tpu.vector_store %arg4[%swap3A_1673, %swap3A_1674], %mul3A_1672 {strides = array<i32>} : memref<64x25600xf32, #tpu.memory_space<vmem>>, vector<64x128xf32>,
    %get3A_1676 = arith.constant 92 : index
    %get3A_1677 = arith.constant 0 : index
    %get3A_1678 = vector.load %arg1[%get3A_1676, %get3A_1677] : memref<200x128xf32, #tpu.memory_space<vmem>>, vector<1x128xf32>
    %add3A_1679 = arith.constant 9.99999991E-38 : f32
    %add3A_1680 = vector.broadcast %add3A_1679 : f32 to vector<1x128xf32>
    %add3A_1681 = arith.addf %get3A_1678, %add3A_1680 : vector<1x128xf32>
    %rsqrt3A_1682 = math.rsqrt %add3A_1681 : vector<1x128xf32>
    %mul3A_1683 = arith.mulf %get3A_1678, %rsqrt3A_1682 : vector<1x128xf32>
    %broadcast_in_dim3A_1684 = vector.shape_cast %mul3A_1683 : vector<1x128xf32> to vector<1x128xf32>
    %broadcast_in_dim3A_1685 = vector.broadcast %broadcast_in_dim3A_1684 : vector<1x128xf32> to vector<64x128xf32>
    %sub3A_1686 = arith.subf %broadcast_in_dim3A_1685, %broadcast_in_dim3A_18 : vector<64x128xf32>
    %mul3A_1687 = arith.mulf %sub3A_1686, %sub3A_1686 : vector<64x128xf32>
    %mul3A_1688 = arith.mulf %broadcast_in_dim3A_20, %mul3A_1687 : vector<64x128xf32>
    %exp23A_1689 = math.exp2 %mul3A_1688 : vector<64x128xf32>
    %mul3A_1690 = arith.mulf %broadcast_in_dim3A_22, %exp23A_1689 : vector<64x128xf32>
    %swap3A_1691 = arith.constant 0 : index
    %swap3A_1692 = arith.constant 11776 : index
    %swap3A_1693 = vector.load %arg4[%swap3A_1691, %swap3A_1692] : memref<64x25600xf32, #tpu.memory_space<vmem>>, vector<64x128xf32>
    tpu.vector_store %arg4[%swap3A_1691, %swap3A_1692], %mul3A_1690 {strides = array<i32>} : memref<64x25600xf32, #tpu.memory_space<vmem>>, vector<64x128xf32>,
    %get3A_1694 = arith.constant 93 : index
    %get3A_1695 = arith.constant 0 : index
    %get3A_1696 = vector.load %arg1[%get3A_1694, %get3A_1695] : memref<200x128xf32, #tpu.memory_space<vmem>>, vector<1x128xf32>
    %add3A_1697 = arith.constant 9.99999991E-38 : f32
    %add3A_1698 = vector.broadcast %add3A_1697 : f32 to vector<1x128xf32>
    %add3A_1699 = arith.addf %get3A_1696, %add3A_1698 : vector<1x128xf32>
    %rsqrt3A_1700 = math.rsqrt %add3A_1699 : vector<1x128xf32>
    %mul3A_1701 = arith.mulf %get3A_1696, %rsqrt3A_1700 : vector<1x128xf32>
    %broadcast_in_dim3A_1702 = vector.shape_cast %mul3A_1701 : vector<1x128xf32> to vector<1x128xf32>
    %broadcast_in_dim3A_1703 = vector.broadcast %broadcast_in_dim3A_1702 : vector<1x128xf32> to vector<64x128xf32>
    %sub3A_1704 = arith.subf %broadcast_in_dim3A_1703, %broadcast_in_dim3A_18 : vector<64x128xf32>
    %mul3A_1705 = arith.mulf %sub3A_1704, %sub3A_1704 : vector<64x128xf32>
    %mul3A_1706 = arith.mulf %broadcast_in_dim3A_20, %mul3A_1705 : vector<64x128xf32>
    %exp23A_1707 = math.exp2 %mul3A_1706 : vector<64x128xf32>
    %mul3A_1708 = arith.mulf %broadcast_in_dim3A_22, %exp23A_1707 : vector<64x128xf32>
    %swap3A_1709 = arith.constant 0 : index
    %swap3A_1710 = arith.constant 11904 : index
    %swap3A_1711 = vector.load %arg4[%swap3A_1709, %swap3A_1710] : memref<64x25600xf32, #tpu.memory_space<vmem>>, vector<64x128xf32>
    tpu.vector_store %arg4[%swap3A_1709, %swap3A_1710], %mul3A_1708 {strides = array<i32>} : memref<64x25600xf32, #tpu.memory_space<vmem>>, vector<64x128xf32>,
    %get3A_1712 = arith.constant 94 : index
    %get3A_1713 = arith.constant 0 : index
    %get3A_1714 = vector.load %arg1[%get3A_1712, %get3A_1713] : memref<200x128xf32, #tpu.memory_space<vmem>>, vector<1x128xf32>
    %add3A_1715 = arith.constant 9.99999991E-38 : f32
    %add3A_1716 = vector.broadcast %add3A_1715 : f32 to vector<1x128xf32>
    %add3A_1717 = arith.addf %get3A_1714, %add3A_1716 : vector<1x128xf32>
    %rsqrt3A_1718 = math.rsqrt %add3A_1717 : vector<1x128xf32>
    %mul3A_1719 = arith.mulf %get3A_1714, %rsqrt3A_1718 : vector<1x128xf32>
    %broadcast_in_dim3A_1720 = vector.shape_cast %mul3A_1719 : vector<1x128xf32> to vector<1x128xf32>
    %broadcast_in_dim3A_1721 = vector.broadcast %broadcast_in_dim3A_1720 : vector<1x128xf32> to vector<64x128xf32>
    %sub3A_1722 = arith.subf %broadcast_in_dim3A_1721, %broadcast_in_dim3A_18 : vector<64x128xf32>
    %mul3A_1723 = arith.mulf %sub3A_1722, %sub3A_1722 : vector<64x128xf32>
    %mul3A_1724 = arith.mulf %broadcast_in_dim3A_20, %mul3A_1723 : vector<64x128xf32>
    %exp23A_1725 = math.exp2 %mul3A_1724 : vector<64x128xf32>
    %mul3A_1726 = arith.mulf %broadcast_in_dim3A_22, %exp23A_1725 : vector<64x128xf32>
    %swap3A_1727 = arith.constant 0 : index
    %swap3A_1728 = arith.constant 12032 : index
    %swap3A_1729 = vector.load %arg4[%swap3A_1727, %swap3A_1728] : memref<64x25600xf32, #tpu.memory_space<vmem>>, vector<64x128xf32>
    tpu.vector_store %arg4[%swap3A_1727, %swap3A_1728], %mul3A_1726 {strides = array<i32>} : memref<64x25600xf32, #tpu.memory_space<vmem>>, vector<64x128xf32>,
    %get3A_1730 = arith.constant 95 : index
    %get3A_1731 = arith.constant 0 : index
    %get3A_1732 = vector.load %arg1[%get3A_1730, %get3A_1731] : memref<200x128xf32, #tpu.memory_space<vmem>>, vector<1x128xf32>
    %add3A_1733 = arith.constant 9.99999991E-38 : f32
    %add3A_1734 = vector.broadcast %add3A_1733 : f32 to vector<1x128xf32>
    %add3A_1735 = arith.addf %get3A_1732, %add3A_1734 : vector<1x128xf32>
    %rsqrt3A_1736 = math.rsqrt %add3A_1735 : vector<1x128xf32>
    %mul3A_1737 = arith.mulf %get3A_1732, %rsqrt3A_1736 : vector<1x128xf32>
    %broadcast_in_dim3A_1738 = vector.shape_cast %mul3A_1737 : vector<1x128xf32> to vector<1x128xf32>
    %broadcast_in_dim3A_1739 = vector.broadcast %broadcast_in_dim3A_1738 : vector<1x128xf32> to vector<64x128xf32>
    %sub3A_1740 = arith.subf %broadcast_in_dim3A_1739, %broadcast_in_dim3A_18 : vector<64x128xf32>
    %mul3A_1741 = arith.mulf %sub3A_1740, %sub3A_1740 : vector<64x128xf32>
    %mul3A_1742 = arith.mulf %broadcast_in_dim3A_20, %mul3A_1741 : vector<64x128xf32>
    %exp23A_1743 = math.exp2 %mul3A_1742 : vector<64x128xf32>
    %mul3A_1744 = arith.mulf %broadcast_in_dim3A_22, %exp23A_1743 : vector<64x128xf32>
    %swap3A_1745 = arith.constant 0 : index
    %swap3A_1746 = arith.constant 12160 : index
    %swap3A_1747 = vector.load %arg4[%swap3A_1745, %swap3A_1746] : memref<64x25600xf32, #tpu.memory_space<vmem>>, vector<64x128xf32>
    tpu.vector_store %arg4[%swap3A_1745, %swap3A_1746], %mul3A_1744 {strides = array<i32>} : memref<64x25600xf32, #tpu.memory_space<vmem>>, vector<64x128xf32>,
    %get3A_1748 = arith.constant 96 : index
    %get3A_1749 = arith.constant 0 : index
    %get3A_1750 = vector.load %arg1[%get3A_1748, %get3A_1749] : memref<200x128xf32, #tpu.memory_space<vmem>>, vector<1x128xf32>
    %add3A_1751 = arith.constant 9.99999991E-38 : f32
    %add3A_1752 = vector.broadcast %add3A_1751 : f32 to vector<1x128xf32>
    %add3A_1753 = arith.addf %get3A_1750, %add3A_1752 : vector<1x128xf32>
    %rsqrt3A_1754 = math.rsqrt %add3A_1753 : vector<1x128xf32>
    %mul3A_1755 = arith.mulf %get3A_1750, %rsqrt3A_1754 : vector<1x128xf32>
    %broadcast_in_dim3A_1756 = vector.shape_cast %mul3A_1755 : vector<1x128xf32> to vector<1x128xf32>
    %broadcast_in_dim3A_1757 = vector.broadcast %broadcast_in_dim3A_1756 : vector<1x128xf32> to vector<64x128xf32>
    %sub3A_1758 = arith.subf %broadcast_in_dim3A_1757, %broadcast_in_dim3A_18 : vector<64x128xf32>
    %mul3A_1759 = arith.mulf %sub3A_1758, %sub3A_1758 : vector<64x128xf32>
    %mul3A_1760 = arith.mulf %broadcast_in_dim3A_20, %mul3A_1759 : vector<64x128xf32>
    %exp23A_1761 = math.exp2 %mul3A_1760 : vector<64x128xf32>
    %mul3A_1762 = arith.mulf %broadcast_in_dim3A_22, %exp23A_1761 : vector<64x128xf32>
    %swap3A_1763 = arith.constant 0 : index
    %swap3A_1764 = arith.constant 12288 : index
    %swap3A_1765 = vector.load %arg4[%swap3A_1763, %swap3A_1764] : memref<64x25600xf32, #tpu.memory_space<vmem>>, vector<64x128xf32>
    tpu.vector_store %arg4[%swap3A_1763, %swap3A_1764], %mul3A_1762 {strides = array<i32>} : memref<64x25600xf32, #tpu.memory_space<vmem>>, vector<64x128xf32>,
    %get3A_1766 = arith.constant 97 : index
    %get3A_1767 = arith.constant 0 : index
    %get3A_1768 = vector.load %arg1[%get3A_1766, %get3A_1767] : memref<200x128xf32, #tpu.memory_space<vmem>>, vector<1x128xf32>
    %add3A_1769 = arith.constant 9.99999991E-38 : f32
    %add3A_1770 = vector.broadcast %add3A_1769 : f32 to vector<1x128xf32>
    %add3A_1771 = arith.addf %get3A_1768, %add3A_1770 : vector<1x128xf32>
    %rsqrt3A_1772 = math.rsqrt %add3A_1771 : vector<1x128xf32>
    %mul3A_1773 = arith.mulf %get3A_1768, %rsqrt3A_1772 : vector<1x128xf32>
    %broadcast_in_dim3A_1774 = vector.shape_cast %mul3A_1773 : vector<1x128xf32> to vector<1x128xf32>
    %broadcast_in_dim3A_1775 = vector.broadcast %broadcast_in_dim3A_1774 : vector<1x128xf32> to vector<64x128xf32>
    %sub3A_1776 = arith.subf %broadcast_in_dim3A_1775, %broadcast_in_dim3A_18 : vector<64x128xf32>
    %mul3A_1777 = arith.mulf %sub3A_1776, %sub3A_1776 : vector<64x128xf32>
    %mul3A_1778 = arith.mulf %broadcast_in_dim3A_20, %mul3A_1777 : vector<64x128xf32>
    %exp23A_1779 = math.exp2 %mul3A_1778 : vector<64x128xf32>
    %mul3A_1780 = arith.mulf %broadcast_in_dim3A_22, %exp23A_1779 : vector<64x128xf32>
    %swap3A_1781 = arith.constant 0 : index
    %swap3A_1782 = arith.constant 12416 : index
    %swap3A_1783 = vector.load %arg4[%swap3A_1781, %swap3A_1782] : memref<64x25600xf32, #tpu.memory_space<vmem>>, vector<64x128xf32>
    tpu.vector_store %arg4[%swap3A_1781, %swap3A_1782], %mul3A_1780 {strides = array<i32>} : memref<64x25600xf32, #tpu.memory_space<vmem>>, vector<64x128xf32>,
    %get3A_1784 = arith.constant 98 : index
    %get3A_1785 = arith.constant 0 : index
    %get3A_1786 = vector.load %arg1[%get3A_1784, %get3A_1785] : memref<200x128xf32, #tpu.memory_space<vmem>>, vector<1x128xf32>
    %add3A_1787 = arith.constant 9.99999991E-38 : f32
    %add3A_1788 = vector.broadcast %add3A_1787 : f32 to vector<1x128xf32>
    %add3A_1789 = arith.addf %get3A_1786, %add3A_1788 : vector<1x128xf32>
    %rsqrt3A_1790 = math.rsqrt %add3A_1789 : vector<1x128xf32>
    %mul3A_1791 = arith.mulf %get3A_1786, %rsqrt3A_1790 : vector<1x128xf32>
    %broadcast_in_dim3A_1792 = vector.shape_cast %mul3A_1791 : vector<1x128xf32> to vector<1x128xf32>
    %broadcast_in_dim3A_1793 = vector.broadcast %broadcast_in_dim3A_1792 : vector<1x128xf32> to vector<64x128xf32>
    %sub3A_1794 = arith.subf %broadcast_in_dim3A_1793, %broadcast_in_dim3A_18 : vector<64x128xf32>
    %mul3A_1795 = arith.mulf %sub3A_1794, %sub3A_1794 : vector<64x128xf32>
    %mul3A_1796 = arith.mulf %broadcast_in_dim3A_20, %mul3A_1795 : vector<64x128xf32>
    %exp23A_1797 = math.exp2 %mul3A_1796 : vector<64x128xf32>
    %mul3A_1798 = arith.mulf %broadcast_in_dim3A_22, %exp23A_1797 : vector<64x128xf32>
    %swap3A_1799 = arith.constant 0 : index
    %swap3A_1800 = arith.constant 12544 : index
    %swap3A_1801 = vector.load %arg4[%swap3A_1799, %swap3A_1800] : memref<64x25600xf32, #tpu.memory_space<vmem>>, vector<64x128xf32>
    tpu.vector_store %arg4[%swap3A_1799, %swap3A_1800], %mul3A_1798 {strides = array<i32>} : memref<64x25600xf32, #tpu.memory_space<vmem>>, vector<64x128xf32>,
    %get3A_1802 = arith.constant 99 : index
    %get3A_1803 = arith.constant 0 : index
    %get3A_1804 = vector.load %arg1[%get3A_1802, %get3A_1803] : memref<200x128xf32, #tpu.memory_space<vmem>>, vector<1x128xf32>
    %add3A_1805 = arith.constant 9.99999991E-38 : f32
    %add3A_1806 = vector.broadcast %add3A_1805 : f32 to vector<1x128xf32>
    %add3A_1807 = arith.addf %get3A_1804, %add3A_1806 : vector<1x128xf32>
    %rsqrt3A_1808 = math.rsqrt %add3A_1807 : vector<1x128xf32>
    %mul3A_1809 = arith.mulf %get3A_1804, %rsqrt3A_1808 : vector<1x128xf32>
    %broadcast_in_dim3A_1810 = vector.shape_cast %mul3A_1809 : vector<1x128xf32> to vector<1x128xf32>
    %broadcast_in_dim3A_1811 = vector.broadcast %broadcast_in_dim3A_1810 : vector<1x128xf32> to vector<64x128xf32>
    %sub3A_1812 = arith.subf %broadcast_in_dim3A_1811, %broadcast_in_dim3A_18 : vector<64x128xf32>
    %mul3A_1813 = arith.mulf %sub3A_1812, %sub3A_1812 : vector<64x128xf32>
    %mul3A_1814 = arith.mulf %broadcast_in_dim3A_20, %mul3A_1813 : vector<64x128xf32>
    %exp23A_1815 = math.exp2 %mul3A_1814 : vector<64x128xf32>
    %mul3A_1816 = arith.mulf %broadcast_in_dim3A_22, %exp23A_1815 : vector<64x128xf32>
    %swap3A_1817 = arith.constant 0 : index
    %swap3A_1818 = arith.constant 12672 : index
    %swap3A_1819 = vector.load %arg4[%swap3A_1817, %swap3A_1818] : memref<64x25600xf32, #tpu.memory_space<vmem>>, vector<64x128xf32>
    tpu.vector_store %arg4[%swap3A_1817, %swap3A_1818], %mul3A_1816 {strides = array<i32>} : memref<64x25600xf32, #tpu.memory_space<vmem>>, vector<64x128xf32>,
    %get3A_1820 = arith.constant 100 : index
    %get3A_1821 = arith.constant 0 : index
    %get3A_1822 = vector.load %arg1[%get3A_1820, %get3A_1821] : memref<200x128xf32, #tpu.memory_space<vmem>>, vector<1x128xf32>
    %add3A_1823 = arith.constant 9.99999991E-38 : f32
    %add3A_1824 = vector.broadcast %add3A_1823 : f32 to vector<1x128xf32>
    %add3A_1825 = arith.addf %get3A_1822, %add3A_1824 : vector<1x128xf32>
    %rsqrt3A_1826 = math.rsqrt %add3A_1825 : vector<1x128xf32>
    %mul3A_1827 = arith.mulf %get3A_1822, %rsqrt3A_1826 : vector<1x128xf32>
    %broadcast_in_dim3A_1828 = vector.shape_cast %mul3A_1827 : vector<1x128xf32> to vector<1x128xf32>
    %broadcast_in_dim3A_1829 = vector.broadcast %broadcast_in_dim3A_1828 : vector<1x128xf32> to vector<64x128xf32>
    %sub3A_1830 = arith.subf %broadcast_in_dim3A_1829, %broadcast_in_dim3A_18 : vector<64x128xf32>
    %mul3A_1831 = arith.mulf %sub3A_1830, %sub3A_1830 : vector<64x128xf32>
    %mul3A_1832 = arith.mulf %broadcast_in_dim3A_20, %mul3A_1831 : vector<64x128xf32>
    %exp23A_1833 = math.exp2 %mul3A_1832 : vector<64x128xf32>
    %mul3A_1834 = arith.mulf %broadcast_in_dim3A_22, %exp23A_1833 : vector<64x128xf32>
    %swap3A_1835 = arith.constant 0 : index
    %swap3A_1836 = arith.constant 12800 : index
    %swap3A_1837 = vector.load %arg4[%swap3A_1835, %swap3A_1836] : memref<64x25600xf32, #tpu.memory_space<vmem>>, vector<64x128xf32>
    tpu.vector_store %arg4[%swap3A_1835, %swap3A_1836], %mul3A_1834 {strides = array<i32>} : memref<64x25600xf32, #tpu.memory_space<vmem>>, vector<64x128xf32>,
    %get3A_1838 = arith.constant 101 : index
    %get3A_1839 = arith.constant 0 : index
    %get3A_1840 = vector.load %arg1[%get3A_1838, %get3A_1839] : memref<200x128xf32, #tpu.memory_space<vmem>>, vector<1x128xf32>
    %add3A_1841 = arith.constant 9.99999991E-38 : f32
    %add3A_1842 = vector.broadcast %add3A_1841 : f32 to vector<1x128xf32>
    %add3A_1843 = arith.addf %get3A_1840, %add3A_1842 : vector<1x128xf32>
    %rsqrt3A_1844 = math.rsqrt %add3A_1843 : vector<1x128xf32>
    %mul3A_1845 = arith.mulf %get3A_1840, %rsqrt3A_1844 : vector<1x128xf32>
    %broadcast_in_dim3A_1846 = vector.shape_cast %mul3A_1845 : vector<1x128xf32> to vector<1x128xf32>
    %broadcast_in_dim3A_1847 = vector.broadcast %broadcast_in_dim3A_1846 : vector<1x128xf32> to vector<64x128xf32>
    %sub3A_1848 = arith.subf %broadcast_in_dim3A_1847, %broadcast_in_dim3A_18 : vector<64x128xf32>
    %mul3A_1849 = arith.mulf %sub3A_1848, %sub3A_1848 : vector<64x128xf32>
    %mul3A_1850 = arith.mulf %broadcast_in_dim3A_20, %mul3A_1849 : vector<64x128xf32>
    %exp23A_1851 = math.exp2 %mul3A_1850 : vector<64x128xf32>
    %mul3A_1852 = arith.mulf %broadcast_in_dim3A_22, %exp23A_1851 : vector<64x128xf32>
    %swap3A_1853 = arith.constant 0 : index
    %swap3A_1854 = arith.constant 12928 : index
    %swap3A_1855 = vector.load %arg4[%swap3A_1853, %swap3A_1854] : memref<64x25600xf32, #tpu.memory_space<vmem>>, vector<64x128xf32>
    tpu.vector_store %arg4[%swap3A_1853, %swap3A_1854], %mul3A_1852 {strides = array<i32>} : memref<64x25600xf32, #tpu.memory_space<vmem>>, vector<64x128xf32>,
    %get3A_1856 = arith.constant 102 : index
    %get3A_1857 = arith.constant 0 : index
    %get3A_1858 = vector.load %arg1[%get3A_1856, %get3A_1857] : memref<200x128xf32, #tpu.memory_space<vmem>>, vector<1x128xf32>
    %add3A_1859 = arith.constant 9.99999991E-38 : f32
    %add3A_1860 = vector.broadcast %add3A_1859 : f32 to vector<1x128xf32>
    %add3A_1861 = arith.addf %get3A_1858, %add3A_1860 : vector<1x128xf32>
    %rsqrt3A_1862 = math.rsqrt %add3A_1861 : vector<1x128xf32>
    %mul3A_1863 = arith.mulf %get3A_1858, %rsqrt3A_1862 : vector<1x128xf32>
    %broadcast_in_dim3A_1864 = vector.shape_cast %mul3A_1863 : vector<1x128xf32> to vector<1x128xf32>
    %broadcast_in_dim3A_1865 = vector.broadcast %broadcast_in_dim3A_1864 : vector<1x128xf32> to vector<64x128xf32>
    %sub3A_1866 = arith.subf %broadcast_in_dim3A_1865, %broadcast_in_dim3A_18 : vector<64x128xf32>
    %mul3A_1867 = arith.mulf %sub3A_1866, %sub3A_1866 : vector<64x128xf32>
    %mul3A_1868 = arith.mulf %broadcast_in_dim3A_20, %mul3A_1867 : vector<64x128xf32>
    %exp23A_1869 = math.exp2 %mul3A_1868 : vector<64x128xf32>
    %mul3A_1870 = arith.mulf %broadcast_in_dim3A_22, %exp23A_1869 : vector<64x128xf32>
    %swap3A_1871 = arith.constant 0 : index
    %swap3A_1872 = arith.constant 13056 : index
    %swap3A_1873 = vector.load %arg4[%swap3A_1871, %swap3A_1872] : memref<64x25600xf32, #tpu.memory_space<vmem>>, vector<64x128xf32>
    tpu.vector_store %arg4[%swap3A_1871, %swap3A_1872], %mul3A_1870 {strides = array<i32>} : memref<64x25600xf32, #tpu.memory_space<vmem>>, vector<64x128xf32>,
    %get3A_1874 = arith.constant 103 : index
    %get3A_1875 = arith.constant 0 : index
    %get3A_1876 = vector.load %arg1[%get3A_1874, %get3A_1875] : memref<200x128xf32, #tpu.memory_space<vmem>>, vector<1x128xf32>
    %add3A_1877 = arith.constant 9.99999991E-38 : f32
    %add3A_1878 = vector.broadcast %add3A_1877 : f32 to vector<1x128xf32>
    %add3A_1879 = arith.addf %get3A_1876, %add3A_1878 : vector<1x128xf32>
    %rsqrt3A_1880 = math.rsqrt %add3A_1879 : vector<1x128xf32>
    %mul3A_1881 = arith.mulf %get3A_1876, %rsqrt3A_1880 : vector<1x128xf32>
    %broadcast_in_dim3A_1882 = vector.shape_cast %mul3A_1881 : vector<1x128xf32> to vector<1x128xf32>
    %broadcast_in_dim3A_1883 = vector.broadcast %broadcast_in_dim3A_1882 : vector<1x128xf32> to vector<64x128xf32>
    %sub3A_1884 = arith.subf %broadcast_in_dim3A_1883, %broadcast_in_dim3A_18 : vector<64x128xf32>
    %mul3A_1885 = arith.mulf %sub3A_1884, %sub3A_1884 : vector<64x128xf32>
    %mul3A_1886 = arith.mulf %broadcast_in_dim3A_20, %mul3A_1885 : vector<64x128xf32>
    %exp23A_1887 = math.exp2 %mul3A_1886 : vector<64x128xf32>
    %mul3A_1888 = arith.mulf %broadcast_in_dim3A_22, %exp23A_1887 : vector<64x128xf32>
    %swap3A_1889 = arith.constant 0 : index
    %swap3A_1890 = arith.constant 13184 : index
    %swap3A_1891 = vector.load %arg4[%swap3A_1889, %swap3A_1890] : memref<64x25600xf32, #tpu.memory_space<vmem>>, vector<64x128xf32>
    tpu.vector_store %arg4[%swap3A_1889, %swap3A_1890], %mul3A_1888 {strides = array<i32>} : memref<64x25600xf32, #tpu.memory_space<vmem>>, vector<64x128xf32>,
    %get3A_1892 = arith.constant 104 : index
    %get3A_1893 = arith.constant 0 : index
    %get3A_1894 = vector.load %arg1[%get3A_1892, %get3A_1893] : memref<200x128xf32, #tpu.memory_space<vmem>>, vector<1x128xf32>
    %add3A_1895 = arith.constant 9.99999991E-38 : f32
    %add3A_1896 = vector.broadcast %add3A_1895 : f32 to vector<1x128xf32>
    %add3A_1897 = arith.addf %get3A_1894, %add3A_1896 : vector<1x128xf32>
    %rsqrt3A_1898 = math.rsqrt %add3A_1897 : vector<1x128xf32>
    %mul3A_1899 = arith.mulf %get3A_1894, %rsqrt3A_1898 : vector<1x128xf32>
    %broadcast_in_dim3A_1900 = vector.shape_cast %mul3A_1899 : vector<1x128xf32> to vector<1x128xf32>
    %broadcast_in_dim3A_1901 = vector.broadcast %broadcast_in_dim3A_1900 : vector<1x128xf32> to vector<64x128xf32>
    %sub3A_1902 = arith.subf %broadcast_in_dim3A_1901, %broadcast_in_dim3A_18 : vector<64x128xf32>
    %mul3A_1903 = arith.mulf %sub3A_1902, %sub3A_1902 : vector<64x128xf32>
    %mul3A_1904 = arith.mulf %broadcast_in_dim3A_20, %mul3A_1903 : vector<64x128xf32>
    %exp23A_1905 = math.exp2 %mul3A_1904 : vector<64x128xf32>
    %mul3A_1906 = arith.mulf %broadcast_in_dim3A_22, %exp23A_1905 : vector<64x128xf32>
    %swap3A_1907 = arith.constant 0 : index
    %swap3A_1908 = arith.constant 13312 : index
    %swap3A_1909 = vector.load %arg4[%swap3A_1907, %swap3A_1908] : memref<64x25600xf32, #tpu.memory_space<vmem>>, vector<64x128xf32>
    tpu.vector_store %arg4[%swap3A_1907, %swap3A_1908], %mul3A_1906 {strides = array<i32>} : memref<64x25600xf32, #tpu.memory_space<vmem>>, vector<64x128xf32>,
    %get3A_1910 = arith.constant 105 : index
    %get3A_1911 = arith.constant 0 : index
    %get3A_1912 = vector.load %arg1[%get3A_1910, %get3A_1911] : memref<200x128xf32, #tpu.memory_space<vmem>>, vector<1x128xf32>
    %add3A_1913 = arith.constant 9.99999991E-38 : f32
    %add3A_1914 = vector.broadcast %add3A_1913 : f32 to vector<1x128xf32>
    %add3A_1915 = arith.addf %get3A_1912, %add3A_1914 : vector<1x128xf32>
    %rsqrt3A_1916 = math.rsqrt %add3A_1915 : vector<1x128xf32>
    %mul3A_1917 = arith.mulf %get3A_1912, %rsqrt3A_1916 : vector<1x128xf32>
    %broadcast_in_dim3A_1918 = vector.shape_cast %mul3A_1917 : vector<1x128xf32> to vector<1x128xf32>
    %broadcast_in_dim3A_1919 = vector.broadcast %broadcast_in_dim3A_1918 : vector<1x128xf32> to vector<64x128xf32>
    %sub3A_1920 = arith.subf %broadcast_in_dim3A_1919, %broadcast_in_dim3A_18 : vector<64x128xf32>
    %mul3A_1921 = arith.mulf %sub3A_1920, %sub3A_1920 : vector<64x128xf32>
    %mul3A_1922 = arith.mulf %broadcast_in_dim3A_20, %mul3A_1921 : vector<64x128xf32>
    %exp23A_1923 = math.exp2 %mul3A_1922 : vector<64x128xf32>
    %mul3A_1924 = arith.mulf %broadcast_in_dim3A_22, %exp23A_1923 : vector<64x128xf32>
    %swap3A_1925 = arith.constant 0 : index
    %swap3A_1926 = arith.constant 13440 : index
    %swap3A_1927 = vector.load %arg4[%swap3A_1925, %swap3A_1926] : memref<64x25600xf32, #tpu.memory_space<vmem>>, vector<64x128xf32>
    tpu.vector_store %arg4[%swap3A_1925, %swap3A_1926], %mul3A_1924 {strides = array<i32>} : memref<64x25600xf32, #tpu.memory_space<vmem>>, vector<64x128xf32>,
    %get3A_1928 = arith.constant 106 : index
    %get3A_1929 = arith.constant 0 : index
    %get3A_1930 = vector.load %arg1[%get3A_1928, %get3A_1929] : memref<200x128xf32, #tpu.memory_space<vmem>>, vector<1x128xf32>
    %add3A_1931 = arith.constant 9.99999991E-38 : f32
    %add3A_1932 = vector.broadcast %add3A_1931 : f32 to vector<1x128xf32>
    %add3A_1933 = arith.addf %get3A_1930, %add3A_1932 : vector<1x128xf32>
    %rsqrt3A_1934 = math.rsqrt %add3A_1933 : vector<1x128xf32>
    %mul3A_1935 = arith.mulf %get3A_1930, %rsqrt3A_1934 : vector<1x128xf32>
    %broadcast_in_dim3A_1936 = vector.shape_cast %mul3A_1935 : vector<1x128xf32> to vector<1x128xf32>
    %broadcast_in_dim3A_1937 = vector.broadcast %broadcast_in_dim3A_1936 : vector<1x128xf32> to vector<64x128xf32>
    %sub3A_1938 = arith.subf %broadcast_in_dim3A_1937, %broadcast_in_dim3A_18 : vector<64x128xf32>
    %mul3A_1939 = arith.mulf %sub3A_1938, %sub3A_1938 : vector<64x128xf32>
    %mul3A_1940 = arith.mulf %broadcast_in_dim3A_20, %mul3A_1939 : vector<64x128xf32>
    %exp23A_1941 = math.exp2 %mul3A_1940 : vector<64x128xf32>
    %mul3A_1942 = arith.mulf %broadcast_in_dim3A_22, %exp23A_1941 : vector<64x128xf32>
    %swap3A_1943 = arith.constant 0 : index
    %swap3A_1944 = arith.constant 13568 : index
    %swap3A_1945 = vector.load %arg4[%swap3A_1943, %swap3A_1944] : memref<64x25600xf32, #tpu.memory_space<vmem>>, vector<64x128xf32>
    tpu.vector_store %arg4[%swap3A_1943, %swap3A_1944], %mul3A_1942 {strides = array<i32>} : memref<64x25600xf32, #tpu.memory_space<vmem>>, vector<64x128xf32>,
    %get3A_1946 = arith.constant 107 : index
    %get3A_1947 = arith.constant 0 : index
    %get3A_1948 = vector.load %arg1[%get3A_1946, %get3A_1947] : memref<200x128xf32, #tpu.memory_space<vmem>>, vector<1x128xf32>
    %add3A_1949 = arith.constant 9.99999991E-38 : f32
    %add3A_1950 = vector.broadcast %add3A_1949 : f32 to vector<1x128xf32>
    %add3A_1951 = arith.addf %get3A_1948, %add3A_1950 : vector<1x128xf32>
    %rsqrt3A_1952 = math.rsqrt %add3A_1951 : vector<1x128xf32>
    %mul3A_1953 = arith.mulf %get3A_1948, %rsqrt3A_1952 : vector<1x128xf32>
    %broadcast_in_dim3A_1954 = vector.shape_cast %mul3A_1953 : vector<1x128xf32> to vector<1x128xf32>
    %broadcast_in_dim3A_1955 = vector.broadcast %broadcast_in_dim3A_1954 : vector<1x128xf32> to vector<64x128xf32>
    %sub3A_1956 = arith.subf %broadcast_in_dim3A_1955, %broadcast_in_dim3A_18 : vector<64x128xf32>
    %mul3A_1957 = arith.mulf %sub3A_1956, %sub3A_1956 : vector<64x128xf32>
    %mul3A_1958 = arith.mulf %broadcast_in_dim3A_20, %mul3A_1957 : vector<64x128xf32>
    %exp23A_1959 = math.exp2 %mul3A_1958 : vector<64x128xf32>
    %mul3A_1960 = arith.mulf %broadcast_in_dim3A_22, %exp23A_1959 : vector<64x128xf32>
    %swap3A_1961 = arith.constant 0 : index
    %swap3A_1962 = arith.constant 13696 : index
    %swap3A_1963 = vector.load %arg4[%swap3A_1961, %swap3A_1962] : memref<64x25600xf32, #tpu.memory_space<vmem>>, vector<64x128xf32>
    tpu.vector_store %arg4[%swap3A_1961, %swap3A_1962], %mul3A_1960 {strides = array<i32>} : memref<64x25600xf32, #tpu.memory_space<vmem>>, vector<64x128xf32>,
    %get3A_1964 = arith.constant 108 : index
    %get3A_1965 = arith.constant 0 : index
    %get3A_1966 = vector.load %arg1[%get3A_1964, %get3A_1965] : memref<200x128xf32, #tpu.memory_space<vmem>>, vector<1x128xf32>
    %add3A_1967 = arith.constant 9.99999991E-38 : f32
    %add3A_1968 = vector.broadcast %add3A_1967 : f32 to vector<1x128xf32>
    %add3A_1969 = arith.addf %get3A_1966, %add3A_1968 : vector<1x128xf32>
    %rsqrt3A_1970 = math.rsqrt %add3A_1969 : vector<1x128xf32>
    %mul3A_1971 = arith.mulf %get3A_1966, %rsqrt3A_1970 : vector<1x128xf32>
    %broadcast_in_dim3A_1972 = vector.shape_cast %mul3A_1971 : vector<1x128xf32> to vector<1x128xf32>
    %broadcast_in_dim3A_1973 = vector.broadcast %broadcast_in_dim3A_1972 : vector<1x128xf32> to vector<64x128xf32>
    %sub3A_1974 = arith.subf %broadcast_in_dim3A_1973, %broadcast_in_dim3A_18 : vector<64x128xf32>
    %mul3A_1975 = arith.mulf %sub3A_1974, %sub3A_1974 : vector<64x128xf32>
    %mul3A_1976 = arith.mulf %broadcast_in_dim3A_20, %mul3A_1975 : vector<64x128xf32>
    %exp23A_1977 = math.exp2 %mul3A_1976 : vector<64x128xf32>
    %mul3A_1978 = arith.mulf %broadcast_in_dim3A_22, %exp23A_1977 : vector<64x128xf32>
    %swap3A_1979 = arith.constant 0 : index
    %swap3A_1980 = arith.constant 13824 : index
    %swap3A_1981 = vector.load %arg4[%swap3A_1979, %swap3A_1980] : memref<64x25600xf32, #tpu.memory_space<vmem>>, vector<64x128xf32>
    tpu.vector_store %arg4[%swap3A_1979, %swap3A_1980], %mul3A_1978 {strides = array<i32>} : memref<64x25600xf32, #tpu.memory_space<vmem>>, vector<64x128xf32>,
    %get3A_1982 = arith.constant 109 : index
    %get3A_1983 = arith.constant 0 : index
    %get3A_1984 = vector.load %arg1[%get3A_1982, %get3A_1983] : memref<200x128xf32, #tpu.memory_space<vmem>>, vector<1x128xf32>
    %add3A_1985 = arith.constant 9.99999991E-38 : f32
    %add3A_1986 = vector.broadcast %add3A_1985 : f32 to vector<1x128xf32>
    %add3A_1987 = arith.addf %get3A_1984, %add3A_1986 : vector<1x128xf32>
    %rsqrt3A_1988 = math.rsqrt %add3A_1987 : vector<1x128xf32>
    %mul3A_1989 = arith.mulf %get3A_1984, %rsqrt3A_1988 : vector<1x128xf32>
    %broadcast_in_dim3A_1990 = vector.shape_cast %mul3A_1989 : vector<1x128xf32> to vector<1x128xf32>
    %broadcast_in_dim3A_1991 = vector.broadcast %broadcast_in_dim3A_1990 : vector<1x128xf32> to vector<64x128xf32>
    %sub3A_1992 = arith.subf %broadcast_in_dim3A_1991, %broadcast_in_dim3A_18 : vector<64x128xf32>
    %mul3A_1993 = arith.mulf %sub3A_1992, %sub3A_1992 : vector<64x128xf32>
    %mul3A_1994 = arith.mulf %broadcast_in_dim3A_20, %mul3A_1993 : vector<64x128xf32>
    %exp23A_1995 = math.exp2 %mul3A_1994 : vector<64x128xf32>
    %mul3A_1996 = arith.mulf %broadcast_in_dim3A_22, %exp23A_1995 : vector<64x128xf32>
    %swap3A_1997 = arith.constant 0 : index
    %swap3A_1998 = arith.constant 13952 : index
    %swap3A_1999 = vector.load %arg4[%swap3A_1997, %swap3A_1998] : memref<64x25600xf32, #tpu.memory_space<vmem>>, vector<64x128xf32>
    tpu.vector_store %arg4[%swap3A_1997, %swap3A_1998], %mul3A_1996 {strides = array<i32>} : memref<64x25600xf32, #tpu.memory_space<vmem>>, vector<64x128xf32>,
    %get3A_2000 = arith.constant 110 : index
    %get3A_2001 = arith.constant 0 : index
    %get3A_2002 = vector.load %arg1[%get3A_2000, %get3A_2001] : memref<200x128xf32, #tpu.memory_space<vmem>>, vector<1x128xf32>
    %add3A_2003 = arith.constant 9.99999991E-38 : f32
    %add3A_2004 = vector.broadcast %add3A_2003 : f32 to vector<1x128xf32>
    %add3A_2005 = arith.addf %get3A_2002, %add3A_2004 : vector<1x128xf32>
    %rsqrt3A_2006 = math.rsqrt %add3A_2005 : vector<1x128xf32>
    %mul3A_2007 = arith.mulf %get3A_2002, %rsqrt3A_2006 : vector<1x128xf32>
    %broadcast_in_dim3A_2008 = vector.shape_cast %mul3A_2007 : vector<1x128xf32> to vector<1x128xf32>
    %broadcast_in_dim3A_2009 = vector.broadcast %broadcast_in_dim3A_2008 : vector<1x128xf32> to vector<64x128xf32>
    %sub3A_2010 = arith.subf %broadcast_in_dim3A_2009, %broadcast_in_dim3A_18 : vector<64x128xf32>
    %mul3A_2011 = arith.mulf %sub3A_2010, %sub3A_2010 : vector<64x128xf32>
    %mul3A_2012 = arith.mulf %broadcast_in_dim3A_20, %mul3A_2011 : vector<64x128xf32>
    %exp23A_2013 = math.exp2 %mul3A_2012 : vector<64x128xf32>
    %mul3A_2014 = arith.mulf %broadcast_in_dim3A_22, %exp23A_2013 : vector<64x128xf32>
    %swap3A_2015 = arith.constant 0 : index
    %swap3A_2016 = arith.constant 14080 : index
    %swap3A_2017 = vector.load %arg4[%swap3A_2015, %swap3A_2016] : memref<64x25600xf32, #tpu.memory_space<vmem>>, vector<64x128xf32>
    tpu.vector_store %arg4[%swap3A_2015, %swap3A_2016], %mul3A_2014 {strides = array<i32>} : memref<64x25600xf32, #tpu.memory_space<vmem>>, vector<64x128xf32>,
    %get3A_2018 = arith.constant 111 : index
    %get3A_2019 = arith.constant 0 : index
    %get3A_2020 = vector.load %arg1[%get3A_2018, %get3A_2019] : memref<200x128xf32, #tpu.memory_space<vmem>>, vector<1x128xf32>
    %add3A_2021 = arith.constant 9.99999991E-38 : f32
    %add3A_2022 = vector.broadcast %add3A_2021 : f32 to vector<1x128xf32>
    %add3A_2023 = arith.addf %get3A_2020, %add3A_2022 : vector<1x128xf32>
    %rsqrt3A_2024 = math.rsqrt %add3A_2023 : vector<1x128xf32>
    %mul3A_2025 = arith.mulf %get3A_2020, %rsqrt3A_2024 : vector<1x128xf32>
    %broadcast_in_dim3A_2026 = vector.shape_cast %mul3A_2025 : vector<1x128xf32> to vector<1x128xf32>
    %broadcast_in_dim3A_2027 = vector.broadcast %broadcast_in_dim3A_2026 : vector<1x128xf32> to vector<64x128xf32>
    %sub3A_2028 = arith.subf %broadcast_in_dim3A_2027, %broadcast_in_dim3A_18 : vector<64x128xf32>
    %mul3A_2029 = arith.mulf %sub3A_2028, %sub3A_2028 : vector<64x128xf32>
    %mul3A_2030 = arith.mulf %broadcast_in_dim3A_20, %mul3A_2029 : vector<64x128xf32>
    %exp23A_2031 = math.exp2 %mul3A_2030 : vector<64x128xf32>
    %mul3A_2032 = arith.mulf %broadcast_in_dim3A_22, %exp23A_2031 : vector<64x128xf32>
    %swap3A_2033 = arith.constant 0 : index
    %swap3A_2034 = arith.constant 14208 : index
    %swap3A_2035 = vector.load %arg4[%swap3A_2033, %swap3A_2034] : memref<64x25600xf32, #tpu.memory_space<vmem>>, vector<64x128xf32>
    tpu.vector_store %arg4[%swap3A_2033, %swap3A_2034], %mul3A_2032 {strides = array<i32>} : memref<64x25600xf32, #tpu.memory_space<vmem>>, vector<64x128xf32>,
    %get3A_2036 = arith.constant 112 : index
    %get3A_2037 = arith.constant 0 : index
    %get3A_2038 = vector.load %arg1[%get3A_2036, %get3A_2037] : memref<200x128xf32, #tpu.memory_space<vmem>>, vector<1x128xf32>
    %add3A_2039 = arith.constant 9.99999991E-38 : f32
    %add3A_2040 = vector.broadcast %add3A_2039 : f32 to vector<1x128xf32>
    %add3A_2041 = arith.addf %get3A_2038, %add3A_2040 : vector<1x128xf32>
    %rsqrt3A_2042 = math.rsqrt %add3A_2041 : vector<1x128xf32>
    %mul3A_2043 = arith.mulf %get3A_2038, %rsqrt3A_2042 : vector<1x128xf32>
    %broadcast_in_dim3A_2044 = vector.shape_cast %mul3A_2043 : vector<1x128xf32> to vector<1x128xf32>
    %broadcast_in_dim3A_2045 = vector.broadcast %broadcast_in_dim3A_2044 : vector<1x128xf32> to vector<64x128xf32>
    %sub3A_2046 = arith.subf %broadcast_in_dim3A_2045, %broadcast_in_dim3A_18 : vector<64x128xf32>
    %mul3A_2047 = arith.mulf %sub3A_2046, %sub3A_2046 : vector<64x128xf32>
    %mul3A_2048 = arith.mulf %broadcast_in_dim3A_20, %mul3A_2047 : vector<64x128xf32>
    %exp23A_2049 = math.exp2 %mul3A_2048 : vector<64x128xf32>
    %mul3A_2050 = arith.mulf %broadcast_in_dim3A_22, %exp23A_2049 : vector<64x128xf32>
    %swap3A_2051 = arith.constant 0 : index
    %swap3A_2052 = arith.constant 14336 : index
    %swap3A_2053 = vector.load %arg4[%swap3A_2051, %swap3A_2052] : memref<64x25600xf32, #tpu.memory_space<vmem>>, vector<64x128xf32>
    tpu.vector_store %arg4[%swap3A_2051, %swap3A_2052], %mul3A_2050 {strides = array<i32>} : memref<64x25600xf32, #tpu.memory_space<vmem>>, vector<64x128xf32>,
    %get3A_2054 = arith.constant 113 : index
    %get3A_2055 = arith.constant 0 : index
    %get3A_2056 = vector.load %arg1[%get3A_2054, %get3A_2055] : memref<200x128xf32, #tpu.memory_space<vmem>>, vector<1x128xf32>
    %add3A_2057 = arith.constant 9.99999991E-38 : f32
    %add3A_2058 = vector.broadcast %add3A_2057 : f32 to vector<1x128xf32>
    %add3A_2059 = arith.addf %get3A_2056, %add3A_2058 : vector<1x128xf32>
    %rsqrt3A_2060 = math.rsqrt %add3A_2059 : vector<1x128xf32>
    %mul3A_2061 = arith.mulf %get3A_2056, %rsqrt3A_2060 : vector<1x128xf32>
    %broadcast_in_dim3A_2062 = vector.shape_cast %mul3A_2061 : vector<1x128xf32> to vector<1x128xf32>
    %broadcast_in_dim3A_2063 = vector.broadcast %broadcast_in_dim3A_2062 : vector<1x128xf32> to vector<64x128xf32>
    %sub3A_2064 = arith.subf %broadcast_in_dim3A_2063, %broadcast_in_dim3A_18 : vector<64x128xf32>
    %mul3A_2065 = arith.mulf %sub3A_2064, %sub3A_2064 : vector<64x128xf32>
    %mul3A_2066 = arith.mulf %broadcast_in_dim3A_20, %mul3A_2065 : vector<64x128xf32>
    %exp23A_2067 = math.exp2 %mul3A_2066 : vector<64x128xf32>
    %mul3A_2068 = arith.mulf %broadcast_in_dim3A_22, %exp23A_2067 : vector<64x128xf32>
    %swap3A_2069 = arith.constant 0 : index
    %swap3A_2070 = arith.constant 14464 : index
    %swap3A_2071 = vector.load %arg4[%swap3A_2069, %swap3A_2070] : memref<64x25600xf32, #tpu.memory_space<vmem>>, vector<64x128xf32>
    tpu.vector_store %arg4[%swap3A_2069, %swap3A_2070], %mul3A_2068 {strides = array<i32>} : memref<64x25600xf32, #tpu.memory_space<vmem>>, vector<64x128xf32>,
    %get3A_2072 = arith.constant 114 : index
    %get3A_2073 = arith.constant 0 : index
    %get3A_2074 = vector.load %arg1[%get3A_2072, %get3A_2073] : memref<200x128xf32, #tpu.memory_space<vmem>>, vector<1x128xf32>
    %add3A_2075 = arith.constant 9.99999991E-38 : f32
    %add3A_2076 = vector.broadcast %add3A_2075 : f32 to vector<1x128xf32>
    %add3A_2077 = arith.addf %get3A_2074, %add3A_2076 : vector<1x128xf32>
    %rsqrt3A_2078 = math.rsqrt %add3A_2077 : vector<1x128xf32>
    %mul3A_2079 = arith.mulf %get3A_2074, %rsqrt3A_2078 : vector<1x128xf32>
    %broadcast_in_dim3A_2080 = vector.shape_cast %mul3A_2079 : vector<1x128xf32> to vector<1x128xf32>
    %broadcast_in_dim3A_2081 = vector.broadcast %broadcast_in_dim3A_2080 : vector<1x128xf32> to vector<64x128xf32>
    %sub3A_2082 = arith.subf %broadcast_in_dim3A_2081, %broadcast_in_dim3A_18 : vector<64x128xf32>
    %mul3A_2083 = arith.mulf %sub3A_2082, %sub3A_2082 : vector<64x128xf32>
    %mul3A_2084 = arith.mulf %broadcast_in_dim3A_20, %mul3A_2083 : vector<64x128xf32>
    %exp23A_2085 = math.exp2 %mul3A_2084 : vector<64x128xf32>
    %mul3A_2086 = arith.mulf %broadcast_in_dim3A_22, %exp23A_2085 : vector<64x128xf32>
    %swap3A_2087 = arith.constant 0 : index
    %swap3A_2088 = arith.constant 14592 : index
    %swap3A_2089 = vector.load %arg4[%swap3A_2087, %swap3A_2088] : memref<64x25600xf32, #tpu.memory_space<vmem>>, vector<64x128xf32>
    tpu.vector_store %arg4[%swap3A_2087, %swap3A_2088], %mul3A_2086 {strides = array<i32>} : memref<64x25600xf32, #tpu.memory_space<vmem>>, vector<64x128xf32>,
    %get3A_2090 = arith.constant 115 : index
    %get3A_2091 = arith.constant 0 : index
    %get3A_2092 = vector.load %arg1[%get3A_2090, %get3A_2091] : memref<200x128xf32, #tpu.memory_space<vmem>>, vector<1x128xf32>
    %add3A_2093 = arith.constant 9.99999991E-38 : f32
    %add3A_2094 = vector.broadcast %add3A_2093 : f32 to vector<1x128xf32>
    %add3A_2095 = arith.addf %get3A_2092, %add3A_2094 : vector<1x128xf32>
    %rsqrt3A_2096 = math.rsqrt %add3A_2095 : vector<1x128xf32>
    %mul3A_2097 = arith.mulf %get3A_2092, %rsqrt3A_2096 : vector<1x128xf32>
    %broadcast_in_dim3A_2098 = vector.shape_cast %mul3A_2097 : vector<1x128xf32> to vector<1x128xf32>
    %broadcast_in_dim3A_2099 = vector.broadcast %broadcast_in_dim3A_2098 : vector<1x128xf32> to vector<64x128xf32>
    %sub3A_2100 = arith.subf %broadcast_in_dim3A_2099, %broadcast_in_dim3A_18 : vector<64x128xf32>
    %mul3A_2101 = arith.mulf %sub3A_2100, %sub3A_2100 : vector<64x128xf32>
    %mul3A_2102 = arith.mulf %broadcast_in_dim3A_20, %mul3A_2101 : vector<64x128xf32>
    %exp23A_2103 = math.exp2 %mul3A_2102 : vector<64x128xf32>
    %mul3A_2104 = arith.mulf %broadcast_in_dim3A_22, %exp23A_2103 : vector<64x128xf32>
    %swap3A_2105 = arith.constant 0 : index
    %swap3A_2106 = arith.constant 14720 : index
    %swap3A_2107 = vector.load %arg4[%swap3A_2105, %swap3A_2106] : memref<64x25600xf32, #tpu.memory_space<vmem>>, vector<64x128xf32>
    tpu.vector_store %arg4[%swap3A_2105, %swap3A_2106], %mul3A_2104 {strides = array<i32>} : memref<64x25600xf32, #tpu.memory_space<vmem>>, vector<64x128xf32>,
    %get3A_2108 = arith.constant 116 : index
    %get3A_2109 = arith.constant 0 : index
    %get3A_2110 = vector.load %arg1[%get3A_2108, %get3A_2109] : memref<200x128xf32, #tpu.memory_space<vmem>>, vector<1x128xf32>
    %add3A_2111 = arith.constant 9.99999991E-38 : f32
    %add3A_2112 = vector.broadcast %add3A_2111 : f32 to vector<1x128xf32>
    %add3A_2113 = arith.addf %get3A_2110, %add3A_2112 : vector<1x128xf32>
    %rsqrt3A_2114 = math.rsqrt %add3A_2113 : vector<1x128xf32>
    %mul3A_2115 = arith.mulf %get3A_2110, %rsqrt3A_2114 : vector<1x128xf32>
    %broadcast_in_dim3A_2116 = vector.shape_cast %mul3A_2115 : vector<1x128xf32> to vector<1x128xf32>
    %broadcast_in_dim3A_2117 = vector.broadcast %broadcast_in_dim3A_2116 : vector<1x128xf32> to vector<64x128xf32>
    %sub3A_2118 = arith.subf %broadcast_in_dim3A_2117, %broadcast_in_dim3A_18 : vector<64x128xf32>
    %mul3A_2119 = arith.mulf %sub3A_2118, %sub3A_2118 : vector<64x128xf32>
    %mul3A_2120 = arith.mulf %broadcast_in_dim3A_20, %mul3A_2119 : vector<64x128xf32>
    %exp23A_2121 = math.exp2 %mul3A_2120 : vector<64x128xf32>
    %mul3A_2122 = arith.mulf %broadcast_in_dim3A_22, %exp23A_2121 : vector<64x128xf32>
    %swap3A_2123 = arith.constant 0 : index
    %swap3A_2124 = arith.constant 14848 : index
    %swap3A_2125 = vector.load %arg4[%swap3A_2123, %swap3A_2124] : memref<64x25600xf32, #tpu.memory_space<vmem>>, vector<64x128xf32>
    tpu.vector_store %arg4[%swap3A_2123, %swap3A_2124], %mul3A_2122 {strides = array<i32>} : memref<64x25600xf32, #tpu.memory_space<vmem>>, vector<64x128xf32>,
    %get3A_2126 = arith.constant 117 : index
    %get3A_2127 = arith.constant 0 : index
    %get3A_2128 = vector.load %arg1[%get3A_2126, %get3A_2127] : memref<200x128xf32, #tpu.memory_space<vmem>>, vector<1x128xf32>
    %add3A_2129 = arith.constant 9.99999991E-38 : f32
    %add3A_2130 = vector.broadcast %add3A_2129 : f32 to vector<1x128xf32>
    %add3A_2131 = arith.addf %get3A_2128, %add3A_2130 : vector<1x128xf32>
    %rsqrt3A_2132 = math.rsqrt %add3A_2131 : vector<1x128xf32>
    %mul3A_2133 = arith.mulf %get3A_2128, %rsqrt3A_2132 : vector<1x128xf32>
    %broadcast_in_dim3A_2134 = vector.shape_cast %mul3A_2133 : vector<1x128xf32> to vector<1x128xf32>
    %broadcast_in_dim3A_2135 = vector.broadcast %broadcast_in_dim3A_2134 : vector<1x128xf32> to vector<64x128xf32>
    %sub3A_2136 = arith.subf %broadcast_in_dim3A_2135, %broadcast_in_dim3A_18 : vector<64x128xf32>
    %mul3A_2137 = arith.mulf %sub3A_2136, %sub3A_2136 : vector<64x128xf32>
    %mul3A_2138 = arith.mulf %broadcast_in_dim3A_20, %mul3A_2137 : vector<64x128xf32>
    %exp23A_2139 = math.exp2 %mul3A_2138 : vector<64x128xf32>
    %mul3A_2140 = arith.mulf %broadcast_in_dim3A_22, %exp23A_2139 : vector<64x128xf32>
    %swap3A_2141 = arith.constant 0 : index
    %swap3A_2142 = arith.constant 14976 : index
    %swap3A_2143 = vector.load %arg4[%swap3A_2141, %swap3A_2142] : memref<64x25600xf32, #tpu.memory_space<vmem>>, vector<64x128xf32>
    tpu.vector_store %arg4[%swap3A_2141, %swap3A_2142], %mul3A_2140 {strides = array<i32>} : memref<64x25600xf32, #tpu.memory_space<vmem>>, vector<64x128xf32>,
    %get3A_2144 = arith.constant 118 : index
    %get3A_2145 = arith.constant 0 : index
    %get3A_2146 = vector.load %arg1[%get3A_2144, %get3A_2145] : memref<200x128xf32, #tpu.memory_space<vmem>>, vector<1x128xf32>
    %add3A_2147 = arith.constant 9.99999991E-38 : f32
    %add3A_2148 = vector.broadcast %add3A_2147 : f32 to vector<1x128xf32>
    %add3A_2149 = arith.addf %get3A_2146, %add3A_2148 : vector<1x128xf32>
    %rsqrt3A_2150 = math.rsqrt %add3A_2149 : vector<1x128xf32>
    %mul3A_2151 = arith.mulf %get3A_2146, %rsqrt3A_2150 : vector<1x128xf32>
    %broadcast_in_dim3A_2152 = vector.shape_cast %mul3A_2151 : vector<1x128xf32> to vector<1x128xf32>
    %broadcast_in_dim3A_2153 = vector.broadcast %broadcast_in_dim3A_2152 : vector<1x128xf32> to vector<64x128xf32>
    %sub3A_2154 = arith.subf %broadcast_in_dim3A_2153, %broadcast_in_dim3A_18 : vector<64x128xf32>
    %mul3A_2155 = arith.mulf %sub3A_2154, %sub3A_2154 : vector<64x128xf32>
    %mul3A_2156 = arith.mulf %broadcast_in_dim3A_20, %mul3A_2155 : vector<64x128xf32>
    %exp23A_2157 = math.exp2 %mul3A_2156 : vector<64x128xf32>
    %mul3A_2158 = arith.mulf %broadcast_in_dim3A_22, %exp23A_2157 : vector<64x128xf32>
    %swap3A_2159 = arith.constant 0 : index
    %swap3A_2160 = arith.constant 15104 : index
    %swap3A_2161 = vector.load %arg4[%swap3A_2159, %swap3A_2160] : memref<64x25600xf32, #tpu.memory_space<vmem>>, vector<64x128xf32>
    tpu.vector_store %arg4[%swap3A_2159, %swap3A_2160], %mul3A_2158 {strides = array<i32>} : memref<64x25600xf32, #tpu.memory_space<vmem>>, vector<64x128xf32>,
    %get3A_2162 = arith.constant 119 : index
    %get3A_2163 = arith.constant 0 : index
    %get3A_2164 = vector.load %arg1[%get3A_2162, %get3A_2163] : memref<200x128xf32, #tpu.memory_space<vmem>>, vector<1x128xf32>
    %add3A_2165 = arith.constant 9.99999991E-38 : f32
    %add3A_2166 = vector.broadcast %add3A_2165 : f32 to vector<1x128xf32>
    %add3A_2167 = arith.addf %get3A_2164, %add3A_2166 : vector<1x128xf32>
    %rsqrt3A_2168 = math.rsqrt %add3A_2167 : vector<1x128xf32>
    %mul3A_2169 = arith.mulf %get3A_2164, %rsqrt3A_2168 : vector<1x128xf32>
    %broadcast_in_dim3A_2170 = vector.shape_cast %mul3A_2169 : vector<1x128xf32> to vector<1x128xf32>
    %broadcast_in_dim3A_2171 = vector.broadcast %broadcast_in_dim3A_2170 : vector<1x128xf32> to vector<64x128xf32>
    %sub3A_2172 = arith.subf %broadcast_in_dim3A_2171, %broadcast_in_dim3A_18 : vector<64x128xf32>
    %mul3A_2173 = arith.mulf %sub3A_2172, %sub3A_2172 : vector<64x128xf32>
    %mul3A_2174 = arith.mulf %broadcast_in_dim3A_20, %mul3A_2173 : vector<64x128xf32>
    %exp23A_2175 = math.exp2 %mul3A_2174 : vector<64x128xf32>
    %mul3A_2176 = arith.mulf %broadcast_in_dim3A_22, %exp23A_2175 : vector<64x128xf32>
    %swap3A_2177 = arith.constant 0 : index
    %swap3A_2178 = arith.constant 15232 : index
    %swap3A_2179 = vector.load %arg4[%swap3A_2177, %swap3A_2178] : memref<64x25600xf32, #tpu.memory_space<vmem>>, vector<64x128xf32>
    tpu.vector_store %arg4[%swap3A_2177, %swap3A_2178], %mul3A_2176 {strides = array<i32>} : memref<64x25600xf32, #tpu.memory_space<vmem>>, vector<64x128xf32>,
    %get3A_2180 = arith.constant 120 : index
    %get3A_2181 = arith.constant 0 : index
    %get3A_2182 = vector.load %arg1[%get3A_2180, %get3A_2181] : memref<200x128xf32, #tpu.memory_space<vmem>>, vector<1x128xf32>
    %add3A_2183 = arith.constant 9.99999991E-38 : f32
    %add3A_2184 = vector.broadcast %add3A_2183 : f32 to vector<1x128xf32>
    %add3A_2185 = arith.addf %get3A_2182, %add3A_2184 : vector<1x128xf32>
    %rsqrt3A_2186 = math.rsqrt %add3A_2185 : vector<1x128xf32>
    %mul3A_2187 = arith.mulf %get3A_2182, %rsqrt3A_2186 : vector<1x128xf32>
    %broadcast_in_dim3A_2188 = vector.shape_cast %mul3A_2187 : vector<1x128xf32> to vector<1x128xf32>
    %broadcast_in_dim3A_2189 = vector.broadcast %broadcast_in_dim3A_2188 : vector<1x128xf32> to vector<64x128xf32>
    %sub3A_2190 = arith.subf %broadcast_in_dim3A_2189, %broadcast_in_dim3A_18 : vector<64x128xf32>
    %mul3A_2191 = arith.mulf %sub3A_2190, %sub3A_2190 : vector<64x128xf32>
    %mul3A_2192 = arith.mulf %broadcast_in_dim3A_20, %mul3A_2191 : vector<64x128xf32>
    %exp23A_2193 = math.exp2 %mul3A_2192 : vector<64x128xf32>
    %mul3A_2194 = arith.mulf %broadcast_in_dim3A_22, %exp23A_2193 : vector<64x128xf32>
    %swap3A_2195 = arith.constant 0 : index
    %swap3A_2196 = arith.constant 15360 : index
    %swap3A_2197 = vector.load %arg4[%swap3A_2195, %swap3A_2196] : memref<64x25600xf32, #tpu.memory_space<vmem>>, vector<64x128xf32>
    tpu.vector_store %arg4[%swap3A_2195, %swap3A_2196], %mul3A_2194 {strides = array<i32>} : memref<64x25600xf32, #tpu.memory_space<vmem>>, vector<64x128xf32>,
    %get3A_2198 = arith.constant 121 : index
    %get3A_2199 = arith.constant 0 : index
    %get3A_2200 = vector.load %arg1[%get3A_2198, %get3A_2199] : memref<200x128xf32, #tpu.memory_space<vmem>>, vector<1x128xf32>
    %add3A_2201 = arith.constant 9.99999991E-38 : f32
    %add3A_2202 = vector.broadcast %add3A_2201 : f32 to vector<1x128xf32>
    %add3A_2203 = arith.addf %get3A_2200, %add3A_2202 : vector<1x128xf32>
    %rsqrt3A_2204 = math.rsqrt %add3A_2203 : vector<1x128xf32>
    %mul3A_2205 = arith.mulf %get3A_2200, %rsqrt3A_2204 : vector<1x128xf32>
    %broadcast_in_dim3A_2206 = vector.shape_cast %mul3A_2205 : vector<1x128xf32> to vector<1x128xf32>
    %broadcast_in_dim3A_2207 = vector.broadcast %broadcast_in_dim3A_2206 : vector<1x128xf32> to vector<64x128xf32>
    %sub3A_2208 = arith.subf %broadcast_in_dim3A_2207, %broadcast_in_dim3A_18 : vector<64x128xf32>
    %mul3A_2209 = arith.mulf %sub3A_2208, %sub3A_2208 : vector<64x128xf32>
    %mul3A_2210 = arith.mulf %broadcast_in_dim3A_20, %mul3A_2209 : vector<64x128xf32>
    %exp23A_2211 = math.exp2 %mul3A_2210 : vector<64x128xf32>
    %mul3A_2212 = arith.mulf %broadcast_in_dim3A_22, %exp23A_2211 : vector<64x128xf32>
    %swap3A_2213 = arith.constant 0 : index
    %swap3A_2214 = arith.constant 15488 : index
    %swap3A_2215 = vector.load %arg4[%swap3A_2213, %swap3A_2214] : memref<64x25600xf32, #tpu.memory_space<vmem>>, vector<64x128xf32>
    tpu.vector_store %arg4[%swap3A_2213, %swap3A_2214], %mul3A_2212 {strides = array<i32>} : memref<64x25600xf32, #tpu.memory_space<vmem>>, vector<64x128xf32>,
    %get3A_2216 = arith.constant 122 : index
    %get3A_2217 = arith.constant 0 : index
    %get3A_2218 = vector.load %arg1[%get3A_2216, %get3A_2217] : memref<200x128xf32, #tpu.memory_space<vmem>>, vector<1x128xf32>
    %add3A_2219 = arith.constant 9.99999991E-38 : f32
    %add3A_2220 = vector.broadcast %add3A_2219 : f32 to vector<1x128xf32>
    %add3A_2221 = arith.addf %get3A_2218, %add3A_2220 : vector<1x128xf32>
    %rsqrt3A_2222 = math.rsqrt %add3A_2221 : vector<1x128xf32>
    %mul3A_2223 = arith.mulf %get3A_2218, %rsqrt3A_2222 : vector<1x128xf32>
    %broadcast_in_dim3A_2224 = vector.shape_cast %mul3A_2223 : vector<1x128xf32> to vector<1x128xf32>
    %broadcast_in_dim3A_2225 = vector.broadcast %broadcast_in_dim3A_2224 : vector<1x128xf32> to vector<64x128xf32>
    %sub3A_2226 = arith.subf %broadcast_in_dim3A_2225, %broadcast_in_dim3A_18 : vector<64x128xf32>
    %mul3A_2227 = arith.mulf %sub3A_2226, %sub3A_2226 : vector<64x128xf32>
    %mul3A_2228 = arith.mulf %broadcast_in_dim3A_20, %mul3A_2227 : vector<64x128xf32>
    %exp23A_2229 = math.exp2 %mul3A_2228 : vector<64x128xf32>
    %mul3A_2230 = arith.mulf %broadcast_in_dim3A_22, %exp23A_2229 : vector<64x128xf32>
    %swap3A_2231 = arith.constant 0 : index
    %swap3A_2232 = arith.constant 15616 : index
    %swap3A_2233 = vector.load %arg4[%swap3A_2231, %swap3A_2232] : memref<64x25600xf32, #tpu.memory_space<vmem>>, vector<64x128xf32>
    tpu.vector_store %arg4[%swap3A_2231, %swap3A_2232], %mul3A_2230 {strides = array<i32>} : memref<64x25600xf32, #tpu.memory_space<vmem>>, vector<64x128xf32>,
    %get3A_2234 = arith.constant 123 : index
    %get3A_2235 = arith.constant 0 : index
    %get3A_2236 = vector.load %arg1[%get3A_2234, %get3A_2235] : memref<200x128xf32, #tpu.memory_space<vmem>>, vector<1x128xf32>
    %add3A_2237 = arith.constant 9.99999991E-38 : f32
    %add3A_2238 = vector.broadcast %add3A_2237 : f32 to vector<1x128xf32>
    %add3A_2239 = arith.addf %get3A_2236, %add3A_2238 : vector<1x128xf32>
    %rsqrt3A_2240 = math.rsqrt %add3A_2239 : vector<1x128xf32>
    %mul3A_2241 = arith.mulf %get3A_2236, %rsqrt3A_2240 : vector<1x128xf32>
    %broadcast_in_dim3A_2242 = vector.shape_cast %mul3A_2241 : vector<1x128xf32> to vector<1x128xf32>
    %broadcast_in_dim3A_2243 = vector.broadcast %broadcast_in_dim3A_2242 : vector<1x128xf32> to vector<64x128xf32>
    %sub3A_2244 = arith.subf %broadcast_in_dim3A_2243, %broadcast_in_dim3A_18 : vector<64x128xf32>
    %mul3A_2245 = arith.mulf %sub3A_2244, %sub3A_2244 : vector<64x128xf32>
    %mul3A_2246 = arith.mulf %broadcast_in_dim3A_20, %mul3A_2245 : vector<64x128xf32>
    %exp23A_2247 = math.exp2 %mul3A_2246 : vector<64x128xf32>
    %mul3A_2248 = arith.mulf %broadcast_in_dim3A_22, %exp23A_2247 : vector<64x128xf32>
    %swap3A_2249 = arith.constant 0 : index
    %swap3A_2250 = arith.constant 15744 : index
    %swap3A_2251 = vector.load %arg4[%swap3A_2249, %swap3A_2250] : memref<64x25600xf32, #tpu.memory_space<vmem>>, vector<64x128xf32>
    tpu.vector_store %arg4[%swap3A_2249, %swap3A_2250], %mul3A_2248 {strides = array<i32>} : memref<64x25600xf32, #tpu.memory_space<vmem>>, vector<64x128xf32>,
    %get3A_2252 = arith.constant 124 : index
    %get3A_2253 = arith.constant 0 : index
    %get3A_2254 = vector.load %arg1[%get3A_2252, %get3A_2253] : memref<200x128xf32, #tpu.memory_space<vmem>>, vector<1x128xf32>
    %add3A_2255 = arith.constant 9.99999991E-38 : f32
    %add3A_2256 = vector.broadcast %add3A_2255 : f32 to vector<1x128xf32>
    %add3A_2257 = arith.addf %get3A_2254, %add3A_2256 : vector<1x128xf32>
    %rsqrt3A_2258 = math.rsqrt %add3A_2257 : vector<1x128xf32>
    %mul3A_2259 = arith.mulf %get3A_2254, %rsqrt3A_2258 : vector<1x128xf32>
    %broadcast_in_dim3A_2260 = vector.shape_cast %mul3A_2259 : vector<1x128xf32> to vector<1x128xf32>
    %broadcast_in_dim3A_2261 = vector.broadcast %broadcast_in_dim3A_2260 : vector<1x128xf32> to vector<64x128xf32>
    %sub3A_2262 = arith.subf %broadcast_in_dim3A_2261, %broadcast_in_dim3A_18 : vector<64x128xf32>
    %mul3A_2263 = arith.mulf %sub3A_2262, %sub3A_2262 : vector<64x128xf32>
    %mul3A_2264 = arith.mulf %broadcast_in_dim3A_20, %mul3A_2263 : vector<64x128xf32>
    %exp23A_2265 = math.exp2 %mul3A_2264 : vector<64x128xf32>
    %mul3A_2266 = arith.mulf %broadcast_in_dim3A_22, %exp23A_2265 : vector<64x128xf32>
    %swap3A_2267 = arith.constant 0 : index
    %swap3A_2268 = arith.constant 15872 : index
    %swap3A_2269 = vector.load %arg4[%swap3A_2267, %swap3A_2268] : memref<64x25600xf32, #tpu.memory_space<vmem>>, vector<64x128xf32>
    tpu.vector_store %arg4[%swap3A_2267, %swap3A_2268], %mul3A_2266 {strides = array<i32>} : memref<64x25600xf32, #tpu.memory_space<vmem>>, vector<64x128xf32>,
    %get3A_2270 = arith.constant 125 : index
    %get3A_2271 = arith.constant 0 : index
    %get3A_2272 = vector.load %arg1[%get3A_2270, %get3A_2271] : memref<200x128xf32, #tpu.memory_space<vmem>>, vector<1x128xf32>
    %add3A_2273 = arith.constant 9.99999991E-38 : f32
    %add3A_2274 = vector.broadcast %add3A_2273 : f32 to vector<1x128xf32>
    %add3A_2275 = arith.addf %get3A_2272, %add3A_2274 : vector<1x128xf32>
    %rsqrt3A_2276 = math.rsqrt %add3A_2275 : vector<1x128xf32>
    %mul3A_2277 = arith.mulf %get3A_2272, %rsqrt3A_2276 : vector<1x128xf32>
    %broadcast_in_dim3A_2278 = vector.shape_cast %mul3A_2277 : vector<1x128xf32> to vector<1x128xf32>
    %broadcast_in_dim3A_2279 = vector.broadcast %broadcast_in_dim3A_2278 : vector<1x128xf32> to vector<64x128xf32>
    %sub3A_2280 = arith.subf %broadcast_in_dim3A_2279, %broadcast_in_dim3A_18 : vector<64x128xf32>
    %mul3A_2281 = arith.mulf %sub3A_2280, %sub3A_2280 : vector<64x128xf32>
    %mul3A_2282 = arith.mulf %broadcast_in_dim3A_20, %mul3A_2281 : vector<64x128xf32>
    %exp23A_2283 = math.exp2 %mul3A_2282 : vector<64x128xf32>
    %mul3A_2284 = arith.mulf %broadcast_in_dim3A_22, %exp23A_2283 : vector<64x128xf32>
    %swap3A_2285 = arith.constant 0 : index
    %swap3A_2286 = arith.constant 16000 : index
    %swap3A_2287 = vector.load %arg4[%swap3A_2285, %swap3A_2286] : memref<64x25600xf32, #tpu.memory_space<vmem>>, vector<64x128xf32>
    tpu.vector_store %arg4[%swap3A_2285, %swap3A_2286], %mul3A_2284 {strides = array<i32>} : memref<64x25600xf32, #tpu.memory_space<vmem>>, vector<64x128xf32>,
    %get3A_2288 = arith.constant 126 : index
    %get3A_2289 = arith.constant 0 : index
    %get3A_2290 = vector.load %arg1[%get3A_2288, %get3A_2289] : memref<200x128xf32, #tpu.memory_space<vmem>>, vector<1x128xf32>
    %add3A_2291 = arith.constant 9.99999991E-38 : f32
    %add3A_2292 = vector.broadcast %add3A_2291 : f32 to vector<1x128xf32>
    %add3A_2293 = arith.addf %get3A_2290, %add3A_2292 : vector<1x128xf32>
    %rsqrt3A_2294 = math.rsqrt %add3A_2293 : vector<1x128xf32>
    %mul3A_2295 = arith.mulf %get3A_2290, %rsqrt3A_2294 : vector<1x128xf32>
    %broadcast_in_dim3A_2296 = vector.shape_cast %mul3A_2295 : vector<1x128xf32> to vector<1x128xf32>
    %broadcast_in_dim3A_2297 = vector.broadcast %broadcast_in_dim3A_2296 : vector<1x128xf32> to vector<64x128xf32>
    %sub3A_2298 = arith.subf %broadcast_in_dim3A_2297, %broadcast_in_dim3A_18 : vector<64x128xf32>
    %mul3A_2299 = arith.mulf %sub3A_2298, %sub3A_2298 : vector<64x128xf32>
    %mul3A_2300 = arith.mulf %broadcast_in_dim3A_20, %mul3A_2299 : vector<64x128xf32>
    %exp23A_2301 = math.exp2 %mul3A_2300 : vector<64x128xf32>
    %mul3A_2302 = arith.mulf %broadcast_in_dim3A_22, %exp23A_2301 : vector<64x128xf32>
    %swap3A_2303 = arith.constant 0 : index
    %swap3A_2304 = arith.constant 16128 : index
    %swap3A_2305 = vector.load %arg4[%swap3A_2303, %swap3A_2304] : memref<64x25600xf32, #tpu.memory_space<vmem>>, vector<64x128xf32>
    tpu.vector_store %arg4[%swap3A_2303, %swap3A_2304], %mul3A_2302 {strides = array<i32>} : memref<64x25600xf32, #tpu.memory_space<vmem>>, vector<64x128xf32>,
    %get3A_2306 = arith.constant 127 : index
    %get3A_2307 = arith.constant 0 : index
    %get3A_2308 = vector.load %arg1[%get3A_2306, %get3A_2307] : memref<200x128xf32, #tpu.memory_space<vmem>>, vector<1x128xf32>
    %add3A_2309 = arith.constant 9.99999991E-38 : f32
    %add3A_2310 = vector.broadcast %add3A_2309 : f32 to vector<1x128xf32>
    %add3A_2311 = arith.addf %get3A_2308, %add3A_2310 : vector<1x128xf32>
    %rsqrt3A_2312 = math.rsqrt %add3A_2311 : vector<1x128xf32>
    %mul3A_2313 = arith.mulf %get3A_2308, %rsqrt3A_2312 : vector<1x128xf32>
    %broadcast_in_dim3A_2314 = vector.shape_cast %mul3A_2313 : vector<1x128xf32> to vector<1x128xf32>
    %broadcast_in_dim3A_2315 = vector.broadcast %broadcast_in_dim3A_2314 : vector<1x128xf32> to vector<64x128xf32>
    %sub3A_2316 = arith.subf %broadcast_in_dim3A_2315, %broadcast_in_dim3A_18 : vector<64x128xf32>
    %mul3A_2317 = arith.mulf %sub3A_2316, %sub3A_2316 : vector<64x128xf32>
    %mul3A_2318 = arith.mulf %broadcast_in_dim3A_20, %mul3A_2317 : vector<64x128xf32>
    %exp23A_2319 = math.exp2 %mul3A_2318 : vector<64x128xf32>
    %mul3A_2320 = arith.mulf %broadcast_in_dim3A_22, %exp23A_2319 : vector<64x128xf32>
    %swap3A_2321 = arith.constant 0 : index
    %swap3A_2322 = arith.constant 16256 : index
    %swap3A_2323 = vector.load %arg4[%swap3A_2321, %swap3A_2322] : memref<64x25600xf32, #tpu.memory_space<vmem>>, vector<64x128xf32>
    tpu.vector_store %arg4[%swap3A_2321, %swap3A_2322], %mul3A_2320 {strides = array<i32>} : memref<64x25600xf32, #tpu.memory_space<vmem>>, vector<64x128xf32>,
    %get3A_2324 = arith.constant 128 : index
    %get3A_2325 = arith.constant 0 : index
    %get3A_2326 = vector.load %arg1[%get3A_2324, %get3A_2325] : memref<200x128xf32, #tpu.memory_space<vmem>>, vector<1x128xf32>
    %add3A_2327 = arith.constant 9.99999991E-38 : f32
    %add3A_2328 = vector.broadcast %add3A_2327 : f32 to vector<1x128xf32>
    %add3A_2329 = arith.addf %get3A_2326, %add3A_2328 : vector<1x128xf32>
    %rsqrt3A_2330 = math.rsqrt %add3A_2329 : vector<1x128xf32>
    %mul3A_2331 = arith.mulf %get3A_2326, %rsqrt3A_2330 : vector<1x128xf32>
    %broadcast_in_dim3A_2332 = vector.shape_cast %mul3A_2331 : vector<1x128xf32> to vector<1x128xf32>
    %broadcast_in_dim3A_2333 = vector.broadcast %broadcast_in_dim3A_2332 : vector<1x128xf32> to vector<64x128xf32>
    %sub3A_2334 = arith.subf %broadcast_in_dim3A_2333, %broadcast_in_dim3A_18 : vector<64x128xf32>
    %mul3A_2335 = arith.mulf %sub3A_2334, %sub3A_2334 : vector<64x128xf32>
    %mul3A_2336 = arith.mulf %broadcast_in_dim3A_20, %mul3A_2335 : vector<64x128xf32>
    %exp23A_2337 = math.exp2 %mul3A_2336 : vector<64x128xf32>
    %mul3A_2338 = arith.mulf %broadcast_in_dim3A_22, %exp23A_2337 : vector<64x128xf32>
    %swap3A_2339 = arith.constant 0 : index
    %swap3A_2340 = arith.constant 16384 : index
    %swap3A_2341 = vector.load %arg4[%swap3A_2339, %swap3A_2340] : memref<64x25600xf32, #tpu.memory_space<vmem>>, vector<64x128xf32>
    tpu.vector_store %arg4[%swap3A_2339, %swap3A_2340], %mul3A_2338 {strides = array<i32>} : memref<64x25600xf32, #tpu.memory_space<vmem>>, vector<64x128xf32>,
    %get3A_2342 = arith.constant 129 : index
    %get3A_2343 = arith.constant 0 : index
    %get3A_2344 = vector.load %arg1[%get3A_2342, %get3A_2343] : memref<200x128xf32, #tpu.memory_space<vmem>>, vector<1x128xf32>
    %add3A_2345 = arith.constant 9.99999991E-38 : f32
    %add3A_2346 = vector.broadcast %add3A_2345 : f32 to vector<1x128xf32>
    %add3A_2347 = arith.addf %get3A_2344, %add3A_2346 : vector<1x128xf32>
    %rsqrt3A_2348 = math.rsqrt %add3A_2347 : vector<1x128xf32>
    %mul3A_2349 = arith.mulf %get3A_2344, %rsqrt3A_2348 : vector<1x128xf32>
    %broadcast_in_dim3A_2350 = vector.shape_cast %mul3A_2349 : vector<1x128xf32> to vector<1x128xf32>
    %broadcast_in_dim3A_2351 = vector.broadcast %broadcast_in_dim3A_2350 : vector<1x128xf32> to vector<64x128xf32>
    %sub3A_2352 = arith.subf %broadcast_in_dim3A_2351, %broadcast_in_dim3A_18 : vector<64x128xf32>
    %mul3A_2353 = arith.mulf %sub3A_2352, %sub3A_2352 : vector<64x128xf32>
    %mul3A_2354 = arith.mulf %broadcast_in_dim3A_20, %mul3A_2353 : vector<64x128xf32>
    %exp23A_2355 = math.exp2 %mul3A_2354 : vector<64x128xf32>
    %mul3A_2356 = arith.mulf %broadcast_in_dim3A_22, %exp23A_2355 : vector<64x128xf32>
    %swap3A_2357 = arith.constant 0 : index
    %swap3A_2358 = arith.constant 16512 : index
    %swap3A_2359 = vector.load %arg4[%swap3A_2357, %swap3A_2358] : memref<64x25600xf32, #tpu.memory_space<vmem>>, vector<64x128xf32>
    tpu.vector_store %arg4[%swap3A_2357, %swap3A_2358], %mul3A_2356 {strides = array<i32>} : memref<64x25600xf32, #tpu.memory_space<vmem>>, vector<64x128xf32>,
    %get3A_2360 = arith.constant 130 : index
    %get3A_2361 = arith.constant 0 : index
    %get3A_2362 = vector.load %arg1[%get3A_2360, %get3A_2361] : memref<200x128xf32, #tpu.memory_space<vmem>>, vector<1x128xf32>
    %add3A_2363 = arith.constant 9.99999991E-38 : f32
    %add3A_2364 = vector.broadcast %add3A_2363 : f32 to vector<1x128xf32>
    %add3A_2365 = arith.addf %get3A_2362, %add3A_2364 : vector<1x128xf32>
    %rsqrt3A_2366 = math.rsqrt %add3A_2365 : vector<1x128xf32>
    %mul3A_2367 = arith.mulf %get3A_2362, %rsqrt3A_2366 : vector<1x128xf32>
    %broadcast_in_dim3A_2368 = vector.shape_cast %mul3A_2367 : vector<1x128xf32> to vector<1x128xf32>
    %broadcast_in_dim3A_2369 = vector.broadcast %broadcast_in_dim3A_2368 : vector<1x128xf32> to vector<64x128xf32>
    %sub3A_2370 = arith.subf %broadcast_in_dim3A_2369, %broadcast_in_dim3A_18 : vector<64x128xf32>
    %mul3A_2371 = arith.mulf %sub3A_2370, %sub3A_2370 : vector<64x128xf32>
    %mul3A_2372 = arith.mulf %broadcast_in_dim3A_20, %mul3A_2371 : vector<64x128xf32>
    %exp23A_2373 = math.exp2 %mul3A_2372 : vector<64x128xf32>
    %mul3A_2374 = arith.mulf %broadcast_in_dim3A_22, %exp23A_2373 : vector<64x128xf32>
    %swap3A_2375 = arith.constant 0 : index
    %swap3A_2376 = arith.constant 16640 : index
    %swap3A_2377 = vector.load %arg4[%swap3A_2375, %swap3A_2376] : memref<64x25600xf32, #tpu.memory_space<vmem>>, vector<64x128xf32>
    tpu.vector_store %arg4[%swap3A_2375, %swap3A_2376], %mul3A_2374 {strides = array<i32>} : memref<64x25600xf32, #tpu.memory_space<vmem>>, vector<64x128xf32>,
    %get3A_2378 = arith.constant 131 : index
    %get3A_2379 = arith.constant 0 : index
    %get3A_2380 = vector.load %arg1[%get3A_2378, %get3A_2379] : memref<200x128xf32, #tpu.memory_space<vmem>>, vector<1x128xf32>
    %add3A_2381 = arith.constant 9.99999991E-38 : f32
    %add3A_2382 = vector.broadcast %add3A_2381 : f32 to vector<1x128xf32>
    %add3A_2383 = arith.addf %get3A_2380, %add3A_2382 : vector<1x128xf32>
    %rsqrt3A_2384 = math.rsqrt %add3A_2383 : vector<1x128xf32>
    %mul3A_2385 = arith.mulf %get3A_2380, %rsqrt3A_2384 : vector<1x128xf32>
    %broadcast_in_dim3A_2386 = vector.shape_cast %mul3A_2385 : vector<1x128xf32> to vector<1x128xf32>
    %broadcast_in_dim3A_2387 = vector.broadcast %broadcast_in_dim3A_2386 : vector<1x128xf32> to vector<64x128xf32>
    %sub3A_2388 = arith.subf %broadcast_in_dim3A_2387, %broadcast_in_dim3A_18 : vector<64x128xf32>
    %mul3A_2389 = arith.mulf %sub3A_2388, %sub3A_2388 : vector<64x128xf32>
    %mul3A_2390 = arith.mulf %broadcast_in_dim3A_20, %mul3A_2389 : vector<64x128xf32>
    %exp23A_2391 = math.exp2 %mul3A_2390 : vector<64x128xf32>
    %mul3A_2392 = arith.mulf %broadcast_in_dim3A_22, %exp23A_2391 : vector<64x128xf32>
    %swap3A_2393 = arith.constant 0 : index
    %swap3A_2394 = arith.constant 16768 : index
    %swap3A_2395 = vector.load %arg4[%swap3A_2393, %swap3A_2394] : memref<64x25600xf32, #tpu.memory_space<vmem>>, vector<64x128xf32>
    tpu.vector_store %arg4[%swap3A_2393, %swap3A_2394], %mul3A_2392 {strides = array<i32>} : memref<64x25600xf32, #tpu.memory_space<vmem>>, vector<64x128xf32>,
    %get3A_2396 = arith.constant 132 : index
    %get3A_2397 = arith.constant 0 : index
    %get3A_2398 = vector.load %arg1[%get3A_2396, %get3A_2397] : memref<200x128xf32, #tpu.memory_space<vmem>>, vector<1x128xf32>
    %add3A_2399 = arith.constant 9.99999991E-38 : f32
    %add3A_2400 = vector.broadcast %add3A_2399 : f32 to vector<1x128xf32>
    %add3A_2401 = arith.addf %get3A_2398, %add3A_2400 : vector<1x128xf32>
    %rsqrt3A_2402 = math.rsqrt %add3A_2401 : vector<1x128xf32>
    %mul3A_2403 = arith.mulf %get3A_2398, %rsqrt3A_2402 : vector<1x128xf32>
    %broadcast_in_dim3A_2404 = vector.shape_cast %mul3A_2403 : vector<1x128xf32> to vector<1x128xf32>
    %broadcast_in_dim3A_2405 = vector.broadcast %broadcast_in_dim3A_2404 : vector<1x128xf32> to vector<64x128xf32>
    %sub3A_2406 = arith.subf %broadcast_in_dim3A_2405, %broadcast_in_dim3A_18 : vector<64x128xf32>
    %mul3A_2407 = arith.mulf %sub3A_2406, %sub3A_2406 : vector<64x128xf32>
    %mul3A_2408 = arith.mulf %broadcast_in_dim3A_20, %mul3A_2407 : vector<64x128xf32>
    %exp23A_2409 = math.exp2 %mul3A_2408 : vector<64x128xf32>
    %mul3A_2410 = arith.mulf %broadcast_in_dim3A_22, %exp23A_2409 : vector<64x128xf32>
    %swap3A_2411 = arith.constant 0 : index
    %swap3A_2412 = arith.constant 16896 : index
    %swap3A_2413 = vector.load %arg4[%swap3A_2411, %swap3A_2412] : memref<64x25600xf32, #tpu.memory_space<vmem>>, vector<64x128xf32>
    tpu.vector_store %arg4[%swap3A_2411, %swap3A_2412], %mul3A_2410 {strides = array<i32>} : memref<64x25600xf32, #tpu.memory_space<vmem>>, vector<64x128xf32>,
    %get3A_2414 = arith.constant 133 : index
    %get3A_2415 = arith.constant 0 : index
    %get3A_2416 = vector.load %arg1[%get3A_2414, %get3A_2415] : memref<200x128xf32, #tpu.memory_space<vmem>>, vector<1x128xf32>
    %add3A_2417 = arith.constant 9.99999991E-38 : f32
    %add3A_2418 = vector.broadcast %add3A_2417 : f32 to vector<1x128xf32>
    %add3A_2419 = arith.addf %get3A_2416, %add3A_2418 : vector<1x128xf32>
    %rsqrt3A_2420 = math.rsqrt %add3A_2419 : vector<1x128xf32>
    %mul3A_2421 = arith.mulf %get3A_2416, %rsqrt3A_2420 : vector<1x128xf32>
    %broadcast_in_dim3A_2422 = vector.shape_cast %mul3A_2421 : vector<1x128xf32> to vector<1x128xf32>
    %broadcast_in_dim3A_2423 = vector.broadcast %broadcast_in_dim3A_2422 : vector<1x128xf32> to vector<64x128xf32>
    %sub3A_2424 = arith.subf %broadcast_in_dim3A_2423, %broadcast_in_dim3A_18 : vector<64x128xf32>
    %mul3A_2425 = arith.mulf %sub3A_2424, %sub3A_2424 : vector<64x128xf32>
    %mul3A_2426 = arith.mulf %broadcast_in_dim3A_20, %mul3A_2425 : vector<64x128xf32>
    %exp23A_2427 = math.exp2 %mul3A_2426 : vector<64x128xf32>
    %mul3A_2428 = arith.mulf %broadcast_in_dim3A_22, %exp23A_2427 : vector<64x128xf32>
    %swap3A_2429 = arith.constant 0 : index
    %swap3A_2430 = arith.constant 17024 : index
    %swap3A_2431 = vector.load %arg4[%swap3A_2429, %swap3A_2430] : memref<64x25600xf32, #tpu.memory_space<vmem>>, vector<64x128xf32>
    tpu.vector_store %arg4[%swap3A_2429, %swap3A_2430], %mul3A_2428 {strides = array<i32>} : memref<64x25600xf32, #tpu.memory_space<vmem>>, vector<64x128xf32>,
    %get3A_2432 = arith.constant 134 : index
    %get3A_2433 = arith.constant 0 : index
    %get3A_2434 = vector.load %arg1[%get3A_2432, %get3A_2433] : memref<200x128xf32, #tpu.memory_space<vmem>>, vector<1x128xf32>
    %add3A_2435 = arith.constant 9.99999991E-38 : f32
    %add3A_2436 = vector.broadcast %add3A_2435 : f32 to vector<1x128xf32>
    %add3A_2437 = arith.addf %get3A_2434, %add3A_2436 : vector<1x128xf32>
    %rsqrt3A_2438 = math.rsqrt %add3A_2437 : vector<1x128xf32>
    %mul3A_2439 = arith.mulf %get3A_2434, %rsqrt3A_2438 : vector<1x128xf32>
    %broadcast_in_dim3A_2440 = vector.shape_cast %mul3A_2439 : vector<1x128xf32> to vector<1x128xf32>
    %broadcast_in_dim3A_2441 = vector.broadcast %broadcast_in_dim3A_2440 : vector<1x128xf32> to vector<64x128xf32>
    %sub3A_2442 = arith.subf %broadcast_in_dim3A_2441, %broadcast_in_dim3A_18 : vector<64x128xf32>
    %mul3A_2443 = arith.mulf %sub3A_2442, %sub3A_2442 : vector<64x128xf32>
    %mul3A_2444 = arith.mulf %broadcast_in_dim3A_20, %mul3A_2443 : vector<64x128xf32>
    %exp23A_2445 = math.exp2 %mul3A_2444 : vector<64x128xf32>
    %mul3A_2446 = arith.mulf %broadcast_in_dim3A_22, %exp23A_2445 : vector<64x128xf32>
    %swap3A_2447 = arith.constant 0 : index
    %swap3A_2448 = arith.constant 17152 : index
    %swap3A_2449 = vector.load %arg4[%swap3A_2447, %swap3A_2448] : memref<64x25600xf32, #tpu.memory_space<vmem>>, vector<64x128xf32>
    tpu.vector_store %arg4[%swap3A_2447, %swap3A_2448], %mul3A_2446 {strides = array<i32>} : memref<64x25600xf32, #tpu.memory_space<vmem>>, vector<64x128xf32>,
    %get3A_2450 = arith.constant 135 : index
    %get3A_2451 = arith.constant 0 : index
    %get3A_2452 = vector.load %arg1[%get3A_2450, %get3A_2451] : memref<200x128xf32, #tpu.memory_space<vmem>>, vector<1x128xf32>
    %add3A_2453 = arith.constant 9.99999991E-38 : f32
    %add3A_2454 = vector.broadcast %add3A_2453 : f32 to vector<1x128xf32>
    %add3A_2455 = arith.addf %get3A_2452, %add3A_2454 : vector<1x128xf32>
    %rsqrt3A_2456 = math.rsqrt %add3A_2455 : vector<1x128xf32>
    %mul3A_2457 = arith.mulf %get3A_2452, %rsqrt3A_2456 : vector<1x128xf32>
    %broadcast_in_dim3A_2458 = vector.shape_cast %mul3A_2457 : vector<1x128xf32> to vector<1x128xf32>
    %broadcast_in_dim3A_2459 = vector.broadcast %broadcast_in_dim3A_2458 : vector<1x128xf32> to vector<64x128xf32>
    %sub3A_2460 = arith.subf %broadcast_in_dim3A_2459, %broadcast_in_dim3A_18 : vector<64x128xf32>
    %mul3A_2461 = arith.mulf %sub3A_2460, %sub3A_2460 : vector<64x128xf32>
    %mul3A_2462 = arith.mulf %broadcast_in_dim3A_20, %mul3A_2461 : vector<64x128xf32>
    %exp23A_2463 = math.exp2 %mul3A_2462 : vector<64x128xf32>
    %mul3A_2464 = arith.mulf %broadcast_in_dim3A_22, %exp23A_2463 : vector<64x128xf32>
    %swap3A_2465 = arith.constant 0 : index
    %swap3A_2466 = arith.constant 17280 : index
    %swap3A_2467 = vector.load %arg4[%swap3A_2465, %swap3A_2466] : memref<64x25600xf32, #tpu.memory_space<vmem>>, vector<64x128xf32>
    tpu.vector_store %arg4[%swap3A_2465, %swap3A_2466], %mul3A_2464 {strides = array<i32>} : memref<64x25600xf32, #tpu.memory_space<vmem>>, vector<64x128xf32>,
    %get3A_2468 = arith.constant 136 : index
    %get3A_2469 = arith.constant 0 : index
    %get3A_2470 = vector.load %arg1[%get3A_2468, %get3A_2469] : memref<200x128xf32, #tpu.memory_space<vmem>>, vector<1x128xf32>
    %add3A_2471 = arith.constant 9.99999991E-38 : f32
    %add3A_2472 = vector.broadcast %add3A_2471 : f32 to vector<1x128xf32>
    %add3A_2473 = arith.addf %get3A_2470, %add3A_2472 : vector<1x128xf32>
    %rsqrt3A_2474 = math.rsqrt %add3A_2473 : vector<1x128xf32>
    %mul3A_2475 = arith.mulf %get3A_2470, %rsqrt3A_2474 : vector<1x128xf32>
    %broadcast_in_dim3A_2476 = vector.shape_cast %mul3A_2475 : vector<1x128xf32> to vector<1x128xf32>
    %broadcast_in_dim3A_2477 = vector.broadcast %broadcast_in_dim3A_2476 : vector<1x128xf32> to vector<64x128xf32>
    %sub3A_2478 = arith.subf %broadcast_in_dim3A_2477, %broadcast_in_dim3A_18 : vector<64x128xf32>
    %mul3A_2479 = arith.mulf %sub3A_2478, %sub3A_2478 : vector<64x128xf32>
    %mul3A_2480 = arith.mulf %broadcast_in_dim3A_20, %mul3A_2479 : vector<64x128xf32>
    %exp23A_2481 = math.exp2 %mul3A_2480 : vector<64x128xf32>
    %mul3A_2482 = arith.mulf %broadcast_in_dim3A_22, %exp23A_2481 : vector<64x128xf32>
    %swap3A_2483 = arith.constant 0 : index
    %swap3A_2484 = arith.constant 17408 : index
    %swap3A_2485 = vector.load %arg4[%swap3A_2483, %swap3A_2484] : memref<64x25600xf32, #tpu.memory_space<vmem>>, vector<64x128xf32>
    tpu.vector_store %arg4[%swap3A_2483, %swap3A_2484], %mul3A_2482 {strides = array<i32>} : memref<64x25600xf32, #tpu.memory_space<vmem>>, vector<64x128xf32>,
    %get3A_2486 = arith.constant 137 : index
    %get3A_2487 = arith.constant 0 : index
    %get3A_2488 = vector.load %arg1[%get3A_2486, %get3A_2487] : memref<200x128xf32, #tpu.memory_space<vmem>>, vector<1x128xf32>
    %add3A_2489 = arith.constant 9.99999991E-38 : f32
    %add3A_2490 = vector.broadcast %add3A_2489 : f32 to vector<1x128xf32>
    %add3A_2491 = arith.addf %get3A_2488, %add3A_2490 : vector<1x128xf32>
    %rsqrt3A_2492 = math.rsqrt %add3A_2491 : vector<1x128xf32>
    %mul3A_2493 = arith.mulf %get3A_2488, %rsqrt3A_2492 : vector<1x128xf32>
    %broadcast_in_dim3A_2494 = vector.shape_cast %mul3A_2493 : vector<1x128xf32> to vector<1x128xf32>
    %broadcast_in_dim3A_2495 = vector.broadcast %broadcast_in_dim3A_2494 : vector<1x128xf32> to vector<64x128xf32>
    %sub3A_2496 = arith.subf %broadcast_in_dim3A_2495, %broadcast_in_dim3A_18 : vector<64x128xf32>
    %mul3A_2497 = arith.mulf %sub3A_2496, %sub3A_2496 : vector<64x128xf32>
    %mul3A_2498 = arith.mulf %broadcast_in_dim3A_20, %mul3A_2497 : vector<64x128xf32>
    %exp23A_2499 = math.exp2 %mul3A_2498 : vector<64x128xf32>
    %mul3A_2500 = arith.mulf %broadcast_in_dim3A_22, %exp23A_2499 : vector<64x128xf32>
    %swap3A_2501 = arith.constant 0 : index
    %swap3A_2502 = arith.constant 17536 : index
    %swap3A_2503 = vector.load %arg4[%swap3A_2501, %swap3A_2502] : memref<64x25600xf32, #tpu.memory_space<vmem>>, vector<64x128xf32>
    tpu.vector_store %arg4[%swap3A_2501, %swap3A_2502], %mul3A_2500 {strides = array<i32>} : memref<64x25600xf32, #tpu.memory_space<vmem>>, vector<64x128xf32>,
    %get3A_2504 = arith.constant 138 : index
    %get3A_2505 = arith.constant 0 : index
    %get3A_2506 = vector.load %arg1[%get3A_2504, %get3A_2505] : memref<200x128xf32, #tpu.memory_space<vmem>>, vector<1x128xf32>
    %add3A_2507 = arith.constant 9.99999991E-38 : f32
    %add3A_2508 = vector.broadcast %add3A_2507 : f32 to vector<1x128xf32>
    %add3A_2509 = arith.addf %get3A_2506, %add3A_2508 : vector<1x128xf32>
    %rsqrt3A_2510 = math.rsqrt %add3A_2509 : vector<1x128xf32>
    %mul3A_2511 = arith.mulf %get3A_2506, %rsqrt3A_2510 : vector<1x128xf32>
    %broadcast_in_dim3A_2512 = vector.shape_cast %mul3A_2511 : vector<1x128xf32> to vector<1x128xf32>
    %broadcast_in_dim3A_2513 = vector.broadcast %broadcast_in_dim3A_2512 : vector<1x128xf32> to vector<64x128xf32>
    %sub3A_2514 = arith.subf %broadcast_in_dim3A_2513, %broadcast_in_dim3A_18 : vector<64x128xf32>
    %mul3A_2515 = arith.mulf %sub3A_2514, %sub3A_2514 : vector<64x128xf32>
    %mul3A_2516 = arith.mulf %broadcast_in_dim3A_20, %mul3A_2515 : vector<64x128xf32>
    %exp23A_2517 = math.exp2 %mul3A_2516 : vector<64x128xf32>
    %mul3A_2518 = arith.mulf %broadcast_in_dim3A_22, %exp23A_2517 : vector<64x128xf32>
    %swap3A_2519 = arith.constant 0 : index
    %swap3A_2520 = arith.constant 17664 : index
    %swap3A_2521 = vector.load %arg4[%swap3A_2519, %swap3A_2520] : memref<64x25600xf32, #tpu.memory_space<vmem>>, vector<64x128xf32>
    tpu.vector_store %arg4[%swap3A_2519, %swap3A_2520], %mul3A_2518 {strides = array<i32>} : memref<64x25600xf32, #tpu.memory_space<vmem>>, vector<64x128xf32>,
    %get3A_2522 = arith.constant 139 : index
    %get3A_2523 = arith.constant 0 : index
    %get3A_2524 = vector.load %arg1[%get3A_2522, %get3A_2523] : memref<200x128xf32, #tpu.memory_space<vmem>>, vector<1x128xf32>
    %add3A_2525 = arith.constant 9.99999991E-38 : f32
    %add3A_2526 = vector.broadcast %add3A_2525 : f32 to vector<1x128xf32>
    %add3A_2527 = arith.addf %get3A_2524, %add3A_2526 : vector<1x128xf32>
    %rsqrt3A_2528 = math.rsqrt %add3A_2527 : vector<1x128xf32>
    %mul3A_2529 = arith.mulf %get3A_2524, %rsqrt3A_2528 : vector<1x128xf32>
    %broadcast_in_dim3A_2530 = vector.shape_cast %mul3A_2529 : vector<1x128xf32> to vector<1x128xf32>
    %broadcast_in_dim3A_2531 = vector.broadcast %broadcast_in_dim3A_2530 : vector<1x128xf32> to vector<64x128xf32>
    %sub3A_2532 = arith.subf %broadcast_in_dim3A_2531, %broadcast_in_dim3A_18 : vector<64x128xf32>
    %mul3A_2533 = arith.mulf %sub3A_2532, %sub3A_2532 : vector<64x128xf32>
    %mul3A_2534 = arith.mulf %broadcast_in_dim3A_20, %mul3A_2533 : vector<64x128xf32>
    %exp23A_2535 = math.exp2 %mul3A_2534 : vector<64x128xf32>
    %mul3A_2536 = arith.mulf %broadcast_in_dim3A_22, %exp23A_2535 : vector<64x128xf32>
    %swap3A_2537 = arith.constant 0 : index
    %swap3A_2538 = arith.constant 17792 : index
    %swap3A_2539 = vector.load %arg4[%swap3A_2537, %swap3A_2538] : memref<64x25600xf32, #tpu.memory_space<vmem>>, vector<64x128xf32>
    tpu.vector_store %arg4[%swap3A_2537, %swap3A_2538], %mul3A_2536 {strides = array<i32>} : memref<64x25600xf32, #tpu.memory_space<vmem>>, vector<64x128xf32>,
    %get3A_2540 = arith.constant 140 : index
    %get3A_2541 = arith.constant 0 : index
    %get3A_2542 = vector.load %arg1[%get3A_2540, %get3A_2541] : memref<200x128xf32, #tpu.memory_space<vmem>>, vector<1x128xf32>
    %add3A_2543 = arith.constant 9.99999991E-38 : f32
    %add3A_2544 = vector.broadcast %add3A_2543 : f32 to vector<1x128xf32>
    %add3A_2545 = arith.addf %get3A_2542, %add3A_2544 : vector<1x128xf32>
    %rsqrt3A_2546 = math.rsqrt %add3A_2545 : vector<1x128xf32>
    %mul3A_2547 = arith.mulf %get3A_2542, %rsqrt3A_2546 : vector<1x128xf32>
    %broadcast_in_dim3A_2548 = vector.shape_cast %mul3A_2547 : vector<1x128xf32> to vector<1x128xf32>
    %broadcast_in_dim3A_2549 = vector.broadcast %broadcast_in_dim3A_2548 : vector<1x128xf32> to vector<64x128xf32>
    %sub3A_2550 = arith.subf %broadcast_in_dim3A_2549, %broadcast_in_dim3A_18 : vector<64x128xf32>
    %mul3A_2551 = arith.mulf %sub3A_2550, %sub3A_2550 : vector<64x128xf32>
    %mul3A_2552 = arith.mulf %broadcast_in_dim3A_20, %mul3A_2551 : vector<64x128xf32>
    %exp23A_2553 = math.exp2 %mul3A_2552 : vector<64x128xf32>
    %mul3A_2554 = arith.mulf %broadcast_in_dim3A_22, %exp23A_2553 : vector<64x128xf32>
    %swap3A_2555 = arith.constant 0 : index
    %swap3A_2556 = arith.constant 17920 : index
    %swap3A_2557 = vector.load %arg4[%swap3A_2555, %swap3A_2556] : memref<64x25600xf32, #tpu.memory_space<vmem>>, vector<64x128xf32>
    tpu.vector_store %arg4[%swap3A_2555, %swap3A_2556], %mul3A_2554 {strides = array<i32>} : memref<64x25600xf32, #tpu.memory_space<vmem>>, vector<64x128xf32>,
    %get3A_2558 = arith.constant 141 : index
    %get3A_2559 = arith.constant 0 : index
    %get3A_2560 = vector.load %arg1[%get3A_2558, %get3A_2559] : memref<200x128xf32, #tpu.memory_space<vmem>>, vector<1x128xf32>
    %add3A_2561 = arith.constant 9.99999991E-38 : f32
    %add3A_2562 = vector.broadcast %add3A_2561 : f32 to vector<1x128xf32>
    %add3A_2563 = arith.addf %get3A_2560, %add3A_2562 : vector<1x128xf32>
    %rsqrt3A_2564 = math.rsqrt %add3A_2563 : vector<1x128xf32>
    %mul3A_2565 = arith.mulf %get3A_2560, %rsqrt3A_2564 : vector<1x128xf32>
    %broadcast_in_dim3A_2566 = vector.shape_cast %mul3A_2565 : vector<1x128xf32> to vector<1x128xf32>
    %broadcast_in_dim3A_2567 = vector.broadcast %broadcast_in_dim3A_2566 : vector<1x128xf32> to vector<64x128xf32>
    %sub3A_2568 = arith.subf %broadcast_in_dim3A_2567, %broadcast_in_dim3A_18 : vector<64x128xf32>
    %mul3A_2569 = arith.mulf %sub3A_2568, %sub3A_2568 : vector<64x128xf32>
    %mul3A_2570 = arith.mulf %broadcast_in_dim3A_20, %mul3A_2569 : vector<64x128xf32>
    %exp23A_2571 = math.exp2 %mul3A_2570 : vector<64x128xf32>
    %mul3A_2572 = arith.mulf %broadcast_in_dim3A_22, %exp23A_2571 : vector<64x128xf32>
    %swap3A_2573 = arith.constant 0 : index
    %swap3A_2574 = arith.constant 18048 : index
    %swap3A_2575 = vector.load %arg4[%swap3A_2573, %swap3A_2574] : memref<64x25600xf32, #tpu.memory_space<vmem>>, vector<64x128xf32>
    tpu.vector_store %arg4[%swap3A_2573, %swap3A_2574], %mul3A_2572 {strides = array<i32>} : memref<64x25600xf32, #tpu.memory_space<vmem>>, vector<64x128xf32>,
    %get3A_2576 = arith.constant 142 : index
    %get3A_2577 = arith.constant 0 : index
    %get3A_2578 = vector.load %arg1[%get3A_2576, %get3A_2577] : memref<200x128xf32, #tpu.memory_space<vmem>>, vector<1x128xf32>
    %add3A_2579 = arith.constant 9.99999991E-38 : f32
    %add3A_2580 = vector.broadcast %add3A_2579 : f32 to vector<1x128xf32>
    %add3A_2581 = arith.addf %get3A_2578, %add3A_2580 : vector<1x128xf32>
    %rsqrt3A_2582 = math.rsqrt %add3A_2581 : vector<1x128xf32>
    %mul3A_2583 = arith.mulf %get3A_2578, %rsqrt3A_2582 : vector<1x128xf32>
    %broadcast_in_dim3A_2584 = vector.shape_cast %mul3A_2583 : vector<1x128xf32> to vector<1x128xf32>
    %broadcast_in_dim3A_2585 = vector.broadcast %broadcast_in_dim3A_2584 : vector<1x128xf32> to vector<64x128xf32>
    %sub3A_2586 = arith.subf %broadcast_in_dim3A_2585, %broadcast_in_dim3A_18 : vector<64x128xf32>
    %mul3A_2587 = arith.mulf %sub3A_2586, %sub3A_2586 : vector<64x128xf32>
    %mul3A_2588 = arith.mulf %broadcast_in_dim3A_20, %mul3A_2587 : vector<64x128xf32>
    %exp23A_2589 = math.exp2 %mul3A_2588 : vector<64x128xf32>
    %mul3A_2590 = arith.mulf %broadcast_in_dim3A_22, %exp23A_2589 : vector<64x128xf32>
    %swap3A_2591 = arith.constant 0 : index
    %swap3A_2592 = arith.constant 18176 : index
    %swap3A_2593 = vector.load %arg4[%swap3A_2591, %swap3A_2592] : memref<64x25600xf32, #tpu.memory_space<vmem>>, vector<64x128xf32>
    tpu.vector_store %arg4[%swap3A_2591, %swap3A_2592], %mul3A_2590 {strides = array<i32>} : memref<64x25600xf32, #tpu.memory_space<vmem>>, vector<64x128xf32>,
    %get3A_2594 = arith.constant 143 : index
    %get3A_2595 = arith.constant 0 : index
    %get3A_2596 = vector.load %arg1[%get3A_2594, %get3A_2595] : memref<200x128xf32, #tpu.memory_space<vmem>>, vector<1x128xf32>
    %add3A_2597 = arith.constant 9.99999991E-38 : f32
    %add3A_2598 = vector.broadcast %add3A_2597 : f32 to vector<1x128xf32>
    %add3A_2599 = arith.addf %get3A_2596, %add3A_2598 : vector<1x128xf32>
    %rsqrt3A_2600 = math.rsqrt %add3A_2599 : vector<1x128xf32>
    %mul3A_2601 = arith.mulf %get3A_2596, %rsqrt3A_2600 : vector<1x128xf32>
    %broadcast_in_dim3A_2602 = vector.shape_cast %mul3A_2601 : vector<1x128xf32> to vector<1x128xf32>
    %broadcast_in_dim3A_2603 = vector.broadcast %broadcast_in_dim3A_2602 : vector<1x128xf32> to vector<64x128xf32>
    %sub3A_2604 = arith.subf %broadcast_in_dim3A_2603, %broadcast_in_dim3A_18 : vector<64x128xf32>
    %mul3A_2605 = arith.mulf %sub3A_2604, %sub3A_2604 : vector<64x128xf32>
    %mul3A_2606 = arith.mulf %broadcast_in_dim3A_20, %mul3A_2605 : vector<64x128xf32>
    %exp23A_2607 = math.exp2 %mul3A_2606 : vector<64x128xf32>
    %mul3A_2608 = arith.mulf %broadcast_in_dim3A_22, %exp23A_2607 : vector<64x128xf32>
    %swap3A_2609 = arith.constant 0 : index
    %swap3A_2610 = arith.constant 18304 : index
    %swap3A_2611 = vector.load %arg4[%swap3A_2609, %swap3A_2610] : memref<64x25600xf32, #tpu.memory_space<vmem>>, vector<64x128xf32>
    tpu.vector_store %arg4[%swap3A_2609, %swap3A_2610], %mul3A_2608 {strides = array<i32>} : memref<64x25600xf32, #tpu.memory_space<vmem>>, vector<64x128xf32>,
    %get3A_2612 = arith.constant 144 : index
    %get3A_2613 = arith.constant 0 : index
    %get3A_2614 = vector.load %arg1[%get3A_2612, %get3A_2613] : memref<200x128xf32, #tpu.memory_space<vmem>>, vector<1x128xf32>
    %add3A_2615 = arith.constant 9.99999991E-38 : f32
    %add3A_2616 = vector.broadcast %add3A_2615 : f32 to vector<1x128xf32>
    %add3A_2617 = arith.addf %get3A_2614, %add3A_2616 : vector<1x128xf32>
    %rsqrt3A_2618 = math.rsqrt %add3A_2617 : vector<1x128xf32>
    %mul3A_2619 = arith.mulf %get3A_2614, %rsqrt3A_2618 : vector<1x128xf32>
    %broadcast_in_dim3A_2620 = vector.shape_cast %mul3A_2619 : vector<1x128xf32> to vector<1x128xf32>
    %broadcast_in_dim3A_2621 = vector.broadcast %broadcast_in_dim3A_2620 : vector<1x128xf32> to vector<64x128xf32>
    %sub3A_2622 = arith.subf %broadcast_in_dim3A_2621, %broadcast_in_dim3A_18 : vector<64x128xf32>
    %mul3A_2623 = arith.mulf %sub3A_2622, %sub3A_2622 : vector<64x128xf32>
    %mul3A_2624 = arith.mulf %broadcast_in_dim3A_20, %mul3A_2623 : vector<64x128xf32>
    %exp23A_2625 = math.exp2 %mul3A_2624 : vector<64x128xf32>
    %mul3A_2626 = arith.mulf %broadcast_in_dim3A_22, %exp23A_2625 : vector<64x128xf32>
    %swap3A_2627 = arith.constant 0 : index
    %swap3A_2628 = arith.constant 18432 : index
    %swap3A_2629 = vector.load %arg4[%swap3A_2627, %swap3A_2628] : memref<64x25600xf32, #tpu.memory_space<vmem>>, vector<64x128xf32>
    tpu.vector_store %arg4[%swap3A_2627, %swap3A_2628], %mul3A_2626 {strides = array<i32>} : memref<64x25600xf32, #tpu.memory_space<vmem>>, vector<64x128xf32>,
    %get3A_2630 = arith.constant 145 : index
    %get3A_2631 = arith.constant 0 : index
    %get3A_2632 = vector.load %arg1[%get3A_2630, %get3A_2631] : memref<200x128xf32, #tpu.memory_space<vmem>>, vector<1x128xf32>
    %add3A_2633 = arith.constant 9.99999991E-38 : f32
    %add3A_2634 = vector.broadcast %add3A_2633 : f32 to vector<1x128xf32>
    %add3A_2635 = arith.addf %get3A_2632, %add3A_2634 : vector<1x128xf32>
    %rsqrt3A_2636 = math.rsqrt %add3A_2635 : vector<1x128xf32>
    %mul3A_2637 = arith.mulf %get3A_2632, %rsqrt3A_2636 : vector<1x128xf32>
    %broadcast_in_dim3A_2638 = vector.shape_cast %mul3A_2637 : vector<1x128xf32> to vector<1x128xf32>
    %broadcast_in_dim3A_2639 = vector.broadcast %broadcast_in_dim3A_2638 : vector<1x128xf32> to vector<64x128xf32>
    %sub3A_2640 = arith.subf %broadcast_in_dim3A_2639, %broadcast_in_dim3A_18 : vector<64x128xf32>
    %mul3A_2641 = arith.mulf %sub3A_2640, %sub3A_2640 : vector<64x128xf32>
    %mul3A_2642 = arith.mulf %broadcast_in_dim3A_20, %mul3A_2641 : vector<64x128xf32>
    %exp23A_2643 = math.exp2 %mul3A_2642 : vector<64x128xf32>
    %mul3A_2644 = arith.mulf %broadcast_in_dim3A_22, %exp23A_2643 : vector<64x128xf32>
    %swap3A_2645 = arith.constant 0 : index
    %swap3A_2646 = arith.constant 18560 : index
    %swap3A_2647 = vector.load %arg4[%swap3A_2645, %swap3A_2646] : memref<64x25600xf32, #tpu.memory_space<vmem>>, vector<64x128xf32>
    tpu.vector_store %arg4[%swap3A_2645, %swap3A_2646], %mul3A_2644 {strides = array<i32>} : memref<64x25600xf32, #tpu.memory_space<vmem>>, vector<64x128xf32>,
    %get3A_2648 = arith.constant 146 : index
    %get3A_2649 = arith.constant 0 : index
    %get3A_2650 = vector.load %arg1[%get3A_2648, %get3A_2649] : memref<200x128xf32, #tpu.memory_space<vmem>>, vector<1x128xf32>
    %add3A_2651 = arith.constant 9.99999991E-38 : f32
    %add3A_2652 = vector.broadcast %add3A_2651 : f32 to vector<1x128xf32>
    %add3A_2653 = arith.addf %get3A_2650, %add3A_2652 : vector<1x128xf32>
    %rsqrt3A_2654 = math.rsqrt %add3A_2653 : vector<1x128xf32>
    %mul3A_2655 = arith.mulf %get3A_2650, %rsqrt3A_2654 : vector<1x128xf32>
    %broadcast_in_dim3A_2656 = vector.shape_cast %mul3A_2655 : vector<1x128xf32> to vector<1x128xf32>
    %broadcast_in_dim3A_2657 = vector.broadcast %broadcast_in_dim3A_2656 : vector<1x128xf32> to vector<64x128xf32>
    %sub3A_2658 = arith.subf %broadcast_in_dim3A_2657, %broadcast_in_dim3A_18 : vector<64x128xf32>
    %mul3A_2659 = arith.mulf %sub3A_2658, %sub3A_2658 : vector<64x128xf32>
    %mul3A_2660 = arith.mulf %broadcast_in_dim3A_20, %mul3A_2659 : vector<64x128xf32>
    %exp23A_2661 = math.exp2 %mul3A_2660 : vector<64x128xf32>
    %mul3A_2662 = arith.mulf %broadcast_in_dim3A_22, %exp23A_2661 : vector<64x128xf32>
    %swap3A_2663 = arith.constant 0 : index
    %swap3A_2664 = arith.constant 18688 : index
    %swap3A_2665 = vector.load %arg4[%swap3A_2663, %swap3A_2664] : memref<64x25600xf32, #tpu.memory_space<vmem>>, vector<64x128xf32>
    tpu.vector_store %arg4[%swap3A_2663, %swap3A_2664], %mul3A_2662 {strides = array<i32>} : memref<64x25600xf32, #tpu.memory_space<vmem>>, vector<64x128xf32>,
    %get3A_2666 = arith.constant 147 : index
    %get3A_2667 = arith.constant 0 : index
    %get3A_2668 = vector.load %arg1[%get3A_2666, %get3A_2667] : memref<200x128xf32, #tpu.memory_space<vmem>>, vector<1x128xf32>
    %add3A_2669 = arith.constant 9.99999991E-38 : f32
    %add3A_2670 = vector.broadcast %add3A_2669 : f32 to vector<1x128xf32>
    %add3A_2671 = arith.addf %get3A_2668, %add3A_2670 : vector<1x128xf32>
    %rsqrt3A_2672 = math.rsqrt %add3A_2671 : vector<1x128xf32>
    %mul3A_2673 = arith.mulf %get3A_2668, %rsqrt3A_2672 : vector<1x128xf32>
    %broadcast_in_dim3A_2674 = vector.shape_cast %mul3A_2673 : vector<1x128xf32> to vector<1x128xf32>
    %broadcast_in_dim3A_2675 = vector.broadcast %broadcast_in_dim3A_2674 : vector<1x128xf32> to vector<64x128xf32>
    %sub3A_2676 = arith.subf %broadcast_in_dim3A_2675, %broadcast_in_dim3A_18 : vector<64x128xf32>
    %mul3A_2677 = arith.mulf %sub3A_2676, %sub3A_2676 : vector<64x128xf32>
    %mul3A_2678 = arith.mulf %broadcast_in_dim3A_20, %mul3A_2677 : vector<64x128xf32>
    %exp23A_2679 = math.exp2 %mul3A_2678 : vector<64x128xf32>
    %mul3A_2680 = arith.mulf %broadcast_in_dim3A_22, %exp23A_2679 : vector<64x128xf32>
    %swap3A_2681 = arith.constant 0 : index
    %swap3A_2682 = arith.constant 18816 : index
    %swap3A_2683 = vector.load %arg4[%swap3A_2681, %swap3A_2682] : memref<64x25600xf32, #tpu.memory_space<vmem>>, vector<64x128xf32>
    tpu.vector_store %arg4[%swap3A_2681, %swap3A_2682], %mul3A_2680 {strides = array<i32>} : memref<64x25600xf32, #tpu.memory_space<vmem>>, vector<64x128xf32>,
    %get3A_2684 = arith.constant 148 : index
    %get3A_2685 = arith.constant 0 : index
    %get3A_2686 = vector.load %arg1[%get3A_2684, %get3A_2685] : memref<200x128xf32, #tpu.memory_space<vmem>>, vector<1x128xf32>
    %add3A_2687 = arith.constant 9.99999991E-38 : f32
    %add3A_2688 = vector.broadcast %add3A_2687 : f32 to vector<1x128xf32>
    %add3A_2689 = arith.addf %get3A_2686, %add3A_2688 : vector<1x128xf32>
    %rsqrt3A_2690 = math.rsqrt %add3A_2689 : vector<1x128xf32>
    %mul3A_2691 = arith.mulf %get3A_2686, %rsqrt3A_2690 : vector<1x128xf32>
    %broadcast_in_dim3A_2692 = vector.shape_cast %mul3A_2691 : vector<1x128xf32> to vector<1x128xf32>
    %broadcast_in_dim3A_2693 = vector.broadcast %broadcast_in_dim3A_2692 : vector<1x128xf32> to vector<64x128xf32>
    %sub3A_2694 = arith.subf %broadcast_in_dim3A_2693, %broadcast_in_dim3A_18 : vector<64x128xf32>
    %mul3A_2695 = arith.mulf %sub3A_2694, %sub3A_2694 : vector<64x128xf32>
    %mul3A_2696 = arith.mulf %broadcast_in_dim3A_20, %mul3A_2695 : vector<64x128xf32>
    %exp23A_2697 = math.exp2 %mul3A_2696 : vector<64x128xf32>
    %mul3A_2698 = arith.mulf %broadcast_in_dim3A_22, %exp23A_2697 : vector<64x128xf32>
    %swap3A_2699 = arith.constant 0 : index
    %swap3A_2700 = arith.constant 18944 : index
    %swap3A_2701 = vector.load %arg4[%swap3A_2699, %swap3A_2700] : memref<64x25600xf32, #tpu.memory_space<vmem>>, vector<64x128xf32>
    tpu.vector_store %arg4[%swap3A_2699, %swap3A_2700], %mul3A_2698 {strides = array<i32>} : memref<64x25600xf32, #tpu.memory_space<vmem>>, vector<64x128xf32>,
    %get3A_2702 = arith.constant 149 : index
    %get3A_2703 = arith.constant 0 : index
    %get3A_2704 = vector.load %arg1[%get3A_2702, %get3A_2703] : memref<200x128xf32, #tpu.memory_space<vmem>>, vector<1x128xf32>
    %add3A_2705 = arith.constant 9.99999991E-38 : f32
    %add3A_2706 = vector.broadcast %add3A_2705 : f32 to vector<1x128xf32>
    %add3A_2707 = arith.addf %get3A_2704, %add3A_2706 : vector<1x128xf32>
    %rsqrt3A_2708 = math.rsqrt %add3A_2707 : vector<1x128xf32>
    %mul3A_2709 = arith.mulf %get3A_2704, %rsqrt3A_2708 : vector<1x128xf32>
    %broadcast_in_dim3A_2710 = vector.shape_cast %mul3A_2709 : vector<1x128xf32> to vector<1x128xf32>
    %broadcast_in_dim3A_2711 = vector.broadcast %broadcast_in_dim3A_2710 : vector<1x128xf32> to vector<64x128xf32>
    %sub3A_2712 = arith.subf %broadcast_in_dim3A_2711, %broadcast_in_dim3A_18 : vector<64x128xf32>
    %mul3A_2713 = arith.mulf %sub3A_2712, %sub3A_2712 : vector<64x128xf32>
    %mul3A_2714 = arith.mulf %broadcast_in_dim3A_20, %mul3A_2713 : vector<64x128xf32>
    %exp23A_2715 = math.exp2 %mul3A_2714 : vector<64x128xf32>
    %mul3A_2716 = arith.mulf %broadcast_in_dim3A_22, %exp23A_2715 : vector<64x128xf32>
    %swap3A_2717 = arith.constant 0 : index
    %swap3A_2718 = arith.constant 19072 : index
    %swap3A_2719 = vector.load %arg4[%swap3A_2717, %swap3A_2718] : memref<64x25600xf32, #tpu.memory_space<vmem>>, vector<64x128xf32>
    tpu.vector_store %arg4[%swap3A_2717, %swap3A_2718], %mul3A_2716 {strides = array<i32>} : memref<64x25600xf32, #tpu.memory_space<vmem>>, vector<64x128xf32>,
    %get3A_2720 = arith.constant 150 : index
    %get3A_2721 = arith.constant 0 : index
    %get3A_2722 = vector.load %arg1[%get3A_2720, %get3A_2721] : memref<200x128xf32, #tpu.memory_space<vmem>>, vector<1x128xf32>
    %add3A_2723 = arith.constant 9.99999991E-38 : f32
    %add3A_2724 = vector.broadcast %add3A_2723 : f32 to vector<1x128xf32>
    %add3A_2725 = arith.addf %get3A_2722, %add3A_2724 : vector<1x128xf32>
    %rsqrt3A_2726 = math.rsqrt %add3A_2725 : vector<1x128xf32>
    %mul3A_2727 = arith.mulf %get3A_2722, %rsqrt3A_2726 : vector<1x128xf32>
    %broadcast_in_dim3A_2728 = vector.shape_cast %mul3A_2727 : vector<1x128xf32> to vector<1x128xf32>
    %broadcast_in_dim3A_2729 = vector.broadcast %broadcast_in_dim3A_2728 : vector<1x128xf32> to vector<64x128xf32>
    %sub3A_2730 = arith.subf %broadcast_in_dim3A_2729, %broadcast_in_dim3A_18 : vector<64x128xf32>
    %mul3A_2731 = arith.mulf %sub3A_2730, %sub3A_2730 : vector<64x128xf32>
    %mul3A_2732 = arith.mulf %broadcast_in_dim3A_20, %mul3A_2731 : vector<64x128xf32>
    %exp23A_2733 = math.exp2 %mul3A_2732 : vector<64x128xf32>
    %mul3A_2734 = arith.mulf %broadcast_in_dim3A_22, %exp23A_2733 : vector<64x128xf32>
    %swap3A_2735 = arith.constant 0 : index
    %swap3A_2736 = arith.constant 19200 : index
    %swap3A_2737 = vector.load %arg4[%swap3A_2735, %swap3A_2736] : memref<64x25600xf32, #tpu.memory_space<vmem>>, vector<64x128xf32>
    tpu.vector_store %arg4[%swap3A_2735, %swap3A_2736], %mul3A_2734 {strides = array<i32>} : memref<64x25600xf32, #tpu.memory_space<vmem>>, vector<64x128xf32>,
    %get3A_2738 = arith.constant 151 : index
    %get3A_2739 = arith.constant 0 : index
    %get3A_2740 = vector.load %arg1[%get3A_2738, %get3A_2739] : memref<200x128xf32, #tpu.memory_space<vmem>>, vector<1x128xf32>
    %add3A_2741 = arith.constant 9.99999991E-38 : f32
    %add3A_2742 = vector.broadcast %add3A_2741 : f32 to vector<1x128xf32>
    %add3A_2743 = arith.addf %get3A_2740, %add3A_2742 : vector<1x128xf32>
    %rsqrt3A_2744 = math.rsqrt %add3A_2743 : vector<1x128xf32>
    %mul3A_2745 = arith.mulf %get3A_2740, %rsqrt3A_2744 : vector<1x128xf32>
    %broadcast_in_dim3A_2746 = vector.shape_cast %mul3A_2745 : vector<1x128xf32> to vector<1x128xf32>
    %broadcast_in_dim3A_2747 = vector.broadcast %broadcast_in_dim3A_2746 : vector<1x128xf32> to vector<64x128xf32>
    %sub3A_2748 = arith.subf %broadcast_in_dim3A_2747, %broadcast_in_dim3A_18 : vector<64x128xf32>
    %mul3A_2749 = arith.mulf %sub3A_2748, %sub3A_2748 : vector<64x128xf32>
    %mul3A_2750 = arith.mulf %broadcast_in_dim3A_20, %mul3A_2749 : vector<64x128xf32>
    %exp23A_2751 = math.exp2 %mul3A_2750 : vector<64x128xf32>
    %mul3A_2752 = arith.mulf %broadcast_in_dim3A_22, %exp23A_2751 : vector<64x128xf32>
    %swap3A_2753 = arith.constant 0 : index
    %swap3A_2754 = arith.constant 19328 : index
    %swap3A_2755 = vector.load %arg4[%swap3A_2753, %swap3A_2754] : memref<64x25600xf32, #tpu.memory_space<vmem>>, vector<64x128xf32>
    tpu.vector_store %arg4[%swap3A_2753, %swap3A_2754], %mul3A_2752 {strides = array<i32>} : memref<64x25600xf32, #tpu.memory_space<vmem>>, vector<64x128xf32>,
    %get3A_2756 = arith.constant 152 : index
    %get3A_2757 = arith.constant 0 : index
    %get3A_2758 = vector.load %arg1[%get3A_2756, %get3A_2757] : memref<200x128xf32, #tpu.memory_space<vmem>>, vector<1x128xf32>
    %add3A_2759 = arith.constant 9.99999991E-38 : f32
    %add3A_2760 = vector.broadcast %add3A_2759 : f32 to vector<1x128xf32>
    %add3A_2761 = arith.addf %get3A_2758, %add3A_2760 : vector<1x128xf32>
    %rsqrt3A_2762 = math.rsqrt %add3A_2761 : vector<1x128xf32>
    %mul3A_2763 = arith.mulf %get3A_2758, %rsqrt3A_2762 : vector<1x128xf32>
    %broadcast_in_dim3A_2764 = vector.shape_cast %mul3A_2763 : vector<1x128xf32> to vector<1x128xf32>
    %broadcast_in_dim3A_2765 = vector.broadcast %broadcast_in_dim3A_2764 : vector<1x128xf32> to vector<64x128xf32>
    %sub3A_2766 = arith.subf %broadcast_in_dim3A_2765, %broadcast_in_dim3A_18 : vector<64x128xf32>
    %mul3A_2767 = arith.mulf %sub3A_2766, %sub3A_2766 : vector<64x128xf32>
    %mul3A_2768 = arith.mulf %broadcast_in_dim3A_20, %mul3A_2767 : vector<64x128xf32>
    %exp23A_2769 = math.exp2 %mul3A_2768 : vector<64x128xf32>
    %mul3A_2770 = arith.mulf %broadcast_in_dim3A_22, %exp23A_2769 : vector<64x128xf32>
    %swap3A_2771 = arith.constant 0 : index
    %swap3A_2772 = arith.constant 19456 : index
    %swap3A_2773 = vector.load %arg4[%swap3A_2771, %swap3A_2772] : memref<64x25600xf32, #tpu.memory_space<vmem>>, vector<64x128xf32>
    tpu.vector_store %arg4[%swap3A_2771, %swap3A_2772], %mul3A_2770 {strides = array<i32>} : memref<64x25600xf32, #tpu.memory_space<vmem>>, vector<64x128xf32>,
    %get3A_2774 = arith.constant 153 : index
    %get3A_2775 = arith.constant 0 : index
    %get3A_2776 = vector.load %arg1[%get3A_2774, %get3A_2775] : memref<200x128xf32, #tpu.memory_space<vmem>>, vector<1x128xf32>
    %add3A_2777 = arith.constant 9.99999991E-38 : f32
    %add3A_2778 = vector.broadcast %add3A_2777 : f32 to vector<1x128xf32>
    %add3A_2779 = arith.addf %get3A_2776, %add3A_2778 : vector<1x128xf32>
    %rsqrt3A_2780 = math.rsqrt %add3A_2779 : vector<1x128xf32>
    %mul3A_2781 = arith.mulf %get3A_2776, %rsqrt3A_2780 : vector<1x128xf32>
    %broadcast_in_dim3A_2782 = vector.shape_cast %mul3A_2781 : vector<1x128xf32> to vector<1x128xf32>
    %broadcast_in_dim3A_2783 = vector.broadcast %broadcast_in_dim3A_2782 : vector<1x128xf32> to vector<64x128xf32>
    %sub3A_2784 = arith.subf %broadcast_in_dim3A_2783, %broadcast_in_dim3A_18 : vector<64x128xf32>
    %mul3A_2785 = arith.mulf %sub3A_2784, %sub3A_2784 : vector<64x128xf32>
    %mul3A_2786 = arith.mulf %broadcast_in_dim3A_20, %mul3A_2785 : vector<64x128xf32>
    %exp23A_2787 = math.exp2 %mul3A_2786 : vector<64x128xf32>
    %mul3A_2788 = arith.mulf %broadcast_in_dim3A_22, %exp23A_2787 : vector<64x128xf32>
    %swap3A_2789 = arith.constant 0 : index
    %swap3A_2790 = arith.constant 19584 : index
    %swap3A_2791 = vector.load %arg4[%swap3A_2789, %swap3A_2790] : memref<64x25600xf32, #tpu.memory_space<vmem>>, vector<64x128xf32>
    tpu.vector_store %arg4[%swap3A_2789, %swap3A_2790], %mul3A_2788 {strides = array<i32>} : memref<64x25600xf32, #tpu.memory_space<vmem>>, vector<64x128xf32>,
    %get3A_2792 = arith.constant 154 : index
    %get3A_2793 = arith.constant 0 : index
    %get3A_2794 = vector.load %arg1[%get3A_2792, %get3A_2793] : memref<200x128xf32, #tpu.memory_space<vmem>>, vector<1x128xf32>
    %add3A_2795 = arith.constant 9.99999991E-38 : f32
    %add3A_2796 = vector.broadcast %add3A_2795 : f32 to vector<1x128xf32>
    %add3A_2797 = arith.addf %get3A_2794, %add3A_2796 : vector<1x128xf32>
    %rsqrt3A_2798 = math.rsqrt %add3A_2797 : vector<1x128xf32>
    %mul3A_2799 = arith.mulf %get3A_2794, %rsqrt3A_2798 : vector<1x128xf32>
    %broadcast_in_dim3A_2800 = vector.shape_cast %mul3A_2799 : vector<1x128xf32> to vector<1x128xf32>
    %broadcast_in_dim3A_2801 = vector.broadcast %broadcast_in_dim3A_2800 : vector<1x128xf32> to vector<64x128xf32>
    %sub3A_2802 = arith.subf %broadcast_in_dim3A_2801, %broadcast_in_dim3A_18 : vector<64x128xf32>
    %mul3A_2803 = arith.mulf %sub3A_2802, %sub3A_2802 : vector<64x128xf32>
    %mul3A_2804 = arith.mulf %broadcast_in_dim3A_20, %mul3A_2803 : vector<64x128xf32>
    %exp23A_2805 = math.exp2 %mul3A_2804 : vector<64x128xf32>
    %mul3A_2806 = arith.mulf %broadcast_in_dim3A_22, %exp23A_2805 : vector<64x128xf32>
    %swap3A_2807 = arith.constant 0 : index
    %swap3A_2808 = arith.constant 19712 : index
    %swap3A_2809 = vector.load %arg4[%swap3A_2807, %swap3A_2808] : memref<64x25600xf32, #tpu.memory_space<vmem>>, vector<64x128xf32>
    tpu.vector_store %arg4[%swap3A_2807, %swap3A_2808], %mul3A_2806 {strides = array<i32>} : memref<64x25600xf32, #tpu.memory_space<vmem>>, vector<64x128xf32>,
    %get3A_2810 = arith.constant 155 : index
    %get3A_2811 = arith.constant 0 : index
    %get3A_2812 = vector.load %arg1[%get3A_2810, %get3A_2811] : memref<200x128xf32, #tpu.memory_space<vmem>>, vector<1x128xf32>
    %add3A_2813 = arith.constant 9.99999991E-38 : f32
    %add3A_2814 = vector.broadcast %add3A_2813 : f32 to vector<1x128xf32>
    %add3A_2815 = arith.addf %get3A_2812, %add3A_2814 : vector<1x128xf32>
    %rsqrt3A_2816 = math.rsqrt %add3A_2815 : vector<1x128xf32>
    %mul3A_2817 = arith.mulf %get3A_2812, %rsqrt3A_2816 : vector<1x128xf32>
    %broadcast_in_dim3A_2818 = vector.shape_cast %mul3A_2817 : vector<1x128xf32> to vector<1x128xf32>
    %broadcast_in_dim3A_2819 = vector.broadcast %broadcast_in_dim3A_2818 : vector<1x128xf32> to vector<64x128xf32>
    %sub3A_2820 = arith.subf %broadcast_in_dim3A_2819, %broadcast_in_dim3A_18 : vector<64x128xf32>
    %mul3A_2821 = arith.mulf %sub3A_2820, %sub3A_2820 : vector<64x128xf32>
    %mul3A_2822 = arith.mulf %broadcast_in_dim3A_20, %mul3A_2821 : vector<64x128xf32>
    %exp23A_2823 = math.exp2 %mul3A_2822 : vector<64x128xf32>
    %mul3A_2824 = arith.mulf %broadcast_in_dim3A_22, %exp23A_2823 : vector<64x128xf32>
    %swap3A_2825 = arith.constant 0 : index
    %swap3A_2826 = arith.constant 19840 : index
    %swap3A_2827 = vector.load %arg4[%swap3A_2825, %swap3A_2826] : memref<64x25600xf32, #tpu.memory_space<vmem>>, vector<64x128xf32>
    tpu.vector_store %arg4[%swap3A_2825, %swap3A_2826], %mul3A_2824 {strides = array<i32>} : memref<64x25600xf32, #tpu.memory_space<vmem>>, vector<64x128xf32>,
    %get3A_2828 = arith.constant 156 : index
    %get3A_2829 = arith.constant 0 : index
    %get3A_2830 = vector.load %arg1[%get3A_2828, %get3A_2829] : memref<200x128xf32, #tpu.memory_space<vmem>>, vector<1x128xf32>
    %add3A_2831 = arith.constant 9.99999991E-38 : f32
    %add3A_2832 = vector.broadcast %add3A_2831 : f32 to vector<1x128xf32>
    %add3A_2833 = arith.addf %get3A_2830, %add3A_2832 : vector<1x128xf32>
    %rsqrt3A_2834 = math.rsqrt %add3A_2833 : vector<1x128xf32>
    %mul3A_2835 = arith.mulf %get3A_2830, %rsqrt3A_2834 : vector<1x128xf32>
    %broadcast_in_dim3A_2836 = vector.shape_cast %mul3A_2835 : vector<1x128xf32> to vector<1x128xf32>
    %broadcast_in_dim3A_2837 = vector.broadcast %broadcast_in_dim3A_2836 : vector<1x128xf32> to vector<64x128xf32>
    %sub3A_2838 = arith.subf %broadcast_in_dim3A_2837, %broadcast_in_dim3A_18 : vector<64x128xf32>
    %mul3A_2839 = arith.mulf %sub3A_2838, %sub3A_2838 : vector<64x128xf32>
    %mul3A_2840 = arith.mulf %broadcast_in_dim3A_20, %mul3A_2839 : vector<64x128xf32>
    %exp23A_2841 = math.exp2 %mul3A_2840 : vector<64x128xf32>
    %mul3A_2842 = arith.mulf %broadcast_in_dim3A_22, %exp23A_2841 : vector<64x128xf32>
    %swap3A_2843 = arith.constant 0 : index
    %swap3A_2844 = arith.constant 19968 : index
    %swap3A_2845 = vector.load %arg4[%swap3A_2843, %swap3A_2844] : memref<64x25600xf32, #tpu.memory_space<vmem>>, vector<64x128xf32>
    tpu.vector_store %arg4[%swap3A_2843, %swap3A_2844], %mul3A_2842 {strides = array<i32>} : memref<64x25600xf32, #tpu.memory_space<vmem>>, vector<64x128xf32>,
    %get3A_2846 = arith.constant 157 : index
    %get3A_2847 = arith.constant 0 : index
    %get3A_2848 = vector.load %arg1[%get3A_2846, %get3A_2847] : memref<200x128xf32, #tpu.memory_space<vmem>>, vector<1x128xf32>
    %add3A_2849 = arith.constant 9.99999991E-38 : f32
    %add3A_2850 = vector.broadcast %add3A_2849 : f32 to vector<1x128xf32>
    %add3A_2851 = arith.addf %get3A_2848, %add3A_2850 : vector<1x128xf32>
    %rsqrt3A_2852 = math.rsqrt %add3A_2851 : vector<1x128xf32>
    %mul3A_2853 = arith.mulf %get3A_2848, %rsqrt3A_2852 : vector<1x128xf32>
    %broadcast_in_dim3A_2854 = vector.shape_cast %mul3A_2853 : vector<1x128xf32> to vector<1x128xf32>
    %broadcast_in_dim3A_2855 = vector.broadcast %broadcast_in_dim3A_2854 : vector<1x128xf32> to vector<64x128xf32>
    %sub3A_2856 = arith.subf %broadcast_in_dim3A_2855, %broadcast_in_dim3A_18 : vector<64x128xf32>
    %mul3A_2857 = arith.mulf %sub3A_2856, %sub3A_2856 : vector<64x128xf32>
    %mul3A_2858 = arith.mulf %broadcast_in_dim3A_20, %mul3A_2857 : vector<64x128xf32>
    %exp23A_2859 = math.exp2 %mul3A_2858 : vector<64x128xf32>
    %mul3A_2860 = arith.mulf %broadcast_in_dim3A_22, %exp23A_2859 : vector<64x128xf32>
    %swap3A_2861 = arith.constant 0 : index
    %swap3A_2862 = arith.constant 20096 : index
    %swap3A_2863 = vector.load %arg4[%swap3A_2861, %swap3A_2862] : memref<64x25600xf32, #tpu.memory_space<vmem>>, vector<64x128xf32>
    tpu.vector_store %arg4[%swap3A_2861, %swap3A_2862], %mul3A_2860 {strides = array<i32>} : memref<64x25600xf32, #tpu.memory_space<vmem>>, vector<64x128xf32>,
    %get3A_2864 = arith.constant 158 : index
    %get3A_2865 = arith.constant 0 : index
    %get3A_2866 = vector.load %arg1[%get3A_2864, %get3A_2865] : memref<200x128xf32, #tpu.memory_space<vmem>>, vector<1x128xf32>
    %add3A_2867 = arith.constant 9.99999991E-38 : f32
    %add3A_2868 = vector.broadcast %add3A_2867 : f32 to vector<1x128xf32>
    %add3A_2869 = arith.addf %get3A_2866, %add3A_2868 : vector<1x128xf32>
    %rsqrt3A_2870 = math.rsqrt %add3A_2869 : vector<1x128xf32>
    %mul3A_2871 = arith.mulf %get3A_2866, %rsqrt3A_2870 : vector<1x128xf32>
    %broadcast_in_dim3A_2872 = vector.shape_cast %mul3A_2871 : vector<1x128xf32> to vector<1x128xf32>
    %broadcast_in_dim3A_2873 = vector.broadcast %broadcast_in_dim3A_2872 : vector<1x128xf32> to vector<64x128xf32>
    %sub3A_2874 = arith.subf %broadcast_in_dim3A_2873, %broadcast_in_dim3A_18 : vector<64x128xf32>
    %mul3A_2875 = arith.mulf %sub3A_2874, %sub3A_2874 : vector<64x128xf32>
    %mul3A_2876 = arith.mulf %broadcast_in_dim3A_20, %mul3A_2875 : vector<64x128xf32>
    %exp23A_2877 = math.exp2 %mul3A_2876 : vector<64x128xf32>
    %mul3A_2878 = arith.mulf %broadcast_in_dim3A_22, %exp23A_2877 : vector<64x128xf32>
    %swap3A_2879 = arith.constant 0 : index
    %swap3A_2880 = arith.constant 20224 : index
    %swap3A_2881 = vector.load %arg4[%swap3A_2879, %swap3A_2880] : memref<64x25600xf32, #tpu.memory_space<vmem>>, vector<64x128xf32>
    tpu.vector_store %arg4[%swap3A_2879, %swap3A_2880], %mul3A_2878 {strides = array<i32>} : memref<64x25600xf32, #tpu.memory_space<vmem>>, vector<64x128xf32>,
    %get3A_2882 = arith.constant 159 : index
    %get3A_2883 = arith.constant 0 : index
    %get3A_2884 = vector.load %arg1[%get3A_2882, %get3A_2883] : memref<200x128xf32, #tpu.memory_space<vmem>>, vector<1x128xf32>
    %add3A_2885 = arith.constant 9.99999991E-38 : f32
    %add3A_2886 = vector.broadcast %add3A_2885 : f32 to vector<1x128xf32>
    %add3A_2887 = arith.addf %get3A_2884, %add3A_2886 : vector<1x128xf32>
    %rsqrt3A_2888 = math.rsqrt %add3A_2887 : vector<1x128xf32>
    %mul3A_2889 = arith.mulf %get3A_2884, %rsqrt3A_2888 : vector<1x128xf32>
    %broadcast_in_dim3A_2890 = vector.shape_cast %mul3A_2889 : vector<1x128xf32> to vector<1x128xf32>
    %broadcast_in_dim3A_2891 = vector.broadcast %broadcast_in_dim3A_2890 : vector<1x128xf32> to vector<64x128xf32>
    %sub3A_2892 = arith.subf %broadcast_in_dim3A_2891, %broadcast_in_dim3A_18 : vector<64x128xf32>
    %mul3A_2893 = arith.mulf %sub3A_2892, %sub3A_2892 : vector<64x128xf32>
    %mul3A_2894 = arith.mulf %broadcast_in_dim3A_20, %mul3A_2893 : vector<64x128xf32>
    %exp23A_2895 = math.exp2 %mul3A_2894 : vector<64x128xf32>
    %mul3A_2896 = arith.mulf %broadcast_in_dim3A_22, %exp23A_2895 : vector<64x128xf32>
    %swap3A_2897 = arith.constant 0 : index
    %swap3A_2898 = arith.constant 20352 : index
    %swap3A_2899 = vector.load %arg4[%swap3A_2897, %swap3A_2898] : memref<64x25600xf32, #tpu.memory_space<vmem>>, vector<64x128xf32>
    tpu.vector_store %arg4[%swap3A_2897, %swap3A_2898], %mul3A_2896 {strides = array<i32>} : memref<64x25600xf32, #tpu.memory_space<vmem>>, vector<64x128xf32>,
    %get3A_2900 = arith.constant 160 : index
    %get3A_2901 = arith.constant 0 : index
    %get3A_2902 = vector.load %arg1[%get3A_2900, %get3A_2901] : memref<200x128xf32, #tpu.memory_space<vmem>>, vector<1x128xf32>
    %add3A_2903 = arith.constant 9.99999991E-38 : f32
    %add3A_2904 = vector.broadcast %add3A_2903 : f32 to vector<1x128xf32>
    %add3A_2905 = arith.addf %get3A_2902, %add3A_2904 : vector<1x128xf32>
    %rsqrt3A_2906 = math.rsqrt %add3A_2905 : vector<1x128xf32>
    %mul3A_2907 = arith.mulf %get3A_2902, %rsqrt3A_2906 : vector<1x128xf32>
    %broadcast_in_dim3A_2908 = vector.shape_cast %mul3A_2907 : vector<1x128xf32> to vector<1x128xf32>
    %broadcast_in_dim3A_2909 = vector.broadcast %broadcast_in_dim3A_2908 : vector<1x128xf32> to vector<64x128xf32>
    %sub3A_2910 = arith.subf %broadcast_in_dim3A_2909, %broadcast_in_dim3A_18 : vector<64x128xf32>
    %mul3A_2911 = arith.mulf %sub3A_2910, %sub3A_2910 : vector<64x128xf32>
    %mul3A_2912 = arith.mulf %broadcast_in_dim3A_20, %mul3A_2911 : vector<64x128xf32>
    %exp23A_2913 = math.exp2 %mul3A_2912 : vector<64x128xf32>
    %mul3A_2914 = arith.mulf %broadcast_in_dim3A_22, %exp23A_2913 : vector<64x128xf32>
    %swap3A_2915 = arith.constant 0 : index
    %swap3A_2916 = arith.constant 20480 : index
    %swap3A_2917 = vector.load %arg4[%swap3A_2915, %swap3A_2916] : memref<64x25600xf32, #tpu.memory_space<vmem>>, vector<64x128xf32>
    tpu.vector_store %arg4[%swap3A_2915, %swap3A_2916], %mul3A_2914 {strides = array<i32>} : memref<64x25600xf32, #tpu.memory_space<vmem>>, vector<64x128xf32>,
    %get3A_2918 = arith.constant 161 : index
    %get3A_2919 = arith.constant 0 : index
    %get3A_2920 = vector.load %arg1[%get3A_2918, %get3A_2919] : memref<200x128xf32, #tpu.memory_space<vmem>>, vector<1x128xf32>
    %add3A_2921 = arith.constant 9.99999991E-38 : f32
    %add3A_2922 = vector.broadcast %add3A_2921 : f32 to vector<1x128xf32>
    %add3A_2923 = arith.addf %get3A_2920, %add3A_2922 : vector<1x128xf32>
    %rsqrt3A_2924 = math.rsqrt %add3A_2923 : vector<1x128xf32>
    %mul3A_2925 = arith.mulf %get3A_2920, %rsqrt3A_2924 : vector<1x128xf32>
    %broadcast_in_dim3A_2926 = vector.shape_cast %mul3A_2925 : vector<1x128xf32> to vector<1x128xf32>
    %broadcast_in_dim3A_2927 = vector.broadcast %broadcast_in_dim3A_2926 : vector<1x128xf32> to vector<64x128xf32>
    %sub3A_2928 = arith.subf %broadcast_in_dim3A_2927, %broadcast_in_dim3A_18 : vector<64x128xf32>
    %mul3A_2929 = arith.mulf %sub3A_2928, %sub3A_2928 : vector<64x128xf32>
    %mul3A_2930 = arith.mulf %broadcast_in_dim3A_20, %mul3A_2929 : vector<64x128xf32>
    %exp23A_2931 = math.exp2 %mul3A_2930 : vector<64x128xf32>
    %mul3A_2932 = arith.mulf %broadcast_in_dim3A_22, %exp23A_2931 : vector<64x128xf32>
    %swap3A_2933 = arith.constant 0 : index
    %swap3A_2934 = arith.constant 20608 : index
    %swap3A_2935 = vector.load %arg4[%swap3A_2933, %swap3A_2934] : memref<64x25600xf32, #tpu.memory_space<vmem>>, vector<64x128xf32>
    tpu.vector_store %arg4[%swap3A_2933, %swap3A_2934], %mul3A_2932 {strides = array<i32>} : memref<64x25600xf32, #tpu.memory_space<vmem>>, vector<64x128xf32>,
    %get3A_2936 = arith.constant 162 : index
    %get3A_2937 = arith.constant 0 : index
    %get3A_2938 = vector.load %arg1[%get3A_2936, %get3A_2937] : memref<200x128xf32, #tpu.memory_space<vmem>>, vector<1x128xf32>
    %add3A_2939 = arith.constant 9.99999991E-38 : f32
    %add3A_2940 = vector.broadcast %add3A_2939 : f32 to vector<1x128xf32>
    %add3A_2941 = arith.addf %get3A_2938, %add3A_2940 : vector<1x128xf32>
    %rsqrt3A_2942 = math.rsqrt %add3A_2941 : vector<1x128xf32>
    %mul3A_2943 = arith.mulf %get3A_2938, %rsqrt3A_2942 : vector<1x128xf32>
    %broadcast_in_dim3A_2944 = vector.shape_cast %mul3A_2943 : vector<1x128xf32> to vector<1x128xf32>
    %broadcast_in_dim3A_2945 = vector.broadcast %broadcast_in_dim3A_2944 : vector<1x128xf32> to vector<64x128xf32>
    %sub3A_2946 = arith.subf %broadcast_in_dim3A_2945, %broadcast_in_dim3A_18 : vector<64x128xf32>
    %mul3A_2947 = arith.mulf %sub3A_2946, %sub3A_2946 : vector<64x128xf32>
    %mul3A_2948 = arith.mulf %broadcast_in_dim3A_20, %mul3A_2947 : vector<64x128xf32>
    %exp23A_2949 = math.exp2 %mul3A_2948 : vector<64x128xf32>
    %mul3A_2950 = arith.mulf %broadcast_in_dim3A_22, %exp23A_2949 : vector<64x128xf32>
    %swap3A_2951 = arith.constant 0 : index
    %swap3A_2952 = arith.constant 20736 : index
    %swap3A_2953 = vector.load %arg4[%swap3A_2951, %swap3A_2952] : memref<64x25600xf32, #tpu.memory_space<vmem>>, vector<64x128xf32>
    tpu.vector_store %arg4[%swap3A_2951, %swap3A_2952], %mul3A_2950 {strides = array<i32>} : memref<64x25600xf32, #tpu.memory_space<vmem>>, vector<64x128xf32>,
    %get3A_2954 = arith.constant 163 : index
    %get3A_2955 = arith.constant 0 : index
    %get3A_2956 = vector.load %arg1[%get3A_2954, %get3A_2955] : memref<200x128xf32, #tpu.memory_space<vmem>>, vector<1x128xf32>
    %add3A_2957 = arith.constant 9.99999991E-38 : f32
    %add3A_2958 = vector.broadcast %add3A_2957 : f32 to vector<1x128xf32>
    %add3A_2959 = arith.addf %get3A_2956, %add3A_2958 : vector<1x128xf32>
    %rsqrt3A_2960 = math.rsqrt %add3A_2959 : vector<1x128xf32>
    %mul3A_2961 = arith.mulf %get3A_2956, %rsqrt3A_2960 : vector<1x128xf32>
    %broadcast_in_dim3A_2962 = vector.shape_cast %mul3A_2961 : vector<1x128xf32> to vector<1x128xf32>
    %broadcast_in_dim3A_2963 = vector.broadcast %broadcast_in_dim3A_2962 : vector<1x128xf32> to vector<64x128xf32>
    %sub3A_2964 = arith.subf %broadcast_in_dim3A_2963, %broadcast_in_dim3A_18 : vector<64x128xf32>
    %mul3A_2965 = arith.mulf %sub3A_2964, %sub3A_2964 : vector<64x128xf32>
    %mul3A_2966 = arith.mulf %broadcast_in_dim3A_20, %mul3A_2965 : vector<64x128xf32>
    %exp23A_2967 = math.exp2 %mul3A_2966 : vector<64x128xf32>
    %mul3A_2968 = arith.mulf %broadcast_in_dim3A_22, %exp23A_2967 : vector<64x128xf32>
    %swap3A_2969 = arith.constant 0 : index
    %swap3A_2970 = arith.constant 20864 : index
    %swap3A_2971 = vector.load %arg4[%swap3A_2969, %swap3A_2970] : memref<64x25600xf32, #tpu.memory_space<vmem>>, vector<64x128xf32>
    tpu.vector_store %arg4[%swap3A_2969, %swap3A_2970], %mul3A_2968 {strides = array<i32>} : memref<64x25600xf32, #tpu.memory_space<vmem>>, vector<64x128xf32>,
    %get3A_2972 = arith.constant 164 : index
    %get3A_2973 = arith.constant 0 : index
    %get3A_2974 = vector.load %arg1[%get3A_2972, %get3A_2973] : memref<200x128xf32, #tpu.memory_space<vmem>>, vector<1x128xf32>
    %add3A_2975 = arith.constant 9.99999991E-38 : f32
    %add3A_2976 = vector.broadcast %add3A_2975 : f32 to vector<1x128xf32>
    %add3A_2977 = arith.addf %get3A_2974, %add3A_2976 : vector<1x128xf32>
    %rsqrt3A_2978 = math.rsqrt %add3A_2977 : vector<1x128xf32>
    %mul3A_2979 = arith.mulf %get3A_2974, %rsqrt3A_2978 : vector<1x128xf32>
    %broadcast_in_dim3A_2980 = vector.shape_cast %mul3A_2979 : vector<1x128xf32> to vector<1x128xf32>
    %broadcast_in_dim3A_2981 = vector.broadcast %broadcast_in_dim3A_2980 : vector<1x128xf32> to vector<64x128xf32>
    %sub3A_2982 = arith.subf %broadcast_in_dim3A_2981, %broadcast_in_dim3A_18 : vector<64x128xf32>
    %mul3A_2983 = arith.mulf %sub3A_2982, %sub3A_2982 : vector<64x128xf32>
    %mul3A_2984 = arith.mulf %broadcast_in_dim3A_20, %mul3A_2983 : vector<64x128xf32>
    %exp23A_2985 = math.exp2 %mul3A_2984 : vector<64x128xf32>
    %mul3A_2986 = arith.mulf %broadcast_in_dim3A_22, %exp23A_2985 : vector<64x128xf32>
    %swap3A_2987 = arith.constant 0 : index
    %swap3A_2988 = arith.constant 20992 : index
    %swap3A_2989 = vector.load %arg4[%swap3A_2987, %swap3A_2988] : memref<64x25600xf32, #tpu.memory_space<vmem>>, vector<64x128xf32>
    tpu.vector_store %arg4[%swap3A_2987, %swap3A_2988], %mul3A_2986 {strides = array<i32>} : memref<64x25600xf32, #tpu.memory_space<vmem>>, vector<64x128xf32>,
    %get3A_2990 = arith.constant 165 : index
    %get3A_2991 = arith.constant 0 : index
    %get3A_2992 = vector.load %arg1[%get3A_2990, %get3A_2991] : memref<200x128xf32, #tpu.memory_space<vmem>>, vector<1x128xf32>
    %add3A_2993 = arith.constant 9.99999991E-38 : f32
    %add3A_2994 = vector.broadcast %add3A_2993 : f32 to vector<1x128xf32>
    %add3A_2995 = arith.addf %get3A_2992, %add3A_2994 : vector<1x128xf32>
    %rsqrt3A_2996 = math.rsqrt %add3A_2995 : vector<1x128xf32>
    %mul3A_2997 = arith.mulf %get3A_2992, %rsqrt3A_2996 : vector<1x128xf32>
    %broadcast_in_dim3A_2998 = vector.shape_cast %mul3A_2997 : vector<1x128xf32> to vector<1x128xf32>
    %broadcast_in_dim3A_2999 = vector.broadcast %broadcast_in_dim3A_2998 : vector<1x128xf32> to vector<64x128xf32>
    %sub3A_3000 = arith.subf %broadcast_in_dim3A_2999, %broadcast_in_dim3A_18 : vector<64x128xf32>
    %mul3A_3001 = arith.mulf %sub3A_3000, %sub3A_3000 : vector<64x128xf32>
    %mul3A_3002 = arith.mulf %broadcast_in_dim3A_20, %mul3A_3001 : vector<64x128xf32>
    %exp23A_3003 = math.exp2 %mul3A_3002 : vector<64x128xf32>
    %mul3A_3004 = arith.mulf %broadcast_in_dim3A_22, %exp23A_3003 : vector<64x128xf32>
    %swap3A_3005 = arith.constant 0 : index
    %swap3A_3006 = arith.constant 21120 : index
    %swap3A_3007 = vector.load %arg4[%swap3A_3005, %swap3A_3006] : memref<64x25600xf32, #tpu.memory_space<vmem>>, vector<64x128xf32>
    tpu.vector_store %arg4[%swap3A_3005, %swap3A_3006], %mul3A_3004 {strides = array<i32>} : memref<64x25600xf32, #tpu.memory_space<vmem>>, vector<64x128xf32>,
    %get3A_3008 = arith.constant 166 : index
    %get3A_3009 = arith.constant 0 : index
    %get3A_3010 = vector.load %arg1[%get3A_3008, %get3A_3009] : memref<200x128xf32, #tpu.memory_space<vmem>>, vector<1x128xf32>
    %add3A_3011 = arith.constant 9.99999991E-38 : f32
    %add3A_3012 = vector.broadcast %add3A_3011 : f32 to vector<1x128xf32>
    %add3A_3013 = arith.addf %get3A_3010, %add3A_3012 : vector<1x128xf32>
    %rsqrt3A_3014 = math.rsqrt %add3A_3013 : vector<1x128xf32>
    %mul3A_3015 = arith.mulf %get3A_3010, %rsqrt3A_3014 : vector<1x128xf32>
    %broadcast_in_dim3A_3016 = vector.shape_cast %mul3A_3015 : vector<1x128xf32> to vector<1x128xf32>
    %broadcast_in_dim3A_3017 = vector.broadcast %broadcast_in_dim3A_3016 : vector<1x128xf32> to vector<64x128xf32>
    %sub3A_3018 = arith.subf %broadcast_in_dim3A_3017, %broadcast_in_dim3A_18 : vector<64x128xf32>
    %mul3A_3019 = arith.mulf %sub3A_3018, %sub3A_3018 : vector<64x128xf32>
    %mul3A_3020 = arith.mulf %broadcast_in_dim3A_20, %mul3A_3019 : vector<64x128xf32>
    %exp23A_3021 = math.exp2 %mul3A_3020 : vector<64x128xf32>
    %mul3A_3022 = arith.mulf %broadcast_in_dim3A_22, %exp23A_3021 : vector<64x128xf32>
    %swap3A_3023 = arith.constant 0 : index
    %swap3A_3024 = arith.constant 21248 : index
    %swap3A_3025 = vector.load %arg4[%swap3A_3023, %swap3A_3024] : memref<64x25600xf32, #tpu.memory_space<vmem>>, vector<64x128xf32>
    tpu.vector_store %arg4[%swap3A_3023, %swap3A_3024], %mul3A_3022 {strides = array<i32>} : memref<64x25600xf32, #tpu.memory_space<vmem>>, vector<64x128xf32>,
    %get3A_3026 = arith.constant 167 : index
    %get3A_3027 = arith.constant 0 : index
    %get3A_3028 = vector.load %arg1[%get3A_3026, %get3A_3027] : memref<200x128xf32, #tpu.memory_space<vmem>>, vector<1x128xf32>
    %add3A_3029 = arith.constant 9.99999991E-38 : f32
    %add3A_3030 = vector.broadcast %add3A_3029 : f32 to vector<1x128xf32>
    %add3A_3031 = arith.addf %get3A_3028, %add3A_3030 : vector<1x128xf32>
    %rsqrt3A_3032 = math.rsqrt %add3A_3031 : vector<1x128xf32>
    %mul3A_3033 = arith.mulf %get3A_3028, %rsqrt3A_3032 : vector<1x128xf32>
    %broadcast_in_dim3A_3034 = vector.shape_cast %mul3A_3033 : vector<1x128xf32> to vector<1x128xf32>
    %broadcast_in_dim3A_3035 = vector.broadcast %broadcast_in_dim3A_3034 : vector<1x128xf32> to vector<64x128xf32>
    %sub3A_3036 = arith.subf %broadcast_in_dim3A_3035, %broadcast_in_dim3A_18 : vector<64x128xf32>
    %mul3A_3037 = arith.mulf %sub3A_3036, %sub3A_3036 : vector<64x128xf32>
    %mul3A_3038 = arith.mulf %broadcast_in_dim3A_20, %mul3A_3037 : vector<64x128xf32>
    %exp23A_3039 = math.exp2 %mul3A_3038 : vector<64x128xf32>
    %mul3A_3040 = arith.mulf %broadcast_in_dim3A_22, %exp23A_3039 : vector<64x128xf32>
    %swap3A_3041 = arith.constant 0 : index
    %swap3A_3042 = arith.constant 21376 : index
    %swap3A_3043 = vector.load %arg4[%swap3A_3041, %swap3A_3042] : memref<64x25600xf32, #tpu.memory_space<vmem>>, vector<64x128xf32>
    tpu.vector_store %arg4[%swap3A_3041, %swap3A_3042], %mul3A_3040 {strides = array<i32>} : memref<64x25600xf32, #tpu.memory_space<vmem>>, vector<64x128xf32>,
    %get3A_3044 = arith.constant 168 : index
    %get3A_3045 = arith.constant 0 : index
    %get3A_3046 = vector.load %arg1[%get3A_3044, %get3A_3045] : memref<200x128xf32, #tpu.memory_space<vmem>>, vector<1x128xf32>
    %add3A_3047 = arith.constant 9.99999991E-38 : f32
    %add3A_3048 = vector.broadcast %add3A_3047 : f32 to vector<1x128xf32>
    %add3A_3049 = arith.addf %get3A_3046, %add3A_3048 : vector<1x128xf32>
    %rsqrt3A_3050 = math.rsqrt %add3A_3049 : vector<1x128xf32>
    %mul3A_3051 = arith.mulf %get3A_3046, %rsqrt3A_3050 : vector<1x128xf32>
    %broadcast_in_dim3A_3052 = vector.shape_cast %mul3A_3051 : vector<1x128xf32> to vector<1x128xf32>
    %broadcast_in_dim3A_3053 = vector.broadcast %broadcast_in_dim3A_3052 : vector<1x128xf32> to vector<64x128xf32>
    %sub3A_3054 = arith.subf %broadcast_in_dim3A_3053, %broadcast_in_dim3A_18 : vector<64x128xf32>
    %mul3A_3055 = arith.mulf %sub3A_3054, %sub3A_3054 : vector<64x128xf32>
    %mul3A_3056 = arith.mulf %broadcast_in_dim3A_20, %mul3A_3055 : vector<64x128xf32>
    %exp23A_3057 = math.exp2 %mul3A_3056 : vector<64x128xf32>
    %mul3A_3058 = arith.mulf %broadcast_in_dim3A_22, %exp23A_3057 : vector<64x128xf32>
    %swap3A_3059 = arith.constant 0 : index
    %swap3A_3060 = arith.constant 21504 : index
    %swap3A_3061 = vector.load %arg4[%swap3A_3059, %swap3A_3060] : memref<64x25600xf32, #tpu.memory_space<vmem>>, vector<64x128xf32>
    tpu.vector_store %arg4[%swap3A_3059, %swap3A_3060], %mul3A_3058 {strides = array<i32>} : memref<64x25600xf32, #tpu.memory_space<vmem>>, vector<64x128xf32>,
    %get3A_3062 = arith.constant 169 : index
    %get3A_3063 = arith.constant 0 : index
    %get3A_3064 = vector.load %arg1[%get3A_3062, %get3A_3063] : memref<200x128xf32, #tpu.memory_space<vmem>>, vector<1x128xf32>
    %add3A_3065 = arith.constant 9.99999991E-38 : f32
    %add3A_3066 = vector.broadcast %add3A_3065 : f32 to vector<1x128xf32>
    %add3A_3067 = arith.addf %get3A_3064, %add3A_3066 : vector<1x128xf32>
    %rsqrt3A_3068 = math.rsqrt %add3A_3067 : vector<1x128xf32>
    %mul3A_3069 = arith.mulf %get3A_3064, %rsqrt3A_3068 : vector<1x128xf32>
    %broadcast_in_dim3A_3070 = vector.shape_cast %mul3A_3069 : vector<1x128xf32> to vector<1x128xf32>
    %broadcast_in_dim3A_3071 = vector.broadcast %broadcast_in_dim3A_3070 : vector<1x128xf32> to vector<64x128xf32>
    %sub3A_3072 = arith.subf %broadcast_in_dim3A_3071, %broadcast_in_dim3A_18 : vector<64x128xf32>
    %mul3A_3073 = arith.mulf %sub3A_3072, %sub3A_3072 : vector<64x128xf32>
    %mul3A_3074 = arith.mulf %broadcast_in_dim3A_20, %mul3A_3073 : vector<64x128xf32>
    %exp23A_3075 = math.exp2 %mul3A_3074 : vector<64x128xf32>
    %mul3A_3076 = arith.mulf %broadcast_in_dim3A_22, %exp23A_3075 : vector<64x128xf32>
    %swap3A_3077 = arith.constant 0 : index
    %swap3A_3078 = arith.constant 21632 : index
    %swap3A_3079 = vector.load %arg4[%swap3A_3077, %swap3A_3078] : memref<64x25600xf32, #tpu.memory_space<vmem>>, vector<64x128xf32>
    tpu.vector_store %arg4[%swap3A_3077, %swap3A_3078], %mul3A_3076 {strides = array<i32>} : memref<64x25600xf32, #tpu.memory_space<vmem>>, vector<64x128xf32>,
    %get3A_3080 = arith.constant 170 : index
    %get3A_3081 = arith.constant 0 : index
    %get3A_3082 = vector.load %arg1[%get3A_3080, %get3A_3081] : memref<200x128xf32, #tpu.memory_space<vmem>>, vector<1x128xf32>
    %add3A_3083 = arith.constant 9.99999991E-38 : f32
    %add3A_3084 = vector.broadcast %add3A_3083 : f32 to vector<1x128xf32>
    %add3A_3085 = arith.addf %get3A_3082, %add3A_3084 : vector<1x128xf32>
    %rsqrt3A_3086 = math.rsqrt %add3A_3085 : vector<1x128xf32>
    %mul3A_3087 = arith.mulf %get3A_3082, %rsqrt3A_3086 : vector<1x128xf32>
    %broadcast_in_dim3A_3088 = vector.shape_cast %mul3A_3087 : vector<1x128xf32> to vector<1x128xf32>
    %broadcast_in_dim3A_3089 = vector.broadcast %broadcast_in_dim3A_3088 : vector<1x128xf32> to vector<64x128xf32>
    %sub3A_3090 = arith.subf %broadcast_in_dim3A_3089, %broadcast_in_dim3A_18 : vector<64x128xf32>
    %mul3A_3091 = arith.mulf %sub3A_3090, %sub3A_3090 : vector<64x128xf32>
    %mul3A_3092 = arith.mulf %broadcast_in_dim3A_20, %mul3A_3091 : vector<64x128xf32>
    %exp23A_3093 = math.exp2 %mul3A_3092 : vector<64x128xf32>
    %mul3A_3094 = arith.mulf %broadcast_in_dim3A_22, %exp23A_3093 : vector<64x128xf32>
    %swap3A_3095 = arith.constant 0 : index
    %swap3A_3096 = arith.constant 21760 : index
    %swap3A_3097 = vector.load %arg4[%swap3A_3095, %swap3A_3096] : memref<64x25600xf32, #tpu.memory_space<vmem>>, vector<64x128xf32>
    tpu.vector_store %arg4[%swap3A_3095, %swap3A_3096], %mul3A_3094 {strides = array<i32>} : memref<64x25600xf32, #tpu.memory_space<vmem>>, vector<64x128xf32>,
    %get3A_3098 = arith.constant 171 : index
    %get3A_3099 = arith.constant 0 : index
    %get3A_3100 = vector.load %arg1[%get3A_3098, %get3A_3099] : memref<200x128xf32, #tpu.memory_space<vmem>>, vector<1x128xf32>
    %add3A_3101 = arith.constant 9.99999991E-38 : f32
    %add3A_3102 = vector.broadcast %add3A_3101 : f32 to vector<1x128xf32>
    %add3A_3103 = arith.addf %get3A_3100, %add3A_3102 : vector<1x128xf32>
    %rsqrt3A_3104 = math.rsqrt %add3A_3103 : vector<1x128xf32>
    %mul3A_3105 = arith.mulf %get3A_3100, %rsqrt3A_3104 : vector<1x128xf32>
    %broadcast_in_dim3A_3106 = vector.shape_cast %mul3A_3105 : vector<1x128xf32> to vector<1x128xf32>
    %broadcast_in_dim3A_3107 = vector.broadcast %broadcast_in_dim3A_3106 : vector<1x128xf32> to vector<64x128xf32>
    %sub3A_3108 = arith.subf %broadcast_in_dim3A_3107, %broadcast_in_dim3A_18 : vector<64x128xf32>
    %mul3A_3109 = arith.mulf %sub3A_3108, %sub3A_3108 : vector<64x128xf32>
    %mul3A_3110 = arith.mulf %broadcast_in_dim3A_20, %mul3A_3109 : vector<64x128xf32>
    %exp23A_3111 = math.exp2 %mul3A_3110 : vector<64x128xf32>
    %mul3A_3112 = arith.mulf %broadcast_in_dim3A_22, %exp23A_3111 : vector<64x128xf32>
    %swap3A_3113 = arith.constant 0 : index
    %swap3A_3114 = arith.constant 21888 : index
    %swap3A_3115 = vector.load %arg4[%swap3A_3113, %swap3A_3114] : memref<64x25600xf32, #tpu.memory_space<vmem>>, vector<64x128xf32>
    tpu.vector_store %arg4[%swap3A_3113, %swap3A_3114], %mul3A_3112 {strides = array<i32>} : memref<64x25600xf32, #tpu.memory_space<vmem>>, vector<64x128xf32>,
    %get3A_3116 = arith.constant 172 : index
    %get3A_3117 = arith.constant 0 : index
    %get3A_3118 = vector.load %arg1[%get3A_3116, %get3A_3117] : memref<200x128xf32, #tpu.memory_space<vmem>>, vector<1x128xf32>
    %add3A_3119 = arith.constant 9.99999991E-38 : f32
    %add3A_3120 = vector.broadcast %add3A_3119 : f32 to vector<1x128xf32>
    %add3A_3121 = arith.addf %get3A_3118, %add3A_3120 : vector<1x128xf32>
    %rsqrt3A_3122 = math.rsqrt %add3A_3121 : vector<1x128xf32>
    %mul3A_3123 = arith.mulf %get3A_3118, %rsqrt3A_3122 : vector<1x128xf32>
    %broadcast_in_dim3A_3124 = vector.shape_cast %mul3A_3123 : vector<1x128xf32> to vector<1x128xf32>
    %broadcast_in_dim3A_3125 = vector.broadcast %broadcast_in_dim3A_3124 : vector<1x128xf32> to vector<64x128xf32>
    %sub3A_3126 = arith.subf %broadcast_in_dim3A_3125, %broadcast_in_dim3A_18 : vector<64x128xf32>
    %mul3A_3127 = arith.mulf %sub3A_3126, %sub3A_3126 : vector<64x128xf32>
    %mul3A_3128 = arith.mulf %broadcast_in_dim3A_20, %mul3A_3127 : vector<64x128xf32>
    %exp23A_3129 = math.exp2 %mul3A_3128 : vector<64x128xf32>
    %mul3A_3130 = arith.mulf %broadcast_in_dim3A_22, %exp23A_3129 : vector<64x128xf32>
    %swap3A_3131 = arith.constant 0 : index
    %swap3A_3132 = arith.constant 22016 : index
    %swap3A_3133 = vector.load %arg4[%swap3A_3131, %swap3A_3132] : memref<64x25600xf32, #tpu.memory_space<vmem>>, vector<64x128xf32>
    tpu.vector_store %arg4[%swap3A_3131, %swap3A_3132], %mul3A_3130 {strides = array<i32>} : memref<64x25600xf32, #tpu.memory_space<vmem>>, vector<64x128xf32>,
    %get3A_3134 = arith.constant 173 : index
    %get3A_3135 = arith.constant 0 : index
    %get3A_3136 = vector.load %arg1[%get3A_3134, %get3A_3135] : memref<200x128xf32, #tpu.memory_space<vmem>>, vector<1x128xf32>
    %add3A_3137 = arith.constant 9.99999991E-38 : f32
    %add3A_3138 = vector.broadcast %add3A_3137 : f32 to vector<1x128xf32>
    %add3A_3139 = arith.addf %get3A_3136, %add3A_3138 : vector<1x128xf32>
    %rsqrt3A_3140 = math.rsqrt %add3A_3139 : vector<1x128xf32>
    %mul3A_3141 = arith.mulf %get3A_3136, %rsqrt3A_3140 : vector<1x128xf32>
    %broadcast_in_dim3A_3142 = vector.shape_cast %mul3A_3141 : vector<1x128xf32> to vector<1x128xf32>
    %broadcast_in_dim3A_3143 = vector.broadcast %broadcast_in_dim3A_3142 : vector<1x128xf32> to vector<64x128xf32>
    %sub3A_3144 = arith.subf %broadcast_in_dim3A_3143, %broadcast_in_dim3A_18 : vector<64x128xf32>
    %mul3A_3145 = arith.mulf %sub3A_3144, %sub3A_3144 : vector<64x128xf32>
    %mul3A_3146 = arith.mulf %broadcast_in_dim3A_20, %mul3A_3145 : vector<64x128xf32>
    %exp23A_3147 = math.exp2 %mul3A_3146 : vector<64x128xf32>
    %mul3A_3148 = arith.mulf %broadcast_in_dim3A_22, %exp23A_3147 : vector<64x128xf32>
    %swap3A_3149 = arith.constant 0 : index
    %swap3A_3150 = arith.constant 22144 : index
    %swap3A_3151 = vector.load %arg4[%swap3A_3149, %swap3A_3150] : memref<64x25600xf32, #tpu.memory_space<vmem>>, vector<64x128xf32>
    tpu.vector_store %arg4[%swap3A_3149, %swap3A_3150], %mul3A_3148 {strides = array<i32>} : memref<64x25600xf32, #tpu.memory_space<vmem>>, vector<64x128xf32>,
    %get3A_3152 = arith.constant 174 : index
    %get3A_3153 = arith.constant 0 : index
    %get3A_3154 = vector.load %arg1[%get3A_3152, %get3A_3153] : memref<200x128xf32, #tpu.memory_space<vmem>>, vector<1x128xf32>
    %add3A_3155 = arith.constant 9.99999991E-38 : f32
    %add3A_3156 = vector.broadcast %add3A_3155 : f32 to vector<1x128xf32>
    %add3A_3157 = arith.addf %get3A_3154, %add3A_3156 : vector<1x128xf32>
    %rsqrt3A_3158 = math.rsqrt %add3A_3157 : vector<1x128xf32>
    %mul3A_3159 = arith.mulf %get3A_3154, %rsqrt3A_3158 : vector<1x128xf32>
    %broadcast_in_dim3A_3160 = vector.shape_cast %mul3A_3159 : vector<1x128xf32> to vector<1x128xf32>
    %broadcast_in_dim3A_3161 = vector.broadcast %broadcast_in_dim3A_3160 : vector<1x128xf32> to vector<64x128xf32>
    %sub3A_3162 = arith.subf %broadcast_in_dim3A_3161, %broadcast_in_dim3A_18 : vector<64x128xf32>
    %mul3A_3163 = arith.mulf %sub3A_3162, %sub3A_3162 : vector<64x128xf32>
    %mul3A_3164 = arith.mulf %broadcast_in_dim3A_20, %mul3A_3163 : vector<64x128xf32>
    %exp23A_3165 = math.exp2 %mul3A_3164 : vector<64x128xf32>
    %mul3A_3166 = arith.mulf %broadcast_in_dim3A_22, %exp23A_3165 : vector<64x128xf32>
    %swap3A_3167 = arith.constant 0 : index
    %swap3A_3168 = arith.constant 22272 : index
    %swap3A_3169 = vector.load %arg4[%swap3A_3167, %swap3A_3168] : memref<64x25600xf32, #tpu.memory_space<vmem>>, vector<64x128xf32>
    tpu.vector_store %arg4[%swap3A_3167, %swap3A_3168], %mul3A_3166 {strides = array<i32>} : memref<64x25600xf32, #tpu.memory_space<vmem>>, vector<64x128xf32>,
    %get3A_3170 = arith.constant 175 : index
    %get3A_3171 = arith.constant 0 : index
    %get3A_3172 = vector.load %arg1[%get3A_3170, %get3A_3171] : memref<200x128xf32, #tpu.memory_space<vmem>>, vector<1x128xf32>
    %add3A_3173 = arith.constant 9.99999991E-38 : f32
    %add3A_3174 = vector.broadcast %add3A_3173 : f32 to vector<1x128xf32>
    %add3A_3175 = arith.addf %get3A_3172, %add3A_3174 : vector<1x128xf32>
    %rsqrt3A_3176 = math.rsqrt %add3A_3175 : vector<1x128xf32>
    %mul3A_3177 = arith.mulf %get3A_3172, %rsqrt3A_3176 : vector<1x128xf32>
    %broadcast_in_dim3A_3178 = vector.shape_cast %mul3A_3177 : vector<1x128xf32> to vector<1x128xf32>
    %broadcast_in_dim3A_3179 = vector.broadcast %broadcast_in_dim3A_3178 : vector<1x128xf32> to vector<64x128xf32>
    %sub3A_3180 = arith.subf %broadcast_in_dim3A_3179, %broadcast_in_dim3A_18 : vector<64x128xf32>
    %mul3A_3181 = arith.mulf %sub3A_3180, %sub3A_3180 : vector<64x128xf32>
    %mul3A_3182 = arith.mulf %broadcast_in_dim3A_20, %mul3A_3181 : vector<64x128xf32>
    %exp23A_3183 = math.exp2 %mul3A_3182 : vector<64x128xf32>
    %mul3A_3184 = arith.mulf %broadcast_in_dim3A_22, %exp23A_3183 : vector<64x128xf32>
    %swap3A_3185 = arith.constant 0 : index
    %swap3A_3186 = arith.constant 22400 : index
    %swap3A_3187 = vector.load %arg4[%swap3A_3185, %swap3A_3186] : memref<64x25600xf32, #tpu.memory_space<vmem>>, vector<64x128xf32>
    tpu.vector_store %arg4[%swap3A_3185, %swap3A_3186], %mul3A_3184 {strides = array<i32>} : memref<64x25600xf32, #tpu.memory_space<vmem>>, vector<64x128xf32>,
    %get3A_3188 = arith.constant 176 : index
    %get3A_3189 = arith.constant 0 : index
    %get3A_3190 = vector.load %arg1[%get3A_3188, %get3A_3189] : memref<200x128xf32, #tpu.memory_space<vmem>>, vector<1x128xf32>
    %add3A_3191 = arith.constant 9.99999991E-38 : f32
    %add3A_3192 = vector.broadcast %add3A_3191 : f32 to vector<1x128xf32>
    %add3A_3193 = arith.addf %get3A_3190, %add3A_3192 : vector<1x128xf32>
    %rsqrt3A_3194 = math.rsqrt %add3A_3193 : vector<1x128xf32>
    %mul3A_3195 = arith.mulf %get3A_3190, %rsqrt3A_3194 : vector<1x128xf32>
    %broadcast_in_dim3A_3196 = vector.shape_cast %mul3A_3195 : vector<1x128xf32> to vector<1x128xf32>
    %broadcast_in_dim3A_3197 = vector.broadcast %broadcast_in_dim3A_3196 : vector<1x128xf32> to vector<64x128xf32>
    %sub3A_3198 = arith.subf %broadcast_in_dim3A_3197, %broadcast_in_dim3A_18 : vector<64x128xf32>
    %mul3A_3199 = arith.mulf %sub3A_3198, %sub3A_3198 : vector<64x128xf32>
    %mul3A_3200 = arith.mulf %broadcast_in_dim3A_20, %mul3A_3199 : vector<64x128xf32>
    %exp23A_3201 = math.exp2 %mul3A_3200 : vector<64x128xf32>
    %mul3A_3202 = arith.mulf %broadcast_in_dim3A_22, %exp23A_3201 : vector<64x128xf32>
    %swap3A_3203 = arith.constant 0 : index
    %swap3A_3204 = arith.constant 22528 : index
    %swap3A_3205 = vector.load %arg4[%swap3A_3203, %swap3A_3204] : memref<64x25600xf32, #tpu.memory_space<vmem>>, vector<64x128xf32>
    tpu.vector_store %arg4[%swap3A_3203, %swap3A_3204], %mul3A_3202 {strides = array<i32>} : memref<64x25600xf32, #tpu.memory_space<vmem>>, vector<64x128xf32>,
    %get3A_3206 = arith.constant 177 : index
    %get3A_3207 = arith.constant 0 : index
    %get3A_3208 = vector.load %arg1[%get3A_3206, %get3A_3207] : memref<200x128xf32, #tpu.memory_space<vmem>>, vector<1x128xf32>
    %add3A_3209 = arith.constant 9.99999991E-38 : f32
    %add3A_3210 = vector.broadcast %add3A_3209 : f32 to vector<1x128xf32>
    %add3A_3211 = arith.addf %get3A_3208, %add3A_3210 : vector<1x128xf32>
    %rsqrt3A_3212 = math.rsqrt %add3A_3211 : vector<1x128xf32>
    %mul3A_3213 = arith.mulf %get3A_3208, %rsqrt3A_3212 : vector<1x128xf32>
    %broadcast_in_dim3A_3214 = vector.shape_cast %mul3A_3213 : vector<1x128xf32> to vector<1x128xf32>
    %broadcast_in_dim3A_3215 = vector.broadcast %broadcast_in_dim3A_3214 : vector<1x128xf32> to vector<64x128xf32>
    %sub3A_3216 = arith.subf %broadcast_in_dim3A_3215, %broadcast_in_dim3A_18 : vector<64x128xf32>
    %mul3A_3217 = arith.mulf %sub3A_3216, %sub3A_3216 : vector<64x128xf32>
    %mul3A_3218 = arith.mulf %broadcast_in_dim3A_20, %mul3A_3217 : vector<64x128xf32>
    %exp23A_3219 = math.exp2 %mul3A_3218 : vector<64x128xf32>
    %mul3A_3220 = arith.mulf %broadcast_in_dim3A_22, %exp23A_3219 : vector<64x128xf32>
    %swap3A_3221 = arith.constant 0 : index
    %swap3A_3222 = arith.constant 22656 : index
    %swap3A_3223 = vector.load %arg4[%swap3A_3221, %swap3A_3222] : memref<64x25600xf32, #tpu.memory_space<vmem>>, vector<64x128xf32>
    tpu.vector_store %arg4[%swap3A_3221, %swap3A_3222], %mul3A_3220 {strides = array<i32>} : memref<64x25600xf32, #tpu.memory_space<vmem>>, vector<64x128xf32>,
    %get3A_3224 = arith.constant 178 : index
    %get3A_3225 = arith.constant 0 : index
    %get3A_3226 = vector.load %arg1[%get3A_3224, %get3A_3225] : memref<200x128xf32, #tpu.memory_space<vmem>>, vector<1x128xf32>
    %add3A_3227 = arith.constant 9.99999991E-38 : f32
    %add3A_3228 = vector.broadcast %add3A_3227 : f32 to vector<1x128xf32>
    %add3A_3229 = arith.addf %get3A_3226, %add3A_3228 : vector<1x128xf32>
    %rsqrt3A_3230 = math.rsqrt %add3A_3229 : vector<1x128xf32>
    %mul3A_3231 = arith.mulf %get3A_3226, %rsqrt3A_3230 : vector<1x128xf32>
    %broadcast_in_dim3A_3232 = vector.shape_cast %mul3A_3231 : vector<1x128xf32> to vector<1x128xf32>
    %broadcast_in_dim3A_3233 = vector.broadcast %broadcast_in_dim3A_3232 : vector<1x128xf32> to vector<64x128xf32>
    %sub3A_3234 = arith.subf %broadcast_in_dim3A_3233, %broadcast_in_dim3A_18 : vector<64x128xf32>
    %mul3A_3235 = arith.mulf %sub3A_3234, %sub3A_3234 : vector<64x128xf32>
    %mul3A_3236 = arith.mulf %broadcast_in_dim3A_20, %mul3A_3235 : vector<64x128xf32>
    %exp23A_3237 = math.exp2 %mul3A_3236 : vector<64x128xf32>
    %mul3A_3238 = arith.mulf %broadcast_in_dim3A_22, %exp23A_3237 : vector<64x128xf32>
    %swap3A_3239 = arith.constant 0 : index
    %swap3A_3240 = arith.constant 22784 : index
    %swap3A_3241 = vector.load %arg4[%swap3A_3239, %swap3A_3240] : memref<64x25600xf32, #tpu.memory_space<vmem>>, vector<64x128xf32>
    tpu.vector_store %arg4[%swap3A_3239, %swap3A_3240], %mul3A_3238 {strides = array<i32>} : memref<64x25600xf32, #tpu.memory_space<vmem>>, vector<64x128xf32>,
    %get3A_3242 = arith.constant 179 : index
    %get3A_3243 = arith.constant 0 : index
    %get3A_3244 = vector.load %arg1[%get3A_3242, %get3A_3243] : memref<200x128xf32, #tpu.memory_space<vmem>>, vector<1x128xf32>
    %add3A_3245 = arith.constant 9.99999991E-38 : f32
    %add3A_3246 = vector.broadcast %add3A_3245 : f32 to vector<1x128xf32>
    %add3A_3247 = arith.addf %get3A_3244, %add3A_3246 : vector<1x128xf32>
    %rsqrt3A_3248 = math.rsqrt %add3A_3247 : vector<1x128xf32>
    %mul3A_3249 = arith.mulf %get3A_3244, %rsqrt3A_3248 : vector<1x128xf32>
    %broadcast_in_dim3A_3250 = vector.shape_cast %mul3A_3249 : vector<1x128xf32> to vector<1x128xf32>
    %broadcast_in_dim3A_3251 = vector.broadcast %broadcast_in_dim3A_3250 : vector<1x128xf32> to vector<64x128xf32>
    %sub3A_3252 = arith.subf %broadcast_in_dim3A_3251, %broadcast_in_dim3A_18 : vector<64x128xf32>
    %mul3A_3253 = arith.mulf %sub3A_3252, %sub3A_3252 : vector<64x128xf32>
    %mul3A_3254 = arith.mulf %broadcast_in_dim3A_20, %mul3A_3253 : vector<64x128xf32>
    %exp23A_3255 = math.exp2 %mul3A_3254 : vector<64x128xf32>
    %mul3A_3256 = arith.mulf %broadcast_in_dim3A_22, %exp23A_3255 : vector<64x128xf32>
    %swap3A_3257 = arith.constant 0 : index
    %swap3A_3258 = arith.constant 22912 : index
    %swap3A_3259 = vector.load %arg4[%swap3A_3257, %swap3A_3258] : memref<64x25600xf32, #tpu.memory_space<vmem>>, vector<64x128xf32>
    tpu.vector_store %arg4[%swap3A_3257, %swap3A_3258], %mul3A_3256 {strides = array<i32>} : memref<64x25600xf32, #tpu.memory_space<vmem>>, vector<64x128xf32>,
    %get3A_3260 = arith.constant 180 : index
    %get3A_3261 = arith.constant 0 : index
    %get3A_3262 = vector.load %arg1[%get3A_3260, %get3A_3261] : memref<200x128xf32, #tpu.memory_space<vmem>>, vector<1x128xf32>
    %add3A_3263 = arith.constant 9.99999991E-38 : f32
    %add3A_3264 = vector.broadcast %add3A_3263 : f32 to vector<1x128xf32>
    %add3A_3265 = arith.addf %get3A_3262, %add3A_3264 : vector<1x128xf32>
    %rsqrt3A_3266 = math.rsqrt %add3A_3265 : vector<1x128xf32>
    %mul3A_3267 = arith.mulf %get3A_3262, %rsqrt3A_3266 : vector<1x128xf32>
    %broadcast_in_dim3A_3268 = vector.shape_cast %mul3A_3267 : vector<1x128xf32> to vector<1x128xf32>
    %broadcast_in_dim3A_3269 = vector.broadcast %broadcast_in_dim3A_3268 : vector<1x128xf32> to vector<64x128xf32>
    %sub3A_3270 = arith.subf %broadcast_in_dim3A_3269, %broadcast_in_dim3A_18 : vector<64x128xf32>
    %mul3A_3271 = arith.mulf %sub3A_3270, %sub3A_3270 : vector<64x128xf32>
    %mul3A_3272 = arith.mulf %broadcast_in_dim3A_20, %mul3A_3271 : vector<64x128xf32>
    %exp23A_3273 = math.exp2 %mul3A_3272 : vector<64x128xf32>
    %mul3A_3274 = arith.mulf %broadcast_in_dim3A_22, %exp23A_3273 : vector<64x128xf32>
    %swap3A_3275 = arith.constant 0 : index
    %swap3A_3276 = arith.constant 23040 : index
    %swap3A_3277 = vector.load %arg4[%swap3A_3275, %swap3A_3276] : memref<64x25600xf32, #tpu.memory_space<vmem>>, vector<64x128xf32>
    tpu.vector_store %arg4[%swap3A_3275, %swap3A_3276], %mul3A_3274 {strides = array<i32>} : memref<64x25600xf32, #tpu.memory_space<vmem>>, vector<64x128xf32>,
    %get3A_3278 = arith.constant 181 : index
    %get3A_3279 = arith.constant 0 : index
    %get3A_3280 = vector.load %arg1[%get3A_3278, %get3A_3279] : memref<200x128xf32, #tpu.memory_space<vmem>>, vector<1x128xf32>
    %add3A_3281 = arith.constant 9.99999991E-38 : f32
    %add3A_3282 = vector.broadcast %add3A_3281 : f32 to vector<1x128xf32>
    %add3A_3283 = arith.addf %get3A_3280, %add3A_3282 : vector<1x128xf32>
    %rsqrt3A_3284 = math.rsqrt %add3A_3283 : vector<1x128xf32>
    %mul3A_3285 = arith.mulf %get3A_3280, %rsqrt3A_3284 : vector<1x128xf32>
    %broadcast_in_dim3A_3286 = vector.shape_cast %mul3A_3285 : vector<1x128xf32> to vector<1x128xf32>
    %broadcast_in_dim3A_3287 = vector.broadcast %broadcast_in_dim3A_3286 : vector<1x128xf32> to vector<64x128xf32>
    %sub3A_3288 = arith.subf %broadcast_in_dim3A_3287, %broadcast_in_dim3A_18 : vector<64x128xf32>
    %mul3A_3289 = arith.mulf %sub3A_3288, %sub3A_3288 : vector<64x128xf32>
    %mul3A_3290 = arith.mulf %broadcast_in_dim3A_20, %mul3A_3289 : vector<64x128xf32>
    %exp23A_3291 = math.exp2 %mul3A_3290 : vector<64x128xf32>
    %mul3A_3292 = arith.mulf %broadcast_in_dim3A_22, %exp23A_3291 : vector<64x128xf32>
    %swap3A_3293 = arith.constant 0 : index
    %swap3A_3294 = arith.constant 23168 : index
    %swap3A_3295 = vector.load %arg4[%swap3A_3293, %swap3A_3294] : memref<64x25600xf32, #tpu.memory_space<vmem>>, vector<64x128xf32>
    tpu.vector_store %arg4[%swap3A_3293, %swap3A_3294], %mul3A_3292 {strides = array<i32>} : memref<64x25600xf32, #tpu.memory_space<vmem>>, vector<64x128xf32>,
    %get3A_3296 = arith.constant 182 : index
    %get3A_3297 = arith.constant 0 : index
    %get3A_3298 = vector.load %arg1[%get3A_3296, %get3A_3297] : memref<200x128xf32, #tpu.memory_space<vmem>>, vector<1x128xf32>
    %add3A_3299 = arith.constant 9.99999991E-38 : f32
    %add3A_3300 = vector.broadcast %add3A_3299 : f32 to vector<1x128xf32>
    %add3A_3301 = arith.addf %get3A_3298, %add3A_3300 : vector<1x128xf32>
    %rsqrt3A_3302 = math.rsqrt %add3A_3301 : vector<1x128xf32>
    %mul3A_3303 = arith.mulf %get3A_3298, %rsqrt3A_3302 : vector<1x128xf32>
    %broadcast_in_dim3A_3304 = vector.shape_cast %mul3A_3303 : vector<1x128xf32> to vector<1x128xf32>
    %broadcast_in_dim3A_3305 = vector.broadcast %broadcast_in_dim3A_3304 : vector<1x128xf32> to vector<64x128xf32>
    %sub3A_3306 = arith.subf %broadcast_in_dim3A_3305, %broadcast_in_dim3A_18 : vector<64x128xf32>
    %mul3A_3307 = arith.mulf %sub3A_3306, %sub3A_3306 : vector<64x128xf32>
    %mul3A_3308 = arith.mulf %broadcast_in_dim3A_20, %mul3A_3307 : vector<64x128xf32>
    %exp23A_3309 = math.exp2 %mul3A_3308 : vector<64x128xf32>
    %mul3A_3310 = arith.mulf %broadcast_in_dim3A_22, %exp23A_3309 : vector<64x128xf32>
    %swap3A_3311 = arith.constant 0 : index
    %swap3A_3312 = arith.constant 23296 : index
    %swap3A_3313 = vector.load %arg4[%swap3A_3311, %swap3A_3312] : memref<64x25600xf32, #tpu.memory_space<vmem>>, vector<64x128xf32>
    tpu.vector_store %arg4[%swap3A_3311, %swap3A_3312], %mul3A_3310 {strides = array<i32>} : memref<64x25600xf32, #tpu.memory_space<vmem>>, vector<64x128xf32>,
    %get3A_3314 = arith.constant 183 : index
    %get3A_3315 = arith.constant 0 : index
    %get3A_3316 = vector.load %arg1[%get3A_3314, %get3A_3315] : memref<200x128xf32, #tpu.memory_space<vmem>>, vector<1x128xf32>
    %add3A_3317 = arith.constant 9.99999991E-38 : f32
    %add3A_3318 = vector.broadcast %add3A_3317 : f32 to vector<1x128xf32>
    %add3A_3319 = arith.addf %get3A_3316, %add3A_3318 : vector<1x128xf32>
    %rsqrt3A_3320 = math.rsqrt %add3A_3319 : vector<1x128xf32>
    %mul3A_3321 = arith.mulf %get3A_3316, %rsqrt3A_3320 : vector<1x128xf32>
    %broadcast_in_dim3A_3322 = vector.shape_cast %mul3A_3321 : vector<1x128xf32> to vector<1x128xf32>
    %broadcast_in_dim3A_3323 = vector.broadcast %broadcast_in_dim3A_3322 : vector<1x128xf32> to vector<64x128xf32>
    %sub3A_3324 = arith.subf %broadcast_in_dim3A_3323, %broadcast_in_dim3A_18 : vector<64x128xf32>
    %mul3A_3325 = arith.mulf %sub3A_3324, %sub3A_3324 : vector<64x128xf32>
    %mul3A_3326 = arith.mulf %broadcast_in_dim3A_20, %mul3A_3325 : vector<64x128xf32>
    %exp23A_3327 = math.exp2 %mul3A_3326 : vector<64x128xf32>
    %mul3A_3328 = arith.mulf %broadcast_in_dim3A_22, %exp23A_3327 : vector<64x128xf32>
    %swap3A_3329 = arith.constant 0 : index
    %swap3A_3330 = arith.constant 23424 : index
    %swap3A_3331 = vector.load %arg4[%swap3A_3329, %swap3A_3330] : memref<64x25600xf32, #tpu.memory_space<vmem>>, vector<64x128xf32>
    tpu.vector_store %arg4[%swap3A_3329, %swap3A_3330], %mul3A_3328 {strides = array<i32>} : memref<64x25600xf32, #tpu.memory_space<vmem>>, vector<64x128xf32>,
    %get3A_3332 = arith.constant 184 : index
    %get3A_3333 = arith.constant 0 : index
    %get3A_3334 = vector.load %arg1[%get3A_3332, %get3A_3333] : memref<200x128xf32, #tpu.memory_space<vmem>>, vector<1x128xf32>
    %add3A_3335 = arith.constant 9.99999991E-38 : f32
    %add3A_3336 = vector.broadcast %add3A_3335 : f32 to vector<1x128xf32>
    %add3A_3337 = arith.addf %get3A_3334, %add3A_3336 : vector<1x128xf32>
    %rsqrt3A_3338 = math.rsqrt %add3A_3337 : vector<1x128xf32>
    %mul3A_3339 = arith.mulf %get3A_3334, %rsqrt3A_3338 : vector<1x128xf32>
    %broadcast_in_dim3A_3340 = vector.shape_cast %mul3A_3339 : vector<1x128xf32> to vector<1x128xf32>
    %broadcast_in_dim3A_3341 = vector.broadcast %broadcast_in_dim3A_3340 : vector<1x128xf32> to vector<64x128xf32>
    %sub3A_3342 = arith.subf %broadcast_in_dim3A_3341, %broadcast_in_dim3A_18 : vector<64x128xf32>
    %mul3A_3343 = arith.mulf %sub3A_3342, %sub3A_3342 : vector<64x128xf32>
    %mul3A_3344 = arith.mulf %broadcast_in_dim3A_20, %mul3A_3343 : vector<64x128xf32>
    %exp23A_3345 = math.exp2 %mul3A_3344 : vector<64x128xf32>
    %mul3A_3346 = arith.mulf %broadcast_in_dim3A_22, %exp23A_3345 : vector<64x128xf32>
    %swap3A_3347 = arith.constant 0 : index
    %swap3A_3348 = arith.constant 23552 : index
    %swap3A_3349 = vector.load %arg4[%swap3A_3347, %swap3A_3348] : memref<64x25600xf32, #tpu.memory_space<vmem>>, vector<64x128xf32>
    tpu.vector_store %arg4[%swap3A_3347, %swap3A_3348], %mul3A_3346 {strides = array<i32>} : memref<64x25600xf32, #tpu.memory_space<vmem>>, vector<64x128xf32>,
    %get3A_3350 = arith.constant 185 : index
    %get3A_3351 = arith.constant 0 : index
    %get3A_3352 = vector.load %arg1[%get3A_3350, %get3A_3351] : memref<200x128xf32, #tpu.memory_space<vmem>>, vector<1x128xf32>
    %add3A_3353 = arith.constant 9.99999991E-38 : f32
    %add3A_3354 = vector.broadcast %add3A_3353 : f32 to vector<1x128xf32>
    %add3A_3355 = arith.addf %get3A_3352, %add3A_3354 : vector<1x128xf32>
    %rsqrt3A_3356 = math.rsqrt %add3A_3355 : vector<1x128xf32>
    %mul3A_3357 = arith.mulf %get3A_3352, %rsqrt3A_3356 : vector<1x128xf32>
    %broadcast_in_dim3A_3358 = vector.shape_cast %mul3A_3357 : vector<1x128xf32> to vector<1x128xf32>
    %broadcast_in_dim3A_3359 = vector.broadcast %broadcast_in_dim3A_3358 : vector<1x128xf32> to vector<64x128xf32>
    %sub3A_3360 = arith.subf %broadcast_in_dim3A_3359, %broadcast_in_dim3A_18 : vector<64x128xf32>
    %mul3A_3361 = arith.mulf %sub3A_3360, %sub3A_3360 : vector<64x128xf32>
    %mul3A_3362 = arith.mulf %broadcast_in_dim3A_20, %mul3A_3361 : vector<64x128xf32>
    %exp23A_3363 = math.exp2 %mul3A_3362 : vector<64x128xf32>
    %mul3A_3364 = arith.mulf %broadcast_in_dim3A_22, %exp23A_3363 : vector<64x128xf32>
    %swap3A_3365 = arith.constant 0 : index
    %swap3A_3366 = arith.constant 23680 : index
    %swap3A_3367 = vector.load %arg4[%swap3A_3365, %swap3A_3366] : memref<64x25600xf32, #tpu.memory_space<vmem>>, vector<64x128xf32>
    tpu.vector_store %arg4[%swap3A_3365, %swap3A_3366], %mul3A_3364 {strides = array<i32>} : memref<64x25600xf32, #tpu.memory_space<vmem>>, vector<64x128xf32>,
    %get3A_3368 = arith.constant 186 : index
    %get3A_3369 = arith.constant 0 : index
    %get3A_3370 = vector.load %arg1[%get3A_3368, %get3A_3369] : memref<200x128xf32, #tpu.memory_space<vmem>>, vector<1x128xf32>
    %add3A_3371 = arith.constant 9.99999991E-38 : f32
    %add3A_3372 = vector.broadcast %add3A_3371 : f32 to vector<1x128xf32>
    %add3A_3373 = arith.addf %get3A_3370, %add3A_3372 : vector<1x128xf32>
    %rsqrt3A_3374 = math.rsqrt %add3A_3373 : vector<1x128xf32>
    %mul3A_3375 = arith.mulf %get3A_3370, %rsqrt3A_3374 : vector<1x128xf32>
    %broadcast_in_dim3A_3376 = vector.shape_cast %mul3A_3375 : vector<1x128xf32> to vector<1x128xf32>
    %broadcast_in_dim3A_3377 = vector.broadcast %broadcast_in_dim3A_3376 : vector<1x128xf32> to vector<64x128xf32>
    %sub3A_3378 = arith.subf %broadcast_in_dim3A_3377, %broadcast_in_dim3A_18 : vector<64x128xf32>
    %mul3A_3379 = arith.mulf %sub3A_3378, %sub3A_3378 : vector<64x128xf32>
    %mul3A_3380 = arith.mulf %broadcast_in_dim3A_20, %mul3A_3379 : vector<64x128xf32>
    %exp23A_3381 = math.exp2 %mul3A_3380 : vector<64x128xf32>
    %mul3A_3382 = arith.mulf %broadcast_in_dim3A_22, %exp23A_3381 : vector<64x128xf32>
    %swap3A_3383 = arith.constant 0 : index
    %swap3A_3384 = arith.constant 23808 : index
    %swap3A_3385 = vector.load %arg4[%swap3A_3383, %swap3A_3384] : memref<64x25600xf32, #tpu.memory_space<vmem>>, vector<64x128xf32>
    tpu.vector_store %arg4[%swap3A_3383, %swap3A_3384], %mul3A_3382 {strides = array<i32>} : memref<64x25600xf32, #tpu.memory_space<vmem>>, vector<64x128xf32>,
    %get3A_3386 = arith.constant 187 : index
    %get3A_3387 = arith.constant 0 : index
    %get3A_3388 = vector.load %arg1[%get3A_3386, %get3A_3387] : memref<200x128xf32, #tpu.memory_space<vmem>>, vector<1x128xf32>
    %add3A_3389 = arith.constant 9.99999991E-38 : f32
    %add3A_3390 = vector.broadcast %add3A_3389 : f32 to vector<1x128xf32>
    %add3A_3391 = arith.addf %get3A_3388, %add3A_3390 : vector<1x128xf32>
    %rsqrt3A_3392 = math.rsqrt %add3A_3391 : vector<1x128xf32>
    %mul3A_3393 = arith.mulf %get3A_3388, %rsqrt3A_3392 : vector<1x128xf32>
    %broadcast_in_dim3A_3394 = vector.shape_cast %mul3A_3393 : vector<1x128xf32> to vector<1x128xf32>
    %broadcast_in_dim3A_3395 = vector.broadcast %broadcast_in_dim3A_3394 : vector<1x128xf32> to vector<64x128xf32>
    %sub3A_3396 = arith.subf %broadcast_in_dim3A_3395, %broadcast_in_dim3A_18 : vector<64x128xf32>
    %mul3A_3397 = arith.mulf %sub3A_3396, %sub3A_3396 : vector<64x128xf32>
    %mul3A_3398 = arith.mulf %broadcast_in_dim3A_20, %mul3A_3397 : vector<64x128xf32>
    %exp23A_3399 = math.exp2 %mul3A_3398 : vector<64x128xf32>
    %mul3A_3400 = arith.mulf %broadcast_in_dim3A_22, %exp23A_3399 : vector<64x128xf32>
    %swap3A_3401 = arith.constant 0 : index
    %swap3A_3402 = arith.constant 23936 : index
    %swap3A_3403 = vector.load %arg4[%swap3A_3401, %swap3A_3402] : memref<64x25600xf32, #tpu.memory_space<vmem>>, vector<64x128xf32>
    tpu.vector_store %arg4[%swap3A_3401, %swap3A_3402], %mul3A_3400 {strides = array<i32>} : memref<64x25600xf32, #tpu.memory_space<vmem>>, vector<64x128xf32>,
    %get3A_3404 = arith.constant 188 : index
    %get3A_3405 = arith.constant 0 : index
    %get3A_3406 = vector.load %arg1[%get3A_3404, %get3A_3405] : memref<200x128xf32, #tpu.memory_space<vmem>>, vector<1x128xf32>
    %add3A_3407 = arith.constant 9.99999991E-38 : f32
    %add3A_3408 = vector.broadcast %add3A_3407 : f32 to vector<1x128xf32>
    %add3A_3409 = arith.addf %get3A_3406, %add3A_3408 : vector<1x128xf32>
    %rsqrt3A_3410 = math.rsqrt %add3A_3409 : vector<1x128xf32>
    %mul3A_3411 = arith.mulf %get3A_3406, %rsqrt3A_3410 : vector<1x128xf32>
    %broadcast_in_dim3A_3412 = vector.shape_cast %mul3A_3411 : vector<1x128xf32> to vector<1x128xf32>
    %broadcast_in_dim3A_3413 = vector.broadcast %broadcast_in_dim3A_3412 : vector<1x128xf32> to vector<64x128xf32>
    %sub3A_3414 = arith.subf %broadcast_in_dim3A_3413, %broadcast_in_dim3A_18 : vector<64x128xf32>
    %mul3A_3415 = arith.mulf %sub3A_3414, %sub3A_3414 : vector<64x128xf32>
    %mul3A_3416 = arith.mulf %broadcast_in_dim3A_20, %mul3A_3415 : vector<64x128xf32>
    %exp23A_3417 = math.exp2 %mul3A_3416 : vector<64x128xf32>
    %mul3A_3418 = arith.mulf %broadcast_in_dim3A_22, %exp23A_3417 : vector<64x128xf32>
    %swap3A_3419 = arith.constant 0 : index
    %swap3A_3420 = arith.constant 24064 : index
    %swap3A_3421 = vector.load %arg4[%swap3A_3419, %swap3A_3420] : memref<64x25600xf32, #tpu.memory_space<vmem>>, vector<64x128xf32>
    tpu.vector_store %arg4[%swap3A_3419, %swap3A_3420], %mul3A_3418 {strides = array<i32>} : memref<64x25600xf32, #tpu.memory_space<vmem>>, vector<64x128xf32>,
    %get3A_3422 = arith.constant 189 : index
    %get3A_3423 = arith.constant 0 : index
    %get3A_3424 = vector.load %arg1[%get3A_3422, %get3A_3423] : memref<200x128xf32, #tpu.memory_space<vmem>>, vector<1x128xf32>
    %add3A_3425 = arith.constant 9.99999991E-38 : f32
    %add3A_3426 = vector.broadcast %add3A_3425 : f32 to vector<1x128xf32>
    %add3A_3427 = arith.addf %get3A_3424, %add3A_3426 : vector<1x128xf32>
    %rsqrt3A_3428 = math.rsqrt %add3A_3427 : vector<1x128xf32>
    %mul3A_3429 = arith.mulf %get3A_3424, %rsqrt3A_3428 : vector<1x128xf32>
    %broadcast_in_dim3A_3430 = vector.shape_cast %mul3A_3429 : vector<1x128xf32> to vector<1x128xf32>
    %broadcast_in_dim3A_3431 = vector.broadcast %broadcast_in_dim3A_3430 : vector<1x128xf32> to vector<64x128xf32>
    %sub3A_3432 = arith.subf %broadcast_in_dim3A_3431, %broadcast_in_dim3A_18 : vector<64x128xf32>
    %mul3A_3433 = arith.mulf %sub3A_3432, %sub3A_3432 : vector<64x128xf32>
    %mul3A_3434 = arith.mulf %broadcast_in_dim3A_20, %mul3A_3433 : vector<64x128xf32>
    %exp23A_3435 = math.exp2 %mul3A_3434 : vector<64x128xf32>
    %mul3A_3436 = arith.mulf %broadcast_in_dim3A_22, %exp23A_3435 : vector<64x128xf32>
    %swap3A_3437 = arith.constant 0 : index
    %swap3A_3438 = arith.constant 24192 : index
    %swap3A_3439 = vector.load %arg4[%swap3A_3437, %swap3A_3438] : memref<64x25600xf32, #tpu.memory_space<vmem>>, vector<64x128xf32>
    tpu.vector_store %arg4[%swap3A_3437, %swap3A_3438], %mul3A_3436 {strides = array<i32>} : memref<64x25600xf32, #tpu.memory_space<vmem>>, vector<64x128xf32>,
    %get3A_3440 = arith.constant 190 : index
    %get3A_3441 = arith.constant 0 : index
    %get3A_3442 = vector.load %arg1[%get3A_3440, %get3A_3441] : memref<200x128xf32, #tpu.memory_space<vmem>>, vector<1x128xf32>
    %add3A_3443 = arith.constant 9.99999991E-38 : f32
    %add3A_3444 = vector.broadcast %add3A_3443 : f32 to vector<1x128xf32>
    %add3A_3445 = arith.addf %get3A_3442, %add3A_3444 : vector<1x128xf32>
    %rsqrt3A_3446 = math.rsqrt %add3A_3445 : vector<1x128xf32>
    %mul3A_3447 = arith.mulf %get3A_3442, %rsqrt3A_3446 : vector<1x128xf32>
    %broadcast_in_dim3A_3448 = vector.shape_cast %mul3A_3447 : vector<1x128xf32> to vector<1x128xf32>
    %broadcast_in_dim3A_3449 = vector.broadcast %broadcast_in_dim3A_3448 : vector<1x128xf32> to vector<64x128xf32>
    %sub3A_3450 = arith.subf %broadcast_in_dim3A_3449, %broadcast_in_dim3A_18 : vector<64x128xf32>
    %mul3A_3451 = arith.mulf %sub3A_3450, %sub3A_3450 : vector<64x128xf32>
    %mul3A_3452 = arith.mulf %broadcast_in_dim3A_20, %mul3A_3451 : vector<64x128xf32>
    %exp23A_3453 = math.exp2 %mul3A_3452 : vector<64x128xf32>
    %mul3A_3454 = arith.mulf %broadcast_in_dim3A_22, %exp23A_3453 : vector<64x128xf32>
    %swap3A_3455 = arith.constant 0 : index
    %swap3A_3456 = arith.constant 24320 : index
    %swap3A_3457 = vector.load %arg4[%swap3A_3455, %swap3A_3456] : memref<64x25600xf32, #tpu.memory_space<vmem>>, vector<64x128xf32>
    tpu.vector_store %arg4[%swap3A_3455, %swap3A_3456], %mul3A_3454 {strides = array<i32>} : memref<64x25600xf32, #tpu.memory_space<vmem>>, vector<64x128xf32>,
    %get3A_3458 = arith.constant 191 : index
    %get3A_3459 = arith.constant 0 : index
    %get3A_3460 = vector.load %arg1[%get3A_3458, %get3A_3459] : memref<200x128xf32, #tpu.memory_space<vmem>>, vector<1x128xf32>
    %add3A_3461 = arith.constant 9.99999991E-38 : f32
    %add3A_3462 = vector.broadcast %add3A_3461 : f32 to vector<1x128xf32>
    %add3A_3463 = arith.addf %get3A_3460, %add3A_3462 : vector<1x128xf32>
    %rsqrt3A_3464 = math.rsqrt %add3A_3463 : vector<1x128xf32>
    %mul3A_3465 = arith.mulf %get3A_3460, %rsqrt3A_3464 : vector<1x128xf32>
    %broadcast_in_dim3A_3466 = vector.shape_cast %mul3A_3465 : vector<1x128xf32> to vector<1x128xf32>
    %broadcast_in_dim3A_3467 = vector.broadcast %broadcast_in_dim3A_3466 : vector<1x128xf32> to vector<64x128xf32>
    %sub3A_3468 = arith.subf %broadcast_in_dim3A_3467, %broadcast_in_dim3A_18 : vector<64x128xf32>
    %mul3A_3469 = arith.mulf %sub3A_3468, %sub3A_3468 : vector<64x128xf32>
    %mul3A_3470 = arith.mulf %broadcast_in_dim3A_20, %mul3A_3469 : vector<64x128xf32>
    %exp23A_3471 = math.exp2 %mul3A_3470 : vector<64x128xf32>
    %mul3A_3472 = arith.mulf %broadcast_in_dim3A_22, %exp23A_3471 : vector<64x128xf32>
    %swap3A_3473 = arith.constant 0 : index
    %swap3A_3474 = arith.constant 24448 : index
    %swap3A_3475 = vector.load %arg4[%swap3A_3473, %swap3A_3474] : memref<64x25600xf32, #tpu.memory_space<vmem>>, vector<64x128xf32>
    tpu.vector_store %arg4[%swap3A_3473, %swap3A_3474], %mul3A_3472 {strides = array<i32>} : memref<64x25600xf32, #tpu.memory_space<vmem>>, vector<64x128xf32>,
    %get3A_3476 = arith.constant 192 : index
    %get3A_3477 = arith.constant 0 : index
    %get3A_3478 = vector.load %arg1[%get3A_3476, %get3A_3477] : memref<200x128xf32, #tpu.memory_space<vmem>>, vector<1x128xf32>
    %add3A_3479 = arith.constant 9.99999991E-38 : f32
    %add3A_3480 = vector.broadcast %add3A_3479 : f32 to vector<1x128xf32>
    %add3A_3481 = arith.addf %get3A_3478, %add3A_3480 : vector<1x128xf32>
    %rsqrt3A_3482 = math.rsqrt %add3A_3481 : vector<1x128xf32>
    %mul3A_3483 = arith.mulf %get3A_3478, %rsqrt3A_3482 : vector<1x128xf32>
    %broadcast_in_dim3A_3484 = vector.shape_cast %mul3A_3483 : vector<1x128xf32> to vector<1x128xf32>
    %broadcast_in_dim3A_3485 = vector.broadcast %broadcast_in_dim3A_3484 : vector<1x128xf32> to vector<64x128xf32>
    %sub3A_3486 = arith.subf %broadcast_in_dim3A_3485, %broadcast_in_dim3A_18 : vector<64x128xf32>
    %mul3A_3487 = arith.mulf %sub3A_3486, %sub3A_3486 : vector<64x128xf32>
    %mul3A_3488 = arith.mulf %broadcast_in_dim3A_20, %mul3A_3487 : vector<64x128xf32>
    %exp23A_3489 = math.exp2 %mul3A_3488 : vector<64x128xf32>
    %mul3A_3490 = arith.mulf %broadcast_in_dim3A_22, %exp23A_3489 : vector<64x128xf32>
    %swap3A_3491 = arith.constant 0 : index
    %swap3A_3492 = arith.constant 24576 : index
    %swap3A_3493 = vector.load %arg4[%swap3A_3491, %swap3A_3492] : memref<64x25600xf32, #tpu.memory_space<vmem>>, vector<64x128xf32>
    tpu.vector_store %arg4[%swap3A_3491, %swap3A_3492], %mul3A_3490 {strides = array<i32>} : memref<64x25600xf32, #tpu.memory_space<vmem>>, vector<64x128xf32>,
    %get3A_3494 = arith.constant 193 : index
    %get3A_3495 = arith.constant 0 : index
    %get3A_3496 = vector.load %arg1[%get3A_3494, %get3A_3495] : memref<200x128xf32, #tpu.memory_space<vmem>>, vector<1x128xf32>
    %add3A_3497 = arith.constant 9.99999991E-38 : f32
    %add3A_3498 = vector.broadcast %add3A_3497 : f32 to vector<1x128xf32>
    %add3A_3499 = arith.addf %get3A_3496, %add3A_3498 : vector<1x128xf32>
    %rsqrt3A_3500 = math.rsqrt %add3A_3499 : vector<1x128xf32>
    %mul3A_3501 = arith.mulf %get3A_3496, %rsqrt3A_3500 : vector<1x128xf32>
    %broadcast_in_dim3A_3502 = vector.shape_cast %mul3A_3501 : vector<1x128xf32> to vector<1x128xf32>
    %broadcast_in_dim3A_3503 = vector.broadcast %broadcast_in_dim3A_3502 : vector<1x128xf32> to vector<64x128xf32>
    %sub3A_3504 = arith.subf %broadcast_in_dim3A_3503, %broadcast_in_dim3A_18 : vector<64x128xf32>
    %mul3A_3505 = arith.mulf %sub3A_3504, %sub3A_3504 : vector<64x128xf32>
    %mul3A_3506 = arith.mulf %broadcast_in_dim3A_20, %mul3A_3505 : vector<64x128xf32>
    %exp23A_3507 = math.exp2 %mul3A_3506 : vector<64x128xf32>
    %mul3A_3508 = arith.mulf %broadcast_in_dim3A_22, %exp23A_3507 : vector<64x128xf32>
    %swap3A_3509 = arith.constant 0 : index
    %swap3A_3510 = arith.constant 24704 : index
    %swap3A_3511 = vector.load %arg4[%swap3A_3509, %swap3A_3510] : memref<64x25600xf32, #tpu.memory_space<vmem>>, vector<64x128xf32>
    tpu.vector_store %arg4[%swap3A_3509, %swap3A_3510], %mul3A_3508 {strides = array<i32>} : memref<64x25600xf32, #tpu.memory_space<vmem>>, vector<64x128xf32>,
    %get3A_3512 = arith.constant 194 : index
    %get3A_3513 = arith.constant 0 : index
    %get3A_3514 = vector.load %arg1[%get3A_3512, %get3A_3513] : memref<200x128xf32, #tpu.memory_space<vmem>>, vector<1x128xf32>
    %add3A_3515 = arith.constant 9.99999991E-38 : f32
    %add3A_3516 = vector.broadcast %add3A_3515 : f32 to vector<1x128xf32>
    %add3A_3517 = arith.addf %get3A_3514, %add3A_3516 : vector<1x128xf32>
    %rsqrt3A_3518 = math.rsqrt %add3A_3517 : vector<1x128xf32>
    %mul3A_3519 = arith.mulf %get3A_3514, %rsqrt3A_3518 : vector<1x128xf32>
    %broadcast_in_dim3A_3520 = vector.shape_cast %mul3A_3519 : vector<1x128xf32> to vector<1x128xf32>
    %broadcast_in_dim3A_3521 = vector.broadcast %broadcast_in_dim3A_3520 : vector<1x128xf32> to vector<64x128xf32>
    %sub3A_3522 = arith.subf %broadcast_in_dim3A_3521, %broadcast_in_dim3A_18 : vector<64x128xf32>
    %mul3A_3523 = arith.mulf %sub3A_3522, %sub3A_3522 : vector<64x128xf32>
    %mul3A_3524 = arith.mulf %broadcast_in_dim3A_20, %mul3A_3523 : vector<64x128xf32>
    %exp23A_3525 = math.exp2 %mul3A_3524 : vector<64x128xf32>
    %mul3A_3526 = arith.mulf %broadcast_in_dim3A_22, %exp23A_3525 : vector<64x128xf32>
    %swap3A_3527 = arith.constant 0 : index
    %swap3A_3528 = arith.constant 24832 : index
    %swap3A_3529 = vector.load %arg4[%swap3A_3527, %swap3A_3528] : memref<64x25600xf32, #tpu.memory_space<vmem>>, vector<64x128xf32>
    tpu.vector_store %arg4[%swap3A_3527, %swap3A_3528], %mul3A_3526 {strides = array<i32>} : memref<64x25600xf32, #tpu.memory_space<vmem>>, vector<64x128xf32>,
    %get3A_3530 = arith.constant 195 : index
    %get3A_3531 = arith.constant 0 : index
    %get3A_3532 = vector.load %arg1[%get3A_3530, %get3A_3531] : memref<200x128xf32, #tpu.memory_space<vmem>>, vector<1x128xf32>
    %add3A_3533 = arith.constant 9.99999991E-38 : f32
    %add3A_3534 = vector.broadcast %add3A_3533 : f32 to vector<1x128xf32>
    %add3A_3535 = arith.addf %get3A_3532, %add3A_3534 : vector<1x128xf32>
    %rsqrt3A_3536 = math.rsqrt %add3A_3535 : vector<1x128xf32>
    %mul3A_3537 = arith.mulf %get3A_3532, %rsqrt3A_3536 : vector<1x128xf32>
    %broadcast_in_dim3A_3538 = vector.shape_cast %mul3A_3537 : vector<1x128xf32> to vector<1x128xf32>
    %broadcast_in_dim3A_3539 = vector.broadcast %broadcast_in_dim3A_3538 : vector<1x128xf32> to vector<64x128xf32>
    %sub3A_3540 = arith.subf %broadcast_in_dim3A_3539, %broadcast_in_dim3A_18 : vector<64x128xf32>
    %mul3A_3541 = arith.mulf %sub3A_3540, %sub3A_3540 : vector<64x128xf32>
    %mul3A_3542 = arith.mulf %broadcast_in_dim3A_20, %mul3A_3541 : vector<64x128xf32>
    %exp23A_3543 = math.exp2 %mul3A_3542 : vector<64x128xf32>
    %mul3A_3544 = arith.mulf %broadcast_in_dim3A_22, %exp23A_3543 : vector<64x128xf32>
    %swap3A_3545 = arith.constant 0 : index
    %swap3A_3546 = arith.constant 24960 : index
    %swap3A_3547 = vector.load %arg4[%swap3A_3545, %swap3A_3546] : memref<64x25600xf32, #tpu.memory_space<vmem>>, vector<64x128xf32>
    tpu.vector_store %arg4[%swap3A_3545, %swap3A_3546], %mul3A_3544 {strides = array<i32>} : memref<64x25600xf32, #tpu.memory_space<vmem>>, vector<64x128xf32>,
    %get3A_3548 = arith.constant 196 : index
    %get3A_3549 = arith.constant 0 : index
    %get3A_3550 = vector.load %arg1[%get3A_3548, %get3A_3549] : memref<200x128xf32, #tpu.memory_space<vmem>>, vector<1x128xf32>
    %add3A_3551 = arith.constant 9.99999991E-38 : f32
    %add3A_3552 = vector.broadcast %add3A_3551 : f32 to vector<1x128xf32>
    %add3A_3553 = arith.addf %get3A_3550, %add3A_3552 : vector<1x128xf32>
    %rsqrt3A_3554 = math.rsqrt %add3A_3553 : vector<1x128xf32>
    %mul3A_3555 = arith.mulf %get3A_3550, %rsqrt3A_3554 : vector<1x128xf32>
    %broadcast_in_dim3A_3556 = vector.shape_cast %mul3A_3555 : vector<1x128xf32> to vector<1x128xf32>
    %broadcast_in_dim3A_3557 = vector.broadcast %broadcast_in_dim3A_3556 : vector<1x128xf32> to vector<64x128xf32>
    %sub3A_3558 = arith.subf %broadcast_in_dim3A_3557, %broadcast_in_dim3A_18 : vector<64x128xf32>
    %mul3A_3559 = arith.mulf %sub3A_3558, %sub3A_3558 : vector<64x128xf32>
    %mul3A_3560 = arith.mulf %broadcast_in_dim3A_20, %mul3A_3559 : vector<64x128xf32>
    %exp23A_3561 = math.exp2 %mul3A_3560 : vector<64x128xf32>
    %mul3A_3562 = arith.mulf %broadcast_in_dim3A_22, %exp23A_3561 : vector<64x128xf32>
    %swap3A_3563 = arith.constant 0 : index
    %swap3A_3564 = arith.constant 25088 : index
    %swap3A_3565 = vector.load %arg4[%swap3A_3563, %swap3A_3564] : memref<64x25600xf32, #tpu.memory_space<vmem>>, vector<64x128xf32>
    tpu.vector_store %arg4[%swap3A_3563, %swap3A_3564], %mul3A_3562 {strides = array<i32>} : memref<64x25600xf32, #tpu.memory_space<vmem>>, vector<64x128xf32>,
    %get3A_3566 = arith.constant 197 : index
    %get3A_3567 = arith.constant 0 : index
    %get3A_3568 = vector.load %arg1[%get3A_3566, %get3A_3567] : memref<200x128xf32, #tpu.memory_space<vmem>>, vector<1x128xf32>
    %add3A_3569 = arith.constant 9.99999991E-38 : f32
    %add3A_3570 = vector.broadcast %add3A_3569 : f32 to vector<1x128xf32>
    %add3A_3571 = arith.addf %get3A_3568, %add3A_3570 : vector<1x128xf32>
    %rsqrt3A_3572 = math.rsqrt %add3A_3571 : vector<1x128xf32>
    %mul3A_3573 = arith.mulf %get3A_3568, %rsqrt3A_3572 : vector<1x128xf32>
    %broadcast_in_dim3A_3574 = vector.shape_cast %mul3A_3573 : vector<1x128xf32> to vector<1x128xf32>
    %broadcast_in_dim3A_3575 = vector.broadcast %broadcast_in_dim3A_3574 : vector<1x128xf32> to vector<64x128xf32>
    %sub3A_3576 = arith.subf %broadcast_in_dim3A_3575, %broadcast_in_dim3A_18 : vector<64x128xf32>
    %mul3A_3577 = arith.mulf %sub3A_3576, %sub3A_3576 : vector<64x128xf32>
    %mul3A_3578 = arith.mulf %broadcast_in_dim3A_20, %mul3A_3577 : vector<64x128xf32>
    %exp23A_3579 = math.exp2 %mul3A_3578 : vector<64x128xf32>
    %mul3A_3580 = arith.mulf %broadcast_in_dim3A_22, %exp23A_3579 : vector<64x128xf32>
    %swap3A_3581 = arith.constant 0 : index
    %swap3A_3582 = arith.constant 25216 : index
    %swap3A_3583 = vector.load %arg4[%swap3A_3581, %swap3A_3582] : memref<64x25600xf32, #tpu.memory_space<vmem>>, vector<64x128xf32>
    tpu.vector_store %arg4[%swap3A_3581, %swap3A_3582], %mul3A_3580 {strides = array<i32>} : memref<64x25600xf32, #tpu.memory_space<vmem>>, vector<64x128xf32>,
    %get3A_3584 = arith.constant 198 : index
    %get3A_3585 = arith.constant 0 : index
    %get3A_3586 = vector.load %arg1[%get3A_3584, %get3A_3585] : memref<200x128xf32, #tpu.memory_space<vmem>>, vector<1x128xf32>
    %add3A_3587 = arith.constant 9.99999991E-38 : f32
    %add3A_3588 = vector.broadcast %add3A_3587 : f32 to vector<1x128xf32>
    %add3A_3589 = arith.addf %get3A_3586, %add3A_3588 : vector<1x128xf32>
    %rsqrt3A_3590 = math.rsqrt %add3A_3589 : vector<1x128xf32>
    %mul3A_3591 = arith.mulf %get3A_3586, %rsqrt3A_3590 : vector<1x128xf32>
    %broadcast_in_dim3A_3592 = vector.shape_cast %mul3A_3591 : vector<1x128xf32> to vector<1x128xf32>
    %broadcast_in_dim3A_3593 = vector.broadcast %broadcast_in_dim3A_3592 : vector<1x128xf32> to vector<64x128xf32>
    %sub3A_3594 = arith.subf %broadcast_in_dim3A_3593, %broadcast_in_dim3A_18 : vector<64x128xf32>
    %mul3A_3595 = arith.mulf %sub3A_3594, %sub3A_3594 : vector<64x128xf32>
    %mul3A_3596 = arith.mulf %broadcast_in_dim3A_20, %mul3A_3595 : vector<64x128xf32>
    %exp23A_3597 = math.exp2 %mul3A_3596 : vector<64x128xf32>
    %mul3A_3598 = arith.mulf %broadcast_in_dim3A_22, %exp23A_3597 : vector<64x128xf32>
    %swap3A_3599 = arith.constant 0 : index
    %swap3A_3600 = arith.constant 25344 : index
    %swap3A_3601 = vector.load %arg4[%swap3A_3599, %swap3A_3600] : memref<64x25600xf32, #tpu.memory_space<vmem>>, vector<64x128xf32>
    tpu.vector_store %arg4[%swap3A_3599, %swap3A_3600], %mul3A_3598 {strides = array<i32>} : memref<64x25600xf32, #tpu.memory_space<vmem>>, vector<64x128xf32>,
    %get3A_3602 = arith.constant 199 : index
    %get3A_3603 = arith.constant 0 : index
    %get3A_3604 = vector.load %arg1[%get3A_3602, %get3A_3603] : memref<200x128xf32, #tpu.memory_space<vmem>>, vector<1x128xf32>
    %add3A_3605 = arith.constant 9.99999991E-38 : f32
    %add3A_3606 = vector.broadcast %add3A_3605 : f32 to vector<1x128xf32>
    %add3A_3607 = arith.addf %get3A_3604, %add3A_3606 : vector<1x128xf32>
    %rsqrt3A_3608 = math.rsqrt %add3A_3607 : vector<1x128xf32>
    %mul3A_3609 = arith.mulf %get3A_3604, %rsqrt3A_3608 : vector<1x128xf32>
    %broadcast_in_dim3A_3610 = vector.shape_cast %mul3A_3609 : vector<1x128xf32> to vector<1x128xf32>
    %broadcast_in_dim3A_3611 = vector.broadcast %broadcast_in_dim3A_3610 : vector<1x128xf32> to vector<64x128xf32>
    %sub3A_3612 = arith.subf %broadcast_in_dim3A_3611, %broadcast_in_dim3A_18 : vector<64x128xf32>
    %mul3A_3613 = arith.mulf %sub3A_3612, %sub3A_3612 : vector<64x128xf32>
    %mul3A_3614 = arith.mulf %broadcast_in_dim3A_20, %mul3A_3613 : vector<64x128xf32>
    %exp23A_3615 = math.exp2 %mul3A_3614 : vector<64x128xf32>
    %mul3A_3616 = arith.mulf %broadcast_in_dim3A_22, %exp23A_3615 : vector<64x128xf32>
    %swap3A_3617 = arith.constant 0 : index
    %swap3A_3618 = arith.constant 25472 : index
    %swap3A_3619 = vector.load %arg4[%swap3A_3617, %swap3A_3618] : memref<64x25600xf32, #tpu.memory_space<vmem>>, vector<64x128xf32>
    tpu.vector_store %arg4[%swap3A_3617, %swap3A_3618], %mul3A_3616 {strides = array<i32>} : memref<64x25600xf32, #tpu.memory_space<vmem>>, vector<64x128xf32>,
    return
  }
  func.func @transform_0(%arg0: i32) -> (i32, i32) {
    %c0_i32 = arith.constant 0 : i32
    %c0_i32_0 = arith.constant 0 : i32
    return %arg0, %c0_i32 : i32, i32
  }
  func.func @transform_1(%arg0: i32) -> (i32, i32) {
    %c0_i32 = arith.constant 0 : i32
    %c0_i32_0 = arith.constant 0 : i32
    %c0_i32_1 = arith.constant 0 : i32
    return %c0_i32, %c0_i32_0 : i32, i32
  }
  func.func @transform_2(%arg0: i32) -> (i32, i32) {
    %c0_i32 = arith.constant 0 : i32
    %c0_i32_0 = arith.constant 0 : i32
    %c0_i32_1 = arith.constant 0 : i32
    return %c0_i32, %c0_i32_0 : i32, i32
  }
  func.func @transform_3(%arg0: i32) -> (i32, i32) {
    %c0_i32 = arith.constant 0 : i32
    %c0_i32_0 = arith.constant 0 : i32
    return %c0_i32, %arg0 : i32, i32
  }
}

</mosaic_0001>

<sc_bundles>
// kernel: kernel.4.cloned.1.call-start
scs
__scs_entry_jumppad:
0x0: {  	(pc) =	sbr.rel $0x88, $3  }
0x1: {  	(tag) =	ssettag $0x0;
	lr =	simm.s32 $0x1  }
0x2: {  	[smem:$0x3F9D] =	sst lr;
	_ =	strace $0xD0000000  }
0x3: {  	_ = 	snop  }
0x4: {  	_ = 	snop  }
0x5: {  	_ = 	snop  }
0x6: {  	_ = 	snop  }
0x7: {  	_ = 	snop  }
__scs_overlays_trampoline_lowered:
0x8: {  	[smem:$0x3FAC] =	sst s0  }
0x9: {  	[smem:$0x3FAD] =	sst s1  }
0xa: {  	[smem:$0x3FAE] =	sst s2  }
0xb: {  	[smem:$0x3FAF] =	sst s3  }
0xc: {  	[smem:$0x3FB0] =	sst s4  }
0xd: {  	[smem:$0x3FB1] =	sst s5  }
0xe: {  	[smem:$0x3FB2] =	sst s6  }
0xf: {  	[smem:$0x3FB3] =	sst s7  }
0x10: {  	[smem:$0x3FB4] =	sst s8  }
0x11: {  	[smem:$0x3FB5] =	sst s9;
	s0 =	simm.s32 @!p0 $0x0  }
0x12: {  	s1 =	sld [smem:$0x3F9B];
	s0 =	simm.s32 @p0 $0x1  }
0x13: {  	[smem:$0x3FB6] =	sst s0;
	s0 =	simm.s32 @!p1 $0x0  }
0x14: {  	s2 =	sld [smem:$0x3F9A];
	s0 =	simm.s32 @p1 $0x1  }
0x15: {  	[smem:$0x3FB7] =	sst s0;
	s0 =	simm.s32 @!p2 $0x0  }
0x16: {  	s3 =	sld [smem:$0x3FDB];
	s0 =	simm.s32 @p2 $0x1  }
0x17: {  	s4 =	simm.s32 $0x1BF5;
	[smem:$0x3FB9] =	sst s0  }
0x18: {  	s0 =	sld [smem:$0x3F9C];
	_ =	swait.ge [sflag:s4], $0x0  }
0x19: {  	s7 =	sld [smem:$0x3F9D]  }
0x1a: {  	s8 =	sadd.s32 $0xFFFFE003, lr  }
0x1b: {  	s9 =	sadd.s32 $0xFFFFFEF7, lr;
	s5 =	simm.s32 $0xFFFFFFFF;
	p2 =	slt.u32 s8, $0xFFFFF086  }
0x1c: {  	p1 =	slt.u32 s9, $0xF7A;
	s5 =	simm.s32 @!p2 $0x0  }
0x1d: {  	s5 =	simm.s32 @p1 $0x1;
	p0 =	seq.s32 s7, s2  }
0x1e: {  	s7 =	smul.u32 @!p0 $0xF7A, s2;
	p2 =	seq.s32 @!p0 s5, $0x0  }
0x1f: {  	s9 =	smul.u32 $0xF7A, s1;
	s8 =	simm.s32 @!p0 $0x1BF5;
	p2 =	por !p2, p0  }
0x20: {  	[sflag:s8] =	ssyncset.s32 @!p0 $0xFFFFF086;
	s6 =	sadd.s32 @!p0 s3, s7;
	s7 =	simm.s32 @!p0 $0x108  }
0x21: {  	s3 =	sadd.s32 s3, s9;
	s6 =	sadd.s32 @!p0 $0x88, s6;
	s7 =	simm.s32 @p2 $0x1082  }
0x22: {  	[simem:s7], [sflag:s8] =	dma.local @!p0 [hbm:s6], $0xF7A  }
0x23: {  	s9 =	sor.u32 $0xD0000000, s2;
	s6 =	simm.s32 $0x108;
	_ =	swait.ge @!p0 [sflag:s8], $0x0  }
0x24: {  	s3 =	sadd.s32 $0x88, s3;
	s6 =	simm.s32 @!p1 $0x1082;
	[sflag:s4] =	ssyncset.s32 $0xFFFFF086  }
0x25: {  	[simem:s6], [sflag:s4] =	dma.local [hbm:s3], $0xF7A  }
0x26: {  	[smem:$0x3F9D] =	sst s1;
	(tag) =	ssettag s2;
	_ =	strace s9  }
0x27: {  	s1 =	sld [smem:$0x3FAD]  }
0x28: {  	s2 =	sld [smem:$0x3FAE]  }
0x29: {  	s4 =	sld [smem:$0x3FB0]  }
0x2a: {  	p0 =	seq.s32 s5, $0x0;
	s5 =	sld [smem:$0x3FB1]  }
0x2b: {  	s6 =	sld [smem:$0x3FB2]  }
0x2c: {  	s7 =	sld [smem:$0x3FB3]  }
0x2d: {  	s3 =	simm.s32 $0x108;
	s8 =	sld [smem:$0x3FB4]  }
0x2e: {  	s3 =	simm.s32 @!p0 $0x1082;
	s9 =	sld [smem:$0x3FB5]  }
0x2f: {  	lr =	sadd.s32 s0, s3;
	s0 =	sld [smem:$0x3FAC]  }
0x30: {  	s3 =	sld [smem:$0x3FAF]  }
0x31: {  	[smem:$0x3FB8] =	sst s10  }
0x32: {  	s10 =	sld [smem:$0x3FB6];
	_ =	sdelay $0x3  }
0x33: {  	p0 =	seq.s32 s10, $0x1;
	s10 =	sld [smem:$0x3FB8];
	_ =	sdelay $0x3  }
0x34: {  	[smem:$0x3FB8] =	sst s10  }
0x35: {  	s10 =	sld [smem:$0x3FB7];
	_ =	sdelay $0x3  }
0x36: {  	p1 =	seq.s32 s10, $0x1;
	s10 =	sld [smem:$0x3FB8];
	_ =	sdelay $0x3  }
0x37: {  	[smem:$0x3FB8] =	sst s10  }
0x38: {  	s10 =	sld [smem:$0x3FB9]  }
0x39: {  	_ = 	snop;
	(pc) =	sbr.ind lr, $3  }
0x3a: {  	_ = 	snop  }
0x3b: {  	_ = 	snop  }
0x3c: {  	p2 =	seq.s32 s10, $0x1;
	s10 =	sld [smem:$0x3FB8]  }
0x3d: {  	_ =	shalt  }
0x3e: {  	_ =	shalt  }
0x3f: {  	_ =	shalt  }
0x40: {  	_ =	shalt  }
0x41: {  	_ =	shalt  }
0x42: {  	_ =	shalt  }
0x43: {  	_ =	shalt  }
0x44: {  	_ =	shalt  }
0x45: {  	_ =	shalt  }
0x46: {  	_ =	shalt  }
0x47: {  	_ =	shalt  }
0x48: {  	_ =	shalt  }
0x49: {  	_ =	shalt  }
0x4a: {  	_ =	shalt  }
0x4b: {  	_ =	shalt  }
0x4c: {  	_ =	shalt  }
0x4d: {  	_ =	shalt  }
0x4e: {  	_ =	shalt  }
0x4f: {  	_ =	shalt  }
0x50: {  	_ =	shalt  }
0x51: {  	_ =	shalt  }
0x52: {  	_ =	shalt  }
0x53: {  	_ =	shalt  }
0x54: {  	_ =	shalt  }
0x55: {  	_ =	shalt  }
0x56: {  	_ =	shalt  }
0x57: {  	_ =	shalt  }
0x58: {  	_ =	shalt  }
0x59: {  	_ =	shalt  }
0x5a: {  	_ =	shalt  }
0x5b: {  	_ =	shalt  }
0x5c: {  	_ =	shalt  }
0x5d: {  	_ =	shalt  }
0x5e: {  	_ =	shalt  }
0x5f: {  	_ =	shalt  }
0x60: {  	_ =	shalt  }
0x61: {  	_ =	shalt  }
0x62: {  	_ =	shalt  }
0x63: {  	_ =	shalt  }
0x64: {  	_ =	shalt  }
0x65: {  	_ =	shalt  }
0x66: {  	_ =	shalt  }
0x67: {  	_ =	shalt  }
0x68: {  	_ =	shalt  }
0x69: {  	_ =	shalt  }
0x6a: {  	_ =	shalt  }
0x6b: {  	_ =	shalt  }
0x6c: {  	_ =	shalt  }
0x6d: {  	_ =	shalt  }
0x6e: {  	_ =	shalt  }
0x6f: {  	_ =	shalt  }
0x70: {  	_ =	shalt  }
0x71: {  	_ =	shalt  }
0x72: {  	_ =	shalt  }
0x73: {  	_ =	shalt  }
0x74: {  	_ =	shalt  }
0x75: {  	_ =	shalt  }
0x76: {  	_ =	shalt  }
0x77: {  	_ =	shalt  }
0x78: {  	_ =	shalt  }
0x79: {  	_ =	shalt  }
0x7a: {  	_ =	shalt  }
0x7b: {  	_ =	shalt  }
0x7c: {  	_ =	shalt  }
0x7d: {  	_ =	shalt  }
0x7e: {  	_ =	shalt  }
0x7f: {  	_ =	shalt  }
0x80: {  	_ =	shalt  }
0x81: {  	_ =	shalt  }
0x82: {  	_ =	shalt  }
0x83: {  	_ =	shalt  }
0x84: {  	_ =	shalt  }
0x85: {  	_ =	shalt  }
0x86: {  	_ =	shalt  }
0x87: {  	_ =	shalt  }
.Lfunc_end0:
.L_simem_size_0:
called_computation_lowered:
.L_overlay_start_0:
0x88: {  	s2 =	sld [smem:$0x3FD9]  }
0x89: {  	s3 =	sld [smem:$0x3FFE];
	_ =	sdelay $0x1  }
0x8a: {  	s1 =	srdreg.scid  }
0x8b: {  	s0 =	sand.u32 $0x1, s1  }
0x8c: {  	s17 =	sshll.u32 s0, $0xA;
	s2 =	sadd.s32 s3, s2  }
0x8d: {  	s2 =	sadd.s32 s2, s17  }
0x8e: {  	[smem:$0x3FC4] =	sst s2  }
0x8f: {  	_ = 	snop  }
0x90: {  	s2 =	sld [smem:$0x3FC9]  }
0x91: {  	s18 =	sld [smem:$0x3FD0];
	(tm) =	ssettm $0x1  }
0x92: {  	s4 =	sld [smem:$0x3FFB];
	_ =	sdelay $0x3  }
0x93: {  	_ =	strace s4  }
0x94: {  	s4 =	sld [smem:$0x3FFC];
	_ =	sdelay $0x3  }
0x95: {  	_ =	strace s4  }
0x96: {  	s4 =	sld [smem:$0x3FFD];
	_ =	sdelay $0x3  }
0x97: {  	_ =	strace s4  }
0x98: {  	_ =	strace $0x8FFFFFFF  }
0x99: {  	s19 =	sld [smem:$0x3FDB];
	_ =	sdelay $0x1  }
0x9a: {  	s5 =	simm.s32 $_scs_section_size  }
0x9b: {  	s6 =	simm.s32 $_size__tile_overlayer_lowered;
	s7 =	simm.s32 $_tile_overlayer_lowered  }
0x9c: {  	s22 =	simm.s32 $0x1BFF;
	s21 =	sshll.u32 s7, $0x1;
	s4 =	sadd.s32 s5, s19  }
0x9d: {  	s8 =	simm.s32 $0x0;
	s20 =	sshll.u32 s6, $0x1;
	s6 =	sadd.s32 s21, s4  }
0x9e: {  	[timem:s8], [sflag:s22] =	dma.local [hbm:s6], s20  }
0x9f: {  	_ =	swait.ge [sflag:s22], s20  }
0xa0: {  	s5 =	ssub.s32 $0x0, s20;
	[sflag:s22] =	ssyncset.done $0x0  }
0xa1: {  	[sflag:s22] =	ssyncadd.s32 s5;
	_ =	sdelay $0x1  }
0xa2: {  	s23 =	simm.s32 $0x1B8B  }
0xa3: {  	_ =	swait.ge [sflag:s23], $0x1  }
0xa4: {  	[sflag:s23] =	ssyncset.done $0x0  }
0xa5: {  	s25 =	simm.s32 $0x1B8E;
	s24 =	sld [smem:$0x3FFE];
	[sflag:s23] =	ssyncadd.s32 $0xFFFFFFFF  }
0xa6: {  	s26 =	simm.s32 $execute0_lowered;
	[smem:$0x3FD2] =	sst s25  }
0xa7: {  	s6 =	sshll.u32 s26, $0x1;
	_ =	strace $0x80000046;
	[dreg:$0x1] =	wrdreg $0xFFFFFFFF  }
0xa8: {  	s28 =	simm.s32 $_size_execute0_lowered;
	s4 =	sadd.s32 s4, s6;
	[dreg:$0x0] =	wrdreg $0x0  }
0xa9: {  	s6 =	sshll.u32 s28, $0x1;
	[dreg:$0x2] =	wrdreg s4  }
0xaa: {  	[dreg:$0x3] =	wrdreg s6  }
0xab: {  	[dreg:$0x4] =	wrdreg $0xC0  }
0xac: {  	_ =	task [dreg:s8], $0x5FFFF  }
0xad: {  	[dreg:$0x1] =	wrdreg $0xFFFFFFFF  }
0xae: {  	[dreg:$0x0] =	wrdreg $0x60  }
0xaf: {  	[dreg:$0x2] =	wrdreg s24  }
0xb0: {  	[dreg:$0x3] =	wrdreg s2  }
0xb1: {  	[dreg:$0x4] =	wrdreg s18  }
0xb2: {  	[dreg:$0x5] =	wrdreg $0x9  }
0xb3: {  	_ =	task.clear_ibuf [dreg:s8], $0x6FFFF;
	_ =	strace $0x90000046  }
0xb4: {  	s29 =	simm.s32 $0x9;
	_ =	strace $0x80000048  }
0xb5: {  	_ =	swait.ge [sflag:s29], $0x1  }
0xb6: {  	[sflag:s29] =	ssyncadd.s32 $0xFFFFFFFF  }
0xb7: {  	_ =	strace $0x90000048  }
0xb8: {  	_ =	sfence  }
0xb9: {  	s30 =	sld [smem:$0x0];
	_ =	sdelay $0x2  }
0xba: {  	s31 =	sshll.u32 s1, $0xD;
	s1 =	sshrl.u32 s1, $0x2  }
0xbb: {  	s3 =	sand.u32 $0x4000, s31;
	s1 =	sadd.s32 s1, s30  }
0xbc: {  	s0 =	sor.u32 s3, s0;
	s1 =	sshll.u32 s1, $0x11  }
0xbd: {  	s0 =	sor.u32 s1, s0  }
0xbe: {  	s0 =	sadd.s32 $0x8F2B, s0  }
0xbf: {  	[sflag:s0] =	ssyncadd.remote.s32 $0x1  }
0xc0: {  	_ =	sfence.sel $0xFFFF  }
0xc1: {  	[dreg:$0x0] =	wrdreg $0xFFFFFFFF;
	(pc) =	sbr.abs _section_cstart, $3  }
0xc2: {  	[dreg:$0x1] =	wrdreg $0xFFFFFFFF  }
0xc3: {  	_ =	task.clear_ibuf [dreg:s8], $0x2FFFF;
	_ =	strace $0x9FFFFFFF  }
0xc4: {  	(tm) =	ssettm $0x7FFFFFFF  }
0xc5: {  	_ =	shalt  }
tec
execute0_lowered:
.L_overlay_start_1:
0x0: {  	(tag) =	ssettag $0x1  }
0x1: {  	s5 =	rddreg [dreg:$0x0]  }
0x2: {  	s6 =	rddreg [dreg:$0x1]  }
0x3: {  	s7 =	rddreg [dreg:$0x2]  }
0x4: {  	s0 =	rddreg [dreg:$0x3]  }
0x5: {  	s3 =	srdreg.scid;
	s1 =	stileid.u32  }
0x6: {  	s2 =	simm.s32 $0x0;
	s14 =	sand.u32 $0x1, s3;
	s22 =	sshll.u32 s1, $0x1  }
0x7: {  	[smem:$0x7FF] =	sst s2;
	s3 =	sadd.s32 $0xA00, s5;
	s12 =	sshll.u32 s1, $0x6  }
0x8: {  	s16 =	sshll.u32 s1, $0x2;
	s21 =	sshll.u32 s1, $0x8;
	s4 =	ssub.s32 $0x2, s14  }
0x9: {  	s8 =	sor.u32 s14, s22;
	_ =	strace $0x80000047;
	s23 =	smul.u32 $0x4E20, s14  }
0xa: {  	s15 =	sshll.u32 s14, $0x1;
	s14 =	sshll.u32 s14, $0x7;
	s9 =	sshrl.u32 s4, $0x1  }
0xb: {  	s10 =	smul.u32 $0x4E20, s8;
	s8 =	sshll.u32 s8, $0x5;
	s19 =	sor.u32 s15, s16  }
0xc: {  	s14 =	sor.u32 s21, s14;
	s13 =	ssub.s32 s4, s9;
	s4 =	sadd.s32 $0xEE2, s5  }
0xd: {  	s5 =	sadd.s32 $0x13C4, s5;
	s9 =	ssub.s32 s23, s12;
	s8 =	sand.u32 $0x60, s8  }
0xe: {  	s15 =	sadd.s32 $0x6, s19;
	s21 =	sadd.s32 $0x180, s14;
	s14 =	sadd.s32 $0x80, s14  }
0xf: {  	s11 =	sshrl.u32 s10, $0x2;
	s12 =	sshrl.u32 s9, $0x5;
	s10 =	sshrl.u32 s10, $0x3  }
0x10: {  	s18 =	sxor.u32 $0x40, s8;
	s8 =	smax.u32 s13, $0x1;
	s15 =	sand.u32 $0x6, s15  }
0x11: {  	s21 =	sand.u32 $0x180, s21;
	s14 =	sand.u32 $0x180, s14;
	s11 =	sand.u32 $0x3FFE0, s11  }
0x12: {  	s9 =	sand.u32 $0x3, s12;
	s7 =	sadd.s32 s7, s10;
	s25 =	sadd.s32 $0x1, s12  }
0x13: {  	s15 =	sshll.u32 s15, $0x6;
	s20 =	sshll.u32 s12, $0x1;
	s22 =	sadd.s32 $0x2, s12  }
0x14: {  	s12 =	sadd.s32 $0xFFFFFFFF, s12;
	s18 =	sshll.u32 s18, $0x2;
	s6 =	sadd.s32 s6, s11  }
0x15: {  	s11 =	sshll.u32 s9, $0x8;
	s13 =	sand.u32 $0x3, s25;
	s10 =	sshll.u32 s9, $0x6  }
0x16: {  	s29 =	sadd.s32 $0x2, s20;
	s22 =	sand.u32 $0x3, s22;
	s12 =	sand.u32 $0x3, s12  }
0x17: {  	s9 =	sshll.u32 s9, $0x7;
	s24 =	sadd.s32 $0x100, s11;
	s13 =	sshll.u32 s13, $0x7  }
0x18: {  	s26 =	sadd.s32 $0x780, s11;
	s28 =	sadd.s32 $0x180, s11;
	s30 =	sadd.s32 $0x700, s11  }
0x19: {  	s23 =	sadd.s32 $0x200, s11;
	s22 =	sshll.u32 s22, $0x7;
	s25 =	sadd.s32 $0x280, s11  }
0x1a: {  	s12 =	sshll.u32 s12, $0x7;
	s10 =	sor.u32 $0x9C00, s10;
	s17 =	sand.u32 $0x400, s24  }
0x1b: {  	s16 =	sand.u32 $0xC00, s26;
	s31 =	sand.u32 $0x400, s23;
	s24 =	sadd.s32 $0x4, s19  }
0x1c: {  	s25 =	sand.u32 $0x400, s25;
	s26 =	sadd.s32 $0x600, s11;
	s19 =	sadd.s32 $0x2, s19  }
0x1d: {  	s13 =	sor.u32 s13, s17;
	s15 =	sor.u32 s15, s16;
	s16 =	sand.u32 $0x400, s28  }
0x1e: {  	s17 =	sand.u32 $0x6, s29;
	s28 =	sadd.s32 $0x3FC, s11;
	s19 =	sand.u32 $0x6, s19  }
0x1f: {  	s13 =	sor.u32 $0x200, s13;
	s15 =	sor.u32 $0x240, s15;
	s17 =	sshll.u32 s17, $0x6  }
0x20: {  	s29 =	sand.u32 $0x400, s28;
	s19 =	sshll.u32 s19, $0x6;
	s16 =	sor.u32 s17, s16  }
0x21: {  	s17 =	sand.u32 $0xC00, s30;
	s12 =	sor.u32 s12, s29;
	s30 =	sadd.s32 $0x580, s11  }
0x22: {  	s29 =	sshrl.u32 s9, $0x2;
	s17 =	sor.u32 s21, s17;
	s23 =	sor.u32 $0x240, s16  }
0x23: {  	s21 =	sor.u32 s22, s31;
	s22 =	sadd.s32 $0x680, s11;
	s31 =	sadd.s32 $0x380, s11  }
0x24: {  	s11 =	sadd.s32 $0x500, s11;
	s16 =	sor.u32 $0x200, s17;
	s21 =	sor.u32 $0x200, s21  }
0x25: {  	s17 =	sand.u32 $0xC00, s22;
	s22 =	sand.u32 $0x6, s24;
	s24 =	sadd.s32 $0x4, s20  }
0x26: {  	s20 =	sadd.s32 $0x6, s20;
	s11 =	sand.u32 $0xC00, s11;
	s23 =	sshrl.u32 s23, $0x2  }
0x27: {  	s22 =	sshll.u32 s22, $0x6;
	s24 =	sand.u32 $0x6, s24;
	s20 =	sand.u32 $0x6, s20  }
0x28: {  	s11 =	sor.u32 s14, s11;
	s21 =	sshrl.u32 s21, $0x2;
	s16 =	sshrl.u32 s16, $0x2  }
0x29: {  	s17 =	sor.u32 s22, s17;
	s24 =	sshll.u32 s24, $0x6;
	s28 =	sshll.u32 s20, $0x6  }
0x2a: {  	v12 =	vmov s16;
	s16 =	simm.s32 $0x2;
	s17 =	sor.u32 $0x240, s17;
	s22 =	sor.u32 s24, s25  }
0x2b: {  	s24 =	sand.u32 $0xC00, s26;
	s26 =	sand.u32 $0x400, s31;
	s31 =	sor.u32 $0x400, s9  }
0x2c: {  	s9 =	sor.u32 $0x7700, s29;
	s22 =	sor.u32 $0x240, s22;
	s18 =	sor.u32 s18, s24  }
0x2d: {  	v3 =	vmov s23;
	s24 =	sor.u32 $0x200, s12;
	s12 =	sand.u32 $0xC00, s30;
	s30 =	sor.u32 $0x200, s11  }
0x2e: {  	v4 =	vmov s21;
	[tilespmem:$0x1FFA0] =	vst v3;
	s14 =	sshrl.u32 s31, $0x2;
	s31 =	sshrl.u32 s15, $0x2;
	s12 =	sor.u32 s19, s12  }
0x2f: {  	[tilespmem:$0x1FFB0] =	vst v4;
	v23 =	vmov s31;
	s25 =	sor.u32 $0x240, s12;
	s12 =	sor.u32 s28, s26;
	s26 =	sshrl.u32 s13, $0x2  }
0x30: {  	s11 =	sor.u32 $0x7680, s29;
	s17 =	sshrl.u32 s17, $0x2;
	s28 =	sshrl.u32 s24, $0x2;
	[tilespmem:$0x1FFC0] =	vst v23;
	v1 =	vmov s26  }
0x31: {  	s15 =	simm.s32 $0x11380;
	s19 =	sor.u32 $0x240, s12;
	s26 =	sshrl.u32 s22, $0x2;
	v6 =	vmov s28;
	[tilespmem:$0x1FF90] =	vst v1  }
0x32: {  	s18 =	sor.u32 $0x200, s18;
	v0 =	vmov s14;
	s14 =	simm.s32 $0x1;
	s19 =	sshrl.u32 s19, $0x2;
	v5 =	vmov s26;
	[tilespmem:$0x1FFE0] =	vst v6  }
0x33: {  	s29 =	sshrl.u32 s30, $0x2;
	v11 =	vmov s17;
	s18 =	sshrl.u32 s18, $0x2;
	s30 =	sshrl.u32 s25, $0x2;
	v2 =	vmov s19;
	[tilespmem:$0x1FFD0] =	vst v5  }
0x34: {  	s17 =	simm.s32 $0x0;
	s13 =	simm.s32 $0x4F00;
	v8 =	vmov s29;
	s12 =	simm.s32 $0x2780;
	v10 =	vmov s18;
	v9 =	vmov s30;
	[tilespmem:$0x1FFF0] =	vst v2  }
.LBB2_1:
0x35: {  	[tilespmem:s2], [sflag:$0x1] =	stream.linear.gather [hbm4b:s3+s2], $0x2710, $0x38;
	[tilespmem:$0x16200] =	vst v63  }
0x36: {  	_ = 	snop  }
0x37: {  	[tilespmem:s12], [sflag:$0x1] =	stream.linear.gather [hbm4b:s4+s2], $0x2710, $0x38;
	[tilespmem:$0x16200] =	vst v63  }
0x38: {  	_ = 	snop  }
0x39: {  	[tilespmem:s13], [sflag:$0x1] =	stream.linear.gather [hbm4b:s5+s2], $0x2710, $0x38;
	[tilespmem:$0x16200] =	vst v63  }
0x3a: {  	s18 =	simm.s32 $0x7680  }
0x3b: {  	[tilespmem:s18], [sflag:$0x1] =	stream.linear.gather [hbm4b:s6+s2], $0x9D00, $0x38;
	[tilespmem:$0x16200] =	vst v63  }
0x3c: {  	_ =	swait.ge [sflag:s14], $0x2710  }
0x3d: {  	[sflag:s14] =	ssyncset.done $0x0  }
0x3e: {  	[sflag:s14] =	ssyncadd.s32 $0xFFFFD8F0  }
0x3f: {  	_ =	swait.ge [sflag:s14], $0x2710  }
0x40: {  	[sflag:s14] =	ssyncset.done $0x0  }
0x41: {  	[sflag:s14] =	ssyncadd.s32 $0xFFFFD8F0  }
0x42: {  	_ =	swait.ge [sflag:s14], $0x2710  }
0x43: {  	[sflag:s14] =	ssyncset.done $0x0  }
0x44: {  	[sflag:s14] =	ssyncadd.s32 $0xFFFFD8F0  }
0x45: {  	_ =	swait.ge [sflag:s14], $0x9D00  }
0x46: {  	[sflag:s14] =	ssyncset.done $0x0  }
0x47: {  	[sflag:s14] =	ssyncadd.s32 $0xFFFF6300  }
0x48: {  	v13 =	vld.idx.msk [tilespmem:v23+s18+$0xFFFFFF80 ss:$0x1], $0xffff;
	_ =	sdelay $0x5  }
0x49: {  	v38 =	vld.idx.msk [tilespmem:v1+s18+$0xFFFFFF80 ss:$0x1], $0xffff  }
0x4a: {  	v36 =	vld.idx.msk [tilespmem:v1+s18+$0x0 ss:$0x1], $0xffff  }
0x4b: {  	v1 =	vld.idx.msk [tilespmem:v13+s2+$0x0], $0xffff  }
0x4c: {  	v14 =	vld.idx.msk [tilespmem:v23+s18+$0x0 ss:$0x1], $0xffff  }
0x4d: {  	v40 =	vld.idx.msk [tilespmem:v0+s18+$0xFFFFFF80 ss:$0x1], $0xffff  }
0x4e: {  	v41 =	vld.idx.msk [tilespmem:v0+s18+$0xFFFFFF10 ss:$0x1], $0xffff  }
0x4f: {  	v39 =	vld.idx.msk [tilespmem:v0+s18+$0xFFFFFF90 ss:$0x1], $0xffff  }
0x50: {  	v34 =	vld.idx.msk [tilespmem:v3+s18+$0xFFFFFF80 ss:$0x1], $0xffff;
	[tilespmem:$0x1FE50] =	vst v1  }
0x51: {  	v1 =	vld.idx.msk [tilespmem:v13+s13+$0x0], $0xffff;
	_ =	sdelay $0x2  }
0x52: {  	v43 =	vld.idx.msk [tilespmem:v14+s2+$0x0], $0xffff  }
0x53: {  	v44 =	vld.idx.msk [tilespmem:v13+s12+$0x0], $0xffff  }
0x54: {  	v45 =	vld.idx.msk [tilespmem:v14+s12+$0x0], $0xffff;
	[tilespmem:$0x1FE60] =	vst v1  }
0x55: {  	v47 =	vld.idx.msk [tilespmem:v14+s13+$0x0], $0xffff  }
0x56: {  	v37 =	vld.idx.msk [tilespmem:v3+s18+$0x0 ss:$0x1], $0xffff  }
0x57: {  	v35 =	vld.idx.msk [tilespmem:v4+s18+$0xFFFFFF80 ss:$0x1], $0xffff  }
0x58: {  	v33 =	vld.idx.msk [tilespmem:v4+s18+$0x0 ss:$0x1], $0xffff  }
0x59: {  	v32 =	vld.idx.msk [tilespmem:v5+s18+$0xFFFFFF80 ss:$0x1], $0xffff  }
0x5a: {  	v31 =	vld.idx.msk [tilespmem:v5+s18+$0x0 ss:$0x1], $0xffff  }
0x5b: {  	v30 =	vld.idx.msk [tilespmem:v6+s18+$0xFFFFFF80 ss:$0x1], $0xffff  }
0x5c: {  	v7 =	vld.idx.msk [tilespmem:v6+s18+$0x0 ss:$0x1], $0xffff  }
0x5d: {  	v46 =	vld.idx.msk [tilespmem:v2+s18+$0xFFFFFF80 ss:$0x1], $0xffff  }
0x5e: {  	v29 =	vld.idx.msk [tilespmem:v2+s18+$0x0 ss:$0x1], $0xffff  }
0x5f: {  	v28 =	vld.idx.msk [tilespmem:v0+s18+$0x0 ss:$0x1], $0xffff  }
0x60: {  	v27 =	vld.idx.msk [tilespmem:v0+s18+$0x80 ss:$0x1], $0xffff  }
0x61: {  	v42 =	vld.idx.msk [tilespmem:v0+s18+$0x10 ss:$0x1], $0xffff  }
0x62: {  	v26 =	vld.idx.msk [tilespmem:v0+s18+$0x90 ss:$0x1], $0xffff  }
0x63: {  	v6 =	vld.idx.msk [tilespmem:v8+s18+$0xFFFFFF80 ss:$0x1], $0xffff  }
0x64: {  	v13 =	vld.idx.msk [tilespmem:v11+s18+$0xFFFFFF80 ss:$0x1], $0xffff  }
0x65: {  	v5 =	vld.idx.msk [tilespmem:v8+s18+$0x0 ss:$0x1], $0xffff  }
0x66: {  	v2 =	vld.idx.msk [tilespmem:v9+s18+$0xFFFFFF80 ss:$0x1], $0xffff  }
0x67: {  	v1 =	vld.idx.msk [tilespmem:v9+s18+$0x0 ss:$0x1], $0xffff  }
0x68: {  	v3 =	vld.idx.msk [tilespmem:v10+s18+$0xFFFFFF80 ss:$0x1], $0xffff  }
0x69: {  	v4 =	vld.idx.msk [tilespmem:v10+s18+$0x0 ss:$0x1], $0xffff;
	[tilespmem:$0x1FE70] =	vst v13  }
0x6a: {  	v13 =	vld.idx.msk [tilespmem:v11+s18+$0x0 ss:$0x1], $0xffff;
	_ =	sdelay $0x4  }
0x6b: {  	[tilespmem:$0x1FE80] =	vst v13  }
0x6c: {  	v13 =	vld.idx.msk [tilespmem:v12+s18+$0xFFFFFF80 ss:$0x1], $0xffff;
	_ =	sdelay $0x4  }
0x6d: {  	[tilespmem:$0x1FE90] =	vst v13  }
0x6e: {  	v13 =	vld.idx.msk [tilespmem:v12+s18+$0x0 ss:$0x1], $0xffff;
	_ =	sdelay $0x4  }
0x6f: {  	[tilespmem:$0x1FEA0] =	vst v13  }
0x70: {  	v48 =	vld.idx.msk [tilespmem:v0+s18+$0xFFFFFF00 ss:$0x1], $0xffff  }
0x71: {  	v49 =	vld.idx.msk [tilespmem:v40+s2+$0x0], $0xffff  }
0x72: {  	v50 =	vld.idx.msk [tilespmem:v40+s12+$0x0], $0xffff  }
0x73: {  	v51 =	vld.idx.msk [tilespmem:v41+s2+$0x0], $0xffff  }
0x74: {  	v52 =	vld.idx.msk [tilespmem:v39+s2+$0x0], $0xffff  }
0x75: {  	v53 =	vld.idx.msk [tilespmem:v41+s12+$0x0], $0xffff  }
0x76: {  	v54 =	vld.idx.msk [tilespmem:v39+s12+$0x0], $0xffff  }
0x77: {  	v55 =	vld.idx.msk [tilespmem:v38+s2+$0x0], $0xffff  }
0x78: {  	v58 =	vld.idx.msk [tilespmem:v36+s2+$0x0], $0xffff  }
0x79: {  	v59 =	vld.idx.msk [tilespmem:v38+s12+$0x0], $0xffff  }
0x7a: {  	v60 =	vld.idx.msk [tilespmem:v36+s12+$0x0], $0xffff  }
0x7b: {  	v61 =	vld.idx.msk [tilespmem:v34+s2+$0x0], $0xffff  }
0x7c: {  	v62 =	vld.idx.msk [tilespmem:v37+s2+$0x0], $0xffff  }
0x7d: {  	v63 =	vld.idx.msk [tilespmem:v34+s12+$0x0], $0xffff  }
0x7e: {  	v21 =	vld.idx.msk [tilespmem:v37+s12+$0x0], $0xffff  }
0x7f: {  	v20 =	vld.idx.msk [tilespmem:v35+s2+$0x0], $0xffff  }
0x80: {  	v16 =	vld.idx.msk [tilespmem:v33+s2+$0x0], $0xffff  }
0x81: {  	v19 =	vld.idx.msk [tilespmem:v35+s12+$0x0], $0xffff  }
0x82: {  	v18 =	vld.idx.msk [tilespmem:v33+s12+$0x0], $0xffff  }
0x83: {  	v15 =	vld.idx.msk [tilespmem:v32+s2+$0x0], $0xffff  }
0x84: {  	v13 =	vld.idx.msk [tilespmem:v31+s2+$0x0], $0xffff  }
0x85: {  	v17 =	vld.idx.msk [tilespmem:v32+s12+$0x0], $0xffff  }
0x86: {  	v56 =	vld.idx.msk [tilespmem:v48+s2+$0x0], $0xffff  }
0x87: {  	v57 =	vld.idx.msk [tilespmem:v48+s12+$0x0], $0xffff  }
0x88: {  	v48 =	vld.idx.msk [tilespmem:v48+s13+$0x0], $0xffff  }
0x89: {  	v14 =	vld.idx.msk [tilespmem:v31+s12+$0x0], $0xffff  }
0x8a: {  	v23 =	vld.idx.msk [tilespmem:v30+s2+$0x0], $0xffff  }
0x8b: {  	v22 =	vld.idx.msk [tilespmem:v7+s2+$0x0], $0xffff  }
0x8c: {  	v25 =	vld.idx.msk [tilespmem:v30+s12+$0x0], $0xffff  }
0x8d: {  	v24 =	vld.idx.msk [tilespmem:v7+s12+$0x0], $0xffff;
	[tilespmem:$0x1FEF0] =	vst v48  }
0x8e: {  	v40 =	vld.idx.msk [tilespmem:v40+s13+$0x0], $0xffff;
	_ =	sdelay $0x4  }
0x8f: {  	[tilespmem:$0x1FF00] =	vst v40  }
0x90: {  	v40 =	vld.idx.msk [tilespmem:v41+s13+$0x0], $0xffff;
	_ =	sdelay $0x3  }
0x91: {  	[tilespmem:$0x1FF20] =	vst v46  }
0x92: {  	[tilespmem:$0x1FF10] =	vst v40  }
0x93: {  	v48 =	vld.idx.msk [tilespmem:v46+s2+$0x0], $0xffff;
	[tilespmem:$0x1FF30] =	vst v29  }
0x94: {  	v46 =	vld.idx.msk [tilespmem:v46+s12+$0x0], $0xffff;
	_ =	sdelay $0x4  }
0x95: {  	v40 =	vld.idx.msk [tilespmem:v29+s2+$0x0], $0xffff;
	[tilespmem:$0x1FEB0] =	vst v46  }
0x96: {  	v29 =	vld.idx.msk [tilespmem:v29+s12+$0x0], $0xffff;
	_ =	sdelay $0x3  }
0x97: {  	[tilespmem:$0x1FF40] =	vst v28  }
0x98: {  	[tilespmem:$0x1FEC0] =	vst v29  }
0x99: {  	v29 =	vld.idx.msk [tilespmem:v28+s2+$0x0], $0xffff;
	_ =	sdelay $0x3  }
0x9a: {  	[tilespmem:$0x1FF50] =	vst v27  }
0x9b: {  	[tilespmem:$0x1FED0] =	vst v29  }
0x9c: {  	v28 =	vld.idx.msk [tilespmem:v28+s12+$0x0], $0xffff;
	_ =	sdelay $0x4  }
0x9d: {  	v46 =	vld.idx.msk [tilespmem:v27+s2+$0x0], $0xffff;
	[tilespmem:$0x1FEE0] =	vst v28  }
0x9e: {  	v28 =	vld.idx.msk [tilespmem:v27+s12+$0x0], $0xffff;
	[tilespmem:$0x1FF60] =	vst v42  }
0x9f: {  	v29 =	vld.idx.msk [tilespmem:v42+s2+$0x0], $0xffff;
	[tilespmem:$0x1FF70] =	vst v26  }
0xa0: {  	v41 =	vld.idx.msk [tilespmem:v42+s12+$0x0], $0xffff  }
0xa1: {  	v16 =	vsub.f32 v20, v16;
	v18 =	vsub.f32 v19, v18;
	v42 =	vld [tilespmem:$0x1FE50]  }
0xa2: {  	v27 =	vld.idx.msk [tilespmem:v26+s2+$0x0], $0xffff  }
0xa3: {  	v44 =	vsub.f32 v44, v45;
	v16 =	vmul.f32 v16, v16;
	v18 =	vmul.f32 v18, v18;
	v45 =	vld.idx.msk [tilespmem:v26+s12+$0x0], $0xffff  }
0xa4: {  	v26 =	vld [tilespmem:$0x1FE60]  }
0xa5: {  	v16 =	vadd.f32 v18, v16  }
0xa6: {  	v18 =	vsub.f32 v48, v40;
	v48 =	vld [tilespmem:$0x1FEC0];
	v43 =	vsub.f32 v42, v43  }
0xa7: {  	v51 =	vsub.f32 v51, v52;
	v52 =	vsub.f32 v53, v54;
	v53 =	vld.idx.msk [tilespmem:v6+s12+$0x0], $0xffff  }
0xa8: {  	v44 =	vmul.f32 v44, v44;
	v54 =	vld.idx.msk [tilespmem:v2+s2+$0x0], $0xffff;
	v43 =	vmul.f32 v43, v43  }
0xa9: {  	v50 =	vsub.f32 v57, v50;
	v42 =	vld.idx.msk [tilespmem:v6+s2+$0x0], $0xffff;
	v47 =	vsub.f32 v26, v47  }
0xaa: {  	v26 =	vld.idx.msk [tilespmem:v5+s2+$0x0], $0xffff;
	v43 =	vadd.f32 v44, v43;
	v44 =	vsub.f32 v56, v49  }
0xab: {  	v55 =	vsub.f32 v55, v58;
	v49 =	vld.idx.msk [tilespmem:v5+s12+$0x0], $0xffff;
	[tilespmem:$0x1FF80] =	vst v1  }
0xac: {  	v50 =	vmul.f32 v50, v50;
	v20 =	vld.idx.msk [tilespmem:v4+s2+$0x0], $0xffff;
	v44 =	vmul.f32 v44, v44  }
0xad: {  	v14 =	vsub.f32 v17, v14;
	v17 =	vmul.f32 v55, v55;
	v55 =	vld.idx.msk [tilespmem:v4+s12+$0x0], $0xffff  }
0xae: {  	v50 =	vadd.f32 v50, v44;
	v44 =	vsub.f32 v61, v62;
	v61 =	vmov v4;
	v4 =	vld [tilespmem:$0x1FEB0];
	_ =	sdelay $0x1  }
0xaf: {  	v60 =	vsub.f32 v59, v60  }
0xb0: {  	v59 =	vld [tilespmem:$0x1FEA0]  }
0xb1: {  	v19 =	vmul.f32 v60, v60;
	v60 =	vld [tilespmem:$0x1FE70]  }
0xb2: {  	v40 =	vsub.f32 v4, v48;
	v4 =	vld [tilespmem:$0x1FED0]  }
0xb3: {  	v56 =	vld [tilespmem:$0x1FE90]  }
0xb4: {  	v47 =	vmul.f32 v47, v47;
	v57 =	vld.idx.msk [tilespmem:v1+s12+$0x0], $0xffff  }
0xb5: {  	v58 =	vld.idx.msk [tilespmem:v3+s2+$0x0], $0xffff  }
0xb6: {  	v47 =	vadd.f32 v47, v43;
	v43 =	vld.idx.msk [tilespmem:v1+s2+$0x0], $0xffff  }
0xb7: {  	v46 =	vsub.f32 v4, v46;
	v4 =	vld [tilespmem:$0x1FEE0]  }
0xb8: {  	v18 =	vmul.f32 v18, v18;
	v1 =	vld [tilespmem:$0x1FE80];
	v40 =	vmul.f32 v40, v40  }
0xb9: {  	v13 =	vsub.f32 v15, v13;
	v15 =	vld.idx.msk [tilespmem:v3+s12+$0x0], $0xffff  }
0xba: {  	v40 =	vadd.f32 v40, v18;
	v18 =	vld.idx.msk [tilespmem:v34+s13+$0x0], $0xffff  }
0xbb: {  	v34 =	vld [tilespmem:$0x1FF00]  }
0xbc: {  	v28 =	vsub.f32 v4, v28;
	v4 =	vld [tilespmem:$0x1FEF0]  }
0xbd: {  	v21 =	vsub.f32 v63, v21;
	v39 =	vld.idx.msk [tilespmem:v39+s13+$0x0], $0xffff;
	v63 =	vsub.f32 v53, v49  }
0xbe: {  	v22 =	vsub.f32 v23, v22;
	v23 =	vmul.f32 v44, v44;
	v44 =	vld.idx.msk [tilespmem:v60+s2+$0x0], $0xffff  }
0xbf: {  	s18 =	simm.s32 $0x11400;
	v49 =	vmul.f32 v63, v63;
	v63 =	vld.idx.msk [tilespmem:v31+s13+$0x0], $0xffff  }
0xc0: {  	v24 =	vsub.f32 v25, v24;
	v25 =	vld.idx.msk [tilespmem:v1+s2+$0x0], $0xffff;
	[tilespmem:s18+$0x70] =	vst v47  }
0xc1: {  	v31 =	vsub.f32 v4, v34;
	v4 =	vld [tilespmem:$0x1FF10]  }
0xc2: {  	v20 =	vsub.f32 v58, v20;
	v15 =	vsub.f32 v15, v55;
	_ =	sdelay $0x1  }
0xc3: {  	v20 =	vmul.f32 v20, v20;
	v15 =	vmul.f32 v15, v15  }
0xc4: {  	v25 =	vsub.f32 v44, v25  }
0xc5: {  	v44 =	vadd.f32 v15, v20;
	v15 =	vsub.f32 v4, v39;
	v4 =	vld [tilespmem:$0x1FF20];
	_ =	sdelay $0x7  }
0xc6: {  	v21 =	vmul.f32 v21, v21;
	v20 =	vld.idx.msk [tilespmem:v4+s13+$0x0], $0xffff  }
0xc7: {  	v13 =	vmul.f32 v13, v13;
	v14 =	vmul.f32 v14, v14;
	v4 =	vld [tilespmem:$0x1FF30]  }
0xc8: {  	v22 =	vmul.f32 v22, v22;
	v21 =	vadd.f32 v21, v23;
	v23 =	vmul.f32 v24, v24  }
0xc9: {  	v13 =	vadd.f32 v14, v13;
	v14 =	vld.idx.msk [tilespmem:v56+s2+$0x0], $0xffff  }
0xca: {  	v22 =	vadd.f32 v23, v22;
	v23 =	vld.idx.msk [tilespmem:v59+s2+$0x0], $0xffff;
	_ =	sdelay $0x4  }
0xcb: {  	v14 =	vsub.f32 v14, v23;
	v23 =	vld.idx.msk [tilespmem:v4+s13+$0x0], $0xffff  }
0xcc: {  	v4 =	vld [tilespmem:$0x1FF40];
	_ =	sdelay $0x5  }
0xcd: {  	v53 =	vsub.f32 v54, v43  }
0xce: {  	v51 =	vmul.f32 v51, v51  }
0xcf: {  	v52 =	vmul.f32 v52, v52;
	v58 =	vmul.f32 v53, v53;
	v53 =	vld.idx.msk [tilespmem:v4+s13+$0x0], $0xffff  }
0xd0: {  	v4 =	vld [tilespmem:$0x1FF50]  }
0xd1: {  	v51 =	vadd.f32 v52, v51;
	v52 =	vld.idx.msk [tilespmem:v2+s12+$0x0], $0xffff  }
0xd2: {  	v17 =	vadd.f32 v19, v17;
	v19 =	vld.idx.msk [tilespmem:v60+s12+$0x0], $0xffff  }
0xd3: {  	v27 =	vsub.f32 v29, v27;
	v29 =	vld.idx.msk [tilespmem:v59+s12+$0x0], $0xffff  }
0xd4: {  	v24 =	vld.idx.msk [tilespmem:v1+s12+$0x0], $0xffff  }
0xd5: {  	v38 =	vld.idx.msk [tilespmem:v38+s13+$0x0], $0xffff  }
0xd6: {  	v36 =	vld.idx.msk [tilespmem:v36+s13+$0x0], $0xffff;
	v54 =	vsub.f32 v52, v57;
	v62 =	vmul.f32 v46, v46;
	v28 =	vmul.f32 v28, v28  }
0xd7: {  	v37 =	vld.idx.msk [tilespmem:v37+s13+$0x0], $0xffff  }
0xd8: {  	v28 =	vadd.f32 v28, v62;
	v62 =	vmul.f32 v54, v54;
	v54 =	vld.idx.msk [tilespmem:v4+s13+$0x0], $0xffff  }
0xd9: {  	v19 =	vsub.f32 v19, v24;
	v4 =	vld [tilespmem:$0x1FF60]  }
0xda: {  	v41 =	vsub.f32 v41, v45;
	v27 =	vmul.f32 v27, v27;
	v26 =	vsub.f32 v42, v26;
	v48 =	vld.idx.msk [tilespmem:v56+s12+$0x0], $0xffff  }
0xdb: {  	v25 =	vmul.f32 v25, v25;
	v19 =	vmul.f32 v19, v19  }
0xdc: {  	v41 =	vmul.f32 v41, v41;
	v35 =	vld.idx.msk [tilespmem:v35+s13+$0x0], $0xffff;
	v26 =	vmul.f32 v26, v26  }
0xdd: {  	v32 =	vld.idx.msk [tilespmem:v32+s13+$0x0], $0xffff;
	v52 =	vsub.f32 v38, v36;
	v45 =	vadd.f32 v19, v25;
	v19 =	vmul.f32 v31, v31  }
0xde: {  	v30 =	vld.idx.msk [tilespmem:v30+s13+$0x0], $0xffff;
	v42 =	vadd.f32 v49, v26;
	v18 =	vsub.f32 v18, v37;
	v15 =	vmul.f32 v15, v15  }
0xdf: {  	v57 =	vld.idx.msk [tilespmem:v33+s13+$0x0], $0xffff;
	v49 =	vsub.f32 v48, v29;
	v29 =	vmul.f32 v52, v52;
	v19 =	vadd.f32 v19, v50  }
0xe0: {  	v27 =	vadd.f32 v41, v27;
	v41 =	vld.idx.msk [tilespmem:v7+s13+$0x0], $0xffff;
	v18 =	vmul.f32 v18, v18;
	v15 =	vadd.f32 v15, v51  }
0xe1: {  	v17 =	vadd.f32 v29, v17;
	[tilespmem:s18+$0xFFFFFF80] =	vst v19;
	v55 =	vld.idx.msk [tilespmem:v4+s13+$0x0], $0xffff  }
0xe2: {  	v18 =	vadd.f32 v18, v21;
	v4 =	vld [tilespmem:$0x1FF70];
	[tilespmem:s18+$0xFFFFFF90] =	vst v15  }
0xe3: {  	[tilespmem:s18+$0xFFFFFFA0] =	vst v17  }
0xe4: {  	v19 =	vsub.f32 v35, v57;
	v17 =	vsub.f32 v20, v23;
	v23 =	vld.idx.msk [tilespmem:v2+s13+$0x0], $0xffff;
	[tilespmem:s18+$0xFFFFFFB0] =	vst v18  }
0xe5: {  	v14 =	vmul.f32 v14, v14;
	v25 =	vmul.f32 v49, v49;
	v15 =	vsub.f32 v32, v63;
	v2 =	vld [tilespmem:$0x1FF80]  }
0xe6: {  	v21 =	vsub.f32 v30, v41;
	v43 =	vadd.f32 v62, v58;
	v58 =	vld.idx.msk [tilespmem:v6+s13+$0x0], $0xffff;
	v19 =	vmul.f32 v19, v19  }
0xe7: {  	v62 =	vld.idx.msk [tilespmem:v5+s13+$0x0], $0xffff;
	v15 =	vmul.f32 v15, v15  }
0xe8: {  	v39 =	vadd.f32 v25, v14;
	v14 =	vld.idx.msk [tilespmem:v56+s13+$0x0], $0xffff;
	v16 =	vadd.f32 v19, v16;
	v19 =	vmul.f32 v21, v21  }
0xe9: {  	v18 =	vld.idx.msk [tilespmem:v3+s13+$0x0], $0xffff;
	v13 =	vadd.f32 v15, v13;
	v15 =	vmul.f32 v17, v17  }
0xea: {  	v19 =	vadd.f32 v19, v22;
	[tilespmem:s18+$0xFFFFFFC0] =	vst v16;
	v16 =	vld.idx.msk [tilespmem:v60+s13+$0x0], $0xffff  }
0xeb: {  	v17 =	vld.idx.msk [tilespmem:v61+s13+$0x0], $0xffff;
	[tilespmem:s18+$0xFFFFFFD0] =	vst v13;
	v13 =	vadd.f32 v15, v40  }
0xec: {  	[tilespmem:s18+$0xFFFFFFE0] =	vst v19;
	v57 =	vld.idx.msk [tilespmem:v4+s13+$0x0], $0xffff  }
0xed: {  	[tilespmem:s18+$0xFFFFFFF0] =	vst v13;
	v63 =	vld.idx.msk [tilespmem:v2+s13+$0x0], $0xffff  }
0xee: {  	v2 =	vld [tilespmem:$0x1FFC0]  }
0xef: {  	v15 =	vld.idx.msk [tilespmem:v1+s13+$0x0], $0xffff  }
0xf0: {  	v20 =	vsub.f32 v53, v54;
	v3 =	vld [tilespmem:$0x1FFA0]  }
0xf1: {  	v13 =	vld.idx.msk [tilespmem:v59+s13+$0x0], $0xffff;
	v21 =	vsub.f32 v55, v57  }
0xf2: {  	v20 =	vmul.f32 v20, v20;
	v4 =	vld [tilespmem:$0x1FFB0]  }
0xf3: {  	v22 =	vsub.f32 v58, v62;
	v5 =	vld [tilespmem:$0x1FFD0];
	v21 =	vmul.f32 v21, v21  }
0xf4: {  	s21 =	simm.s32 $0x0;
	v19 =	vadd.f32 v20, v28;
	v6 =	vld [tilespmem:$0x1FFE0]  }
0xf5: {  	s19 =	simm.s32 $0x4DF0;
	s20 =	simm.s32 $0x16180;
	s22 =	simm.s32 $0x7880;
	v20 =	vmul.f32 v22, v22;
	v7 =	vld [tilespmem:$0x1FFF0];
	v22 =	vsub.f32 v23, v63;
	v21 =	vadd.f32 v21, v27  }
.LBB2_2:
0xf6: {  	v25 =	vld.idx.msk [tilespmem:v2+s22+$0xFFFFFF80 ss:$0x1], $0xffff  }
0xf7: {  	v1 =	vld [tilespmem:$0x1FF90]  }
0xf8: {  	v24 =	vld.idx.msk [tilespmem:v3+s22+$0xFFFFFF80 ss:$0x1], $0xffff  }
0xf9: {  	v41 =	vld.idx.msk [tilespmem:v3+s22+$0x0 ss:$0x1], $0xffff  }
0xfa: {  	v40 =	vld.idx.msk [tilespmem:v4+s22+$0xFFFFFF80 ss:$0x1], $0xffff  }
0xfb: {  	v38 =	vld.idx.msk [tilespmem:v5+s22+$0xFFFFFF80 ss:$0x1], $0xffff  }
0xfc: {  	v35 =	vld.idx.msk [tilespmem:v5+s22+$0x0 ss:$0x1], $0xffff  }
0xfd: {  	v36 =	vld.idx.msk [tilespmem:v6+s22+$0xFFFFFF80 ss:$0x1], $0xffff  }
0xfe: {  	v37 =	vld.idx.msk [tilespmem:v6+s22+$0x0 ss:$0x1], $0xffff  }
0xff: {  	v34 =	vld.idx.msk [tilespmem:v7+s22+$0xFFFFFF80 ss:$0x1], $0xffff  }
0x100: {  	v33 =	vld.idx.msk [tilespmem:v7+s22+$0x0 ss:$0x1], $0xffff  }
0x101: {  	[tilespmem:s18+$0x0] =	vst v19;
	v19 =	vld.idx.msk [tilespmem:v2+s22+$0x0 ss:$0x1], $0xffff  }
0x102: {  	v23 =	vadd.f32 v20, v42;
	v20 =	vld.idx.msk [tilespmem:v0+s22+$0xFFFFFF80 ss:$0x1], $0xffff  }
0x103: {  	v32 =	vld.idx.msk [tilespmem:v0+s22+$0x0 ss:$0x1], $0xffff  }
0x104: {  	[tilespmem:s18+$0x10] =	vst v21;
	v30 =	vld.idx.msk [tilespmem:v0+s22+$0x80 ss:$0x1], $0xffff  }
0x105: {  	v22 =	vmul.f32 v22, v22;
	v31 =	vld.idx.msk [tilespmem:v0+s22+$0x10 ss:$0x1], $0xffff  }
0x106: {  	v29 =	vld.idx.msk [tilespmem:v0+s22+$0x90 ss:$0x1], $0xffff  }
0x107: {  	v21 =	vadd.f32 v22, v43;
	v22 =	vld.idx.msk [tilespmem:v0+s22+$0xFFFFFF90 ss:$0x1], $0xffff  }
0x108: {  	[tilespmem:s18+$0x20] =	vst v23;
	v17 =	vsub.f32 v18, v17;
	v18 =	vld.idx.msk [tilespmem:v0+s22+$0xFFFFFF10 ss:$0x1], $0xffff  }
0x109: {  	v28 =	vld.idx.msk [tilespmem:v8+s22+$0xFFFFFF80 ss:$0x1], $0xffff  }
0x10a: {  	v15 =	vsub.f32 v16, v15;
	v26 =	vld.idx.msk [tilespmem:v8+s22+$0x0 ss:$0x1], $0xffff;
	[tilespmem:s18+$0x30] =	vst v21  }
0x10b: {  	v13 =	vsub.f32 v14, v13;
	v21 =	vld.idx.msk [tilespmem:v9+s22+$0x0 ss:$0x1], $0xffff  }
0x10c: {  	v15 =	vmul.f32 v15, v15;
	v23 =	vld.idx.msk [tilespmem:v1+s22+$0xFFFFFF80 ss:$0x1], $0xffff  }
0x10d: {  	v13 =	vmul.f32 v13, v13;
	v27 =	vld.idx.msk [tilespmem:v1+s22+$0x0 ss:$0x1], $0xffff  }
0x10e: {  	v17 =	vmul.f32 v17, v17;
	v14 =	vadd.f32 v15, v45;
	v15 =	vld.idx.msk [tilespmem:v25+s2+$0x0], $0xffff  }
0x10f: {  	v13 =	vadd.f32 v13, v39;
	v39 =	vld.idx.msk [tilespmem:v4+s22+$0x0 ss:$0x1], $0xffff  }
0x110: {  	v16 =	vadd.f32 v17, v44;
	v44 =	vld.idx.msk [tilespmem:v0+s22+$0xFFFFFF00 ss:$0x1], $0xffff  }
0x111: {  	v60 =	vld.idx.msk [tilespmem:v24+s2+$0x0], $0xffff  }
0x112: {  	v62 =	vld.idx.msk [tilespmem:v41+s2+$0x0], $0xffff  }
0x113: {  	v54 =	vld.idx.msk [tilespmem:v40+s2+$0x0], $0xffff  }
0x114: {  	v55 =	vld.idx.msk [tilespmem:v38+s2+$0x0], $0xffff  }
0x115: {  	v17 =	vld.idx.msk [tilespmem:v19+s12+$0x0], $0xffff  }
0x116: {  	v63 =	vld.idx.msk [tilespmem:v20+s2+$0x0], $0xffff  }
0x117: {  	v56 =	vld.idx.msk [tilespmem:v20+s12+$0x0], $0xffff  }
0x118: {  	v20 =	vld.idx.msk [tilespmem:v20+s13+$0x0], $0xffff  }
0x119: {  	[tilespmem:s18+$0x40] =	vst v16;
	v16 =	vld.idx.msk [tilespmem:v19+s2+$0x0], $0xffff  }
0x11a: {  	[tilespmem:s18+$0x50] =	vst v14;
	v14 =	vld.idx.msk [tilespmem:v25+s12+$0x0], $0xffff  }
0x11b: {  	[tilespmem:s18+$0x60] =	vst v13;
	v13 =	vld.idx.msk [tilespmem:v25+s13+$0x0], $0xffff  }
0x11c: {  	v19 =	vld.idx.msk [tilespmem:v19+s13+$0x0], $0xffff  }
0x11d: {  	v25 =	vld.idx.msk [tilespmem:v9+s22+$0xFFFFFF80 ss:$0x1], $0xffff  }
0x11e: {  	v46 =	vld.idx.msk [tilespmem:v22+s2+$0x0], $0xffff  }
0x11f: {  	v48 =	vld.idx.msk [tilespmem:v22+s12+$0x0], $0xffff  }
0x120: {  	v22 =	vld.idx.msk [tilespmem:v22+s13+$0x0], $0xffff  }
0x121: {  	v57 =	vld.idx.msk [tilespmem:v18+s2+$0x0], $0xffff  }
0x122: {  	v47 =	vld.idx.msk [tilespmem:v18+s12+$0x0], $0xffff  }
0x123: {  	v18 =	vld.idx.msk [tilespmem:v18+s13+$0x0], $0xffff  }
0x124: {  	v13 =	vsub.f32 v13, v19;
	v19 =	vld.idx.msk [tilespmem:v10+s22+$0xFFFFFF80 ss:$0x1], $0xffff  }
0x125: {  	v14 =	vsub.f32 v14, v17;
	v17 =	vld.idx.msk [tilespmem:v10+s22+$0x0 ss:$0x1], $0xffff  }
0x126: {  	v15 =	vsub.f32 v15, v16;
	v16 =	vld.idx.msk [tilespmem:v11+s22+$0xFFFFFF80 ss:$0x1], $0xffff  }
0x127: {  	v49 =	vld.idx.msk [tilespmem:v23+s2+$0x0], $0xffff  }
0x128: {  	v50 =	vld.idx.msk [tilespmem:v44+s2+$0x0], $0xffff  }
0x129: {  	v51 =	vld.idx.msk [tilespmem:v44+s12+$0x0], $0xffff  }
0x12a: {  	v52 =	vld.idx.msk [tilespmem:v27+s2+$0x0], $0xffff  }
0x12b: {  	v53 =	vld.idx.msk [tilespmem:v23+s12+$0x0], $0xffff  }
0x12c: {  	v59 =	vld.idx.msk [tilespmem:v27+s12+$0x0], $0xffff  }
0x12d: {  	v1 =	vld.idx.msk [tilespmem:v44+s13+$0x0], $0xffff  }
0x12e: {  	v23 =	vld.idx.msk [tilespmem:v23+s13+$0x0], $0xffff  }
0x12f: {  	v27 =	vld.idx.msk [tilespmem:v27+s13+$0x0], $0xffff;
	v15 =	vmul.f32 v15, v15  }
0x130: {  	v14 =	vmul.f32 v14, v14;
	v58 =	vsub.f32 v47, v48;
	v48 =	vsub.f32 v60, v62;
	v60 =	vld.idx.msk [tilespmem:v35+s2+$0x0], $0xffff  }
0x131: {  	v18 =	vsub.f32 v18, v22;
	v22 =	vld.idx.msk [tilespmem:v39+s13+$0x0], $0xffff  }
0x132: {  	v13 =	vmul.f32 v13, v13;
	v14 =	vadd.f32 v14, v15;
	v15 =	vld.idx.msk [tilespmem:v11+s22+$0x0 ss:$0x1], $0xffff  }
0x133: {  	v45 =	vsub.f32 v57, v46;
	v46 =	vmul.f32 v58, v58;
	v58 =	vld.idx.msk [tilespmem:v41+s12+$0x0], $0xffff  }
0x134: {  	v13 =	vadd.f32 v13, v14;
	v14 =	vld.idx.msk [tilespmem:v12+s22+$0xFFFFFF80 ss:$0x1], $0xffff  }
0x135: {  	v42 =	vsub.f32 v50, v63;
	v63 =	vld.idx.msk [tilespmem:v24+s12+$0x0], $0xffff  }
0x136: {  	v47 =	vsub.f32 v53, v59;
	v59 =	vld.idx.msk [tilespmem:v39+s2+$0x0], $0xffff  }
0x137: {  	v50 =	vld.idx.msk [tilespmem:v39+s12+$0x0], $0xffff  }
0x138: {  	v43 =	vsub.f32 v51, v56;
	v56 =	vld.idx.msk [tilespmem:v36+s2+$0x0], $0xffff  }
0x139: {  	v24 =	vld.idx.msk [tilespmem:v24+s13+$0x0], $0xffff  }
0x13a: {  	v1 =	vsub.f32 v1, v20;
	v20 =	vld.idx.msk [tilespmem:v41+s13+$0x0], $0xffff  }
0x13b: {  	v51 =	vsub.f32 v55, v60;
	v60 =	vld.idx.msk [tilespmem:v37+s12+$0x0], $0xffff  }
0x13c: {  	s18 =	sadd.s32 $0x100, s18;
	v45 =	vmul.f32 v45, v45;
	v57 =	vsub.f32 v49, v52;
	v55 =	vld.idx.msk [tilespmem:v32+s12+$0x0], $0xffff  }
0x13d: {  	[tilespmem:s18+$0x70] =	vst v13;
	v13 =	vld.idx.msk [tilespmem:v12+s22+$0x0 ss:$0x1], $0xffff;
	v42 =	vmul.f32 v42, v42;
	v43 =	vmul.f32 v43, v43  }
0x13e: {  	v46 =	vadd.f32 v46, v45;
	v45 =	vmul.f32 v57, v57;
	v61 =	vmul.f32 v47, v47;
	v57 =	vld.idx.msk [tilespmem:v34+s2+$0x0], $0xffff  }
0x13f: {  	v49 =	vadd.f32 v43, v42;
	v42 =	vld.idx.msk [tilespmem:v40+s12+$0x0], $0xffff  }
0x140: {  	v47 =	vadd.f32 v61, v45;
	v61 =	vld.idx.msk [tilespmem:v38+s12+$0x0], $0xffff  }
0x141: {  	v18 =	vmul.f32 v18, v18;
	v45 =	vld.idx.msk [tilespmem:v37+s2+$0x0], $0xffff  }
0x142: {  	v40 =	vld.idx.msk [tilespmem:v40+s13+$0x0], $0xffff;
	v62 =	vsub.f32 v63, v58  }
0x143: {  	v18 =	vadd.f32 v18, v46;
	v38 =	vld.idx.msk [tilespmem:v38+s13+$0x0], $0xffff  }
0x144: {  	v43 =	vmul.f32 v62, v62;
	v62 =	vld.idx.msk [tilespmem:v35+s12+$0x0], $0xffff  }
0x145: {  	[tilespmem:s18+$0xFFFFFF90] =	vst v18;
	v18 =	vld.idx.msk [tilespmem:v32+s13+$0x0], $0xffff  }
0x146: {  	v63 =	vmul.f32 v48, v48;
	v53 =	vsub.f32 v54, v59;
	v54 =	vld.idx.msk [tilespmem:v34+s12+$0x0], $0xffff  }
0x147: {  	v58 =	vld.idx.msk [tilespmem:v32+s2+$0x0], $0xffff;
	v42 =	vsub.f32 v42, v50  }
0x148: {  	v1 =	vmul.f32 v1, v1;
	v48 =	vadd.f32 v43, v63;
	v63 =	vmul.f32 v53, v53;
	v53 =	vld.idx.msk [tilespmem:v36+s12+$0x0], $0xffff  }
0x149: {  	v59 =	vld.idx.msk [tilespmem:v31+s2+$0x0], $0xffff;
	v42 =	vmul.f32 v42, v42;
	v61 =	vsub.f32 v61, v62  }
0x14a: {  	v1 =	vadd.f32 v1, v49;
	v45 =	vsub.f32 v56, v45;
	v56 =	vld.idx.msk [tilespmem:v33+s12+$0x0], $0xffff  }
0x14b: {  	v62 =	vmul.f32 v51, v51;
	v50 =	vadd.f32 v42, v63;
	v63 =	vld.idx.msk [tilespmem:v33+s2+$0x0], $0xffff;
	v42 =	vmul.f32 v61, v61  }
0x14c: {  	[tilespmem:s18+$0xFFFFFF80] =	vst v1;
	v1 =	vld.idx.msk [tilespmem:v34+s13+$0x0], $0xffff  }
0x14d: {  	v60 =	vsub.f32 v53, v60;
	v51 =	vadd.f32 v42, v62;
	v62 =	vld.idx.msk [tilespmem:v30+s2+$0x0], $0xffff  }
0x14e: {  	v33 =	vld.idx.msk [tilespmem:v33+s13+$0x0], $0xffff  }
0x14f: {  	v61 =	vmul.f32 v45, v45;
	v42 =	vmul.f32 v60, v60;
	v60 =	vsub.f32 v54, v56;
	v54 =	vld.idx.msk [tilespmem:v29+s2+$0x0], $0xffff  }
0x150: {  	v63 =	vsub.f32 v57, v63;
	v57 =	vld.idx.msk [tilespmem:v30+s12+$0x0], $0xffff  }
0x151: {  	v56 =	vld.idx.msk [tilespmem:v31+s12+$0x0], $0xffff;
	v52 =	vadd.f32 v42, v61  }
0x152: {  	v42 =	vmul.f32 v60, v60;
	v60 =	vld.idx.msk [tilespmem:v28+s2+$0x0], $0xffff;
	v43 =	vmul.f32 v63, v63;
	v45 =	vsub.f32 v58, v62  }
0x153: {  	v58 =	vld.idx.msk [tilespmem:v29+s12+$0x0], $0xffff  }
0x154: {  	v53 =	vadd.f32 v42, v43;
	v43 =	vmul.f32 v45, v45;
	v45 =	vld.idx.msk [tilespmem:v26+s2+$0x0], $0xffff  }
0x155: {  	v61 =	vsub.f32 v55, v57;
	v57 =	vld.idx.msk [tilespmem:v28+s12+$0x0], $0xffff  }
0x156: {  	v55 =	vsub.f32 v59, v54;
	v59 =	vld.idx.msk [tilespmem:v26+s12+$0x0], $0xffff  }
0x157: {  	v42 =	vmul.f32 v61, v61;
	v61 =	vld.idx.msk [tilespmem:v25+s2+$0x0], $0xffff  }
0x158: {  	v62 =	vsub.f32 v56, v58;
	v56 =	vld.idx.msk [tilespmem:v21+s2+$0x0], $0xffff  }
0x159: {  	v58 =	vld.idx.msk [tilespmem:v25+s12+$0x0], $0xffff  }
0x15a: {  	v45 =	vsub.f32 v60, v45;
	v60 =	vld.idx.msk [tilespmem:v21+s12+$0x0], $0xffff  }
0x15b: {  	v54 =	vadd.f32 v42, v43;
	v42 =	vmul.f32 v62, v62;
	v62 =	vld.idx.msk [tilespmem:v19+s2+$0x0], $0xffff  }
0x15c: {  	v43 =	vmul.f32 v55, v55;
	v63 =	vsub.f32 v57, v59;
	v57 =	vld.idx.msk [tilespmem:v19+s12+$0x0], $0xffff  }
0x15d: {  	v59 =	vld.idx.msk [tilespmem:v17+s12+$0x0], $0xffff  }
0x15e: {  	v55 =	vadd.f32 v42, v43;
	v43 =	vmul.f32 v45, v45;
	v45 =	vld.idx.msk [tilespmem:v17+s2+$0x0], $0xffff;
	v42 =	vmul.f32 v63, v63  }
0x15f: {  	v23 =	vsub.f32 v23, v27;
	v63 =	vld.idx.msk [tilespmem:v14+s2+$0x0], $0xffff;
	v56 =	vsub.f32 v61, v56  }
0x160: {  	v61 =	vld.idx.msk [tilespmem:v16+s2+$0x0], $0xffff;
	v42 =	vadd.f32 v42, v43;
	v43 =	vsub.f32 v58, v60  }
0x161: {  	v23 =	vmul.f32 v23, v23;
	v20 =	vsub.f32 v24, v20;
	v58 =	vld.idx.msk [tilespmem:v15+s2+$0x0], $0xffff  }
0x162: {  	v56 =	vmul.f32 v56, v56;
	v60 =	vld.idx.msk [tilespmem:v16+s12+$0x0], $0xffff;
	v43 =	vmul.f32 v43, v43  }
0x163: {  	v23 =	vadd.f32 v23, v47;
	v20 =	vmul.f32 v20, v20;
	v45 =	vsub.f32 v62, v45;
	v62 =	vld.idx.msk [tilespmem:v15+s12+$0x0], $0xffff  }
0x164: {  	v43 =	vadd.f32 v43, v56;
	v56 =	vsub.f32 v57, v59;
	v57 =	vld.idx.msk [tilespmem:v13+s2+$0x0], $0xffff  }
0x165: {  	v20 =	vadd.f32 v20, v48;
	v59 =	vld.idx.msk [tilespmem:v14+s12+$0x0], $0xffff  }
0x166: {  	[tilespmem:s18+$0xFFFFFFA0] =	vst v23;
	v58 =	vsub.f32 v61, v58;
	v61 =	vld.idx.msk [tilespmem:v13+s12+$0x0], $0xffff  }
0x167: {  	v23 =	vld.idx.msk [tilespmem:v31+s13+$0x0], $0xffff;
	[tilespmem:s18+$0xFFFFFFB0] =	vst v20  }
0x168: {  	v20 =	vld.idx.msk [tilespmem:v28+s13+$0x0], $0xffff;
	v45 =	vmul.f32 v45, v45;
	v56 =	vmul.f32 v56, v56;
	v60 =	vsub.f32 v60, v62  }
0x169: {  	v22 =	vsub.f32 v40, v22;
	v30 =	vld.idx.msk [tilespmem:v30+s13+$0x0], $0xffff  }
0x16a: {  	v1 =	vsub.f32 v1, v33;
	v44 =	vadd.f32 v56, v45;
	v45 =	vmul.f32 v60, v60;
	v60 =	vld.idx.msk [tilespmem:v36+s13+$0x0], $0xffff  }
0x16b: {  	v57 =	vsub.f32 v63, v57;
	v63 =	vsub.f32 v59, v61;
	v59 =	vld.idx.msk [tilespmem:v35+s13+$0x0], $0xffff  }
0x16c: {  	v22 =	vmul.f32 v22, v22;
	v61 =	vld.idx.msk [tilespmem:v37+s13+$0x0], $0xffff  }
0x16d: {  	v1 =	vmul.f32 v1, v1;
	v29 =	vld.idx.msk [tilespmem:v29+s13+$0x0], $0xffff  }
0x16e: {  	v22 =	vadd.f32 v22, v50;
	v26 =	vld.idx.msk [tilespmem:v26+s13+$0x0], $0xffff  }
0x16f: {  	v1 =	vadd.f32 v1, v53;
	v62 =	vmul.f32 v58, v58  }
0x170: {  	[tilespmem:s18+$0xFFFFFFC0] =	vst v22;
	v22 =	vld.idx.msk [tilespmem:v25+s13+$0x0], $0xffff;
	v27 =	vsub.f32 v38, v59  }
0x171: {  	s21 =	sadd.s32 $0x100, s21;
	[tilespmem:s18+$0xFFFFFFF0] =	vst v1;
	v17 =	vld.idx.msk [tilespmem:v17+s13+$0x0], $0xffff;
	v45 =	vadd.f32 v45, v62;
	v24 =	vsub.f32 v60, v61  }
0x172: {  	p0 =	slt.u32 s21, $0x4D00;
	v62 =	vsub.f32 v18, v30;
	v58 =	vmul.f32 v63, v63;
	v63 =	vld.idx.msk [tilespmem:v21+s13+$0x0], $0xffff;
	v27 =	vmul.f32 v27, v27  }
.Ltmp0:
0x173: {  	v20 =	vsub.f32 v20, v26;
	v16 =	vld.idx.msk [tilespmem:v16+s13+$0x0], $0xffff;
	v21 =	vsub.f32 v23, v29;
	v24 =	vmul.f32 v24, v24;
	(pc) =	sbr.rel @p0 .LBB2_2-.Ltmp0, $4  }
0x174: {  	v57 =	vmul.f32 v57, v57;
	v18 =	vld.idx.msk [tilespmem:v19+s13+$0x0], $0xffff;
	v19 =	vmul.f32 v62, v62;
	v27 =	vadd.f32 v27, v51  }
0x175: {  	v20 =	vmul.f32 v20, v20;
	v15 =	vld.idx.msk [tilespmem:v15+s13+$0x0], $0xffff;
	v21 =	vmul.f32 v21, v21;
	v24 =	vadd.f32 v24, v52  }
0x176: {  	v14 =	vld.idx.msk [tilespmem:v14+s13+$0x0], $0xffff;
	v39 =	vadd.f32 v58, v57;
	v19 =	vadd.f32 v19, v54;
	[tilespmem:s18+$0xFFFFFFD0] =	vst v27  }
0x177: {  	s22 =	sadd.s32 $0x200, s22;
	v13 =	vld.idx.msk [tilespmem:v13+s13+$0x0], $0xffff;
	v21 =	vadd.f32 v21, v55;
	v22 =	vsub.f32 v22, v63;
	[tilespmem:s18+$0xFFFFFFE0] =	vst v24  }
0x178: {  	_ =	sdelay $0x1  }
0x179: {  	v1 =	vsub.f32 v18, v17  }
0x17a: {  	v23 =	vmov v2;
	v62 =	vmul.f32 v22, v22;
	v15 =	vsub.f32 v16, v15  }
0x17b: {  	v2 =	vld [tilespmem:$0x1FF90];
	[tilespmem:s18+$0x0] =	vst v19;
	v63 =	vadd.f32 v20, v42;
	v1 =	vmul.f32 v1, v1;
	v13 =	vsub.f32 v14, v13  }
0x17c: {  	[tilespmem:s18+$0x10] =	vst v21;
	v14 =	vadd.f32 v62, v43;
	v15 =	vmul.f32 v15, v15  }
0x17d: {  	[tilespmem:s18+$0x20] =	vst v63;
	v1 =	vadd.f32 v1, v44;
	v13 =	vmul.f32 v13, v13  }
0x17e: {  	[tilespmem:s18+$0x30] =	vst v14;
	v14 =	vadd.f32 v15, v45  }
0x17f: {  	[tilespmem:s18+$0x40] =	vst v1;
	v1 =	vadd.f32 v13, v39  }
0x180: {  	[tilespmem:s18+$0x50] =	vst v14  }
0x181: {  	s21 =	smov.u32 s10;
	s22 =	smov.u32 s9;
	[tilespmem:s18+$0x60] =	vst v1;
	s18 =	smov.u32 s11  }
.LBB2_4:
0x182: {  	s23 =	sand.u32 $0x3FFFFF00, s21  }
0x183: {  	s24 =	sadd.s32 s23, s18  }
0x184: {  	s23 =	sadd.s32 s23, s22;
	v1 =	vld [tilespmem:s24+$0x0]  }
0x185: {  	v13 =	vld [tilespmem:s23+$0x0];
	_ =	sdelay $0x6  }
0x186: {  	v14 =	vld.idx.msk [tilespmem:v1+s2+$0x0], $0xffff  }
0x187: {  	v15 =	vld.idx.msk [tilespmem:v13+s2+$0x0], $0xffff  }
0x188: {  	v16 =	vld.idx.msk [tilespmem:v1+s12+$0x0], $0xffff  }
0x189: {  	v17 =	vld.idx.msk [tilespmem:v13+s12+$0x0], $0xffff  }
0x18a: {  	v1 =	vld.idx.msk [tilespmem:v1+s13+$0x0], $0xffff  }
0x18b: {  	v13 =	vld.idx.msk [tilespmem:v13+s13+$0x0], $0xffff;
	_ =	sdelay $0x2  }
0x18c: {  	v14 =	vsub.f32 v14, v15;
	v15 =	vsub.f32 v16, v17;
	_ =	sdelay $0x1  }
0x18d: {  	s19 =	sadd.s32 $0x10, s19;
	v1 =	vsub.f32 v1, v13;
	v13 =	vmul.f32 v14, v14;
	v14 =	vmul.f32 v15, v15  }
0x18e: {  	p0 =	slt.u32 s19, $0x4E10  }
.Ltmp1:
0x18f: {  	v1 =	vmul.f32 v1, v1;
	v13 =	vadd.f32 v14, v13;
	(pc) =	sbr.rel @p0 .LBB2_4-.Ltmp1, $4  }
0x190: {  	_ = 	snop  }
0x191: {  	v1 =	vadd.f32 v1, v13  }
0x192: {  	s21 =	sadd.s32 $0x20, s21  }
0x193: {  	s22 =	sadd.s32 $0x10, s22;
	s18 =	sadd.s32 $0x10, s18;
	[tilespmem:s20+$0x0] =	vst v1;
	s20 =	sadd.s32 $0x10, s20  }
0x194: {  	s17 =	sadd.s32 $0x1, s17  }
0x195: {  	p0 =	sne.s32 s17, s8  }
.Ltmp2:
0x196: {  	_ = 	snop;
	(pc) =	sbr.rel @p0 .LBB2_1-.Ltmp2, $4  }
0x197: {  	[hbm4b:s7+s2] =	stream.linear.scatter [tilespmem:s15], [sflag:$0x2], $0x4E20, $0x38;
	[tilespmem:$0x16200] =	vst v63  }
0x198: {  	_ =	swait.ge [sflag:s16], $0x4E20  }
0x199: {  	[sflag:s16] =	ssyncset.done $0x0  }
0x19a: {  	v1 =	vmov v2;
	v2 =	vmov v7;
	[sflag:s16] =	ssyncadd.s32 $0xFFFFB1E0  }
0x19b: {  	_ =	sfence.sel $0x180000  }
0x19c: {  	[bflag:$0x0] =	sbarrier.arrive $0xFFFF  }
0x19d: {  	p0 =	sne.s32 s1, $0x0;
	_ =	strace $0x90000047  }
0x19e: {  	s0 =	sadd.s32 @!p0 $0x100000, s0;
	[bflag:$0x2] =	sbarrier.arrive $0xFFFF  }
0x19f: {  	[sflag:s0] =	ssyncadd.tile.s32 @!p0 $0x1;
	_ =	shalt  }
.Lfunc_end2:
_tile_overlayer_lowered:
.L_overlay_start_2:
0x1a0: {  	(tag) =	ssettag $0x2  }
0x1a1: {  	s0 =	rddreg [dreg:$0x0];
	s2 =	stileid.u32  }
0x1a2: {  	s1 =	rddreg [dreg:$0x1];
	p0 =	sne.s32 s2, $0x0  }
0x1a3: {  	s3 =	rddreg [dreg:$0x2];
	[bflag:$0x3] =	sbarrier.arrive $0xFFFF;
	s2 =	simm.s32 @!p0 $0x1C02  }
0x1a4: {  	[timem:s3], [sflag:s2] =	dma.local @!p0 [hbm:s0], s1  }
0x1a5: {  	s0 =	simm.s32 @!p0 $0x2  }
0x1a6: {  	_ =	swait.ge @!p0 [sflag:s0], s1  }
0x1a7: {  	s1 =	ssub.s32 @!p0 $0x0, s1;
	[sflag:s0] =	ssyncset.done @!p0 $0x0  }
0x1a8: {  	[sflag:s0] =	ssyncadd.s32 @!p0 s1  }
0x1a9: {  	[bflag:$0x3] =	sbarrier.arrive $0xFFFF  }
0x1aa: {  	_ =	shalt  }

</sc_bundles>
